<compile_context>
chip_gen: v7x
topology: tpu7x:2x2x1
jax: 0.10.2.dev20260603
libtpu: 0.0.44.dev20260713+nightly
codegen_flags: <defaults>
</compile_context>

<pallas_src>
import jax
import jax.numpy as jnp
from jax import lax
from jax.experimental import pallas as pl
from jax.experimental.pallas import tpu as pltpu
from jax.experimental.pallas import tpu_sc as plsc

_NUM_EXPERTS = 256
_N_GROUPS = 8
_TOPK_GROUP = 4
_TOPK_EXPERTS = 8
_SCALE = 2.5
_EPS = 1e-20
_BATCH = 128
_HIDDEN = 4096

_NC = 2
_NS = 16
_NW = _NC * _NS
_TPW = _BATCH // _NW
_NV = _NUM_EXPERTS // 16

_NEG_INF = float("-inf")
_BIG_I32 = 1 << 30

_N_CHUNKS = 2
_CHUNK = _NUM_EXPERTS // _N_CHUNKS


def _scores_tc_kernel(x_ref, w_ref, out_ref):
    j = pl.program_id(0)
    out_ref[:, pl.ds(j * _CHUNK, _CHUNK)] = jnp.dot(
        x_ref[...], w_ref[...], preferred_element_type=jnp.float32)

    @pl.when(j == _N_CHUNKS - 1)
    def _():
        logits = out_ref[...]
        m = jnp.max(logits, axis=-1, keepdims=True)
        e = jnp.exp(logits - m)
        out_ref[...] = e / jnp.sum(e, axis=-1, keepdims=True)


def _bfly(v, iota, op):
    for sh in (8, 4, 2, 1):
        v = op(v, v[iota ^ sh])
    return v


def _one_token(t, sb_v, scores_v, bias_v, pw_v, pi_v, iota):
    sb = []
    for j in range(_NV):
        v = scores_v[t, pl.ds(j * 16, 16)] + bias_v[pl.ds(j * 16, 16)]
        sb_v[pl.ds(j * 16, 16)] = v
        sb.append(v)

    gv = jnp.full((16,), _NEG_INF, jnp.float32)
    for g in range(_N_GROUPS):
        a, c = sb[2 * g], sb[2 * g + 1]
        m = jnp.maximum(a, c)
        s = jnp.minimum(a, c)
        for sh in (8, 4, 2, 1):
            ms = m[iota ^ sh]
            ss = s[iota ^ sh]
            s = jnp.maximum(jnp.minimum(m, ms), jnp.maximum(s, ss))
            m = jnp.maximum(m, ms)
        gv = jnp.where(iota == g, m + s, gv)

    gsel = []
    for _ in range(_TOPK_GROUP):
        mx = _bfly(gv, iota, jnp.maximum)
        gi = _bfly(jnp.where(gv == mx, iota, 16), iota, jnp.minimum)
        gsel.append(gi)
        gv = jnp.where(iota == gi, _NEG_INF, gv)

    cur, ci = [], []
    for p in range(_TOPK_GROUP * 2):
        idx_p = gsel[p // 2] * 32 + (iota + 16 * (p % 2))
        cur.append(plsc.load_gather(sb_v, [idx_p]))
        ci.append(idx_p)

    idxvec = jnp.zeros((16,), jnp.int32)
    for k in range(_TOPK_EXPERTS):
        m8 = cur[0]
        for p in range(1, 8):
            m8 = jnp.maximum(m8, cur[p])
        tmax = _bfly(m8, iota, jnp.maximum)
        mm = jnp.where(cur[0] == tmax, ci[0], _BIG_I32)
        for p in range(1, 8):
            mm = jnp.minimum(mm, jnp.where(cur[p] == tmax, ci[p], _BIG_I32))
        e = _bfly(mm, iota, jnp.minimum)
        idxvec = jnp.where(iota == k, e, idxvec)
        if k < _TOPK_EXPERTS - 1:
            for p in range(8):
                cur[p] = jnp.where(ci[p] == e, _NEG_INF, cur[p])

    tvec = jnp.full((16,), t, jnp.int32)
    wv = plsc.load_gather(scores_v, [tvec, idxvec])
    wv8 = jnp.where(iota < _TOPK_EXPERTS, wv, jnp.float32(0.0))
    denom = _bfly(wv8, iota, jnp.add)
    lanes8 = iota < _TOPK_EXPERTS
    plsc.store_scatter(pw_v, [tvec, iota], (wv8 / denom + _EPS) * _SCALE,
                       mask=lanes8)
    plsc.store_scatter(pi_v, [tvec, iota], idxvec, mask=lanes8)


def _routing_sc_kernel(scores_hbm, bias_hbm, w_hbm, idx_hbm,
                       scores_v, bias_v, sb_v, pw_v, pi_v, dma_sem):
    wid = lax.axis_index("s") * _NC + lax.axis_index("c")
    base = wid * _TPW
    h1 = pltpu.async_copy(scores_hbm.at[pl.ds(base, _TPW)], scores_v, dma_sem)
    h2 = pltpu.async_copy(bias_hbm, bias_v, dma_sem)
    h1.wait()
    h2.wait()
    iota = lax.iota(jnp.int32, 16)

    def tok(t, carry):
        _one_token(t, sb_v, scores_v, bias_v, pw_v, pi_v, iota)
        return carry

    lax.fori_loop(0, _TPW, tok, 0)

    h3 = pltpu.async_copy(pw_v, w_hbm.at[0, 0, pl.ds(base, _TPW)], dma_sem)
    h4 = pltpu.async_copy(pi_v, idx_hbm.at[0, 0, pl.ds(base, _TPW)], dma_sem)
    h3.wait()
    h4.wait()


def kernel(x, W, bias):
    x2 = x.reshape(_BATCH, _HIDDEN)
    scores = pl.pallas_call(
        _scores_tc_kernel,
        grid=(_N_CHUNKS,),
        in_specs=[
            pl.BlockSpec((_BATCH, _HIDDEN), lambda j: (0, 0)),
            pl.BlockSpec((_HIDDEN, _CHUNK), lambda j: (0, j)),
        ],
        out_specs=pl.BlockSpec((_BATCH, _NUM_EXPERTS), lambda j: (0, 0)),
        out_shape=jax.ShapeDtypeStruct((_BATCH, _NUM_EXPERTS), jnp.float32),
    )(x2, W)

    routing = pl.kernel(
        _routing_sc_kernel,
        out_type=[
            jax.ShapeDtypeStruct((1, 1, _BATCH, _TOPK_EXPERTS), jnp.float32),
            jax.ShapeDtypeStruct((1, 1, _BATCH, _TOPK_EXPERTS), jnp.int32),
        ],
        mesh=plsc.VectorSubcoreMesh(core_axis_name="c", subcore_axis_name="s"),
        compiler_params=pltpu.CompilerParams(needs_layout_passes=False),
        scratch_types=[
            pltpu.VMEM((_TPW, _NUM_EXPERTS), jnp.float32),
            pltpu.VMEM((_NUM_EXPERTS,), jnp.float32),
            pltpu.VMEM((_NUM_EXPERTS,), jnp.float32),
            pltpu.VMEM((_TPW, _TOPK_EXPERTS), jnp.float32),
            pltpu.VMEM((_TPW, _TOPK_EXPERTS), jnp.int32),
            pltpu.SemaphoreType.DMA,
        ],
    )
    w, idx = routing(scores, bias)
    return (w, idx)

# --- scband reference (transcript-rebuilt; emitter-appended) ---
"""Pipeline reference for scband-tt-mo-e-gate-23029614641842 (READ-ONLY COPY).

The authoritative reference and input builder live on the scoring server;
editing this copy changes nothing except your own understanding.
"""

import jax, jax.numpy as jnp
import numpy as np

NUM_EXPERTS = 256
N_GROUPS = 8
GROUP_SIZE = 32
TOPK_GROUP = 4
TOPK_EXPERTS = 8
ROUTED_SCALING_FACTOR = 2.5
NORM_EPS = 1e-20
BATCH = 128
HIDDEN = 4096


def setup_inputs(seed: int = 0) -> dict:
    key = jax.random.key(seed)
    k1, k2, k3 = jax.random.split(key, 3)
    x = jax.random.normal(k1, (1, 1, BATCH, HIDDEN), dtype=jnp.float32)
    W = jax.random.normal(k2, (HIDDEN, NUM_EXPERTS), dtype=jnp.float32) * 0.02
    bias = jax.random.uniform(k3, (NUM_EXPERTS,), dtype=jnp.float32) * 0.01
    return {"x": x, "W": W, "bias": bias}


def reference(x, W, bias):
    # x: [1, 1, B, H]; W: [H, E] (= state_dict['weight'].T); bias: [E] (e_score_correction_bias)
    B = x.shape[2]
    # ttnn.linear
    logits = jnp.einsum('abch,he->abce', x, W)  # [1, 1, B, 256]
    # ttnn.softmax(dim=3)
    scores = jax.nn.softmax(logits, axis=3)
    # add bias correction (broadcast over batch, matches repeated bias tensor)
    scores_with_bias = scores + bias[None, None, None, :]
    # group into [1, B, 8, 32]; top-2 per group (pad-to-64 with -inf in original is a
    # tile-alignment artifact; exact top_k over 32 is equivalent)
    grouped = scores_with_bias.reshape(1, B, N_GROUPS, GROUP_SIZE)
    top2_vals, _ = jax.lax.top_k(grouped, 2)
    group_scores = jnp.sum(top2_vals, axis=3).reshape(1, 1, B, N_GROUPS)
    # top-4 groups
    _, group_top4_idx = jax.lax.top_k(group_scores, TOPK_GROUP)
    # scatter ones into -inf mask along group dim
    mask = jnp.full((B, N_GROUPS), -jnp.inf, dtype=jnp.float32)
    rows = jnp.arange(B)[:, None]
    mask = mask.at[rows, group_top4_idx.reshape(B, TOPK_GROUP)].set(1.0)
    # repeat mask per-expert within group -> [1, 1, B, 256]
    scores_mask = jnp.broadcast_to(mask.reshape(1, B, N_GROUPS, 1), (1, B, N_GROUPS, GROUP_SIZE)).reshape(1, 1, B, NUM_EXPERTS)
    masked = scores_with_bias * scores_mask
    # top-8 experts over masked biased scores
    _, top8_idx = jax.lax.top_k(masked, TOPK_EXPERTS)
    # gather original (un-biased) softmax scores at winning experts
    top8_weights = jnp.take_along_axis(scores, top8_idx, axis=3)
    denom = jnp.sum(top8_weights, axis=3, keepdims=True)
    w = top8_weights / denom + NORM_EPS
    w = w * ROUTED_SCALING_FACTOR
    return (w, top8_idx)

if __name__ == "__main__":
    import jax
    _d = setup_inputs()
    print(jax.jit(kernel)(*tuple(_d.values())))

</pallas_src>

<mosaic_0001>
#map = affine_map<(d0, d1) -> (0, 0)>
#map1 = affine_map<(d0, d1) -> (0)>
#map2 = affine_map<(d0, d1) -> (0, 0, 0, 0)>
module attributes {stable_mosaic.version = 14 : i64} {
  func.func @_routing_sc_kernel(%arg0: i32, %arg1: i32, %arg2: memref<128x256xf32, #tpu.memory_space<hbm>>, %arg3: memref<256xf32, #tpu.memory_space<hbm>>, %arg4: memref<1x1x128x8xf32, #tpu.memory_space<hbm>>, %arg5: memref<1x1x128x8xi32, #tpu.memory_space<hbm>>, %arg6: memref<4x256xf32, #tpu.memory_space<vmem>>, %arg7: memref<256xf32, #tpu.memory_space<vmem>>, %arg8: memref<256xf32, #tpu.memory_space<vmem>>, %arg9: memref<4x8xf32, #tpu.memory_space<vmem>>, %arg10: memref<4x8xi32, #tpu.memory_space<vmem>>, %arg11: memref<!tpu.dma_semaphore, #tpu.memory_space<semaphore_mem>>) attributes {dimension_semantics = [#tpu.dimension_semantics<core_parallel>, #tpu.dimension_semantics<subcore_parallel>], iteration_bounds = array<i64: 2, 16>, scalar_prefetch = 0 : i64, scratch_operands = 6 : i64, tpu.core_type = #tpu.core_type<sc_vector_subcore>, window_params = [{transform_indices = #map}, {transform_indices = #map1}, {transform_indices = #map2}, {transform_indices = #map2}]} {
    %mul3A = arith.constant 2 : i32
    %mul3A_0 = arith.muli %arg1, %mul3A : i32
    %add3A = arith.addi %mul3A_0, %arg0 : i32
    %mul3A_1 = arith.constant 4 : i32
    %mul3A_2 = arith.muli %add3A, %mul3A_1 : i32
    %dma_start3A = arith.constant 0 : i32
    %dma_start3A_3 = tpu.memref_slice %arg2[%mul3A_2, %dma_start3A] : memref<128x256xf32, #tpu.memory_space<hbm>> -> memref<4x256xf32, #tpu.memory_space<hbm>>
    %dma_start3A_4 = arith.constant 0 : i32
    %dma_start3A_5 = tpu.memref_slice %arg2[%mul3A_2, %dma_start3A_4] : memref<128x256xf32, #tpu.memory_space<hbm>> -> memref<4x256xf32, #tpu.memory_space<hbm>>
    tpu.enqueue_dma source(%dma_start3A_5 : memref<4x256xf32, #tpu.memory_space<hbm>>) target(%arg6 : memref<4x256xf32, #tpu.memory_space<vmem>>) target_semaphore(%arg11 : memref<!tpu.dma_semaphore, #tpu.memory_space<semaphore_mem>>)
    tpu.enqueue_dma source(%arg3 : memref<256xf32, #tpu.memory_space<hbm>>) target(%arg7 : memref<256xf32, #tpu.memory_space<vmem>>) target_semaphore(%arg11 : memref<!tpu.dma_semaphore, #tpu.memory_space<semaphore_mem>>)
    %dma_wait3A = arith.constant 0 : i32
    %dma_wait3A_6 = tpu.memref_slice %arg2[%mul3A_2, %dma_wait3A] : memref<128x256xf32, #tpu.memory_space<hbm>> -> memref<4x256xf32, #tpu.memory_space<hbm>>
    %dma_wait3A_7 = arith.constant 0 : i32
    %dma_wait3A_8 = tpu.memref_slice %arg2[%mul3A_2, %dma_wait3A_7] : memref<128x256xf32, #tpu.memory_space<hbm>> -> memref<4x256xf32, #tpu.memory_space<hbm>>
    tpu.wait_dma2 semaphore(%arg11 : memref<!tpu.dma_semaphore, #tpu.memory_space<semaphore_mem>>) src(%dma_wait3A_8 : memref<4x256xf32, #tpu.memory_space<hbm>>) dst(%arg6 : memref<4x256xf32, #tpu.memory_space<vmem>>)
    tpu.wait_dma2 semaphore(%arg11 : memref<!tpu.dma_semaphore, #tpu.memory_space<semaphore_mem>>) src(%arg3 : memref<256xf32, #tpu.memory_space<hbm>>) dst(%arg7 : memref<256xf32, #tpu.memory_space<vmem>>)
    %iota3A = tpu.iota {dimensions = array<i32: 0>} : vector<16xi32>
    %scan3A = arith.constant 0 : i32
    %scan3A_9 = arith.constant 0 : i32
    %scan3A_10 = arith.constant 4 : i32
    %scan3A_11 = arith.addi %scan3A_9, %scan3A_10 : i32
    %scan3A_12 = arith.constant 1 : i32
    scf.for %scan3A_46 = %scan3A_9 to %scan3A_11 step %scan3A_12  : i32 {
      %get3A = arith.index_cast %scan3A_46 : i32 to index
      %get3A_47 = arith.constant 0 : index
      %get3A_48 = tpu.vector_load %arg6[%get3A, %get3A_47] {strides = array<i32>} : memref<4x256xf32, #tpu.memory_space<vmem>>, vector<16xf32>,
      %get3A_49 = arith.constant 0 : index
      %get3A_50 = tpu.vector_load %arg7[%get3A_49] {strides = array<i32>} : memref<256xf32, #tpu.memory_space<vmem>>, vector<16xf32>,
      %add3A_51 = arith.addf %get3A_48, %get3A_50 : vector<16xf32>
      %swap3A = arith.constant 0 : index
      %swap3A_52 = tpu.vector_load %arg8[%swap3A] {strides = array<i32>} : memref<256xf32, #tpu.memory_space<vmem>>, vector<16xf32>,
      tpu.vector_store %arg8[%swap3A], %add3A_51 {strides = array<i32>} : memref<256xf32, #tpu.memory_space<vmem>>, vector<16xf32>,
      %get3A_53 = arith.index_cast %scan3A_46 : i32 to index
      %get3A_54 = arith.constant 16 : index
      %get3A_55 = tpu.vector_load %arg6[%get3A_53, %get3A_54] {strides = array<i32>} : memref<4x256xf32, #tpu.memory_space<vmem>>, vector<16xf32>,
      %get3A_56 = arith.constant 16 : index
      %get3A_57 = tpu.vector_load %arg7[%get3A_56] {strides = array<i32>} : memref<256xf32, #tpu.memory_space<vmem>>, vector<16xf32>,
      %add3A_58 = arith.addf %get3A_55, %get3A_57 : vector<16xf32>
      %swap3A_59 = arith.constant 16 : index
      %swap3A_60 = tpu.vector_load %arg8[%swap3A_59] {strides = array<i32>} : memref<256xf32, #tpu.memory_space<vmem>>, vector<16xf32>,
      tpu.vector_store %arg8[%swap3A_59], %add3A_58 {strides = array<i32>} : memref<256xf32, #tpu.memory_space<vmem>>, vector<16xf32>,
      %get3A_61 = arith.index_cast %scan3A_46 : i32 to index
      %get3A_62 = arith.constant 32 : index
      %get3A_63 = tpu.vector_load %arg6[%get3A_61, %get3A_62] {strides = array<i32>} : memref<4x256xf32, #tpu.memory_space<vmem>>, vector<16xf32>,
      %get3A_64 = arith.constant 32 : index
      %get3A_65 = tpu.vector_load %arg7[%get3A_64] {strides = array<i32>} : memref<256xf32, #tpu.memory_space<vmem>>, vector<16xf32>,
      %add3A_66 = arith.addf %get3A_63, %get3A_65 : vector<16xf32>
      %swap3A_67 = arith.constant 32 : index
      %swap3A_68 = tpu.vector_load %arg8[%swap3A_67] {strides = array<i32>} : memref<256xf32, #tpu.memory_space<vmem>>, vector<16xf32>,
      tpu.vector_store %arg8[%swap3A_67], %add3A_66 {strides = array<i32>} : memref<256xf32, #tpu.memory_space<vmem>>, vector<16xf32>,
      %get3A_69 = arith.index_cast %scan3A_46 : i32 to index
      %get3A_70 = arith.constant 48 : index
      %get3A_71 = tpu.vector_load %arg6[%get3A_69, %get3A_70] {strides = array<i32>} : memref<4x256xf32, #tpu.memory_space<vmem>>, vector<16xf32>,
      %get3A_72 = arith.constant 48 : index
      %get3A_73 = tpu.vector_load %arg7[%get3A_72] {strides = array<i32>} : memref<256xf32, #tpu.memory_space<vmem>>, vector<16xf32>,
      %add3A_74 = arith.addf %get3A_71, %get3A_73 : vector<16xf32>
      %swap3A_75 = arith.constant 48 : index
      %swap3A_76 = tpu.vector_load %arg8[%swap3A_75] {strides = array<i32>} : memref<256xf32, #tpu.memory_space<vmem>>, vector<16xf32>,
      tpu.vector_store %arg8[%swap3A_75], %add3A_74 {strides = array<i32>} : memref<256xf32, #tpu.memory_space<vmem>>, vector<16xf32>,
      %get3A_77 = arith.index_cast %scan3A_46 : i32 to index
      %get3A_78 = arith.constant 64 : index
      %get3A_79 = tpu.vector_load %arg6[%get3A_77, %get3A_78] {strides = array<i32>} : memref<4x256xf32, #tpu.memory_space<vmem>>, vector<16xf32>,
      %get3A_80 = arith.constant 64 : index
      %get3A_81 = tpu.vector_load %arg7[%get3A_80] {strides = array<i32>} : memref<256xf32, #tpu.memory_space<vmem>>, vector<16xf32>,
      %add3A_82 = arith.addf %get3A_79, %get3A_81 : vector<16xf32>
      %swap3A_83 = arith.constant 64 : index
      %swap3A_84 = tpu.vector_load %arg8[%swap3A_83] {strides = array<i32>} : memref<256xf32, #tpu.memory_space<vmem>>, vector<16xf32>,
      tpu.vector_store %arg8[%swap3A_83], %add3A_82 {strides = array<i32>} : memref<256xf32, #tpu.memory_space<vmem>>, vector<16xf32>,
      %get3A_85 = arith.index_cast %scan3A_46 : i32 to index
      %get3A_86 = arith.constant 80 : index
      %get3A_87 = tpu.vector_load %arg6[%get3A_85, %get3A_86] {strides = array<i32>} : memref<4x256xf32, #tpu.memory_space<vmem>>, vector<16xf32>,
      %get3A_88 = arith.constant 80 : index
      %get3A_89 = tpu.vector_load %arg7[%get3A_88] {strides = array<i32>} : memref<256xf32, #tpu.memory_space<vmem>>, vector<16xf32>,
      %add3A_90 = arith.addf %get3A_87, %get3A_89 : vector<16xf32>
      %swap3A_91 = arith.constant 80 : index
      %swap3A_92 = tpu.vector_load %arg8[%swap3A_91] {strides = array<i32>} : memref<256xf32, #tpu.memory_space<vmem>>, vector<16xf32>,
      tpu.vector_store %arg8[%swap3A_91], %add3A_90 {strides = array<i32>} : memref<256xf32, #tpu.memory_space<vmem>>, vector<16xf32>,
      %get3A_93 = arith.index_cast %scan3A_46 : i32 to index
      %get3A_94 = arith.constant 96 : index
      %get3A_95 = tpu.vector_load %arg6[%get3A_93, %get3A_94] {strides = array<i32>} : memref<4x256xf32, #tpu.memory_space<vmem>>, vector<16xf32>,
      %get3A_96 = arith.constant 96 : index
      %get3A_97 = tpu.vector_load %arg7[%get3A_96] {strides = array<i32>} : memref<256xf32, #tpu.memory_space<vmem>>, vector<16xf32>,
      %add3A_98 = arith.addf %get3A_95, %get3A_97 : vector<16xf32>
      %swap3A_99 = arith.constant 96 : index
      %swap3A_100 = tpu.vector_load %arg8[%swap3A_99] {strides = array<i32>} : memref<256xf32, #tpu.memory_space<vmem>>, vector<16xf32>,
      tpu.vector_store %arg8[%swap3A_99], %add3A_98 {strides = array<i32>} : memref<256xf32, #tpu.memory_space<vmem>>, vector<16xf32>,
      %get3A_101 = arith.index_cast %scan3A_46 : i32 to index
      %get3A_102 = arith.constant 112 : index
      %get3A_103 = tpu.vector_load %arg6[%get3A_101, %get3A_102] {strides = array<i32>} : memref<4x256xf32, #tpu.memory_space<vmem>>, vector<16xf32>,
      %get3A_104 = arith.constant 112 : index
      %get3A_105 = tpu.vector_load %arg7[%get3A_104] {strides = array<i32>} : memref<256xf32, #tpu.memory_space<vmem>>, vector<16xf32>,
      %add3A_106 = arith.addf %get3A_103, %get3A_105 : vector<16xf32>
      %swap3A_107 = arith.constant 112 : index
      %swap3A_108 = tpu.vector_load %arg8[%swap3A_107] {strides = array<i32>} : memref<256xf32, #tpu.memory_space<vmem>>, vector<16xf32>,
      tpu.vector_store %arg8[%swap3A_107], %add3A_106 {strides = array<i32>} : memref<256xf32, #tpu.memory_space<vmem>>, vector<16xf32>,
      %get3A_109 = arith.index_cast %scan3A_46 : i32 to index
      %get3A_110 = arith.constant 128 : index
      %get3A_111 = tpu.vector_load %arg6[%get3A_109, %get3A_110] {strides = array<i32>} : memref<4x256xf32, #tpu.memory_space<vmem>>, vector<16xf32>,
      %get3A_112 = arith.constant 128 : index
      %get3A_113 = tpu.vector_load %arg7[%get3A_112] {strides = array<i32>} : memref<256xf32, #tpu.memory_space<vmem>>, vector<16xf32>,
      %add3A_114 = arith.addf %get3A_111, %get3A_113 : vector<16xf32>
      %swap3A_115 = arith.constant 128 : index
      %swap3A_116 = tpu.vector_load %arg8[%swap3A_115] {strides = array<i32>} : memref<256xf32, #tpu.memory_space<vmem>>, vector<16xf32>,
      tpu.vector_store %arg8[%swap3A_115], %add3A_114 {strides = array<i32>} : memref<256xf32, #tpu.memory_space<vmem>>, vector<16xf32>,
      %get3A_117 = arith.index_cast %scan3A_46 : i32 to index
      %get3A_118 = arith.constant 144 : index
      %get3A_119 = tpu.vector_load %arg6[%get3A_117, %get3A_118] {strides = array<i32>} : memref<4x256xf32, #tpu.memory_space<vmem>>, vector<16xf32>,
      %get3A_120 = arith.constant 144 : index
      %get3A_121 = tpu.vector_load %arg7[%get3A_120] {strides = array<i32>} : memref<256xf32, #tpu.memory_space<vmem>>, vector<16xf32>,
      %add3A_122 = arith.addf %get3A_119, %get3A_121 : vector<16xf32>
      %swap3A_123 = arith.constant 144 : index
      %swap3A_124 = tpu.vector_load %arg8[%swap3A_123] {strides = array<i32>} : memref<256xf32, #tpu.memory_space<vmem>>, vector<16xf32>,
      tpu.vector_store %arg8[%swap3A_123], %add3A_122 {strides = array<i32>} : memref<256xf32, #tpu.memory_space<vmem>>, vector<16xf32>,
      %get3A_125 = arith.index_cast %scan3A_46 : i32 to index
      %get3A_126 = arith.constant 160 : index
      %get3A_127 = tpu.vector_load %arg6[%get3A_125, %get3A_126] {strides = array<i32>} : memref<4x256xf32, #tpu.memory_space<vmem>>, vector<16xf32>,
      %get3A_128 = arith.constant 160 : index
      %get3A_129 = tpu.vector_load %arg7[%get3A_128] {strides = array<i32>} : memref<256xf32, #tpu.memory_space<vmem>>, vector<16xf32>,
      %add3A_130 = arith.addf %get3A_127, %get3A_129 : vector<16xf32>
      %swap3A_131 = arith.constant 160 : index
      %swap3A_132 = tpu.vector_load %arg8[%swap3A_131] {strides = array<i32>} : memref<256xf32, #tpu.memory_space<vmem>>, vector<16xf32>,
      tpu.vector_store %arg8[%swap3A_131], %add3A_130 {strides = array<i32>} : memref<256xf32, #tpu.memory_space<vmem>>, vector<16xf32>,
      %get3A_133 = arith.index_cast %scan3A_46 : i32 to index
      %get3A_134 = arith.constant 176 : index
      %get3A_135 = tpu.vector_load %arg6[%get3A_133, %get3A_134] {strides = array<i32>} : memref<4x256xf32, #tpu.memory_space<vmem>>, vector<16xf32>,
      %get3A_136 = arith.constant 176 : index
      %get3A_137 = tpu.vector_load %arg7[%get3A_136] {strides = array<i32>} : memref<256xf32, #tpu.memory_space<vmem>>, vector<16xf32>,
      %add3A_138 = arith.addf %get3A_135, %get3A_137 : vector<16xf32>
      %swap3A_139 = arith.constant 176 : index
      %swap3A_140 = tpu.vector_load %arg8[%swap3A_139] {strides = array<i32>} : memref<256xf32, #tpu.memory_space<vmem>>, vector<16xf32>,
      tpu.vector_store %arg8[%swap3A_139], %add3A_138 {strides = array<i32>} : memref<256xf32, #tpu.memory_space<vmem>>, vector<16xf32>,
      %get3A_141 = arith.index_cast %scan3A_46 : i32 to index
      %get3A_142 = arith.constant 192 : index
      %get3A_143 = tpu.vector_load %arg6[%get3A_141, %get3A_142] {strides = array<i32>} : memref<4x256xf32, #tpu.memory_space<vmem>>, vector<16xf32>,
      %get3A_144 = arith.constant 192 : index
      %get3A_145 = tpu.vector_load %arg7[%get3A_144] {strides = array<i32>} : memref<256xf32, #tpu.memory_space<vmem>>, vector<16xf32>,
      %add3A_146 = arith.addf %get3A_143, %get3A_145 : vector<16xf32>
      %swap3A_147 = arith.constant 192 : index
      %swap3A_148 = tpu.vector_load %arg8[%swap3A_147] {strides = array<i32>} : memref<256xf32, #tpu.memory_space<vmem>>, vector<16xf32>,
      tpu.vector_store %arg8[%swap3A_147], %add3A_146 {strides = array<i32>} : memref<256xf32, #tpu.memory_space<vmem>>, vector<16xf32>,
      %get3A_149 = arith.index_cast %scan3A_46 : i32 to index
      %get3A_150 = arith.constant 208 : index
      %get3A_151 = tpu.vector_load %arg6[%get3A_149, %get3A_150] {strides = array<i32>} : memref<4x256xf32, #tpu.memory_space<vmem>>, vector<16xf32>,
      %get3A_152 = arith.constant 208 : index
      %get3A_153 = tpu.vector_load %arg7[%get3A_152] {strides = array<i32>} : memref<256xf32, #tpu.memory_space<vmem>>, vector<16xf32>,
      %add3A_154 = arith.addf %get3A_151, %get3A_153 : vector<16xf32>
      %swap3A_155 = arith.constant 208 : index
      %swap3A_156 = tpu.vector_load %arg8[%swap3A_155] {strides = array<i32>} : memref<256xf32, #tpu.memory_space<vmem>>, vector<16xf32>,
      tpu.vector_store %arg8[%swap3A_155], %add3A_154 {strides = array<i32>} : memref<256xf32, #tpu.memory_space<vmem>>, vector<16xf32>,
      %get3A_157 = arith.index_cast %scan3A_46 : i32 to index
      %get3A_158 = arith.constant 224 : index
      %get3A_159 = tpu.vector_load %arg6[%get3A_157, %get3A_158] {strides = array<i32>} : memref<4x256xf32, #tpu.memory_space<vmem>>, vector<16xf32>,
      %get3A_160 = arith.constant 224 : index
      %get3A_161 = tpu.vector_load %arg7[%get3A_160] {strides = array<i32>} : memref<256xf32, #tpu.memory_space<vmem>>, vector<16xf32>,
      %add3A_162 = arith.addf %get3A_159, %get3A_161 : vector<16xf32>
      %swap3A_163 = arith.constant 224 : index
      %swap3A_164 = tpu.vector_load %arg8[%swap3A_163] {strides = array<i32>} : memref<256xf32, #tpu.memory_space<vmem>>, vector<16xf32>,
      tpu.vector_store %arg8[%swap3A_163], %add3A_162 {strides = array<i32>} : memref<256xf32, #tpu.memory_space<vmem>>, vector<16xf32>,
      %get3A_165 = arith.index_cast %scan3A_46 : i32 to index
      %get3A_166 = arith.constant 240 : index
      %get3A_167 = tpu.vector_load %arg6[%get3A_165, %get3A_166] {strides = array<i32>} : memref<4x256xf32, #tpu.memory_space<vmem>>, vector<16xf32>,
      %get3A_168 = arith.constant 240 : index
      %get3A_169 = tpu.vector_load %arg7[%get3A_168] {strides = array<i32>} : memref<256xf32, #tpu.memory_space<vmem>>, vector<16xf32>,
      %add3A_170 = arith.addf %get3A_167, %get3A_169 : vector<16xf32>
      %swap3A_171 = arith.constant 240 : index
      %swap3A_172 = tpu.vector_load %arg8[%swap3A_171] {strides = array<i32>} : memref<256xf32, #tpu.memory_space<vmem>>, vector<16xf32>,
      tpu.vector_store %arg8[%swap3A_171], %add3A_170 {strides = array<i32>} : memref<256xf32, #tpu.memory_space<vmem>>, vector<16xf32>,
      %broadcast_in_dim3A = arith.constant 0xFF800000 : f32
      %broadcast_in_dim3A_173 = vector.broadcast %broadcast_in_dim3A : f32 to vector<16xf32>
      %max3A = arith.maximumf %add3A_51, %add3A_58 : vector<16xf32>
      %min3A = arith.minimumf %add3A_51, %add3A_58 : vector<16xf32>
      %xor3A = arith.constant 8 : i32
      %xor3A_174 = vector.broadcast %xor3A : i32 to vector<16xi32>
      %xor3A_175 = arith.xori %iota3A, %xor3A_174 : vector<16xi32>
      %lt3A = arith.constant 0 : i32
      %lt3A_176 = vector.broadcast %lt3A : i32 to vector<16xi32>
      %lt3A_177 = arith.cmpi slt, %xor3A_175, %lt3A_176 : vector<16xi32>
      %add3A_178 = arith.constant 16 : i32
      %add3A_179 = vector.broadcast %add3A_178 : i32 to vector<16xi32>
      %add3A_180 = arith.addi %xor3A_175, %add3A_179 : vector<16xi32>
      %select_n3A = arith.select %lt3A_177, %add3A_180, %xor3A_175 : vector<16xi1>, vector<16xi32>
      %broadcast_in_dim3A_181 = vector.shape_cast %select_n3A : vector<16xi32> to vector<16x1xi32>
      %gather3A = vector.shape_cast %broadcast_in_dim3A_181 : vector<16x1xi32> to vector<16xi32>
      %gather3A_182 = tpu.dynamic_gather %max3A[%gather3A] in [0] : vector<16xf32>, vector<16xi32> -> vector<16xf32>
      %xor3A_183 = arith.constant 8 : i32
      %xor3A_184 = vector.broadcast %xor3A_183 : i32 to vector<16xi32>
      %xor3A_185 = arith.xori %iota3A, %xor3A_184 : vector<16xi32>
      %lt3A_186 = arith.constant 0 : i32
      %lt3A_187 = vector.broadcast %lt3A_186 : i32 to vector<16xi32>
      %lt3A_188 = arith.cmpi slt, %xor3A_185, %lt3A_187 : vector<16xi32>
      %add3A_189 = arith.constant 16 : i32
      %add3A_190 = vector.broadcast %add3A_189 : i32 to vector<16xi32>
      %add3A_191 = arith.addi %xor3A_185, %add3A_190 : vector<16xi32>
      %select_n3A_192 = arith.select %lt3A_188, %add3A_191, %xor3A_185 : vector<16xi1>, vector<16xi32>
      %broadcast_in_dim3A_193 = vector.shape_cast %select_n3A_192 : vector<16xi32> to vector<16x1xi32>
      %gather3A_194 = vector.shape_cast %broadcast_in_dim3A_193 : vector<16x1xi32> to vector<16xi32>
      %gather3A_195 = tpu.dynamic_gather %min3A[%gather3A_194] in [0] : vector<16xf32>, vector<16xi32> -> vector<16xf32>
      %min3A_196 = arith.minimumf %max3A, %gather3A_182 : vector<16xf32>
      %max3A_197 = arith.maximumf %min3A, %gather3A_195 : vector<16xf32>
      %max3A_198 = arith.maximumf %min3A_196, %max3A_197 : vector<16xf32>
      %max3A_199 = arith.maximumf %max3A, %gather3A_182 : vector<16xf32>
      %xor3A_200 = arith.constant 4 : i32
      %xor3A_201 = vector.broadcast %xor3A_200 : i32 to vector<16xi32>
      %xor3A_202 = arith.xori %iota3A, %xor3A_201 : vector<16xi32>
      %lt3A_203 = arith.constant 0 : i32
      %lt3A_204 = vector.broadcast %lt3A_203 : i32 to vector<16xi32>
      %lt3A_205 = arith.cmpi slt, %xor3A_202, %lt3A_204 : vector<16xi32>
      %add3A_206 = arith.constant 16 : i32
      %add3A_207 = vector.broadcast %add3A_206 : i32 to vector<16xi32>
      %add3A_208 = arith.addi %xor3A_202, %add3A_207 : vector<16xi32>
      %select_n3A_209 = arith.select %lt3A_205, %add3A_208, %xor3A_202 : vector<16xi1>, vector<16xi32>
      %broadcast_in_dim3A_210 = vector.shape_cast %select_n3A_209 : vector<16xi32> to vector<16x1xi32>
      %gather3A_211 = vector.shape_cast %broadcast_in_dim3A_210 : vector<16x1xi32> to vector<16xi32>
      %gather3A_212 = tpu.dynamic_gather %max3A_199[%gather3A_211] in [0] : vector<16xf32>, vector<16xi32> -> vector<16xf32>
      %xor3A_213 = arith.constant 4 : i32
      %xor3A_214 = vector.broadcast %xor3A_213 : i32 to vector<16xi32>
      %xor3A_215 = arith.xori %iota3A, %xor3A_214 : vector<16xi32>
      %lt3A_216 = arith.constant 0 : i32
      %lt3A_217 = vector.broadcast %lt3A_216 : i32 to vector<16xi32>
      %lt3A_218 = arith.cmpi slt, %xor3A_215, %lt3A_217 : vector<16xi32>
      %add3A_219 = arith.constant 16 : i32
      %add3A_220 = vector.broadcast %add3A_219 : i32 to vector<16xi32>
      %add3A_221 = arith.addi %xor3A_215, %add3A_220 : vector<16xi32>
      %select_n3A_222 = arith.select %lt3A_218, %add3A_221, %xor3A_215 : vector<16xi1>, vector<16xi32>
      %broadcast_in_dim3A_223 = vector.shape_cast %select_n3A_222 : vector<16xi32> to vector<16x1xi32>
      %gather3A_224 = vector.shape_cast %broadcast_in_dim3A_223 : vector<16x1xi32> to vector<16xi32>
      %gather3A_225 = tpu.dynamic_gather %max3A_198[%gather3A_224] in [0] : vector<16xf32>, vector<16xi32> -> vector<16xf32>
      %min3A_226 = arith.minimumf %max3A_199, %gather3A_212 : vector<16xf32>
      %max3A_227 = arith.maximumf %max3A_198, %gather3A_225 : vector<16xf32>
      %max3A_228 = arith.maximumf %min3A_226, %max3A_227 : vector<16xf32>
      %max3A_229 = arith.maximumf %max3A_199, %gather3A_212 : vector<16xf32>
      %xor3A_230 = arith.constant 2 : i32
      %xor3A_231 = vector.broadcast %xor3A_230 : i32 to vector<16xi32>
      %xor3A_232 = arith.xori %iota3A, %xor3A_231 : vector<16xi32>
      %lt3A_233 = arith.constant 0 : i32
      %lt3A_234 = vector.broadcast %lt3A_233 : i32 to vector<16xi32>
      %lt3A_235 = arith.cmpi slt, %xor3A_232, %lt3A_234 : vector<16xi32>
      %add3A_236 = arith.constant 16 : i32
      %add3A_237 = vector.broadcast %add3A_236 : i32 to vector<16xi32>
      %add3A_238 = arith.addi %xor3A_232, %add3A_237 : vector<16xi32>
      %select_n3A_239 = arith.select %lt3A_235, %add3A_238, %xor3A_232 : vector<16xi1>, vector<16xi32>
      %broadcast_in_dim3A_240 = vector.shape_cast %select_n3A_239 : vector<16xi32> to vector<16x1xi32>
      %gather3A_241 = vector.shape_cast %broadcast_in_dim3A_240 : vector<16x1xi32> to vector<16xi32>
      %gather3A_242 = tpu.dynamic_gather %max3A_229[%gather3A_241] in [0] : vector<16xf32>, vector<16xi32> -> vector<16xf32>
      %xor3A_243 = arith.constant 2 : i32
      %xor3A_244 = vector.broadcast %xor3A_243 : i32 to vector<16xi32>
      %xor3A_245 = arith.xori %iota3A, %xor3A_244 : vector<16xi32>
      %lt3A_246 = arith.constant 0 : i32
      %lt3A_247 = vector.broadcast %lt3A_246 : i32 to vector<16xi32>
      %lt3A_248 = arith.cmpi slt, %xor3A_245, %lt3A_247 : vector<16xi32>
      %add3A_249 = arith.constant 16 : i32
      %add3A_250 = vector.broadcast %add3A_249 : i32 to vector<16xi32>
      %add3A_251 = arith.addi %xor3A_245, %add3A_250 : vector<16xi32>
      %select_n3A_252 = arith.select %lt3A_248, %add3A_251, %xor3A_245 : vector<16xi1>, vector<16xi32>
      %broadcast_in_dim3A_253 = vector.shape_cast %select_n3A_252 : vector<16xi32> to vector<16x1xi32>
      %gather3A_254 = vector.shape_cast %broadcast_in_dim3A_253 : vector<16x1xi32> to vector<16xi32>
      %gather3A_255 = tpu.dynamic_gather %max3A_228[%gather3A_254] in [0] : vector<16xf32>, vector<16xi32> -> vector<16xf32>
      %min3A_256 = arith.minimumf %max3A_229, %gather3A_242 : vector<16xf32>
      %max3A_257 = arith.maximumf %max3A_228, %gather3A_255 : vector<16xf32>
      %max3A_258 = arith.maximumf %min3A_256, %max3A_257 : vector<16xf32>
      %max3A_259 = arith.maximumf %max3A_229, %gather3A_242 : vector<16xf32>
      %xor3A_260 = arith.constant 1 : i32
      %xor3A_261 = vector.broadcast %xor3A_260 : i32 to vector<16xi32>
      %xor3A_262 = arith.xori %iota3A, %xor3A_261 : vector<16xi32>
      %lt3A_263 = arith.constant 0 : i32
      %lt3A_264 = vector.broadcast %lt3A_263 : i32 to vector<16xi32>
      %lt3A_265 = arith.cmpi slt, %xor3A_262, %lt3A_264 : vector<16xi32>
      %add3A_266 = arith.constant 16 : i32
      %add3A_267 = vector.broadcast %add3A_266 : i32 to vector<16xi32>
      %add3A_268 = arith.addi %xor3A_262, %add3A_267 : vector<16xi32>
      %select_n3A_269 = arith.select %lt3A_265, %add3A_268, %xor3A_262 : vector<16xi1>, vector<16xi32>
      %broadcast_in_dim3A_270 = vector.shape_cast %select_n3A_269 : vector<16xi32> to vector<16x1xi32>
      %gather3A_271 = vector.shape_cast %broadcast_in_dim3A_270 : vector<16x1xi32> to vector<16xi32>
      %gather3A_272 = tpu.dynamic_gather %max3A_259[%gather3A_271] in [0] : vector<16xf32>, vector<16xi32> -> vector<16xf32>
      %xor3A_273 = arith.constant 1 : i32
      %xor3A_274 = vector.broadcast %xor3A_273 : i32 to vector<16xi32>
      %xor3A_275 = arith.xori %iota3A, %xor3A_274 : vector<16xi32>
      %lt3A_276 = arith.constant 0 : i32
      %lt3A_277 = vector.broadcast %lt3A_276 : i32 to vector<16xi32>
      %lt3A_278 = arith.cmpi slt, %xor3A_275, %lt3A_277 : vector<16xi32>
      %add3A_279 = arith.constant 16 : i32
      %add3A_280 = vector.broadcast %add3A_279 : i32 to vector<16xi32>
      %add3A_281 = arith.addi %xor3A_275, %add3A_280 : vector<16xi32>
      %select_n3A_282 = arith.select %lt3A_278, %add3A_281, %xor3A_275 : vector<16xi1>, vector<16xi32>
      %broadcast_in_dim3A_283 = vector.shape_cast %select_n3A_282 : vector<16xi32> to vector<16x1xi32>
      %gather3A_284 = vector.shape_cast %broadcast_in_dim3A_283 : vector<16x1xi32> to vector<16xi32>
      %gather3A_285 = tpu.dynamic_gather %max3A_258[%gather3A_284] in [0] : vector<16xf32>, vector<16xi32> -> vector<16xf32>
      %min3A_286 = arith.minimumf %max3A_259, %gather3A_272 : vector<16xf32>
      %max3A_287 = arith.maximumf %max3A_258, %gather3A_285 : vector<16xf32>
      %max3A_288 = arith.maximumf %min3A_286, %max3A_287 : vector<16xf32>
      %max3A_289 = arith.maximumf %max3A_259, %gather3A_272 : vector<16xf32>
      %eq3A = arith.constant 0 : i32
      %eq3A_290 = vector.broadcast %eq3A : i32 to vector<16xi32>
      %eq3A_291 = arith.cmpi eq, %iota3A, %eq3A_290 : vector<16xi32>
      %add3A_292 = arith.addf %max3A_289, %max3A_288 : vector<16xf32>
      %select_n3A_293 = arith.select %eq3A_291, %add3A_292, %broadcast_in_dim3A_173 : vector<16xi1>, vector<16xf32>
      %max3A_294 = arith.maximumf %add3A_66, %add3A_74 : vector<16xf32>
      %min3A_295 = arith.minimumf %add3A_66, %add3A_74 : vector<16xf32>
      %xor3A_296 = arith.constant 8 : i32
      %xor3A_297 = vector.broadcast %xor3A_296 : i32 to vector<16xi32>
      %xor3A_298 = arith.xori %iota3A, %xor3A_297 : vector<16xi32>
      %lt3A_299 = arith.constant 0 : i32
      %lt3A_300 = vector.broadcast %lt3A_299 : i32 to vector<16xi32>
      %lt3A_301 = arith.cmpi slt, %xor3A_298, %lt3A_300 : vector<16xi32>
      %add3A_302 = arith.constant 16 : i32
      %add3A_303 = vector.broadcast %add3A_302 : i32 to vector<16xi32>
      %add3A_304 = arith.addi %xor3A_298, %add3A_303 : vector<16xi32>
      %select_n3A_305 = arith.select %lt3A_301, %add3A_304, %xor3A_298 : vector<16xi1>, vector<16xi32>
      %broadcast_in_dim3A_306 = vector.shape_cast %select_n3A_305 : vector<16xi32> to vector<16x1xi32>
      %gather3A_307 = vector.shape_cast %broadcast_in_dim3A_306 : vector<16x1xi32> to vector<16xi32>
      %gather3A_308 = tpu.dynamic_gather %max3A_294[%gather3A_307] in [0] : vector<16xf32>, vector<16xi32> -> vector<16xf32>
      %xor3A_309 = arith.constant 8 : i32
      %xor3A_310 = vector.broadcast %xor3A_309 : i32 to vector<16xi32>
      %xor3A_311 = arith.xori %iota3A, %xor3A_310 : vector<16xi32>
      %lt3A_312 = arith.constant 0 : i32
      %lt3A_313 = vector.broadcast %lt3A_312 : i32 to vector<16xi32>
      %lt3A_314 = arith.cmpi slt, %xor3A_311, %lt3A_313 : vector<16xi32>
      %add3A_315 = arith.constant 16 : i32
      %add3A_316 = vector.broadcast %add3A_315 : i32 to vector<16xi32>
      %add3A_317 = arith.addi %xor3A_311, %add3A_316 : vector<16xi32>
      %select_n3A_318 = arith.select %lt3A_314, %add3A_317, %xor3A_311 : vector<16xi1>, vector<16xi32>
      %broadcast_in_dim3A_319 = vector.shape_cast %select_n3A_318 : vector<16xi32> to vector<16x1xi32>
      %gather3A_320 = vector.shape_cast %broadcast_in_dim3A_319 : vector<16x1xi32> to vector<16xi32>
      %gather3A_321 = tpu.dynamic_gather %min3A_295[%gather3A_320] in [0] : vector<16xf32>, vector<16xi32> -> vector<16xf32>
      %min3A_322 = arith.minimumf %max3A_294, %gather3A_308 : vector<16xf32>
      %max3A_323 = arith.maximumf %min3A_295, %gather3A_321 : vector<16xf32>
      %max3A_324 = arith.maximumf %min3A_322, %max3A_323 : vector<16xf32>
      %max3A_325 = arith.maximumf %max3A_294, %gather3A_308 : vector<16xf32>
      %xor3A_326 = arith.constant 4 : i32
      %xor3A_327 = vector.broadcast %xor3A_326 : i32 to vector<16xi32>
      %xor3A_328 = arith.xori %iota3A, %xor3A_327 : vector<16xi32>
      %lt3A_329 = arith.constant 0 : i32
      %lt3A_330 = vector.broadcast %lt3A_329 : i32 to vector<16xi32>
      %lt3A_331 = arith.cmpi slt, %xor3A_328, %lt3A_330 : vector<16xi32>
      %add3A_332 = arith.constant 16 : i32
      %add3A_333 = vector.broadcast %add3A_332 : i32 to vector<16xi32>
      %add3A_334 = arith.addi %xor3A_328, %add3A_333 : vector<16xi32>
      %select_n3A_335 = arith.select %lt3A_331, %add3A_334, %xor3A_328 : vector<16xi1>, vector<16xi32>
      %broadcast_in_dim3A_336 = vector.shape_cast %select_n3A_335 : vector<16xi32> to vector<16x1xi32>
      %gather3A_337 = vector.shape_cast %broadcast_in_dim3A_336 : vector<16x1xi32> to vector<16xi32>
      %gather3A_338 = tpu.dynamic_gather %max3A_325[%gather3A_337] in [0] : vector<16xf32>, vector<16xi32> -> vector<16xf32>
      %xor3A_339 = arith.constant 4 : i32
      %xor3A_340 = vector.broadcast %xor3A_339 : i32 to vector<16xi32>
      %xor3A_341 = arith.xori %iota3A, %xor3A_340 : vector<16xi32>
      %lt3A_342 = arith.constant 0 : i32
      %lt3A_343 = vector.broadcast %lt3A_342 : i32 to vector<16xi32>
      %lt3A_344 = arith.cmpi slt, %xor3A_341, %lt3A_343 : vector<16xi32>
      %add3A_345 = arith.constant 16 : i32
      %add3A_346 = vector.broadcast %add3A_345 : i32 to vector<16xi32>
      %add3A_347 = arith.addi %xor3A_341, %add3A_346 : vector<16xi32>
      %select_n3A_348 = arith.select %lt3A_344, %add3A_347, %xor3A_341 : vector<16xi1>, vector<16xi32>
      %broadcast_in_dim3A_349 = vector.shape_cast %select_n3A_348 : vector<16xi32> to vector<16x1xi32>
      %gather3A_350 = vector.shape_cast %broadcast_in_dim3A_349 : vector<16x1xi32> to vector<16xi32>
      %gather3A_351 = tpu.dynamic_gather %max3A_324[%gather3A_350] in [0] : vector<16xf32>, vector<16xi32> -> vector<16xf32>
      %min3A_352 = arith.minimumf %max3A_325, %gather3A_338 : vector<16xf32>
      %max3A_353 = arith.maximumf %max3A_324, %gather3A_351 : vector<16xf32>
      %max3A_354 = arith.maximumf %min3A_352, %max3A_353 : vector<16xf32>
      %max3A_355 = arith.maximumf %max3A_325, %gather3A_338 : vector<16xf32>
      %xor3A_356 = arith.constant 2 : i32
      %xor3A_357 = vector.broadcast %xor3A_356 : i32 to vector<16xi32>
      %xor3A_358 = arith.xori %iota3A, %xor3A_357 : vector<16xi32>
      %lt3A_359 = arith.constant 0 : i32
      %lt3A_360 = vector.broadcast %lt3A_359 : i32 to vector<16xi32>
      %lt3A_361 = arith.cmpi slt, %xor3A_358, %lt3A_360 : vector<16xi32>
      %add3A_362 = arith.constant 16 : i32
      %add3A_363 = vector.broadcast %add3A_362 : i32 to vector<16xi32>
      %add3A_364 = arith.addi %xor3A_358, %add3A_363 : vector<16xi32>
      %select_n3A_365 = arith.select %lt3A_361, %add3A_364, %xor3A_358 : vector<16xi1>, vector<16xi32>
      %broadcast_in_dim3A_366 = vector.shape_cast %select_n3A_365 : vector<16xi32> to vector<16x1xi32>
      %gather3A_367 = vector.shape_cast %broadcast_in_dim3A_366 : vector<16x1xi32> to vector<16xi32>
      %gather3A_368 = tpu.dynamic_gather %max3A_355[%gather3A_367] in [0] : vector<16xf32>, vector<16xi32> -> vector<16xf32>
      %xor3A_369 = arith.constant 2 : i32
      %xor3A_370 = vector.broadcast %xor3A_369 : i32 to vector<16xi32>
      %xor3A_371 = arith.xori %iota3A, %xor3A_370 : vector<16xi32>
      %lt3A_372 = arith.constant 0 : i32
      %lt3A_373 = vector.broadcast %lt3A_372 : i32 to vector<16xi32>
      %lt3A_374 = arith.cmpi slt, %xor3A_371, %lt3A_373 : vector<16xi32>
      %add3A_375 = arith.constant 16 : i32
      %add3A_376 = vector.broadcast %add3A_375 : i32 to vector<16xi32>
      %add3A_377 = arith.addi %xor3A_371, %add3A_376 : vector<16xi32>
      %select_n3A_378 = arith.select %lt3A_374, %add3A_377, %xor3A_371 : vector<16xi1>, vector<16xi32>
      %broadcast_in_dim3A_379 = vector.shape_cast %select_n3A_378 : vector<16xi32> to vector<16x1xi32>
      %gather3A_380 = vector.shape_cast %broadcast_in_dim3A_379 : vector<16x1xi32> to vector<16xi32>
      %gather3A_381 = tpu.dynamic_gather %max3A_354[%gather3A_380] in [0] : vector<16xf32>, vector<16xi32> -> vector<16xf32>
      %min3A_382 = arith.minimumf %max3A_355, %gather3A_368 : vector<16xf32>
      %max3A_383 = arith.maximumf %max3A_354, %gather3A_381 : vector<16xf32>
      %max3A_384 = arith.maximumf %min3A_382, %max3A_383 : vector<16xf32>
      %max3A_385 = arith.maximumf %max3A_355, %gather3A_368 : vector<16xf32>
      %xor3A_386 = arith.constant 1 : i32
      %xor3A_387 = vector.broadcast %xor3A_386 : i32 to vector<16xi32>
      %xor3A_388 = arith.xori %iota3A, %xor3A_387 : vector<16xi32>
      %lt3A_389 = arith.constant 0 : i32
      %lt3A_390 = vector.broadcast %lt3A_389 : i32 to vector<16xi32>
      %lt3A_391 = arith.cmpi slt, %xor3A_388, %lt3A_390 : vector<16xi32>
      %add3A_392 = arith.constant 16 : i32
      %add3A_393 = vector.broadcast %add3A_392 : i32 to vector<16xi32>
      %add3A_394 = arith.addi %xor3A_388, %add3A_393 : vector<16xi32>
      %select_n3A_395 = arith.select %lt3A_391, %add3A_394, %xor3A_388 : vector<16xi1>, vector<16xi32>
      %broadcast_in_dim3A_396 = vector.shape_cast %select_n3A_395 : vector<16xi32> to vector<16x1xi32>
      %gather3A_397 = vector.shape_cast %broadcast_in_dim3A_396 : vector<16x1xi32> to vector<16xi32>
      %gather3A_398 = tpu.dynamic_gather %max3A_385[%gather3A_397] in [0] : vector<16xf32>, vector<16xi32> -> vector<16xf32>
      %xor3A_399 = arith.constant 1 : i32
      %xor3A_400 = vector.broadcast %xor3A_399 : i32 to vector<16xi32>
      %xor3A_401 = arith.xori %iota3A, %xor3A_400 : vector<16xi32>
      %lt3A_402 = arith.constant 0 : i32
      %lt3A_403 = vector.broadcast %lt3A_402 : i32 to vector<16xi32>
      %lt3A_404 = arith.cmpi slt, %xor3A_401, %lt3A_403 : vector<16xi32>
      %add3A_405 = arith.constant 16 : i32
      %add3A_406 = vector.broadcast %add3A_405 : i32 to vector<16xi32>
      %add3A_407 = arith.addi %xor3A_401, %add3A_406 : vector<16xi32>
      %select_n3A_408 = arith.select %lt3A_404, %add3A_407, %xor3A_401 : vector<16xi1>, vector<16xi32>
      %broadcast_in_dim3A_409 = vector.shape_cast %select_n3A_408 : vector<16xi32> to vector<16x1xi32>
      %gather3A_410 = vector.shape_cast %broadcast_in_dim3A_409 : vector<16x1xi32> to vector<16xi32>
      %gather3A_411 = tpu.dynamic_gather %max3A_384[%gather3A_410] in [0] : vector<16xf32>, vector<16xi32> -> vector<16xf32>
      %min3A_412 = arith.minimumf %max3A_385, %gather3A_398 : vector<16xf32>
      %max3A_413 = arith.maximumf %max3A_384, %gather3A_411 : vector<16xf32>
      %max3A_414 = arith.maximumf %min3A_412, %max3A_413 : vector<16xf32>
      %max3A_415 = arith.maximumf %max3A_385, %gather3A_398 : vector<16xf32>
      %eq3A_416 = arith.constant 1 : i32
      %eq3A_417 = vector.broadcast %eq3A_416 : i32 to vector<16xi32>
      %eq3A_418 = arith.cmpi eq, %iota3A, %eq3A_417 : vector<16xi32>
      %add3A_419 = arith.addf %max3A_415, %max3A_414 : vector<16xf32>
      %select_n3A_420 = arith.select %eq3A_418, %add3A_419, %select_n3A_293 : vector<16xi1>, vector<16xf32>
      %max3A_421 = arith.maximumf %add3A_82, %add3A_90 : vector<16xf32>
      %min3A_422 = arith.minimumf %add3A_82, %add3A_90 : vector<16xf32>
      %xor3A_423 = arith.constant 8 : i32
      %xor3A_424 = vector.broadcast %xor3A_423 : i32 to vector<16xi32>
      %xor3A_425 = arith.xori %iota3A, %xor3A_424 : vector<16xi32>
      %lt3A_426 = arith.constant 0 : i32
      %lt3A_427 = vector.broadcast %lt3A_426 : i32 to vector<16xi32>
      %lt3A_428 = arith.cmpi slt, %xor3A_425, %lt3A_427 : vector<16xi32>
      %add3A_429 = arith.constant 16 : i32
      %add3A_430 = vector.broadcast %add3A_429 : i32 to vector<16xi32>
      %add3A_431 = arith.addi %xor3A_425, %add3A_430 : vector<16xi32>
      %select_n3A_432 = arith.select %lt3A_428, %add3A_431, %xor3A_425 : vector<16xi1>, vector<16xi32>
      %broadcast_in_dim3A_433 = vector.shape_cast %select_n3A_432 : vector<16xi32> to vector<16x1xi32>
      %gather3A_434 = vector.shape_cast %broadcast_in_dim3A_433 : vector<16x1xi32> to vector<16xi32>
      %gather3A_435 = tpu.dynamic_gather %max3A_421[%gather3A_434] in [0] : vector<16xf32>, vector<16xi32> -> vector<16xf32>
      %xor3A_436 = arith.constant 8 : i32
      %xor3A_437 = vector.broadcast %xor3A_436 : i32 to vector<16xi32>
      %xor3A_438 = arith.xori %iota3A, %xor3A_437 : vector<16xi32>
      %lt3A_439 = arith.constant 0 : i32
      %lt3A_440 = vector.broadcast %lt3A_439 : i32 to vector<16xi32>
      %lt3A_441 = arith.cmpi slt, %xor3A_438, %lt3A_440 : vector<16xi32>
      %add3A_442 = arith.constant 16 : i32
      %add3A_443 = vector.broadcast %add3A_442 : i32 to vector<16xi32>
      %add3A_444 = arith.addi %xor3A_438, %add3A_443 : vector<16xi32>
      %select_n3A_445 = arith.select %lt3A_441, %add3A_444, %xor3A_438 : vector<16xi1>, vector<16xi32>
      %broadcast_in_dim3A_446 = vector.shape_cast %select_n3A_445 : vector<16xi32> to vector<16x1xi32>
      %gather3A_447 = vector.shape_cast %broadcast_in_dim3A_446 : vector<16x1xi32> to vector<16xi32>
      %gather3A_448 = tpu.dynamic_gather %min3A_422[%gather3A_447] in [0] : vector<16xf32>, vector<16xi32> -> vector<16xf32>
      %min3A_449 = arith.minimumf %max3A_421, %gather3A_435 : vector<16xf32>
      %max3A_450 = arith.maximumf %min3A_422, %gather3A_448 : vector<16xf32>
      %max3A_451 = arith.maximumf %min3A_449, %max3A_450 : vector<16xf32>
      %max3A_452 = arith.maximumf %max3A_421, %gather3A_435 : vector<16xf32>
      %xor3A_453 = arith.constant 4 : i32
      %xor3A_454 = vector.broadcast %xor3A_453 : i32 to vector<16xi32>
      %xor3A_455 = arith.xori %iota3A, %xor3A_454 : vector<16xi32>
      %lt3A_456 = arith.constant 0 : i32
      %lt3A_457 = vector.broadcast %lt3A_456 : i32 to vector<16xi32>
      %lt3A_458 = arith.cmpi slt, %xor3A_455, %lt3A_457 : vector<16xi32>
      %add3A_459 = arith.constant 16 : i32
      %add3A_460 = vector.broadcast %add3A_459 : i32 to vector<16xi32>
      %add3A_461 = arith.addi %xor3A_455, %add3A_460 : vector<16xi32>
      %select_n3A_462 = arith.select %lt3A_458, %add3A_461, %xor3A_455 : vector<16xi1>, vector<16xi32>
      %broadcast_in_dim3A_463 = vector.shape_cast %select_n3A_462 : vector<16xi32> to vector<16x1xi32>
      %gather3A_464 = vector.shape_cast %broadcast_in_dim3A_463 : vector<16x1xi32> to vector<16xi32>
      %gather3A_465 = tpu.dynamic_gather %max3A_452[%gather3A_464] in [0] : vector<16xf32>, vector<16xi32> -> vector<16xf32>
      %xor3A_466 = arith.constant 4 : i32
      %xor3A_467 = vector.broadcast %xor3A_466 : i32 to vector<16xi32>
      %xor3A_468 = arith.xori %iota3A, %xor3A_467 : vector<16xi32>
      %lt3A_469 = arith.constant 0 : i32
      %lt3A_470 = vector.broadcast %lt3A_469 : i32 to vector<16xi32>
      %lt3A_471 = arith.cmpi slt, %xor3A_468, %lt3A_470 : vector<16xi32>
      %add3A_472 = arith.constant 16 : i32
      %add3A_473 = vector.broadcast %add3A_472 : i32 to vector<16xi32>
      %add3A_474 = arith.addi %xor3A_468, %add3A_473 : vector<16xi32>
      %select_n3A_475 = arith.select %lt3A_471, %add3A_474, %xor3A_468 : vector<16xi1>, vector<16xi32>
      %broadcast_in_dim3A_476 = vector.shape_cast %select_n3A_475 : vector<16xi32> to vector<16x1xi32>
      %gather3A_477 = vector.shape_cast %broadcast_in_dim3A_476 : vector<16x1xi32> to vector<16xi32>
      %gather3A_478 = tpu.dynamic_gather %max3A_451[%gather3A_477] in [0] : vector<16xf32>, vector<16xi32> -> vector<16xf32>
      %min3A_479 = arith.minimumf %max3A_452, %gather3A_465 : vector<16xf32>
      %max3A_480 = arith.maximumf %max3A_451, %gather3A_478 : vector<16xf32>
      %max3A_481 = arith.maximumf %min3A_479, %max3A_480 : vector<16xf32>
      %max3A_482 = arith.maximumf %max3A_452, %gather3A_465 : vector<16xf32>
      %xor3A_483 = arith.constant 2 : i32
      %xor3A_484 = vector.broadcast %xor3A_483 : i32 to vector<16xi32>
      %xor3A_485 = arith.xori %iota3A, %xor3A_484 : vector<16xi32>
      %lt3A_486 = arith.constant 0 : i32
      %lt3A_487 = vector.broadcast %lt3A_486 : i32 to vector<16xi32>
      %lt3A_488 = arith.cmpi slt, %xor3A_485, %lt3A_487 : vector<16xi32>
      %add3A_489 = arith.constant 16 : i32
      %add3A_490 = vector.broadcast %add3A_489 : i32 to vector<16xi32>
      %add3A_491 = arith.addi %xor3A_485, %add3A_490 : vector<16xi32>
      %select_n3A_492 = arith.select %lt3A_488, %add3A_491, %xor3A_485 : vector<16xi1>, vector<16xi32>
      %broadcast_in_dim3A_493 = vector.shape_cast %select_n3A_492 : vector<16xi32> to vector<16x1xi32>
      %gather3A_494 = vector.shape_cast %broadcast_in_dim3A_493 : vector<16x1xi32> to vector<16xi32>
      %gather3A_495 = tpu.dynamic_gather %max3A_482[%gather3A_494] in [0] : vector<16xf32>, vector<16xi32> -> vector<16xf32>
      %xor3A_496 = arith.constant 2 : i32
      %xor3A_497 = vector.broadcast %xor3A_496 : i32 to vector<16xi32>
      %xor3A_498 = arith.xori %iota3A, %xor3A_497 : vector<16xi32>
      %lt3A_499 = arith.constant 0 : i32
      %lt3A_500 = vector.broadcast %lt3A_499 : i32 to vector<16xi32>
      %lt3A_501 = arith.cmpi slt, %xor3A_498, %lt3A_500 : vector<16xi32>
      %add3A_502 = arith.constant 16 : i32
      %add3A_503 = vector.broadcast %add3A_502 : i32 to vector<16xi32>
      %add3A_504 = arith.addi %xor3A_498, %add3A_503 : vector<16xi32>
      %select_n3A_505 = arith.select %lt3A_501, %add3A_504, %xor3A_498 : vector<16xi1>, vector<16xi32>
      %broadcast_in_dim3A_506 = vector.shape_cast %select_n3A_505 : vector<16xi32> to vector<16x1xi32>
      %gather3A_507 = vector.shape_cast %broadcast_in_dim3A_506 : vector<16x1xi32> to vector<16xi32>
      %gather3A_508 = tpu.dynamic_gather %max3A_481[%gather3A_507] in [0] : vector<16xf32>, vector<16xi32> -> vector<16xf32>
      %min3A_509 = arith.minimumf %max3A_482, %gather3A_495 : vector<16xf32>
      %max3A_510 = arith.maximumf %max3A_481, %gather3A_508 : vector<16xf32>
      %max3A_511 = arith.maximumf %min3A_509, %max3A_510 : vector<16xf32>
      %max3A_512 = arith.maximumf %max3A_482, %gather3A_495 : vector<16xf32>
      %xor3A_513 = arith.constant 1 : i32
      %xor3A_514 = vector.broadcast %xor3A_513 : i32 to vector<16xi32>
      %xor3A_515 = arith.xori %iota3A, %xor3A_514 : vector<16xi32>
      %lt3A_516 = arith.constant 0 : i32
      %lt3A_517 = vector.broadcast %lt3A_516 : i32 to vector<16xi32>
      %lt3A_518 = arith.cmpi slt, %xor3A_515, %lt3A_517 : vector<16xi32>
      %add3A_519 = arith.constant 16 : i32
      %add3A_520 = vector.broadcast %add3A_519 : i32 to vector<16xi32>
      %add3A_521 = arith.addi %xor3A_515, %add3A_520 : vector<16xi32>
      %select_n3A_522 = arith.select %lt3A_518, %add3A_521, %xor3A_515 : vector<16xi1>, vector<16xi32>
      %broadcast_in_dim3A_523 = vector.shape_cast %select_n3A_522 : vector<16xi32> to vector<16x1xi32>
      %gather3A_524 = vector.shape_cast %broadcast_in_dim3A_523 : vector<16x1xi32> to vector<16xi32>
      %gather3A_525 = tpu.dynamic_gather %max3A_512[%gather3A_524] in [0] : vector<16xf32>, vector<16xi32> -> vector<16xf32>
      %xor3A_526 = arith.constant 1 : i32
      %xor3A_527 = vector.broadcast %xor3A_526 : i32 to vector<16xi32>
      %xor3A_528 = arith.xori %iota3A, %xor3A_527 : vector<16xi32>
      %lt3A_529 = arith.constant 0 : i32
      %lt3A_530 = vector.broadcast %lt3A_529 : i32 to vector<16xi32>
      %lt3A_531 = arith.cmpi slt, %xor3A_528, %lt3A_530 : vector<16xi32>
      %add3A_532 = arith.constant 16 : i32
      %add3A_533 = vector.broadcast %add3A_532 : i32 to vector<16xi32>
      %add3A_534 = arith.addi %xor3A_528, %add3A_533 : vector<16xi32>
      %select_n3A_535 = arith.select %lt3A_531, %add3A_534, %xor3A_528 : vector<16xi1>, vector<16xi32>
      %broadcast_in_dim3A_536 = vector.shape_cast %select_n3A_535 : vector<16xi32> to vector<16x1xi32>
      %gather3A_537 = vector.shape_cast %broadcast_in_dim3A_536 : vector<16x1xi32> to vector<16xi32>
      %gather3A_538 = tpu.dynamic_gather %max3A_511[%gather3A_537] in [0] : vector<16xf32>, vector<16xi32> -> vector<16xf32>
      %min3A_539 = arith.minimumf %max3A_512, %gather3A_525 : vector<16xf32>
      %max3A_540 = arith.maximumf %max3A_511, %gather3A_538 : vector<16xf32>
      %max3A_541 = arith.maximumf %min3A_539, %max3A_540 : vector<16xf32>
      %max3A_542 = arith.maximumf %max3A_512, %gather3A_525 : vector<16xf32>
      %eq3A_543 = arith.constant 2 : i32
      %eq3A_544 = vector.broadcast %eq3A_543 : i32 to vector<16xi32>
      %eq3A_545 = arith.cmpi eq, %iota3A, %eq3A_544 : vector<16xi32>
      %add3A_546 = arith.addf %max3A_542, %max3A_541 : vector<16xf32>
      %select_n3A_547 = arith.select %eq3A_545, %add3A_546, %select_n3A_420 : vector<16xi1>, vector<16xf32>
      %max3A_548 = arith.maximumf %add3A_98, %add3A_106 : vector<16xf32>
      %min3A_549 = arith.minimumf %add3A_98, %add3A_106 : vector<16xf32>
      %xor3A_550 = arith.constant 8 : i32
      %xor3A_551 = vector.broadcast %xor3A_550 : i32 to vector<16xi32>
      %xor3A_552 = arith.xori %iota3A, %xor3A_551 : vector<16xi32>
      %lt3A_553 = arith.constant 0 : i32
      %lt3A_554 = vector.broadcast %lt3A_553 : i32 to vector<16xi32>
      %lt3A_555 = arith.cmpi slt, %xor3A_552, %lt3A_554 : vector<16xi32>
      %add3A_556 = arith.constant 16 : i32
      %add3A_557 = vector.broadcast %add3A_556 : i32 to vector<16xi32>
      %add3A_558 = arith.addi %xor3A_552, %add3A_557 : vector<16xi32>
      %select_n3A_559 = arith.select %lt3A_555, %add3A_558, %xor3A_552 : vector<16xi1>, vector<16xi32>
      %broadcast_in_dim3A_560 = vector.shape_cast %select_n3A_559 : vector<16xi32> to vector<16x1xi32>
      %gather3A_561 = vector.shape_cast %broadcast_in_dim3A_560 : vector<16x1xi32> to vector<16xi32>
      %gather3A_562 = tpu.dynamic_gather %max3A_548[%gather3A_561] in [0] : vector<16xf32>, vector<16xi32> -> vector<16xf32>
      %xor3A_563 = arith.constant 8 : i32
      %xor3A_564 = vector.broadcast %xor3A_563 : i32 to vector<16xi32>
      %xor3A_565 = arith.xori %iota3A, %xor3A_564 : vector<16xi32>
      %lt3A_566 = arith.constant 0 : i32
      %lt3A_567 = vector.broadcast %lt3A_566 : i32 to vector<16xi32>
      %lt3A_568 = arith.cmpi slt, %xor3A_565, %lt3A_567 : vector<16xi32>
      %add3A_569 = arith.constant 16 : i32
      %add3A_570 = vector.broadcast %add3A_569 : i32 to vector<16xi32>
      %add3A_571 = arith.addi %xor3A_565, %add3A_570 : vector<16xi32>
      %select_n3A_572 = arith.select %lt3A_568, %add3A_571, %xor3A_565 : vector<16xi1>, vector<16xi32>
      %broadcast_in_dim3A_573 = vector.shape_cast %select_n3A_572 : vector<16xi32> to vector<16x1xi32>
      %gather3A_574 = vector.shape_cast %broadcast_in_dim3A_573 : vector<16x1xi32> to vector<16xi32>
      %gather3A_575 = tpu.dynamic_gather %min3A_549[%gather3A_574] in [0] : vector<16xf32>, vector<16xi32> -> vector<16xf32>
      %min3A_576 = arith.minimumf %max3A_548, %gather3A_562 : vector<16xf32>
      %max3A_577 = arith.maximumf %min3A_549, %gather3A_575 : vector<16xf32>
      %max3A_578 = arith.maximumf %min3A_576, %max3A_577 : vector<16xf32>
      %max3A_579 = arith.maximumf %max3A_548, %gather3A_562 : vector<16xf32>
      %xor3A_580 = arith.constant 4 : i32
      %xor3A_581 = vector.broadcast %xor3A_580 : i32 to vector<16xi32>
      %xor3A_582 = arith.xori %iota3A, %xor3A_581 : vector<16xi32>
      %lt3A_583 = arith.constant 0 : i32
      %lt3A_584 = vector.broadcast %lt3A_583 : i32 to vector<16xi32>
      %lt3A_585 = arith.cmpi slt, %xor3A_582, %lt3A_584 : vector<16xi32>
      %add3A_586 = arith.constant 16 : i32
      %add3A_587 = vector.broadcast %add3A_586 : i32 to vector<16xi32>
      %add3A_588 = arith.addi %xor3A_582, %add3A_587 : vector<16xi32>
      %select_n3A_589 = arith.select %lt3A_585, %add3A_588, %xor3A_582 : vector<16xi1>, vector<16xi32>
      %broadcast_in_dim3A_590 = vector.shape_cast %select_n3A_589 : vector<16xi32> to vector<16x1xi32>
      %gather3A_591 = vector.shape_cast %broadcast_in_dim3A_590 : vector<16x1xi32> to vector<16xi32>
      %gather3A_592 = tpu.dynamic_gather %max3A_579[%gather3A_591] in [0] : vector<16xf32>, vector<16xi32> -> vector<16xf32>
      %xor3A_593 = arith.constant 4 : i32
      %xor3A_594 = vector.broadcast %xor3A_593 : i32 to vector<16xi32>
      %xor3A_595 = arith.xori %iota3A, %xor3A_594 : vector<16xi32>
      %lt3A_596 = arith.constant 0 : i32
      %lt3A_597 = vector.broadcast %lt3A_596 : i32 to vector<16xi32>
      %lt3A_598 = arith.cmpi slt, %xor3A_595, %lt3A_597 : vector<16xi32>
      %add3A_599 = arith.constant 16 : i32
      %add3A_600 = vector.broadcast %add3A_599 : i32 to vector<16xi32>
      %add3A_601 = arith.addi %xor3A_595, %add3A_600 : vector<16xi32>
      %select_n3A_602 = arith.select %lt3A_598, %add3A_601, %xor3A_595 : vector<16xi1>, vector<16xi32>
      %broadcast_in_dim3A_603 = vector.shape_cast %select_n3A_602 : vector<16xi32> to vector<16x1xi32>
      %gather3A_604 = vector.shape_cast %broadcast_in_dim3A_603 : vector<16x1xi32> to vector<16xi32>
      %gather3A_605 = tpu.dynamic_gather %max3A_578[%gather3A_604] in [0] : vector<16xf32>, vector<16xi32> -> vector<16xf32>
      %min3A_606 = arith.minimumf %max3A_579, %gather3A_592 : vector<16xf32>
      %max3A_607 = arith.maximumf %max3A_578, %gather3A_605 : vector<16xf32>
      %max3A_608 = arith.maximumf %min3A_606, %max3A_607 : vector<16xf32>
      %max3A_609 = arith.maximumf %max3A_579, %gather3A_592 : vector<16xf32>
      %xor3A_610 = arith.constant 2 : i32
      %xor3A_611 = vector.broadcast %xor3A_610 : i32 to vector<16xi32>
      %xor3A_612 = arith.xori %iota3A, %xor3A_611 : vector<16xi32>
      %lt3A_613 = arith.constant 0 : i32
      %lt3A_614 = vector.broadcast %lt3A_613 : i32 to vector<16xi32>
      %lt3A_615 = arith.cmpi slt, %xor3A_612, %lt3A_614 : vector<16xi32>
      %add3A_616 = arith.constant 16 : i32
      %add3A_617 = vector.broadcast %add3A_616 : i32 to vector<16xi32>
      %add3A_618 = arith.addi %xor3A_612, %add3A_617 : vector<16xi32>
      %select_n3A_619 = arith.select %lt3A_615, %add3A_618, %xor3A_612 : vector<16xi1>, vector<16xi32>
      %broadcast_in_dim3A_620 = vector.shape_cast %select_n3A_619 : vector<16xi32> to vector<16x1xi32>
      %gather3A_621 = vector.shape_cast %broadcast_in_dim3A_620 : vector<16x1xi32> to vector<16xi32>
      %gather3A_622 = tpu.dynamic_gather %max3A_609[%gather3A_621] in [0] : vector<16xf32>, vector<16xi32> -> vector<16xf32>
      %xor3A_623 = arith.constant 2 : i32
      %xor3A_624 = vector.broadcast %xor3A_623 : i32 to vector<16xi32>
      %xor3A_625 = arith.xori %iota3A, %xor3A_624 : vector<16xi32>
      %lt3A_626 = arith.constant 0 : i32
      %lt3A_627 = vector.broadcast %lt3A_626 : i32 to vector<16xi32>
      %lt3A_628 = arith.cmpi slt, %xor3A_625, %lt3A_627 : vector<16xi32>
      %add3A_629 = arith.constant 16 : i32
      %add3A_630 = vector.broadcast %add3A_629 : i32 to vector<16xi32>
      %add3A_631 = arith.addi %xor3A_625, %add3A_630 : vector<16xi32>
      %select_n3A_632 = arith.select %lt3A_628, %add3A_631, %xor3A_625 : vector<16xi1>, vector<16xi32>
      %broadcast_in_dim3A_633 = vector.shape_cast %select_n3A_632 : vector<16xi32> to vector<16x1xi32>
      %gather3A_634 = vector.shape_cast %broadcast_in_dim3A_633 : vector<16x1xi32> to vector<16xi32>
      %gather3A_635 = tpu.dynamic_gather %max3A_608[%gather3A_634] in [0] : vector<16xf32>, vector<16xi32> -> vector<16xf32>
      %min3A_636 = arith.minimumf %max3A_609, %gather3A_622 : vector<16xf32>
      %max3A_637 = arith.maximumf %max3A_608, %gather3A_635 : vector<16xf32>
      %max3A_638 = arith.maximumf %min3A_636, %max3A_637 : vector<16xf32>
      %max3A_639 = arith.maximumf %max3A_609, %gather3A_622 : vector<16xf32>
      %xor3A_640 = arith.constant 1 : i32
      %xor3A_641 = vector.broadcast %xor3A_640 : i32 to vector<16xi32>
      %xor3A_642 = arith.xori %iota3A, %xor3A_641 : vector<16xi32>
      %lt3A_643 = arith.constant 0 : i32
      %lt3A_644 = vector.broadcast %lt3A_643 : i32 to vector<16xi32>
      %lt3A_645 = arith.cmpi slt, %xor3A_642, %lt3A_644 : vector<16xi32>
      %add3A_646 = arith.constant 16 : i32
      %add3A_647 = vector.broadcast %add3A_646 : i32 to vector<16xi32>
      %add3A_648 = arith.addi %xor3A_642, %add3A_647 : vector<16xi32>
      %select_n3A_649 = arith.select %lt3A_645, %add3A_648, %xor3A_642 : vector<16xi1>, vector<16xi32>
      %broadcast_in_dim3A_650 = vector.shape_cast %select_n3A_649 : vector<16xi32> to vector<16x1xi32>
      %gather3A_651 = vector.shape_cast %broadcast_in_dim3A_650 : vector<16x1xi32> to vector<16xi32>
      %gather3A_652 = tpu.dynamic_gather %max3A_639[%gather3A_651] in [0] : vector<16xf32>, vector<16xi32> -> vector<16xf32>
      %xor3A_653 = arith.constant 1 : i32
      %xor3A_654 = vector.broadcast %xor3A_653 : i32 to vector<16xi32>
      %xor3A_655 = arith.xori %iota3A, %xor3A_654 : vector<16xi32>
      %lt3A_656 = arith.constant 0 : i32
      %lt3A_657 = vector.broadcast %lt3A_656 : i32 to vector<16xi32>
      %lt3A_658 = arith.cmpi slt, %xor3A_655, %lt3A_657 : vector<16xi32>
      %add3A_659 = arith.constant 16 : i32
      %add3A_660 = vector.broadcast %add3A_659 : i32 to vector<16xi32>
      %add3A_661 = arith.addi %xor3A_655, %add3A_660 : vector<16xi32>
      %select_n3A_662 = arith.select %lt3A_658, %add3A_661, %xor3A_655 : vector<16xi1>, vector<16xi32>
      %broadcast_in_dim3A_663 = vector.shape_cast %select_n3A_662 : vector<16xi32> to vector<16x1xi32>
      %gather3A_664 = vector.shape_cast %broadcast_in_dim3A_663 : vector<16x1xi32> to vector<16xi32>
      %gather3A_665 = tpu.dynamic_gather %max3A_638[%gather3A_664] in [0] : vector<16xf32>, vector<16xi32> -> vector<16xf32>
      %min3A_666 = arith.minimumf %max3A_639, %gather3A_652 : vector<16xf32>
      %max3A_667 = arith.maximumf %max3A_638, %gather3A_665 : vector<16xf32>
      %max3A_668 = arith.maximumf %min3A_666, %max3A_667 : vector<16xf32>
      %max3A_669 = arith.maximumf %max3A_639, %gather3A_652 : vector<16xf32>
      %eq3A_670 = arith.constant 3 : i32
      %eq3A_671 = vector.broadcast %eq3A_670 : i32 to vector<16xi32>
      %eq3A_672 = arith.cmpi eq, %iota3A, %eq3A_671 : vector<16xi32>
      %add3A_673 = arith.addf %max3A_669, %max3A_668 : vector<16xf32>
      %select_n3A_674 = arith.select %eq3A_672, %add3A_673, %select_n3A_547 : vector<16xi1>, vector<16xf32>
      %max3A_675 = arith.maximumf %add3A_114, %add3A_122 : vector<16xf32>
      %min3A_676 = arith.minimumf %add3A_114, %add3A_122 : vector<16xf32>
      %xor3A_677 = arith.constant 8 : i32
      %xor3A_678 = vector.broadcast %xor3A_677 : i32 to vector<16xi32>
      %xor3A_679 = arith.xori %iota3A, %xor3A_678 : vector<16xi32>
      %lt3A_680 = arith.constant 0 : i32
      %lt3A_681 = vector.broadcast %lt3A_680 : i32 to vector<16xi32>
      %lt3A_682 = arith.cmpi slt, %xor3A_679, %lt3A_681 : vector<16xi32>
      %add3A_683 = arith.constant 16 : i32
      %add3A_684 = vector.broadcast %add3A_683 : i32 to vector<16xi32>
      %add3A_685 = arith.addi %xor3A_679, %add3A_684 : vector<16xi32>
      %select_n3A_686 = arith.select %lt3A_682, %add3A_685, %xor3A_679 : vector<16xi1>, vector<16xi32>
      %broadcast_in_dim3A_687 = vector.shape_cast %select_n3A_686 : vector<16xi32> to vector<16x1xi32>
      %gather3A_688 = vector.shape_cast %broadcast_in_dim3A_687 : vector<16x1xi32> to vector<16xi32>
      %gather3A_689 = tpu.dynamic_gather %max3A_675[%gather3A_688] in [0] : vector<16xf32>, vector<16xi32> -> vector<16xf32>
      %xor3A_690 = arith.constant 8 : i32
      %xor3A_691 = vector.broadcast %xor3A_690 : i32 to vector<16xi32>
      %xor3A_692 = arith.xori %iota3A, %xor3A_691 : vector<16xi32>
      %lt3A_693 = arith.constant 0 : i32
      %lt3A_694 = vector.broadcast %lt3A_693 : i32 to vector<16xi32>
      %lt3A_695 = arith.cmpi slt, %xor3A_692, %lt3A_694 : vector<16xi32>
      %add3A_696 = arith.constant 16 : i32
      %add3A_697 = vector.broadcast %add3A_696 : i32 to vector<16xi32>
      %add3A_698 = arith.addi %xor3A_692, %add3A_697 : vector<16xi32>
      %select_n3A_699 = arith.select %lt3A_695, %add3A_698, %xor3A_692 : vector<16xi1>, vector<16xi32>
      %broadcast_in_dim3A_700 = vector.shape_cast %select_n3A_699 : vector<16xi32> to vector<16x1xi32>
      %gather3A_701 = vector.shape_cast %broadcast_in_dim3A_700 : vector<16x1xi32> to vector<16xi32>
      %gather3A_702 = tpu.dynamic_gather %min3A_676[%gather3A_701] in [0] : vector<16xf32>, vector<16xi32> -> vector<16xf32>
      %min3A_703 = arith.minimumf %max3A_675, %gather3A_689 : vector<16xf32>
      %max3A_704 = arith.maximumf %min3A_676, %gather3A_702 : vector<16xf32>
      %max3A_705 = arith.maximumf %min3A_703, %max3A_704 : vector<16xf32>
      %max3A_706 = arith.maximumf %max3A_675, %gather3A_689 : vector<16xf32>
      %xor3A_707 = arith.constant 4 : i32
      %xor3A_708 = vector.broadcast %xor3A_707 : i32 to vector<16xi32>
      %xor3A_709 = arith.xori %iota3A, %xor3A_708 : vector<16xi32>
      %lt3A_710 = arith.constant 0 : i32
      %lt3A_711 = vector.broadcast %lt3A_710 : i32 to vector<16xi32>
      %lt3A_712 = arith.cmpi slt, %xor3A_709, %lt3A_711 : vector<16xi32>
      %add3A_713 = arith.constant 16 : i32
      %add3A_714 = vector.broadcast %add3A_713 : i32 to vector<16xi32>
      %add3A_715 = arith.addi %xor3A_709, %add3A_714 : vector<16xi32>
      %select_n3A_716 = arith.select %lt3A_712, %add3A_715, %xor3A_709 : vector<16xi1>, vector<16xi32>
      %broadcast_in_dim3A_717 = vector.shape_cast %select_n3A_716 : vector<16xi32> to vector<16x1xi32>
      %gather3A_718 = vector.shape_cast %broadcast_in_dim3A_717 : vector<16x1xi32> to vector<16xi32>
      %gather3A_719 = tpu.dynamic_gather %max3A_706[%gather3A_718] in [0] : vector<16xf32>, vector<16xi32> -> vector<16xf32>
      %xor3A_720 = arith.constant 4 : i32
      %xor3A_721 = vector.broadcast %xor3A_720 : i32 to vector<16xi32>
      %xor3A_722 = arith.xori %iota3A, %xor3A_721 : vector<16xi32>
      %lt3A_723 = arith.constant 0 : i32
      %lt3A_724 = vector.broadcast %lt3A_723 : i32 to vector<16xi32>
      %lt3A_725 = arith.cmpi slt, %xor3A_722, %lt3A_724 : vector<16xi32>
      %add3A_726 = arith.constant 16 : i32
      %add3A_727 = vector.broadcast %add3A_726 : i32 to vector<16xi32>
      %add3A_728 = arith.addi %xor3A_722, %add3A_727 : vector<16xi32>
      %select_n3A_729 = arith.select %lt3A_725, %add3A_728, %xor3A_722 : vector<16xi1>, vector<16xi32>
      %broadcast_in_dim3A_730 = vector.shape_cast %select_n3A_729 : vector<16xi32> to vector<16x1xi32>
      %gather3A_731 = vector.shape_cast %broadcast_in_dim3A_730 : vector<16x1xi32> to vector<16xi32>
      %gather3A_732 = tpu.dynamic_gather %max3A_705[%gather3A_731] in [0] : vector<16xf32>, vector<16xi32> -> vector<16xf32>
      %min3A_733 = arith.minimumf %max3A_706, %gather3A_719 : vector<16xf32>
      %max3A_734 = arith.maximumf %max3A_705, %gather3A_732 : vector<16xf32>
      %max3A_735 = arith.maximumf %min3A_733, %max3A_734 : vector<16xf32>
      %max3A_736 = arith.maximumf %max3A_706, %gather3A_719 : vector<16xf32>
      %xor3A_737 = arith.constant 2 : i32
      %xor3A_738 = vector.broadcast %xor3A_737 : i32 to vector<16xi32>
      %xor3A_739 = arith.xori %iota3A, %xor3A_738 : vector<16xi32>
      %lt3A_740 = arith.constant 0 : i32
      %lt3A_741 = vector.broadcast %lt3A_740 : i32 to vector<16xi32>
      %lt3A_742 = arith.cmpi slt, %xor3A_739, %lt3A_741 : vector<16xi32>
      %add3A_743 = arith.constant 16 : i32
      %add3A_744 = vector.broadcast %add3A_743 : i32 to vector<16xi32>
      %add3A_745 = arith.addi %xor3A_739, %add3A_744 : vector<16xi32>
      %select_n3A_746 = arith.select %lt3A_742, %add3A_745, %xor3A_739 : vector<16xi1>, vector<16xi32>
      %broadcast_in_dim3A_747 = vector.shape_cast %select_n3A_746 : vector<16xi32> to vector<16x1xi32>
      %gather3A_748 = vector.shape_cast %broadcast_in_dim3A_747 : vector<16x1xi32> to vector<16xi32>
      %gather3A_749 = tpu.dynamic_gather %max3A_736[%gather3A_748] in [0] : vector<16xf32>, vector<16xi32> -> vector<16xf32>
      %xor3A_750 = arith.constant 2 : i32
      %xor3A_751 = vector.broadcast %xor3A_750 : i32 to vector<16xi32>
      %xor3A_752 = arith.xori %iota3A, %xor3A_751 : vector<16xi32>
      %lt3A_753 = arith.constant 0 : i32
      %lt3A_754 = vector.broadcast %lt3A_753 : i32 to vector<16xi32>
      %lt3A_755 = arith.cmpi slt, %xor3A_752, %lt3A_754 : vector<16xi32>
      %add3A_756 = arith.constant 16 : i32
      %add3A_757 = vector.broadcast %add3A_756 : i32 to vector<16xi32>
      %add3A_758 = arith.addi %xor3A_752, %add3A_757 : vector<16xi32>
      %select_n3A_759 = arith.select %lt3A_755, %add3A_758, %xor3A_752 : vector<16xi1>, vector<16xi32>
      %broadcast_in_dim3A_760 = vector.shape_cast %select_n3A_759 : vector<16xi32> to vector<16x1xi32>
      %gather3A_761 = vector.shape_cast %broadcast_in_dim3A_760 : vector<16x1xi32> to vector<16xi32>
      %gather3A_762 = tpu.dynamic_gather %max3A_735[%gather3A_761] in [0] : vector<16xf32>, vector<16xi32> -> vector<16xf32>
      %min3A_763 = arith.minimumf %max3A_736, %gather3A_749 : vector<16xf32>
      %max3A_764 = arith.maximumf %max3A_735, %gather3A_762 : vector<16xf32>
      %max3A_765 = arith.maximumf %min3A_763, %max3A_764 : vector<16xf32>
      %max3A_766 = arith.maximumf %max3A_736, %gather3A_749 : vector<16xf32>
      %xor3A_767 = arith.constant 1 : i32
      %xor3A_768 = vector.broadcast %xor3A_767 : i32 to vector<16xi32>
      %xor3A_769 = arith.xori %iota3A, %xor3A_768 : vector<16xi32>
      %lt3A_770 = arith.constant 0 : i32
      %lt3A_771 = vector.broadcast %lt3A_770 : i32 to vector<16xi32>
      %lt3A_772 = arith.cmpi slt, %xor3A_769, %lt3A_771 : vector<16xi32>
      %add3A_773 = arith.constant 16 : i32
      %add3A_774 = vector.broadcast %add3A_773 : i32 to vector<16xi32>
      %add3A_775 = arith.addi %xor3A_769, %add3A_774 : vector<16xi32>
      %select_n3A_776 = arith.select %lt3A_772, %add3A_775, %xor3A_769 : vector<16xi1>, vector<16xi32>
      %broadcast_in_dim3A_777 = vector.shape_cast %select_n3A_776 : vector<16xi32> to vector<16x1xi32>
      %gather3A_778 = vector.shape_cast %broadcast_in_dim3A_777 : vector<16x1xi32> to vector<16xi32>
      %gather3A_779 = tpu.dynamic_gather %max3A_766[%gather3A_778] in [0] : vector<16xf32>, vector<16xi32> -> vector<16xf32>
      %xor3A_780 = arith.constant 1 : i32
      %xor3A_781 = vector.broadcast %xor3A_780 : i32 to vector<16xi32>
      %xor3A_782 = arith.xori %iota3A, %xor3A_781 : vector<16xi32>
      %lt3A_783 = arith.constant 0 : i32
      %lt3A_784 = vector.broadcast %lt3A_783 : i32 to vector<16xi32>
      %lt3A_785 = arith.cmpi slt, %xor3A_782, %lt3A_784 : vector<16xi32>
      %add3A_786 = arith.constant 16 : i32
      %add3A_787 = vector.broadcast %add3A_786 : i32 to vector<16xi32>
      %add3A_788 = arith.addi %xor3A_782, %add3A_787 : vector<16xi32>
      %select_n3A_789 = arith.select %lt3A_785, %add3A_788, %xor3A_782 : vector<16xi1>, vector<16xi32>
      %broadcast_in_dim3A_790 = vector.shape_cast %select_n3A_789 : vector<16xi32> to vector<16x1xi32>
      %gather3A_791 = vector.shape_cast %broadcast_in_dim3A_790 : vector<16x1xi32> to vector<16xi32>
      %gather3A_792 = tpu.dynamic_gather %max3A_765[%gather3A_791] in [0] : vector<16xf32>, vector<16xi32> -> vector<16xf32>
      %min3A_793 = arith.minimumf %max3A_766, %gather3A_779 : vector<16xf32>
      %max3A_794 = arith.maximumf %max3A_765, %gather3A_792 : vector<16xf32>
      %max3A_795 = arith.maximumf %min3A_793, %max3A_794 : vector<16xf32>
      %max3A_796 = arith.maximumf %max3A_766, %gather3A_779 : vector<16xf32>
      %eq3A_797 = arith.constant 4 : i32
      %eq3A_798 = vector.broadcast %eq3A_797 : i32 to vector<16xi32>
      %eq3A_799 = arith.cmpi eq, %iota3A, %eq3A_798 : vector<16xi32>
      %add3A_800 = arith.addf %max3A_796, %max3A_795 : vector<16xf32>
      %select_n3A_801 = arith.select %eq3A_799, %add3A_800, %select_n3A_674 : vector<16xi1>, vector<16xf32>
      %max3A_802 = arith.maximumf %add3A_130, %add3A_138 : vector<16xf32>
      %min3A_803 = arith.minimumf %add3A_130, %add3A_138 : vector<16xf32>
      %xor3A_804 = arith.constant 8 : i32
      %xor3A_805 = vector.broadcast %xor3A_804 : i32 to vector<16xi32>
      %xor3A_806 = arith.xori %iota3A, %xor3A_805 : vector<16xi32>
      %lt3A_807 = arith.constant 0 : i32
      %lt3A_808 = vector.broadcast %lt3A_807 : i32 to vector<16xi32>
      %lt3A_809 = arith.cmpi slt, %xor3A_806, %lt3A_808 : vector<16xi32>
      %add3A_810 = arith.constant 16 : i32
      %add3A_811 = vector.broadcast %add3A_810 : i32 to vector<16xi32>
      %add3A_812 = arith.addi %xor3A_806, %add3A_811 : vector<16xi32>
      %select_n3A_813 = arith.select %lt3A_809, %add3A_812, %xor3A_806 : vector<16xi1>, vector<16xi32>
      %broadcast_in_dim3A_814 = vector.shape_cast %select_n3A_813 : vector<16xi32> to vector<16x1xi32>
      %gather3A_815 = vector.shape_cast %broadcast_in_dim3A_814 : vector<16x1xi32> to vector<16xi32>
      %gather3A_816 = tpu.dynamic_gather %max3A_802[%gather3A_815] in [0] : vector<16xf32>, vector<16xi32> -> vector<16xf32>
      %xor3A_817 = arith.constant 8 : i32
      %xor3A_818 = vector.broadcast %xor3A_817 : i32 to vector<16xi32>
      %xor3A_819 = arith.xori %iota3A, %xor3A_818 : vector<16xi32>
      %lt3A_820 = arith.constant 0 : i32
      %lt3A_821 = vector.broadcast %lt3A_820 : i32 to vector<16xi32>
      %lt3A_822 = arith.cmpi slt, %xor3A_819, %lt3A_821 : vector<16xi32>
      %add3A_823 = arith.constant 16 : i32
      %add3A_824 = vector.broadcast %add3A_823 : i32 to vector<16xi32>
      %add3A_825 = arith.addi %xor3A_819, %add3A_824 : vector<16xi32>
      %select_n3A_826 = arith.select %lt3A_822, %add3A_825, %xor3A_819 : vector<16xi1>, vector<16xi32>
      %broadcast_in_dim3A_827 = vector.shape_cast %select_n3A_826 : vector<16xi32> to vector<16x1xi32>
      %gather3A_828 = vector.shape_cast %broadcast_in_dim3A_827 : vector<16x1xi32> to vector<16xi32>
      %gather3A_829 = tpu.dynamic_gather %min3A_803[%gather3A_828] in [0] : vector<16xf32>, vector<16xi32> -> vector<16xf32>
      %min3A_830 = arith.minimumf %max3A_802, %gather3A_816 : vector<16xf32>
      %max3A_831 = arith.maximumf %min3A_803, %gather3A_829 : vector<16xf32>
      %max3A_832 = arith.maximumf %min3A_830, %max3A_831 : vector<16xf32>
      %max3A_833 = arith.maximumf %max3A_802, %gather3A_816 : vector<16xf32>
      %xor3A_834 = arith.constant 4 : i32
      %xor3A_835 = vector.broadcast %xor3A_834 : i32 to vector<16xi32>
      %xor3A_836 = arith.xori %iota3A, %xor3A_835 : vector<16xi32>
      %lt3A_837 = arith.constant 0 : i32
      %lt3A_838 = vector.broadcast %lt3A_837 : i32 to vector<16xi32>
      %lt3A_839 = arith.cmpi slt, %xor3A_836, %lt3A_838 : vector<16xi32>
      %add3A_840 = arith.constant 16 : i32
      %add3A_841 = vector.broadcast %add3A_840 : i32 to vector<16xi32>
      %add3A_842 = arith.addi %xor3A_836, %add3A_841 : vector<16xi32>
      %select_n3A_843 = arith.select %lt3A_839, %add3A_842, %xor3A_836 : vector<16xi1>, vector<16xi32>
      %broadcast_in_dim3A_844 = vector.shape_cast %select_n3A_843 : vector<16xi32> to vector<16x1xi32>
      %gather3A_845 = vector.shape_cast %broadcast_in_dim3A_844 : vector<16x1xi32> to vector<16xi32>
      %gather3A_846 = tpu.dynamic_gather %max3A_833[%gather3A_845] in [0] : vector<16xf32>, vector<16xi32> -> vector<16xf32>
      %xor3A_847 = arith.constant 4 : i32
      %xor3A_848 = vector.broadcast %xor3A_847 : i32 to vector<16xi32>
      %xor3A_849 = arith.xori %iota3A, %xor3A_848 : vector<16xi32>
      %lt3A_850 = arith.constant 0 : i32
      %lt3A_851 = vector.broadcast %lt3A_850 : i32 to vector<16xi32>
      %lt3A_852 = arith.cmpi slt, %xor3A_849, %lt3A_851 : vector<16xi32>
      %add3A_853 = arith.constant 16 : i32
      %add3A_854 = vector.broadcast %add3A_853 : i32 to vector<16xi32>
      %add3A_855 = arith.addi %xor3A_849, %add3A_854 : vector<16xi32>
      %select_n3A_856 = arith.select %lt3A_852, %add3A_855, %xor3A_849 : vector<16xi1>, vector<16xi32>
      %broadcast_in_dim3A_857 = vector.shape_cast %select_n3A_856 : vector<16xi32> to vector<16x1xi32>
      %gather3A_858 = vector.shape_cast %broadcast_in_dim3A_857 : vector<16x1xi32> to vector<16xi32>
      %gather3A_859 = tpu.dynamic_gather %max3A_832[%gather3A_858] in [0] : vector<16xf32>, vector<16xi32> -> vector<16xf32>
      %min3A_860 = arith.minimumf %max3A_833, %gather3A_846 : vector<16xf32>
      %max3A_861 = arith.maximumf %max3A_832, %gather3A_859 : vector<16xf32>
      %max3A_862 = arith.maximumf %min3A_860, %max3A_861 : vector<16xf32>
      %max3A_863 = arith.maximumf %max3A_833, %gather3A_846 : vector<16xf32>
      %xor3A_864 = arith.constant 2 : i32
      %xor3A_865 = vector.broadcast %xor3A_864 : i32 to vector<16xi32>
      %xor3A_866 = arith.xori %iota3A, %xor3A_865 : vector<16xi32>
      %lt3A_867 = arith.constant 0 : i32
      %lt3A_868 = vector.broadcast %lt3A_867 : i32 to vector<16xi32>
      %lt3A_869 = arith.cmpi slt, %xor3A_866, %lt3A_868 : vector<16xi32>
      %add3A_870 = arith.constant 16 : i32
      %add3A_871 = vector.broadcast %add3A_870 : i32 to vector<16xi32>
      %add3A_872 = arith.addi %xor3A_866, %add3A_871 : vector<16xi32>
      %select_n3A_873 = arith.select %lt3A_869, %add3A_872, %xor3A_866 : vector<16xi1>, vector<16xi32>
      %broadcast_in_dim3A_874 = vector.shape_cast %select_n3A_873 : vector<16xi32> to vector<16x1xi32>
      %gather3A_875 = vector.shape_cast %broadcast_in_dim3A_874 : vector<16x1xi32> to vector<16xi32>
      %gather3A_876 = tpu.dynamic_gather %max3A_863[%gather3A_875] in [0] : vector<16xf32>, vector<16xi32> -> vector<16xf32>
      %xor3A_877 = arith.constant 2 : i32
      %xor3A_878 = vector.broadcast %xor3A_877 : i32 to vector<16xi32>
      %xor3A_879 = arith.xori %iota3A, %xor3A_878 : vector<16xi32>
      %lt3A_880 = arith.constant 0 : i32
      %lt3A_881 = vector.broadcast %lt3A_880 : i32 to vector<16xi32>
      %lt3A_882 = arith.cmpi slt, %xor3A_879, %lt3A_881 : vector<16xi32>
      %add3A_883 = arith.constant 16 : i32
      %add3A_884 = vector.broadcast %add3A_883 : i32 to vector<16xi32>
      %add3A_885 = arith.addi %xor3A_879, %add3A_884 : vector<16xi32>
      %select_n3A_886 = arith.select %lt3A_882, %add3A_885, %xor3A_879 : vector<16xi1>, vector<16xi32>
      %broadcast_in_dim3A_887 = vector.shape_cast %select_n3A_886 : vector<16xi32> to vector<16x1xi32>
      %gather3A_888 = vector.shape_cast %broadcast_in_dim3A_887 : vector<16x1xi32> to vector<16xi32>
      %gather3A_889 = tpu.dynamic_gather %max3A_862[%gather3A_888] in [0] : vector<16xf32>, vector<16xi32> -> vector<16xf32>
      %min3A_890 = arith.minimumf %max3A_863, %gather3A_876 : vector<16xf32>
      %max3A_891 = arith.maximumf %max3A_862, %gather3A_889 : vector<16xf32>
      %max3A_892 = arith.maximumf %min3A_890, %max3A_891 : vector<16xf32>
      %max3A_893 = arith.maximumf %max3A_863, %gather3A_876 : vector<16xf32>
      %xor3A_894 = arith.constant 1 : i32
      %xor3A_895 = vector.broadcast %xor3A_894 : i32 to vector<16xi32>
      %xor3A_896 = arith.xori %iota3A, %xor3A_895 : vector<16xi32>
      %lt3A_897 = arith.constant 0 : i32
      %lt3A_898 = vector.broadcast %lt3A_897 : i32 to vector<16xi32>
      %lt3A_899 = arith.cmpi slt, %xor3A_896, %lt3A_898 : vector<16xi32>
      %add3A_900 = arith.constant 16 : i32
      %add3A_901 = vector.broadcast %add3A_900 : i32 to vector<16xi32>
      %add3A_902 = arith.addi %xor3A_896, %add3A_901 : vector<16xi32>
      %select_n3A_903 = arith.select %lt3A_899, %add3A_902, %xor3A_896 : vector<16xi1>, vector<16xi32>
      %broadcast_in_dim3A_904 = vector.shape_cast %select_n3A_903 : vector<16xi32> to vector<16x1xi32>
      %gather3A_905 = vector.shape_cast %broadcast_in_dim3A_904 : vector<16x1xi32> to vector<16xi32>
      %gather3A_906 = tpu.dynamic_gather %max3A_893[%gather3A_905] in [0] : vector<16xf32>, vector<16xi32> -> vector<16xf32>
      %xor3A_907 = arith.constant 1 : i32
      %xor3A_908 = vector.broadcast %xor3A_907 : i32 to vector<16xi32>
      %xor3A_909 = arith.xori %iota3A, %xor3A_908 : vector<16xi32>
      %lt3A_910 = arith.constant 0 : i32
      %lt3A_911 = vector.broadcast %lt3A_910 : i32 to vector<16xi32>
      %lt3A_912 = arith.cmpi slt, %xor3A_909, %lt3A_911 : vector<16xi32>
      %add3A_913 = arith.constant 16 : i32
      %add3A_914 = vector.broadcast %add3A_913 : i32 to vector<16xi32>
      %add3A_915 = arith.addi %xor3A_909, %add3A_914 : vector<16xi32>
      %select_n3A_916 = arith.select %lt3A_912, %add3A_915, %xor3A_909 : vector<16xi1>, vector<16xi32>
      %broadcast_in_dim3A_917 = vector.shape_cast %select_n3A_916 : vector<16xi32> to vector<16x1xi32>
      %gather3A_918 = vector.shape_cast %broadcast_in_dim3A_917 : vector<16x1xi32> to vector<16xi32>
      %gather3A_919 = tpu.dynamic_gather %max3A_892[%gather3A_918] in [0] : vector<16xf32>, vector<16xi32> -> vector<16xf32>
      %min3A_920 = arith.minimumf %max3A_893, %gather3A_906 : vector<16xf32>
      %max3A_921 = arith.maximumf %max3A_892, %gather3A_919 : vector<16xf32>
      %max3A_922 = arith.maximumf %min3A_920, %max3A_921 : vector<16xf32>
      %max3A_923 = arith.maximumf %max3A_893, %gather3A_906 : vector<16xf32>
      %eq3A_924 = arith.constant 5 : i32
      %eq3A_925 = vector.broadcast %eq3A_924 : i32 to vector<16xi32>
      %eq3A_926 = arith.cmpi eq, %iota3A, %eq3A_925 : vector<16xi32>
      %add3A_927 = arith.addf %max3A_923, %max3A_922 : vector<16xf32>
      %select_n3A_928 = arith.select %eq3A_926, %add3A_927, %select_n3A_801 : vector<16xi1>, vector<16xf32>
      %max3A_929 = arith.maximumf %add3A_146, %add3A_154 : vector<16xf32>
      %min3A_930 = arith.minimumf %add3A_146, %add3A_154 : vector<16xf32>
      %xor3A_931 = arith.constant 8 : i32
      %xor3A_932 = vector.broadcast %xor3A_931 : i32 to vector<16xi32>
      %xor3A_933 = arith.xori %iota3A, %xor3A_932 : vector<16xi32>
      %lt3A_934 = arith.constant 0 : i32
      %lt3A_935 = vector.broadcast %lt3A_934 : i32 to vector<16xi32>
      %lt3A_936 = arith.cmpi slt, %xor3A_933, %lt3A_935 : vector<16xi32>
      %add3A_937 = arith.constant 16 : i32
      %add3A_938 = vector.broadcast %add3A_937 : i32 to vector<16xi32>
      %add3A_939 = arith.addi %xor3A_933, %add3A_938 : vector<16xi32>
      %select_n3A_940 = arith.select %lt3A_936, %add3A_939, %xor3A_933 : vector<16xi1>, vector<16xi32>
      %broadcast_in_dim3A_941 = vector.shape_cast %select_n3A_940 : vector<16xi32> to vector<16x1xi32>
      %gather3A_942 = vector.shape_cast %broadcast_in_dim3A_941 : vector<16x1xi32> to vector<16xi32>
      %gather3A_943 = tpu.dynamic_gather %max3A_929[%gather3A_942] in [0] : vector<16xf32>, vector<16xi32> -> vector<16xf32>
      %xor3A_944 = arith.constant 8 : i32
      %xor3A_945 = vector.broadcast %xor3A_944 : i32 to vector<16xi32>
      %xor3A_946 = arith.xori %iota3A, %xor3A_945 : vector<16xi32>
      %lt3A_947 = arith.constant 0 : i32
      %lt3A_948 = vector.broadcast %lt3A_947 : i32 to vector<16xi32>
      %lt3A_949 = arith.cmpi slt, %xor3A_946, %lt3A_948 : vector<16xi32>
      %add3A_950 = arith.constant 16 : i32
      %add3A_951 = vector.broadcast %add3A_950 : i32 to vector<16xi32>
      %add3A_952 = arith.addi %xor3A_946, %add3A_951 : vector<16xi32>
      %select_n3A_953 = arith.select %lt3A_949, %add3A_952, %xor3A_946 : vector<16xi1>, vector<16xi32>
      %broadcast_in_dim3A_954 = vector.shape_cast %select_n3A_953 : vector<16xi32> to vector<16x1xi32>
      %gather3A_955 = vector.shape_cast %broadcast_in_dim3A_954 : vector<16x1xi32> to vector<16xi32>
      %gather3A_956 = tpu.dynamic_gather %min3A_930[%gather3A_955] in [0] : vector<16xf32>, vector<16xi32> -> vector<16xf32>
      %min3A_957 = arith.minimumf %max3A_929, %gather3A_943 : vector<16xf32>
      %max3A_958 = arith.maximumf %min3A_930, %gather3A_956 : vector<16xf32>
      %max3A_959 = arith.maximumf %min3A_957, %max3A_958 : vector<16xf32>
      %max3A_960 = arith.maximumf %max3A_929, %gather3A_943 : vector<16xf32>
      %xor3A_961 = arith.constant 4 : i32
      %xor3A_962 = vector.broadcast %xor3A_961 : i32 to vector<16xi32>
      %xor3A_963 = arith.xori %iota3A, %xor3A_962 : vector<16xi32>
      %lt3A_964 = arith.constant 0 : i32
      %lt3A_965 = vector.broadcast %lt3A_964 : i32 to vector<16xi32>
      %lt3A_966 = arith.cmpi slt, %xor3A_963, %lt3A_965 : vector<16xi32>
      %add3A_967 = arith.constant 16 : i32
      %add3A_968 = vector.broadcast %add3A_967 : i32 to vector<16xi32>
      %add3A_969 = arith.addi %xor3A_963, %add3A_968 : vector<16xi32>
      %select_n3A_970 = arith.select %lt3A_966, %add3A_969, %xor3A_963 : vector<16xi1>, vector<16xi32>
      %broadcast_in_dim3A_971 = vector.shape_cast %select_n3A_970 : vector<16xi32> to vector<16x1xi32>
      %gather3A_972 = vector.shape_cast %broadcast_in_dim3A_971 : vector<16x1xi32> to vector<16xi32>
      %gather3A_973 = tpu.dynamic_gather %max3A_960[%gather3A_972] in [0] : vector<16xf32>, vector<16xi32> -> vector<16xf32>
      %xor3A_974 = arith.constant 4 : i32
      %xor3A_975 = vector.broadcast %xor3A_974 : i32 to vector<16xi32>
      %xor3A_976 = arith.xori %iota3A, %xor3A_975 : vector<16xi32>
      %lt3A_977 = arith.constant 0 : i32
      %lt3A_978 = vector.broadcast %lt3A_977 : i32 to vector<16xi32>
      %lt3A_979 = arith.cmpi slt, %xor3A_976, %lt3A_978 : vector<16xi32>
      %add3A_980 = arith.constant 16 : i32
      %add3A_981 = vector.broadcast %add3A_980 : i32 to vector<16xi32>
      %add3A_982 = arith.addi %xor3A_976, %add3A_981 : vector<16xi32>
      %select_n3A_983 = arith.select %lt3A_979, %add3A_982, %xor3A_976 : vector<16xi1>, vector<16xi32>
      %broadcast_in_dim3A_984 = vector.shape_cast %select_n3A_983 : vector<16xi32> to vector<16x1xi32>
      %gather3A_985 = vector.shape_cast %broadcast_in_dim3A_984 : vector<16x1xi32> to vector<16xi32>
      %gather3A_986 = tpu.dynamic_gather %max3A_959[%gather3A_985] in [0] : vector<16xf32>, vector<16xi32> -> vector<16xf32>
      %min3A_987 = arith.minimumf %max3A_960, %gather3A_973 : vector<16xf32>
      %max3A_988 = arith.maximumf %max3A_959, %gather3A_986 : vector<16xf32>
      %max3A_989 = arith.maximumf %min3A_987, %max3A_988 : vector<16xf32>
      %max3A_990 = arith.maximumf %max3A_960, %gather3A_973 : vector<16xf32>
      %xor3A_991 = arith.constant 2 : i32
      %xor3A_992 = vector.broadcast %xor3A_991 : i32 to vector<16xi32>
      %xor3A_993 = arith.xori %iota3A, %xor3A_992 : vector<16xi32>
      %lt3A_994 = arith.constant 0 : i32
      %lt3A_995 = vector.broadcast %lt3A_994 : i32 to vector<16xi32>
      %lt3A_996 = arith.cmpi slt, %xor3A_993, %lt3A_995 : vector<16xi32>
      %add3A_997 = arith.constant 16 : i32
      %add3A_998 = vector.broadcast %add3A_997 : i32 to vector<16xi32>
      %add3A_999 = arith.addi %xor3A_993, %add3A_998 : vector<16xi32>
      %select_n3A_1000 = arith.select %lt3A_996, %add3A_999, %xor3A_993 : vector<16xi1>, vector<16xi32>
      %broadcast_in_dim3A_1001 = vector.shape_cast %select_n3A_1000 : vector<16xi32> to vector<16x1xi32>
      %gather3A_1002 = vector.shape_cast %broadcast_in_dim3A_1001 : vector<16x1xi32> to vector<16xi32>
      %gather3A_1003 = tpu.dynamic_gather %max3A_990[%gather3A_1002] in [0] : vector<16xf32>, vector<16xi32> -> vector<16xf32>
      %xor3A_1004 = arith.constant 2 : i32
      %xor3A_1005 = vector.broadcast %xor3A_1004 : i32 to vector<16xi32>
      %xor3A_1006 = arith.xori %iota3A, %xor3A_1005 : vector<16xi32>
      %lt3A_1007 = arith.constant 0 : i32
      %lt3A_1008 = vector.broadcast %lt3A_1007 : i32 to vector<16xi32>
      %lt3A_1009 = arith.cmpi slt, %xor3A_1006, %lt3A_1008 : vector<16xi32>
      %add3A_1010 = arith.constant 16 : i32
      %add3A_1011 = vector.broadcast %add3A_1010 : i32 to vector<16xi32>
      %add3A_1012 = arith.addi %xor3A_1006, %add3A_1011 : vector<16xi32>
      %select_n3A_1013 = arith.select %lt3A_1009, %add3A_1012, %xor3A_1006 : vector<16xi1>, vector<16xi32>
      %broadcast_in_dim3A_1014 = vector.shape_cast %select_n3A_1013 : vector<16xi32> to vector<16x1xi32>
      %gather3A_1015 = vector.shape_cast %broadcast_in_dim3A_1014 : vector<16x1xi32> to vector<16xi32>
      %gather3A_1016 = tpu.dynamic_gather %max3A_989[%gather3A_1015] in [0] : vector<16xf32>, vector<16xi32> -> vector<16xf32>
      %min3A_1017 = arith.minimumf %max3A_990, %gather3A_1003 : vector<16xf32>
      %max3A_1018 = arith.maximumf %max3A_989, %gather3A_1016 : vector<16xf32>
      %max3A_1019 = arith.maximumf %min3A_1017, %max3A_1018 : vector<16xf32>
      %max3A_1020 = arith.maximumf %max3A_990, %gather3A_1003 : vector<16xf32>
      %xor3A_1021 = arith.constant 1 : i32
      %xor3A_1022 = vector.broadcast %xor3A_1021 : i32 to vector<16xi32>
      %xor3A_1023 = arith.xori %iota3A, %xor3A_1022 : vector<16xi32>
      %lt3A_1024 = arith.constant 0 : i32
      %lt3A_1025 = vector.broadcast %lt3A_1024 : i32 to vector<16xi32>
      %lt3A_1026 = arith.cmpi slt, %xor3A_1023, %lt3A_1025 : vector<16xi32>
      %add3A_1027 = arith.constant 16 : i32
      %add3A_1028 = vector.broadcast %add3A_1027 : i32 to vector<16xi32>
      %add3A_1029 = arith.addi %xor3A_1023, %add3A_1028 : vector<16xi32>
      %select_n3A_1030 = arith.select %lt3A_1026, %add3A_1029, %xor3A_1023 : vector<16xi1>, vector<16xi32>
      %broadcast_in_dim3A_1031 = vector.shape_cast %select_n3A_1030 : vector<16xi32> to vector<16x1xi32>
      %gather3A_1032 = vector.shape_cast %broadcast_in_dim3A_1031 : vector<16x1xi32> to vector<16xi32>
      %gather3A_1033 = tpu.dynamic_gather %max3A_1020[%gather3A_1032] in [0] : vector<16xf32>, vector<16xi32> -> vector<16xf32>
      %xor3A_1034 = arith.constant 1 : i32
      %xor3A_1035 = vector.broadcast %xor3A_1034 : i32 to vector<16xi32>
      %xor3A_1036 = arith.xori %iota3A, %xor3A_1035 : vector<16xi32>
      %lt3A_1037 = arith.constant 0 : i32
      %lt3A_1038 = vector.broadcast %lt3A_1037 : i32 to vector<16xi32>
      %lt3A_1039 = arith.cmpi slt, %xor3A_1036, %lt3A_1038 : vector<16xi32>
      %add3A_1040 = arith.constant 16 : i32
      %add3A_1041 = vector.broadcast %add3A_1040 : i32 to vector<16xi32>
      %add3A_1042 = arith.addi %xor3A_1036, %add3A_1041 : vector<16xi32>
      %select_n3A_1043 = arith.select %lt3A_1039, %add3A_1042, %xor3A_1036 : vector<16xi1>, vector<16xi32>
      %broadcast_in_dim3A_1044 = vector.shape_cast %select_n3A_1043 : vector<16xi32> to vector<16x1xi32>
      %gather3A_1045 = vector.shape_cast %broadcast_in_dim3A_1044 : vector<16x1xi32> to vector<16xi32>
      %gather3A_1046 = tpu.dynamic_gather %max3A_1019[%gather3A_1045] in [0] : vector<16xf32>, vector<16xi32> -> vector<16xf32>
      %min3A_1047 = arith.minimumf %max3A_1020, %gather3A_1033 : vector<16xf32>
      %max3A_1048 = arith.maximumf %max3A_1019, %gather3A_1046 : vector<16xf32>
      %max3A_1049 = arith.maximumf %min3A_1047, %max3A_1048 : vector<16xf32>
      %max3A_1050 = arith.maximumf %max3A_1020, %gather3A_1033 : vector<16xf32>
      %eq3A_1051 = arith.constant 6 : i32
      %eq3A_1052 = vector.broadcast %eq3A_1051 : i32 to vector<16xi32>
      %eq3A_1053 = arith.cmpi eq, %iota3A, %eq3A_1052 : vector<16xi32>
      %add3A_1054 = arith.addf %max3A_1050, %max3A_1049 : vector<16xf32>
      %select_n3A_1055 = arith.select %eq3A_1053, %add3A_1054, %select_n3A_928 : vector<16xi1>, vector<16xf32>
      %max3A_1056 = arith.maximumf %add3A_162, %add3A_170 : vector<16xf32>
      %min3A_1057 = arith.minimumf %add3A_162, %add3A_170 : vector<16xf32>
      %xor3A_1058 = arith.constant 8 : i32
      %xor3A_1059 = vector.broadcast %xor3A_1058 : i32 to vector<16xi32>
      %xor3A_1060 = arith.xori %iota3A, %xor3A_1059 : vector<16xi32>
      %lt3A_1061 = arith.constant 0 : i32
      %lt3A_1062 = vector.broadcast %lt3A_1061 : i32 to vector<16xi32>
      %lt3A_1063 = arith.cmpi slt, %xor3A_1060, %lt3A_1062 : vector<16xi32>
      %add3A_1064 = arith.constant 16 : i32
      %add3A_1065 = vector.broadcast %add3A_1064 : i32 to vector<16xi32>
      %add3A_1066 = arith.addi %xor3A_1060, %add3A_1065 : vector<16xi32>
      %select_n3A_1067 = arith.select %lt3A_1063, %add3A_1066, %xor3A_1060 : vector<16xi1>, vector<16xi32>
      %broadcast_in_dim3A_1068 = vector.shape_cast %select_n3A_1067 : vector<16xi32> to vector<16x1xi32>
      %gather3A_1069 = vector.shape_cast %broadcast_in_dim3A_1068 : vector<16x1xi32> to vector<16xi32>
      %gather3A_1070 = tpu.dynamic_gather %max3A_1056[%gather3A_1069] in [0] : vector<16xf32>, vector<16xi32> -> vector<16xf32>
      %xor3A_1071 = arith.constant 8 : i32
      %xor3A_1072 = vector.broadcast %xor3A_1071 : i32 to vector<16xi32>
      %xor3A_1073 = arith.xori %iota3A, %xor3A_1072 : vector<16xi32>
      %lt3A_1074 = arith.constant 0 : i32
      %lt3A_1075 = vector.broadcast %lt3A_1074 : i32 to vector<16xi32>
      %lt3A_1076 = arith.cmpi slt, %xor3A_1073, %lt3A_1075 : vector<16xi32>
      %add3A_1077 = arith.constant 16 : i32
      %add3A_1078 = vector.broadcast %add3A_1077 : i32 to vector<16xi32>
      %add3A_1079 = arith.addi %xor3A_1073, %add3A_1078 : vector<16xi32>
      %select_n3A_1080 = arith.select %lt3A_1076, %add3A_1079, %xor3A_1073 : vector<16xi1>, vector<16xi32>
      %broadcast_in_dim3A_1081 = vector.shape_cast %select_n3A_1080 : vector<16xi32> to vector<16x1xi32>
      %gather3A_1082 = vector.shape_cast %broadcast_in_dim3A_1081 : vector<16x1xi32> to vector<16xi32>
      %gather3A_1083 = tpu.dynamic_gather %min3A_1057[%gather3A_1082] in [0] : vector<16xf32>, vector<16xi32> -> vector<16xf32>
      %min3A_1084 = arith.minimumf %max3A_1056, %gather3A_1070 : vector<16xf32>
      %max3A_1085 = arith.maximumf %min3A_1057, %gather3A_1083 : vector<16xf32>
      %max3A_1086 = arith.maximumf %min3A_1084, %max3A_1085 : vector<16xf32>
      %max3A_1087 = arith.maximumf %max3A_1056, %gather3A_1070 : vector<16xf32>
      %xor3A_1088 = arith.constant 4 : i32
      %xor3A_1089 = vector.broadcast %xor3A_1088 : i32 to vector<16xi32>
      %xor3A_1090 = arith.xori %iota3A, %xor3A_1089 : vector<16xi32>
      %lt3A_1091 = arith.constant 0 : i32
      %lt3A_1092 = vector.broadcast %lt3A_1091 : i32 to vector<16xi32>
      %lt3A_1093 = arith.cmpi slt, %xor3A_1090, %lt3A_1092 : vector<16xi32>
      %add3A_1094 = arith.constant 16 : i32
      %add3A_1095 = vector.broadcast %add3A_1094 : i32 to vector<16xi32>
      %add3A_1096 = arith.addi %xor3A_1090, %add3A_1095 : vector<16xi32>
      %select_n3A_1097 = arith.select %lt3A_1093, %add3A_1096, %xor3A_1090 : vector<16xi1>, vector<16xi32>
      %broadcast_in_dim3A_1098 = vector.shape_cast %select_n3A_1097 : vector<16xi32> to vector<16x1xi32>
      %gather3A_1099 = vector.shape_cast %broadcast_in_dim3A_1098 : vector<16x1xi32> to vector<16xi32>
      %gather3A_1100 = tpu.dynamic_gather %max3A_1087[%gather3A_1099] in [0] : vector<16xf32>, vector<16xi32> -> vector<16xf32>
      %xor3A_1101 = arith.constant 4 : i32
      %xor3A_1102 = vector.broadcast %xor3A_1101 : i32 to vector<16xi32>
      %xor3A_1103 = arith.xori %iota3A, %xor3A_1102 : vector<16xi32>
      %lt3A_1104 = arith.constant 0 : i32
      %lt3A_1105 = vector.broadcast %lt3A_1104 : i32 to vector<16xi32>
      %lt3A_1106 = arith.cmpi slt, %xor3A_1103, %lt3A_1105 : vector<16xi32>
      %add3A_1107 = arith.constant 16 : i32
      %add3A_1108 = vector.broadcast %add3A_1107 : i32 to vector<16xi32>
      %add3A_1109 = arith.addi %xor3A_1103, %add3A_1108 : vector<16xi32>
      %select_n3A_1110 = arith.select %lt3A_1106, %add3A_1109, %xor3A_1103 : vector<16xi1>, vector<16xi32>
      %broadcast_in_dim3A_1111 = vector.shape_cast %select_n3A_1110 : vector<16xi32> to vector<16x1xi32>
      %gather3A_1112 = vector.shape_cast %broadcast_in_dim3A_1111 : vector<16x1xi32> to vector<16xi32>
      %gather3A_1113 = tpu.dynamic_gather %max3A_1086[%gather3A_1112] in [0] : vector<16xf32>, vector<16xi32> -> vector<16xf32>
      %min3A_1114 = arith.minimumf %max3A_1087, %gather3A_1100 : vector<16xf32>
      %max3A_1115 = arith.maximumf %max3A_1086, %gather3A_1113 : vector<16xf32>
      %max3A_1116 = arith.maximumf %min3A_1114, %max3A_1115 : vector<16xf32>
      %max3A_1117 = arith.maximumf %max3A_1087, %gather3A_1100 : vector<16xf32>
      %xor3A_1118 = arith.constant 2 : i32
      %xor3A_1119 = vector.broadcast %xor3A_1118 : i32 to vector<16xi32>
      %xor3A_1120 = arith.xori %iota3A, %xor3A_1119 : vector<16xi32>
      %lt3A_1121 = arith.constant 0 : i32
      %lt3A_1122 = vector.broadcast %lt3A_1121 : i32 to vector<16xi32>
      %lt3A_1123 = arith.cmpi slt, %xor3A_1120, %lt3A_1122 : vector<16xi32>
      %add3A_1124 = arith.constant 16 : i32
      %add3A_1125 = vector.broadcast %add3A_1124 : i32 to vector<16xi32>
      %add3A_1126 = arith.addi %xor3A_1120, %add3A_1125 : vector<16xi32>
      %select_n3A_1127 = arith.select %lt3A_1123, %add3A_1126, %xor3A_1120 : vector<16xi1>, vector<16xi32>
      %broadcast_in_dim3A_1128 = vector.shape_cast %select_n3A_1127 : vector<16xi32> to vector<16x1xi32>
      %gather3A_1129 = vector.shape_cast %broadcast_in_dim3A_1128 : vector<16x1xi32> to vector<16xi32>
      %gather3A_1130 = tpu.dynamic_gather %max3A_1117[%gather3A_1129] in [0] : vector<16xf32>, vector<16xi32> -> vector<16xf32>
      %xor3A_1131 = arith.constant 2 : i32
      %xor3A_1132 = vector.broadcast %xor3A_1131 : i32 to vector<16xi32>
      %xor3A_1133 = arith.xori %iota3A, %xor3A_1132 : vector<16xi32>
      %lt3A_1134 = arith.constant 0 : i32
      %lt3A_1135 = vector.broadcast %lt3A_1134 : i32 to vector<16xi32>
      %lt3A_1136 = arith.cmpi slt, %xor3A_1133, %lt3A_1135 : vector<16xi32>
      %add3A_1137 = arith.constant 16 : i32
      %add3A_1138 = vector.broadcast %add3A_1137 : i32 to vector<16xi32>
      %add3A_1139 = arith.addi %xor3A_1133, %add3A_1138 : vector<16xi32>
      %select_n3A_1140 = arith.select %lt3A_1136, %add3A_1139, %xor3A_1133 : vector<16xi1>, vector<16xi32>
      %broadcast_in_dim3A_1141 = vector.shape_cast %select_n3A_1140 : vector<16xi32> to vector<16x1xi32>
      %gather3A_1142 = vector.shape_cast %broadcast_in_dim3A_1141 : vector<16x1xi32> to vector<16xi32>
      %gather3A_1143 = tpu.dynamic_gather %max3A_1116[%gather3A_1142] in [0] : vector<16xf32>, vector<16xi32> -> vector<16xf32>
      %min3A_1144 = arith.minimumf %max3A_1117, %gather3A_1130 : vector<16xf32>
      %max3A_1145 = arith.maximumf %max3A_1116, %gather3A_1143 : vector<16xf32>
      %max3A_1146 = arith.maximumf %min3A_1144, %max3A_1145 : vector<16xf32>
      %max3A_1147 = arith.maximumf %max3A_1117, %gather3A_1130 : vector<16xf32>
      %xor3A_1148 = arith.constant 1 : i32
      %xor3A_1149 = vector.broadcast %xor3A_1148 : i32 to vector<16xi32>
      %xor3A_1150 = arith.xori %iota3A, %xor3A_1149 : vector<16xi32>
      %lt3A_1151 = arith.constant 0 : i32
      %lt3A_1152 = vector.broadcast %lt3A_1151 : i32 to vector<16xi32>
      %lt3A_1153 = arith.cmpi slt, %xor3A_1150, %lt3A_1152 : vector<16xi32>
      %add3A_1154 = arith.constant 16 : i32
      %add3A_1155 = vector.broadcast %add3A_1154 : i32 to vector<16xi32>
      %add3A_1156 = arith.addi %xor3A_1150, %add3A_1155 : vector<16xi32>
      %select_n3A_1157 = arith.select %lt3A_1153, %add3A_1156, %xor3A_1150 : vector<16xi1>, vector<16xi32>
      %broadcast_in_dim3A_1158 = vector.shape_cast %select_n3A_1157 : vector<16xi32> to vector<16x1xi32>
      %gather3A_1159 = vector.shape_cast %broadcast_in_dim3A_1158 : vector<16x1xi32> to vector<16xi32>
      %gather3A_1160 = tpu.dynamic_gather %max3A_1147[%gather3A_1159] in [0] : vector<16xf32>, vector<16xi32> -> vector<16xf32>
      %xor3A_1161 = arith.constant 1 : i32
      %xor3A_1162 = vector.broadcast %xor3A_1161 : i32 to vector<16xi32>
      %xor3A_1163 = arith.xori %iota3A, %xor3A_1162 : vector<16xi32>
      %lt3A_1164 = arith.constant 0 : i32
      %lt3A_1165 = vector.broadcast %lt3A_1164 : i32 to vector<16xi32>
      %lt3A_1166 = arith.cmpi slt, %xor3A_1163, %lt3A_1165 : vector<16xi32>
      %add3A_1167 = arith.constant 16 : i32
      %add3A_1168 = vector.broadcast %add3A_1167 : i32 to vector<16xi32>
      %add3A_1169 = arith.addi %xor3A_1163, %add3A_1168 : vector<16xi32>
      %select_n3A_1170 = arith.select %lt3A_1166, %add3A_1169, %xor3A_1163 : vector<16xi1>, vector<16xi32>
      %broadcast_in_dim3A_1171 = vector.shape_cast %select_n3A_1170 : vector<16xi32> to vector<16x1xi32>
      %gather3A_1172 = vector.shape_cast %broadcast_in_dim3A_1171 : vector<16x1xi32> to vector<16xi32>
      %gather3A_1173 = tpu.dynamic_gather %max3A_1146[%gather3A_1172] in [0] : vector<16xf32>, vector<16xi32> -> vector<16xf32>
      %min3A_1174 = arith.minimumf %max3A_1147, %gather3A_1160 : vector<16xf32>
      %max3A_1175 = arith.maximumf %max3A_1146, %gather3A_1173 : vector<16xf32>
      %max3A_1176 = arith.maximumf %min3A_1174, %max3A_1175 : vector<16xf32>
      %max3A_1177 = arith.maximumf %max3A_1147, %gather3A_1160 : vector<16xf32>
      %eq3A_1178 = arith.constant 7 : i32
      %eq3A_1179 = vector.broadcast %eq3A_1178 : i32 to vector<16xi32>
      %eq3A_1180 = arith.cmpi eq, %iota3A, %eq3A_1179 : vector<16xi32>
      %add3A_1181 = arith.addf %max3A_1177, %max3A_1176 : vector<16xf32>
      %select_n3A_1182 = arith.select %eq3A_1180, %add3A_1181, %select_n3A_1055 : vector<16xi1>, vector<16xf32>
      %xor3A_1183 = arith.constant 8 : i32
      %xor3A_1184 = vector.broadcast %xor3A_1183 : i32 to vector<16xi32>
      %xor3A_1185 = arith.xori %iota3A, %xor3A_1184 : vector<16xi32>
      %lt3A_1186 = arith.constant 0 : i32
      %lt3A_1187 = vector.broadcast %lt3A_1186 : i32 to vector<16xi32>
      %lt3A_1188 = arith.cmpi slt, %xor3A_1185, %lt3A_1187 : vector<16xi32>
      %add3A_1189 = arith.constant 16 : i32
      %add3A_1190 = vector.broadcast %add3A_1189 : i32 to vector<16xi32>
      %add3A_1191 = arith.addi %xor3A_1185, %add3A_1190 : vector<16xi32>
      %select_n3A_1192 = arith.select %lt3A_1188, %add3A_1191, %xor3A_1185 : vector<16xi1>, vector<16xi32>
      %broadcast_in_dim3A_1193 = vector.shape_cast %select_n3A_1192 : vector<16xi32> to vector<16x1xi32>
      %gather3A_1194 = vector.shape_cast %broadcast_in_dim3A_1193 : vector<16x1xi32> to vector<16xi32>
      %gather3A_1195 = tpu.dynamic_gather %select_n3A_1182[%gather3A_1194] in [0] : vector<16xf32>, vector<16xi32> -> vector<16xf32>
      %max3A_1196 = arith.maximumf %select_n3A_1182, %gather3A_1195 : vector<16xf32>
      %xor3A_1197 = arith.constant 4 : i32
      %xor3A_1198 = vector.broadcast %xor3A_1197 : i32 to vector<16xi32>
      %xor3A_1199 = arith.xori %iota3A, %xor3A_1198 : vector<16xi32>
      %lt3A_1200 = arith.constant 0 : i32
      %lt3A_1201 = vector.broadcast %lt3A_1200 : i32 to vector<16xi32>
      %lt3A_1202 = arith.cmpi slt, %xor3A_1199, %lt3A_1201 : vector<16xi32>
      %add3A_1203 = arith.constant 16 : i32
      %add3A_1204 = vector.broadcast %add3A_1203 : i32 to vector<16xi32>
      %add3A_1205 = arith.addi %xor3A_1199, %add3A_1204 : vector<16xi32>
      %select_n3A_1206 = arith.select %lt3A_1202, %add3A_1205, %xor3A_1199 : vector<16xi1>, vector<16xi32>
      %broadcast_in_dim3A_1207 = vector.shape_cast %select_n3A_1206 : vector<16xi32> to vector<16x1xi32>
      %gather3A_1208 = vector.shape_cast %broadcast_in_dim3A_1207 : vector<16x1xi32> to vector<16xi32>
      %gather3A_1209 = tpu.dynamic_gather %max3A_1196[%gather3A_1208] in [0] : vector<16xf32>, vector<16xi32> -> vector<16xf32>
      %max3A_1210 = arith.maximumf %max3A_1196, %gather3A_1209 : vector<16xf32>
      %xor3A_1211 = arith.constant 2 : i32
      %xor3A_1212 = vector.broadcast %xor3A_1211 : i32 to vector<16xi32>
      %xor3A_1213 = arith.xori %iota3A, %xor3A_1212 : vector<16xi32>
      %lt3A_1214 = arith.constant 0 : i32
      %lt3A_1215 = vector.broadcast %lt3A_1214 : i32 to vector<16xi32>
      %lt3A_1216 = arith.cmpi slt, %xor3A_1213, %lt3A_1215 : vector<16xi32>
      %add3A_1217 = arith.constant 16 : i32
      %add3A_1218 = vector.broadcast %add3A_1217 : i32 to vector<16xi32>
      %add3A_1219 = arith.addi %xor3A_1213, %add3A_1218 : vector<16xi32>
      %select_n3A_1220 = arith.select %lt3A_1216, %add3A_1219, %xor3A_1213 : vector<16xi1>, vector<16xi32>
      %broadcast_in_dim3A_1221 = vector.shape_cast %select_n3A_1220 : vector<16xi32> to vector<16x1xi32>
      %gather3A_1222 = vector.shape_cast %broadcast_in_dim3A_1221 : vector<16x1xi32> to vector<16xi32>
      %gather3A_1223 = tpu.dynamic_gather %max3A_1210[%gather3A_1222] in [0] : vector<16xf32>, vector<16xi32> -> vector<16xf32>
      %max3A_1224 = arith.maximumf %max3A_1210, %gather3A_1223 : vector<16xf32>
      %xor3A_1225 = arith.constant 1 : i32
      %xor3A_1226 = vector.broadcast %xor3A_1225 : i32 to vector<16xi32>
      %xor3A_1227 = arith.xori %iota3A, %xor3A_1226 : vector<16xi32>
      %lt3A_1228 = arith.constant 0 : i32
      %lt3A_1229 = vector.broadcast %lt3A_1228 : i32 to vector<16xi32>
      %lt3A_1230 = arith.cmpi slt, %xor3A_1227, %lt3A_1229 : vector<16xi32>
      %add3A_1231 = arith.constant 16 : i32
      %add3A_1232 = vector.broadcast %add3A_1231 : i32 to vector<16xi32>
      %add3A_1233 = arith.addi %xor3A_1227, %add3A_1232 : vector<16xi32>
      %select_n3A_1234 = arith.select %lt3A_1230, %add3A_1233, %xor3A_1227 : vector<16xi1>, vector<16xi32>
      %broadcast_in_dim3A_1235 = vector.shape_cast %select_n3A_1234 : vector<16xi32> to vector<16x1xi32>
      %gather3A_1236 = vector.shape_cast %broadcast_in_dim3A_1235 : vector<16x1xi32> to vector<16xi32>
      %gather3A_1237 = tpu.dynamic_gather %max3A_1224[%gather3A_1236] in [0] : vector<16xf32>, vector<16xi32> -> vector<16xf32>
      %max3A_1238 = arith.maximumf %max3A_1224, %gather3A_1237 : vector<16xf32>
      %eq3A_1239 = arith.cmpf oeq, %select_n3A_1182, %max3A_1238 : vector<16xf32>
      %jit3A = arith.constant 16 : i32
      %broadcast_in_dim3A_1240 = vector.broadcast %jit3A : i32 to vector<16xi32>
      %select_n3A_1241 = arith.select %eq3A_1239, %iota3A, %broadcast_in_dim3A_1240 : vector<16xi1>, vector<16xi32>
      %xor3A_1242 = arith.constant 8 : i32
      %xor3A_1243 = vector.broadcast %xor3A_1242 : i32 to vector<16xi32>
      %xor3A_1244 = arith.xori %iota3A, %xor3A_1243 : vector<16xi32>
      %lt3A_1245 = arith.constant 0 : i32
      %lt3A_1246 = vector.broadcast %lt3A_1245 : i32 to vector<16xi32>
      %lt3A_1247 = arith.cmpi slt, %xor3A_1244, %lt3A_1246 : vector<16xi32>
      %add3A_1248 = arith.constant 16 : i32
      %add3A_1249 = vector.broadcast %add3A_1248 : i32 to vector<16xi32>
      %add3A_1250 = arith.addi %xor3A_1244, %add3A_1249 : vector<16xi32>
      %select_n3A_1251 = arith.select %lt3A_1247, %add3A_1250, %xor3A_1244 : vector<16xi1>, vector<16xi32>
      %broadcast_in_dim3A_1252 = vector.shape_cast %select_n3A_1251 : vector<16xi32> to vector<16x1xi32>
      %gather3A_1253 = vector.shape_cast %broadcast_in_dim3A_1252 : vector<16x1xi32> to vector<16xi32>
      %gather3A_1254 = tpu.dynamic_gather %select_n3A_1241[%gather3A_1253] in [0] : vector<16xi32>, vector<16xi32> -> vector<16xi32>
      %min3A_1255 = arith.minsi %select_n3A_1241, %gather3A_1254 : vector<16xi32>
      %xor3A_1256 = arith.constant 4 : i32
      %xor3A_1257 = vector.broadcast %xor3A_1256 : i32 to vector<16xi32>
      %xor3A_1258 = arith.xori %iota3A, %xor3A_1257 : vector<16xi32>
      %lt3A_1259 = arith.constant 0 : i32
      %lt3A_1260 = vector.broadcast %lt3A_1259 : i32 to vector<16xi32>
      %lt3A_1261 = arith.cmpi slt, %xor3A_1258, %lt3A_1260 : vector<16xi32>
      %add3A_1262 = arith.constant 16 : i32
      %add3A_1263 = vector.broadcast %add3A_1262 : i32 to vector<16xi32>
      %add3A_1264 = arith.addi %xor3A_1258, %add3A_1263 : vector<16xi32>
      %select_n3A_1265 = arith.select %lt3A_1261, %add3A_1264, %xor3A_1258 : vector<16xi1>, vector<16xi32>
      %broadcast_in_dim3A_1266 = vector.shape_cast %select_n3A_1265 : vector<16xi32> to vector<16x1xi32>
      %gather3A_1267 = vector.shape_cast %broadcast_in_dim3A_1266 : vector<16x1xi32> to vector<16xi32>
      %gather3A_1268 = tpu.dynamic_gather %min3A_1255[%gather3A_1267] in [0] : vector<16xi32>, vector<16xi32> -> vector<16xi32>
      %min3A_1269 = arith.minsi %min3A_1255, %gather3A_1268 : vector<16xi32>
      %xor3A_1270 = arith.constant 2 : i32
      %xor3A_1271 = vector.broadcast %xor3A_1270 : i32 to vector<16xi32>
      %xor3A_1272 = arith.xori %iota3A, %xor3A_1271 : vector<16xi32>
      %lt3A_1273 = arith.constant 0 : i32
      %lt3A_1274 = vector.broadcast %lt3A_1273 : i32 to vector<16xi32>
      %lt3A_1275 = arith.cmpi slt, %xor3A_1272, %lt3A_1274 : vector<16xi32>
      %add3A_1276 = arith.constant 16 : i32
      %add3A_1277 = vector.broadcast %add3A_1276 : i32 to vector<16xi32>
      %add3A_1278 = arith.addi %xor3A_1272, %add3A_1277 : vector<16xi32>
      %select_n3A_1279 = arith.select %lt3A_1275, %add3A_1278, %xor3A_1272 : vector<16xi1>, vector<16xi32>
      %broadcast_in_dim3A_1280 = vector.shape_cast %select_n3A_1279 : vector<16xi32> to vector<16x1xi32>
      %gather3A_1281 = vector.shape_cast %broadcast_in_dim3A_1280 : vector<16x1xi32> to vector<16xi32>
      %gather3A_1282 = tpu.dynamic_gather %min3A_1269[%gather3A_1281] in [0] : vector<16xi32>, vector<16xi32> -> vector<16xi32>
      %min3A_1283 = arith.minsi %min3A_1269, %gather3A_1282 : vector<16xi32>
      %xor3A_1284 = arith.constant 1 : i32
      %xor3A_1285 = vector.broadcast %xor3A_1284 : i32 to vector<16xi32>
      %xor3A_1286 = arith.xori %iota3A, %xor3A_1285 : vector<16xi32>
      %lt3A_1287 = arith.constant 0 : i32
      %lt3A_1288 = vector.broadcast %lt3A_1287 : i32 to vector<16xi32>
      %lt3A_1289 = arith.cmpi slt, %xor3A_1286, %lt3A_1288 : vector<16xi32>
      %add3A_1290 = arith.constant 16 : i32
      %add3A_1291 = vector.broadcast %add3A_1290 : i32 to vector<16xi32>
      %add3A_1292 = arith.addi %xor3A_1286, %add3A_1291 : vector<16xi32>
      %select_n3A_1293 = arith.select %lt3A_1289, %add3A_1292, %xor3A_1286 : vector<16xi1>, vector<16xi32>
      %broadcast_in_dim3A_1294 = vector.shape_cast %select_n3A_1293 : vector<16xi32> to vector<16x1xi32>
      %gather3A_1295 = vector.shape_cast %broadcast_in_dim3A_1294 : vector<16x1xi32> to vector<16xi32>
      %gather3A_1296 = tpu.dynamic_gather %min3A_1283[%gather3A_1295] in [0] : vector<16xi32>, vector<16xi32> -> vector<16xi32>
      %min3A_1297 = arith.minsi %min3A_1283, %gather3A_1296 : vector<16xi32>
      %eq3A_1298 = arith.cmpi eq, %iota3A, %min3A_1297 : vector<16xi32>
      %jit3A_1299 = arith.constant 0xFF800000 : f32
      %broadcast_in_dim3A_1300 = vector.broadcast %jit3A_1299 : f32 to vector<16xf32>
      %select_n3A_1301 = arith.select %eq3A_1298, %broadcast_in_dim3A_1300, %select_n3A_1182 : vector<16xi1>, vector<16xf32>
      %xor3A_1302 = arith.constant 8 : i32
      %xor3A_1303 = vector.broadcast %xor3A_1302 : i32 to vector<16xi32>
      %xor3A_1304 = arith.xori %iota3A, %xor3A_1303 : vector<16xi32>
      %lt3A_1305 = arith.constant 0 : i32
      %lt3A_1306 = vector.broadcast %lt3A_1305 : i32 to vector<16xi32>
      %lt3A_1307 = arith.cmpi slt, %xor3A_1304, %lt3A_1306 : vector<16xi32>
      %add3A_1308 = arith.constant 16 : i32
      %add3A_1309 = vector.broadcast %add3A_1308 : i32 to vector<16xi32>
      %add3A_1310 = arith.addi %xor3A_1304, %add3A_1309 : vector<16xi32>
      %select_n3A_1311 = arith.select %lt3A_1307, %add3A_1310, %xor3A_1304 : vector<16xi1>, vector<16xi32>
      %broadcast_in_dim3A_1312 = vector.shape_cast %select_n3A_1311 : vector<16xi32> to vector<16x1xi32>
      %gather3A_1313 = vector.shape_cast %broadcast_in_dim3A_1312 : vector<16x1xi32> to vector<16xi32>
      %gather3A_1314 = tpu.dynamic_gather %select_n3A_1301[%gather3A_1313] in [0] : vector<16xf32>, vector<16xi32> -> vector<16xf32>
      %max3A_1315 = arith.maximumf %select_n3A_1301, %gather3A_1314 : vector<16xf32>
      %xor3A_1316 = arith.constant 4 : i32
      %xor3A_1317 = vector.broadcast %xor3A_1316 : i32 to vector<16xi32>
      %xor3A_1318 = arith.xori %iota3A, %xor3A_1317 : vector<16xi32>
      %lt3A_1319 = arith.constant 0 : i32
      %lt3A_1320 = vector.broadcast %lt3A_1319 : i32 to vector<16xi32>
      %lt3A_1321 = arith.cmpi slt, %xor3A_1318, %lt3A_1320 : vector<16xi32>
      %add3A_1322 = arith.constant 16 : i32
      %add3A_1323 = vector.broadcast %add3A_1322 : i32 to vector<16xi32>
      %add3A_1324 = arith.addi %xor3A_1318, %add3A_1323 : vector<16xi32>
      %select_n3A_1325 = arith.select %lt3A_1321, %add3A_1324, %xor3A_1318 : vector<16xi1>, vector<16xi32>
      %broadcast_in_dim3A_1326 = vector.shape_cast %select_n3A_1325 : vector<16xi32> to vector<16x1xi32>
      %gather3A_1327 = vector.shape_cast %broadcast_in_dim3A_1326 : vector<16x1xi32> to vector<16xi32>
      %gather3A_1328 = tpu.dynamic_gather %max3A_1315[%gather3A_1327] in [0] : vector<16xf32>, vector<16xi32> -> vector<16xf32>
      %max3A_1329 = arith.maximumf %max3A_1315, %gather3A_1328 : vector<16xf32>
      %xor3A_1330 = arith.constant 2 : i32
      %xor3A_1331 = vector.broadcast %xor3A_1330 : i32 to vector<16xi32>
      %xor3A_1332 = arith.xori %iota3A, %xor3A_1331 : vector<16xi32>
      %lt3A_1333 = arith.constant 0 : i32
      %lt3A_1334 = vector.broadcast %lt3A_1333 : i32 to vector<16xi32>
      %lt3A_1335 = arith.cmpi slt, %xor3A_1332, %lt3A_1334 : vector<16xi32>
      %add3A_1336 = arith.constant 16 : i32
      %add3A_1337 = vector.broadcast %add3A_1336 : i32 to vector<16xi32>
      %add3A_1338 = arith.addi %xor3A_1332, %add3A_1337 : vector<16xi32>
      %select_n3A_1339 = arith.select %lt3A_1335, %add3A_1338, %xor3A_1332 : vector<16xi1>, vector<16xi32>
      %broadcast_in_dim3A_1340 = vector.shape_cast %select_n3A_1339 : vector<16xi32> to vector<16x1xi32>
      %gather3A_1341 = vector.shape_cast %broadcast_in_dim3A_1340 : vector<16x1xi32> to vector<16xi32>
      %gather3A_1342 = tpu.dynamic_gather %max3A_1329[%gather3A_1341] in [0] : vector<16xf32>, vector<16xi32> -> vector<16xf32>
      %max3A_1343 = arith.maximumf %max3A_1329, %gather3A_1342 : vector<16xf32>
      %xor3A_1344 = arith.constant 1 : i32
      %xor3A_1345 = vector.broadcast %xor3A_1344 : i32 to vector<16xi32>
      %xor3A_1346 = arith.xori %iota3A, %xor3A_1345 : vector<16xi32>
      %lt3A_1347 = arith.constant 0 : i32
      %lt3A_1348 = vector.broadcast %lt3A_1347 : i32 to vector<16xi32>
      %lt3A_1349 = arith.cmpi slt, %xor3A_1346, %lt3A_1348 : vector<16xi32>
      %add3A_1350 = arith.constant 16 : i32
      %add3A_1351 = vector.broadcast %add3A_1350 : i32 to vector<16xi32>
      %add3A_1352 = arith.addi %xor3A_1346, %add3A_1351 : vector<16xi32>
      %select_n3A_1353 = arith.select %lt3A_1349, %add3A_1352, %xor3A_1346 : vector<16xi1>, vector<16xi32>
      %broadcast_in_dim3A_1354 = vector.shape_cast %select_n3A_1353 : vector<16xi32> to vector<16x1xi32>
      %gather3A_1355 = vector.shape_cast %broadcast_in_dim3A_1354 : vector<16x1xi32> to vector<16xi32>
      %gather3A_1356 = tpu.dynamic_gather %max3A_1343[%gather3A_1355] in [0] : vector<16xf32>, vector<16xi32> -> vector<16xf32>
      %max3A_1357 = arith.maximumf %max3A_1343, %gather3A_1356 : vector<16xf32>
      %eq3A_1358 = arith.cmpf oeq, %select_n3A_1301, %max3A_1357 : vector<16xf32>
      %jit3A_1359 = arith.constant 16 : i32
      %broadcast_in_dim3A_1360 = vector.broadcast %jit3A_1359 : i32 to vector<16xi32>
      %select_n3A_1361 = arith.select %eq3A_1358, %iota3A, %broadcast_in_dim3A_1360 : vector<16xi1>, vector<16xi32>
      %xor3A_1362 = arith.constant 8 : i32
      %xor3A_1363 = vector.broadcast %xor3A_1362 : i32 to vector<16xi32>
      %xor3A_1364 = arith.xori %iota3A, %xor3A_1363 : vector<16xi32>
      %lt3A_1365 = arith.constant 0 : i32
      %lt3A_1366 = vector.broadcast %lt3A_1365 : i32 to vector<16xi32>
      %lt3A_1367 = arith.cmpi slt, %xor3A_1364, %lt3A_1366 : vector<16xi32>
      %add3A_1368 = arith.constant 16 : i32
      %add3A_1369 = vector.broadcast %add3A_1368 : i32 to vector<16xi32>
      %add3A_1370 = arith.addi %xor3A_1364, %add3A_1369 : vector<16xi32>
      %select_n3A_1371 = arith.select %lt3A_1367, %add3A_1370, %xor3A_1364 : vector<16xi1>, vector<16xi32>
      %broadcast_in_dim3A_1372 = vector.shape_cast %select_n3A_1371 : vector<16xi32> to vector<16x1xi32>
      %gather3A_1373 = vector.shape_cast %broadcast_in_dim3A_1372 : vector<16x1xi32> to vector<16xi32>
      %gather3A_1374 = tpu.dynamic_gather %select_n3A_1361[%gather3A_1373] in [0] : vector<16xi32>, vector<16xi32> -> vector<16xi32>
      %min3A_1375 = arith.minsi %select_n3A_1361, %gather3A_1374 : vector<16xi32>
      %xor3A_1376 = arith.constant 4 : i32
      %xor3A_1377 = vector.broadcast %xor3A_1376 : i32 to vector<16xi32>
      %xor3A_1378 = arith.xori %iota3A, %xor3A_1377 : vector<16xi32>
      %lt3A_1379 = arith.constant 0 : i32
      %lt3A_1380 = vector.broadcast %lt3A_1379 : i32 to vector<16xi32>
      %lt3A_1381 = arith.cmpi slt, %xor3A_1378, %lt3A_1380 : vector<16xi32>
      %add3A_1382 = arith.constant 16 : i32
      %add3A_1383 = vector.broadcast %add3A_1382 : i32 to vector<16xi32>
      %add3A_1384 = arith.addi %xor3A_1378, %add3A_1383 : vector<16xi32>
      %select_n3A_1385 = arith.select %lt3A_1381, %add3A_1384, %xor3A_1378 : vector<16xi1>, vector<16xi32>
      %broadcast_in_dim3A_1386 = vector.shape_cast %select_n3A_1385 : vector<16xi32> to vector<16x1xi32>
      %gather3A_1387 = vector.shape_cast %broadcast_in_dim3A_1386 : vector<16x1xi32> to vector<16xi32>
      %gather3A_1388 = tpu.dynamic_gather %min3A_1375[%gather3A_1387] in [0] : vector<16xi32>, vector<16xi32> -> vector<16xi32>
      %min3A_1389 = arith.minsi %min3A_1375, %gather3A_1388 : vector<16xi32>
      %xor3A_1390 = arith.constant 2 : i32
      %xor3A_1391 = vector.broadcast %xor3A_1390 : i32 to vector<16xi32>
      %xor3A_1392 = arith.xori %iota3A, %xor3A_1391 : vector<16xi32>
      %lt3A_1393 = arith.constant 0 : i32
      %lt3A_1394 = vector.broadcast %lt3A_1393 : i32 to vector<16xi32>
      %lt3A_1395 = arith.cmpi slt, %xor3A_1392, %lt3A_1394 : vector<16xi32>
      %add3A_1396 = arith.constant 16 : i32
      %add3A_1397 = vector.broadcast %add3A_1396 : i32 to vector<16xi32>
      %add3A_1398 = arith.addi %xor3A_1392, %add3A_1397 : vector<16xi32>
      %select_n3A_1399 = arith.select %lt3A_1395, %add3A_1398, %xor3A_1392 : vector<16xi1>, vector<16xi32>
      %broadcast_in_dim3A_1400 = vector.shape_cast %select_n3A_1399 : vector<16xi32> to vector<16x1xi32>
      %gather3A_1401 = vector.shape_cast %broadcast_in_dim3A_1400 : vector<16x1xi32> to vector<16xi32>
      %gather3A_1402 = tpu.dynamic_gather %min3A_1389[%gather3A_1401] in [0] : vector<16xi32>, vector<16xi32> -> vector<16xi32>
      %min3A_1403 = arith.minsi %min3A_1389, %gather3A_1402 : vector<16xi32>
      %xor3A_1404 = arith.constant 1 : i32
      %xor3A_1405 = vector.broadcast %xor3A_1404 : i32 to vector<16xi32>
      %xor3A_1406 = arith.xori %iota3A, %xor3A_1405 : vector<16xi32>
      %lt3A_1407 = arith.constant 0 : i32
      %lt3A_1408 = vector.broadcast %lt3A_1407 : i32 to vector<16xi32>
      %lt3A_1409 = arith.cmpi slt, %xor3A_1406, %lt3A_1408 : vector<16xi32>
      %add3A_1410 = arith.constant 16 : i32
      %add3A_1411 = vector.broadcast %add3A_1410 : i32 to vector<16xi32>
      %add3A_1412 = arith.addi %xor3A_1406, %add3A_1411 : vector<16xi32>
      %select_n3A_1413 = arith.select %lt3A_1409, %add3A_1412, %xor3A_1406 : vector<16xi1>, vector<16xi32>
      %broadcast_in_dim3A_1414 = vector.shape_cast %select_n3A_1413 : vector<16xi32> to vector<16x1xi32>
      %gather3A_1415 = vector.shape_cast %broadcast_in_dim3A_1414 : vector<16x1xi32> to vector<16xi32>
      %gather3A_1416 = tpu.dynamic_gather %min3A_1403[%gather3A_1415] in [0] : vector<16xi32>, vector<16xi32> -> vector<16xi32>
      %min3A_1417 = arith.minsi %min3A_1403, %gather3A_1416 : vector<16xi32>
      %eq3A_1418 = arith.cmpi eq, %iota3A, %min3A_1417 : vector<16xi32>
      %jit3A_1419 = arith.constant 0xFF800000 : f32
      %broadcast_in_dim3A_1420 = vector.broadcast %jit3A_1419 : f32 to vector<16xf32>
      %select_n3A_1421 = arith.select %eq3A_1418, %broadcast_in_dim3A_1420, %select_n3A_1301 : vector<16xi1>, vector<16xf32>
      %xor3A_1422 = arith.constant 8 : i32
      %xor3A_1423 = vector.broadcast %xor3A_1422 : i32 to vector<16xi32>
      %xor3A_1424 = arith.xori %iota3A, %xor3A_1423 : vector<16xi32>
      %lt3A_1425 = arith.constant 0 : i32
      %lt3A_1426 = vector.broadcast %lt3A_1425 : i32 to vector<16xi32>
      %lt3A_1427 = arith.cmpi slt, %xor3A_1424, %lt3A_1426 : vector<16xi32>
      %add3A_1428 = arith.constant 16 : i32
      %add3A_1429 = vector.broadcast %add3A_1428 : i32 to vector<16xi32>
      %add3A_1430 = arith.addi %xor3A_1424, %add3A_1429 : vector<16xi32>
      %select_n3A_1431 = arith.select %lt3A_1427, %add3A_1430, %xor3A_1424 : vector<16xi1>, vector<16xi32>
      %broadcast_in_dim3A_1432 = vector.shape_cast %select_n3A_1431 : vector<16xi32> to vector<16x1xi32>
      %gather3A_1433 = vector.shape_cast %broadcast_in_dim3A_1432 : vector<16x1xi32> to vector<16xi32>
      %gather3A_1434 = tpu.dynamic_gather %select_n3A_1421[%gather3A_1433] in [0] : vector<16xf32>, vector<16xi32> -> vector<16xf32>
      %max3A_1435 = arith.maximumf %select_n3A_1421, %gather3A_1434 : vector<16xf32>
      %xor3A_1436 = arith.constant 4 : i32
      %xor3A_1437 = vector.broadcast %xor3A_1436 : i32 to vector<16xi32>
      %xor3A_1438 = arith.xori %iota3A, %xor3A_1437 : vector<16xi32>
      %lt3A_1439 = arith.constant 0 : i32
      %lt3A_1440 = vector.broadcast %lt3A_1439 : i32 to vector<16xi32>
      %lt3A_1441 = arith.cmpi slt, %xor3A_1438, %lt3A_1440 : vector<16xi32>
      %add3A_1442 = arith.constant 16 : i32
      %add3A_1443 = vector.broadcast %add3A_1442 : i32 to vector<16xi32>
      %add3A_1444 = arith.addi %xor3A_1438, %add3A_1443 : vector<16xi32>
      %select_n3A_1445 = arith.select %lt3A_1441, %add3A_1444, %xor3A_1438 : vector<16xi1>, vector<16xi32>
      %broadcast_in_dim3A_1446 = vector.shape_cast %select_n3A_1445 : vector<16xi32> to vector<16x1xi32>
      %gather3A_1447 = vector.shape_cast %broadcast_in_dim3A_1446 : vector<16x1xi32> to vector<16xi32>
      %gather3A_1448 = tpu.dynamic_gather %max3A_1435[%gather3A_1447] in [0] : vector<16xf32>, vector<16xi32> -> vector<16xf32>
      %max3A_1449 = arith.maximumf %max3A_1435, %gather3A_1448 : vector<16xf32>
      %xor3A_1450 = arith.constant 2 : i32
      %xor3A_1451 = vector.broadcast %xor3A_1450 : i32 to vector<16xi32>
      %xor3A_1452 = arith.xori %iota3A, %xor3A_1451 : vector<16xi32>
      %lt3A_1453 = arith.constant 0 : i32
      %lt3A_1454 = vector.broadcast %lt3A_1453 : i32 to vector<16xi32>
      %lt3A_1455 = arith.cmpi slt, %xor3A_1452, %lt3A_1454 : vector<16xi32>
      %add3A_1456 = arith.constant 16 : i32
      %add3A_1457 = vector.broadcast %add3A_1456 : i32 to vector<16xi32>
      %add3A_1458 = arith.addi %xor3A_1452, %add3A_1457 : vector<16xi32>
      %select_n3A_1459 = arith.select %lt3A_1455, %add3A_1458, %xor3A_1452 : vector<16xi1>, vector<16xi32>
      %broadcast_in_dim3A_1460 = vector.shape_cast %select_n3A_1459 : vector<16xi32> to vector<16x1xi32>
      %gather3A_1461 = vector.shape_cast %broadcast_in_dim3A_1460 : vector<16x1xi32> to vector<16xi32>
      %gather3A_1462 = tpu.dynamic_gather %max3A_1449[%gather3A_1461] in [0] : vector<16xf32>, vector<16xi32> -> vector<16xf32>
      %max3A_1463 = arith.maximumf %max3A_1449, %gather3A_1462 : vector<16xf32>
      %xor3A_1464 = arith.constant 1 : i32
      %xor3A_1465 = vector.broadcast %xor3A_1464 : i32 to vector<16xi32>
      %xor3A_1466 = arith.xori %iota3A, %xor3A_1465 : vector<16xi32>
      %lt3A_1467 = arith.constant 0 : i32
      %lt3A_1468 = vector.broadcast %lt3A_1467 : i32 to vector<16xi32>
      %lt3A_1469 = arith.cmpi slt, %xor3A_1466, %lt3A_1468 : vector<16xi32>
      %add3A_1470 = arith.constant 16 : i32
      %add3A_1471 = vector.broadcast %add3A_1470 : i32 to vector<16xi32>
      %add3A_1472 = arith.addi %xor3A_1466, %add3A_1471 : vector<16xi32>
      %select_n3A_1473 = arith.select %lt3A_1469, %add3A_1472, %xor3A_1466 : vector<16xi1>, vector<16xi32>
      %broadcast_in_dim3A_1474 = vector.shape_cast %select_n3A_1473 : vector<16xi32> to vector<16x1xi32>
      %gather3A_1475 = vector.shape_cast %broadcast_in_dim3A_1474 : vector<16x1xi32> to vector<16xi32>
      %gather3A_1476 = tpu.dynamic_gather %max3A_1463[%gather3A_1475] in [0] : vector<16xf32>, vector<16xi32> -> vector<16xf32>
      %max3A_1477 = arith.maximumf %max3A_1463, %gather3A_1476 : vector<16xf32>
      %eq3A_1478 = arith.cmpf oeq, %select_n3A_1421, %max3A_1477 : vector<16xf32>
      %jit3A_1479 = arith.constant 16 : i32
      %broadcast_in_dim3A_1480 = vector.broadcast %jit3A_1479 : i32 to vector<16xi32>
      %select_n3A_1481 = arith.select %eq3A_1478, %iota3A, %broadcast_in_dim3A_1480 : vector<16xi1>, vector<16xi32>
      %xor3A_1482 = arith.constant 8 : i32
      %xor3A_1483 = vector.broadcast %xor3A_1482 : i32 to vector<16xi32>
      %xor3A_1484 = arith.xori %iota3A, %xor3A_1483 : vector<16xi32>
      %lt3A_1485 = arith.constant 0 : i32
      %lt3A_1486 = vector.broadcast %lt3A_1485 : i32 to vector<16xi32>
      %lt3A_1487 = arith.cmpi slt, %xor3A_1484, %lt3A_1486 : vector<16xi32>
      %add3A_1488 = arith.constant 16 : i32
      %add3A_1489 = vector.broadcast %add3A_1488 : i32 to vector<16xi32>
      %add3A_1490 = arith.addi %xor3A_1484, %add3A_1489 : vector<16xi32>
      %select_n3A_1491 = arith.select %lt3A_1487, %add3A_1490, %xor3A_1484 : vector<16xi1>, vector<16xi32>
      %broadcast_in_dim3A_1492 = vector.shape_cast %select_n3A_1491 : vector<16xi32> to vector<16x1xi32>
      %gather3A_1493 = vector.shape_cast %broadcast_in_dim3A_1492 : vector<16x1xi32> to vector<16xi32>
      %gather3A_1494 = tpu.dynamic_gather %select_n3A_1481[%gather3A_1493] in [0] : vector<16xi32>, vector<16xi32> -> vector<16xi32>
      %min3A_1495 = arith.minsi %select_n3A_1481, %gather3A_1494 : vector<16xi32>
      %xor3A_1496 = arith.constant 4 : i32
      %xor3A_1497 = vector.broadcast %xor3A_1496 : i32 to vector<16xi32>
      %xor3A_1498 = arith.xori %iota3A, %xor3A_1497 : vector<16xi32>
      %lt3A_1499 = arith.constant 0 : i32
      %lt3A_1500 = vector.broadcast %lt3A_1499 : i32 to vector<16xi32>
      %lt3A_1501 = arith.cmpi slt, %xor3A_1498, %lt3A_1500 : vector<16xi32>
      %add3A_1502 = arith.constant 16 : i32
      %add3A_1503 = vector.broadcast %add3A_1502 : i32 to vector<16xi32>
      %add3A_1504 = arith.addi %xor3A_1498, %add3A_1503 : vector<16xi32>
      %select_n3A_1505 = arith.select %lt3A_1501, %add3A_1504, %xor3A_1498 : vector<16xi1>, vector<16xi32>
      %broadcast_in_dim3A_1506 = vector.shape_cast %select_n3A_1505 : vector<16xi32> to vector<16x1xi32>
      %gather3A_1507 = vector.shape_cast %broadcast_in_dim3A_1506 : vector<16x1xi32> to vector<16xi32>
      %gather3A_1508 = tpu.dynamic_gather %min3A_1495[%gather3A_1507] in [0] : vector<16xi32>, vector<16xi32> -> vector<16xi32>
      %min3A_1509 = arith.minsi %min3A_1495, %gather3A_1508 : vector<16xi32>
      %xor3A_1510 = arith.constant 2 : i32
      %xor3A_1511 = vector.broadcast %xor3A_1510 : i32 to vector<16xi32>
      %xor3A_1512 = arith.xori %iota3A, %xor3A_1511 : vector<16xi32>
      %lt3A_1513 = arith.constant 0 : i32
      %lt3A_1514 = vector.broadcast %lt3A_1513 : i32 to vector<16xi32>
      %lt3A_1515 = arith.cmpi slt, %xor3A_1512, %lt3A_1514 : vector<16xi32>
      %add3A_1516 = arith.constant 16 : i32
      %add3A_1517 = vector.broadcast %add3A_1516 : i32 to vector<16xi32>
      %add3A_1518 = arith.addi %xor3A_1512, %add3A_1517 : vector<16xi32>
      %select_n3A_1519 = arith.select %lt3A_1515, %add3A_1518, %xor3A_1512 : vector<16xi1>, vector<16xi32>
      %broadcast_in_dim3A_1520 = vector.shape_cast %select_n3A_1519 : vector<16xi32> to vector<16x1xi32>
      %gather3A_1521 = vector.shape_cast %broadcast_in_dim3A_1520 : vector<16x1xi32> to vector<16xi32>
      %gather3A_1522 = tpu.dynamic_gather %min3A_1509[%gather3A_1521] in [0] : vector<16xi32>, vector<16xi32> -> vector<16xi32>
      %min3A_1523 = arith.minsi %min3A_1509, %gather3A_1522 : vector<16xi32>
      %xor3A_1524 = arith.constant 1 : i32
      %xor3A_1525 = vector.broadcast %xor3A_1524 : i32 to vector<16xi32>
      %xor3A_1526 = arith.xori %iota3A, %xor3A_1525 : vector<16xi32>
      %lt3A_1527 = arith.constant 0 : i32
      %lt3A_1528 = vector.broadcast %lt3A_1527 : i32 to vector<16xi32>
      %lt3A_1529 = arith.cmpi slt, %xor3A_1526, %lt3A_1528 : vector<16xi32>
      %add3A_1530 = arith.constant 16 : i32
      %add3A_1531 = vector.broadcast %add3A_1530 : i32 to vector<16xi32>
      %add3A_1532 = arith.addi %xor3A_1526, %add3A_1531 : vector<16xi32>
      %select_n3A_1533 = arith.select %lt3A_1529, %add3A_1532, %xor3A_1526 : vector<16xi1>, vector<16xi32>
      %broadcast_in_dim3A_1534 = vector.shape_cast %select_n3A_1533 : vector<16xi32> to vector<16x1xi32>
      %gather3A_1535 = vector.shape_cast %broadcast_in_dim3A_1534 : vector<16x1xi32> to vector<16xi32>
      %gather3A_1536 = tpu.dynamic_gather %min3A_1523[%gather3A_1535] in [0] : vector<16xi32>, vector<16xi32> -> vector<16xi32>
      %min3A_1537 = arith.minsi %min3A_1523, %gather3A_1536 : vector<16xi32>
      %eq3A_1538 = arith.cmpi eq, %iota3A, %min3A_1537 : vector<16xi32>
      %jit3A_1539 = arith.constant 0xFF800000 : f32
      %broadcast_in_dim3A_1540 = vector.broadcast %jit3A_1539 : f32 to vector<16xf32>
      %select_n3A_1541 = arith.select %eq3A_1538, %broadcast_in_dim3A_1540, %select_n3A_1421 : vector<16xi1>, vector<16xf32>
      %xor3A_1542 = arith.constant 8 : i32
      %xor3A_1543 = vector.broadcast %xor3A_1542 : i32 to vector<16xi32>
      %xor3A_1544 = arith.xori %iota3A, %xor3A_1543 : vector<16xi32>
      %lt3A_1545 = arith.constant 0 : i32
      %lt3A_1546 = vector.broadcast %lt3A_1545 : i32 to vector<16xi32>
      %lt3A_1547 = arith.cmpi slt, %xor3A_1544, %lt3A_1546 : vector<16xi32>
      %add3A_1548 = arith.constant 16 : i32
      %add3A_1549 = vector.broadcast %add3A_1548 : i32 to vector<16xi32>
      %add3A_1550 = arith.addi %xor3A_1544, %add3A_1549 : vector<16xi32>
      %select_n3A_1551 = arith.select %lt3A_1547, %add3A_1550, %xor3A_1544 : vector<16xi1>, vector<16xi32>
      %broadcast_in_dim3A_1552 = vector.shape_cast %select_n3A_1551 : vector<16xi32> to vector<16x1xi32>
      %gather3A_1553 = vector.shape_cast %broadcast_in_dim3A_1552 : vector<16x1xi32> to vector<16xi32>
      %gather3A_1554 = tpu.dynamic_gather %select_n3A_1541[%gather3A_1553] in [0] : vector<16xf32>, vector<16xi32> -> vector<16xf32>
      %max3A_1555 = arith.maximumf %select_n3A_1541, %gather3A_1554 : vector<16xf32>
      %xor3A_1556 = arith.constant 4 : i32
      %xor3A_1557 = vector.broadcast %xor3A_1556 : i32 to vector<16xi32>
      %xor3A_1558 = arith.xori %iota3A, %xor3A_1557 : vector<16xi32>
      %lt3A_1559 = arith.constant 0 : i32
      %lt3A_1560 = vector.broadcast %lt3A_1559 : i32 to vector<16xi32>
      %lt3A_1561 = arith.cmpi slt, %xor3A_1558, %lt3A_1560 : vector<16xi32>
      %add3A_1562 = arith.constant 16 : i32
      %add3A_1563 = vector.broadcast %add3A_1562 : i32 to vector<16xi32>
      %add3A_1564 = arith.addi %xor3A_1558, %add3A_1563 : vector<16xi32>
      %select_n3A_1565 = arith.select %lt3A_1561, %add3A_1564, %xor3A_1558 : vector<16xi1>, vector<16xi32>
      %broadcast_in_dim3A_1566 = vector.shape_cast %select_n3A_1565 : vector<16xi32> to vector<16x1xi32>
      %gather3A_1567 = vector.shape_cast %broadcast_in_dim3A_1566 : vector<16x1xi32> to vector<16xi32>
      %gather3A_1568 = tpu.dynamic_gather %max3A_1555[%gather3A_1567] in [0] : vector<16xf32>, vector<16xi32> -> vector<16xf32>
      %max3A_1569 = arith.maximumf %max3A_1555, %gather3A_1568 : vector<16xf32>
      %xor3A_1570 = arith.constant 2 : i32
      %xor3A_1571 = vector.broadcast %xor3A_1570 : i32 to vector<16xi32>
      %xor3A_1572 = arith.xori %iota3A, %xor3A_1571 : vector<16xi32>
      %lt3A_1573 = arith.constant 0 : i32
      %lt3A_1574 = vector.broadcast %lt3A_1573 : i32 to vector<16xi32>
      %lt3A_1575 = arith.cmpi slt, %xor3A_1572, %lt3A_1574 : vector<16xi32>
      %add3A_1576 = arith.constant 16 : i32
      %add3A_1577 = vector.broadcast %add3A_1576 : i32 to vector<16xi32>
      %add3A_1578 = arith.addi %xor3A_1572, %add3A_1577 : vector<16xi32>
      %select_n3A_1579 = arith.select %lt3A_1575, %add3A_1578, %xor3A_1572 : vector<16xi1>, vector<16xi32>
      %broadcast_in_dim3A_1580 = vector.shape_cast %select_n3A_1579 : vector<16xi32> to vector<16x1xi32>
      %gather3A_1581 = vector.shape_cast %broadcast_in_dim3A_1580 : vector<16x1xi32> to vector<16xi32>
      %gather3A_1582 = tpu.dynamic_gather %max3A_1569[%gather3A_1581] in [0] : vector<16xf32>, vector<16xi32> -> vector<16xf32>
      %max3A_1583 = arith.maximumf %max3A_1569, %gather3A_1582 : vector<16xf32>
      %xor3A_1584 = arith.constant 1 : i32
      %xor3A_1585 = vector.broadcast %xor3A_1584 : i32 to vector<16xi32>
      %xor3A_1586 = arith.xori %iota3A, %xor3A_1585 : vector<16xi32>
      %lt3A_1587 = arith.constant 0 : i32
      %lt3A_1588 = vector.broadcast %lt3A_1587 : i32 to vector<16xi32>
      %lt3A_1589 = arith.cmpi slt, %xor3A_1586, %lt3A_1588 : vector<16xi32>
      %add3A_1590 = arith.constant 16 : i32
      %add3A_1591 = vector.broadcast %add3A_1590 : i32 to vector<16xi32>
      %add3A_1592 = arith.addi %xor3A_1586, %add3A_1591 : vector<16xi32>
      %select_n3A_1593 = arith.select %lt3A_1589, %add3A_1592, %xor3A_1586 : vector<16xi1>, vector<16xi32>
      %broadcast_in_dim3A_1594 = vector.shape_cast %select_n3A_1593 : vector<16xi32> to vector<16x1xi32>
      %gather3A_1595 = vector.shape_cast %broadcast_in_dim3A_1594 : vector<16x1xi32> to vector<16xi32>
      %gather3A_1596 = tpu.dynamic_gather %max3A_1583[%gather3A_1595] in [0] : vector<16xf32>, vector<16xi32> -> vector<16xf32>
      %max3A_1597 = arith.maximumf %max3A_1583, %gather3A_1596 : vector<16xf32>
      %eq3A_1598 = arith.cmpf oeq, %select_n3A_1541, %max3A_1597 : vector<16xf32>
      %jit3A_1599 = arith.constant 16 : i32
      %broadcast_in_dim3A_1600 = vector.broadcast %jit3A_1599 : i32 to vector<16xi32>
      %select_n3A_1601 = arith.select %eq3A_1598, %iota3A, %broadcast_in_dim3A_1600 : vector<16xi1>, vector<16xi32>
      %xor3A_1602 = arith.constant 8 : i32
      %xor3A_1603 = vector.broadcast %xor3A_1602 : i32 to vector<16xi32>
      %xor3A_1604 = arith.xori %iota3A, %xor3A_1603 : vector<16xi32>
      %lt3A_1605 = arith.constant 0 : i32
      %lt3A_1606 = vector.broadcast %lt3A_1605 : i32 to vector<16xi32>
      %lt3A_1607 = arith.cmpi slt, %xor3A_1604, %lt3A_1606 : vector<16xi32>
      %add3A_1608 = arith.constant 16 : i32
      %add3A_1609 = vector.broadcast %add3A_1608 : i32 to vector<16xi32>
      %add3A_1610 = arith.addi %xor3A_1604, %add3A_1609 : vector<16xi32>
      %select_n3A_1611 = arith.select %lt3A_1607, %add3A_1610, %xor3A_1604 : vector<16xi1>, vector<16xi32>
      %broadcast_in_dim3A_1612 = vector.shape_cast %select_n3A_1611 : vector<16xi32> to vector<16x1xi32>
      %gather3A_1613 = vector.shape_cast %broadcast_in_dim3A_1612 : vector<16x1xi32> to vector<16xi32>
      %gather3A_1614 = tpu.dynamic_gather %select_n3A_1601[%gather3A_1613] in [0] : vector<16xi32>, vector<16xi32> -> vector<16xi32>
      %min3A_1615 = arith.minsi %select_n3A_1601, %gather3A_1614 : vector<16xi32>
      %xor3A_1616 = arith.constant 4 : i32
      %xor3A_1617 = vector.broadcast %xor3A_1616 : i32 to vector<16xi32>
      %xor3A_1618 = arith.xori %iota3A, %xor3A_1617 : vector<16xi32>
      %lt3A_1619 = arith.constant 0 : i32
      %lt3A_1620 = vector.broadcast %lt3A_1619 : i32 to vector<16xi32>
      %lt3A_1621 = arith.cmpi slt, %xor3A_1618, %lt3A_1620 : vector<16xi32>
      %add3A_1622 = arith.constant 16 : i32
      %add3A_1623 = vector.broadcast %add3A_1622 : i32 to vector<16xi32>
      %add3A_1624 = arith.addi %xor3A_1618, %add3A_1623 : vector<16xi32>
      %select_n3A_1625 = arith.select %lt3A_1621, %add3A_1624, %xor3A_1618 : vector<16xi1>, vector<16xi32>
      %broadcast_in_dim3A_1626 = vector.shape_cast %select_n3A_1625 : vector<16xi32> to vector<16x1xi32>
      %gather3A_1627 = vector.shape_cast %broadcast_in_dim3A_1626 : vector<16x1xi32> to vector<16xi32>
      %gather3A_1628 = tpu.dynamic_gather %min3A_1615[%gather3A_1627] in [0] : vector<16xi32>, vector<16xi32> -> vector<16xi32>
      %min3A_1629 = arith.minsi %min3A_1615, %gather3A_1628 : vector<16xi32>
      %xor3A_1630 = arith.constant 2 : i32
      %xor3A_1631 = vector.broadcast %xor3A_1630 : i32 to vector<16xi32>
      %xor3A_1632 = arith.xori %iota3A, %xor3A_1631 : vector<16xi32>
      %lt3A_1633 = arith.constant 0 : i32
      %lt3A_1634 = vector.broadcast %lt3A_1633 : i32 to vector<16xi32>
      %lt3A_1635 = arith.cmpi slt, %xor3A_1632, %lt3A_1634 : vector<16xi32>
      %add3A_1636 = arith.constant 16 : i32
      %add3A_1637 = vector.broadcast %add3A_1636 : i32 to vector<16xi32>
      %add3A_1638 = arith.addi %xor3A_1632, %add3A_1637 : vector<16xi32>
      %select_n3A_1639 = arith.select %lt3A_1635, %add3A_1638, %xor3A_1632 : vector<16xi1>, vector<16xi32>
      %broadcast_in_dim3A_1640 = vector.shape_cast %select_n3A_1639 : vector<16xi32> to vector<16x1xi32>
      %gather3A_1641 = vector.shape_cast %broadcast_in_dim3A_1640 : vector<16x1xi32> to vector<16xi32>
      %gather3A_1642 = tpu.dynamic_gather %min3A_1629[%gather3A_1641] in [0] : vector<16xi32>, vector<16xi32> -> vector<16xi32>
      %min3A_1643 = arith.minsi %min3A_1629, %gather3A_1642 : vector<16xi32>
      %xor3A_1644 = arith.constant 1 : i32
      %xor3A_1645 = vector.broadcast %xor3A_1644 : i32 to vector<16xi32>
      %xor3A_1646 = arith.xori %iota3A, %xor3A_1645 : vector<16xi32>
      %lt3A_1647 = arith.constant 0 : i32
      %lt3A_1648 = vector.broadcast %lt3A_1647 : i32 to vector<16xi32>
      %lt3A_1649 = arith.cmpi slt, %xor3A_1646, %lt3A_1648 : vector<16xi32>
      %add3A_1650 = arith.constant 16 : i32
      %add3A_1651 = vector.broadcast %add3A_1650 : i32 to vector<16xi32>
      %add3A_1652 = arith.addi %xor3A_1646, %add3A_1651 : vector<16xi32>
      %select_n3A_1653 = arith.select %lt3A_1649, %add3A_1652, %xor3A_1646 : vector<16xi1>, vector<16xi32>
      %broadcast_in_dim3A_1654 = vector.shape_cast %select_n3A_1653 : vector<16xi32> to vector<16x1xi32>
      %gather3A_1655 = vector.shape_cast %broadcast_in_dim3A_1654 : vector<16x1xi32> to vector<16xi32>
      %gather3A_1656 = tpu.dynamic_gather %min3A_1643[%gather3A_1655] in [0] : vector<16xi32>, vector<16xi32> -> vector<16xi32>
      %min3A_1657 = arith.minsi %min3A_1643, %gather3A_1656 : vector<16xi32>
      %eq3A_1658 = arith.cmpi eq, %iota3A, %min3A_1657 : vector<16xi32>
      %jit3A_1659 = arith.constant 0xFF800000 : f32
      %broadcast_in_dim3A_1660 = vector.broadcast %jit3A_1659 : f32 to vector<16xf32>
      %select_n3A_1661 = arith.select %eq3A_1658, %broadcast_in_dim3A_1660, %select_n3A_1541 : vector<16xi1>, vector<16xf32>
      %mul3A_1662 = arith.constant 32 : i32
      %mul3A_1663 = vector.broadcast %mul3A_1662 : i32 to vector<16xi32>
      %mul3A_1664 = arith.muli %min3A_1297, %mul3A_1663 : vector<16xi32>
      %add3A_1665 = arith.constant 0 : i32
      %add3A_1666 = vector.broadcast %add3A_1665 : i32 to vector<16xi32>
      %add3A_1667 = arith.addi %iota3A, %add3A_1666 : vector<16xi32>
      %add3A_1668 = arith.addi %mul3A_1664, %add3A_1667 : vector<16xi32>
      %gather3A_1669 = tpu.vector_load_idx %arg8[%add3A_1668] : memref<256xf32, #tpu.memory_space<vmem>>[vector<16xi32>], vector<16xf32>,
      %mul3A_1670 = arith.constant 32 : i32
      %mul3A_1671 = vector.broadcast %mul3A_1670 : i32 to vector<16xi32>
      %mul3A_1672 = arith.muli %min3A_1297, %mul3A_1671 : vector<16xi32>
      %add3A_1673 = arith.constant 16 : i32
      %add3A_1674 = vector.broadcast %add3A_1673 : i32 to vector<16xi32>
      %add3A_1675 = arith.addi %iota3A, %add3A_1674 : vector<16xi32>
      %add3A_1676 = arith.addi %mul3A_1672, %add3A_1675 : vector<16xi32>
      %gather3A_1677 = tpu.vector_load_idx %arg8[%add3A_1676] : memref<256xf32, #tpu.memory_space<vmem>>[vector<16xi32>], vector<16xf32>,
      %mul3A_1678 = arith.constant 32 : i32
      %mul3A_1679 = vector.broadcast %mul3A_1678 : i32 to vector<16xi32>
      %mul3A_1680 = arith.muli %min3A_1417, %mul3A_1679 : vector<16xi32>
      %add3A_1681 = arith.constant 0 : i32
      %add3A_1682 = vector.broadcast %add3A_1681 : i32 to vector<16xi32>
      %add3A_1683 = arith.addi %iota3A, %add3A_1682 : vector<16xi32>
      %add3A_1684 = arith.addi %mul3A_1680, %add3A_1683 : vector<16xi32>
      %gather3A_1685 = tpu.vector_load_idx %arg8[%add3A_1684] : memref<256xf32, #tpu.memory_space<vmem>>[vector<16xi32>], vector<16xf32>,
      %mul3A_1686 = arith.constant 32 : i32
      %mul3A_1687 = vector.broadcast %mul3A_1686 : i32 to vector<16xi32>
      %mul3A_1688 = arith.muli %min3A_1417, %mul3A_1687 : vector<16xi32>
      %add3A_1689 = arith.constant 16 : i32
      %add3A_1690 = vector.broadcast %add3A_1689 : i32 to vector<16xi32>
      %add3A_1691 = arith.addi %iota3A, %add3A_1690 : vector<16xi32>
      %add3A_1692 = arith.addi %mul3A_1688, %add3A_1691 : vector<16xi32>
      %gather3A_1693 = tpu.vector_load_idx %arg8[%add3A_1692] : memref<256xf32, #tpu.memory_space<vmem>>[vector<16xi32>], vector<16xf32>,
      %mul3A_1694 = arith.constant 32 : i32
      %mul3A_1695 = vector.broadcast %mul3A_1694 : i32 to vector<16xi32>
      %mul3A_1696 = arith.muli %min3A_1537, %mul3A_1695 : vector<16xi32>
      %add3A_1697 = arith.constant 0 : i32
      %add3A_1698 = vector.broadcast %add3A_1697 : i32 to vector<16xi32>
      %add3A_1699 = arith.addi %iota3A, %add3A_1698 : vector<16xi32>
      %add3A_1700 = arith.addi %mul3A_1696, %add3A_1699 : vector<16xi32>
      %gather3A_1701 = tpu.vector_load_idx %arg8[%add3A_1700] : memref<256xf32, #tpu.memory_space<vmem>>[vector<16xi32>], vector<16xf32>,
      %mul3A_1702 = arith.constant 32 : i32
      %mul3A_1703 = vector.broadcast %mul3A_1702 : i32 to vector<16xi32>
      %mul3A_1704 = arith.muli %min3A_1537, %mul3A_1703 : vector<16xi32>
      %add3A_1705 = arith.constant 16 : i32
      %add3A_1706 = vector.broadcast %add3A_1705 : i32 to vector<16xi32>
      %add3A_1707 = arith.addi %iota3A, %add3A_1706 : vector<16xi32>
      %add3A_1708 = arith.addi %mul3A_1704, %add3A_1707 : vector<16xi32>
      %gather3A_1709 = tpu.vector_load_idx %arg8[%add3A_1708] : memref<256xf32, #tpu.memory_space<vmem>>[vector<16xi32>], vector<16xf32>,
      %mul3A_1710 = arith.constant 32 : i32
      %mul3A_1711 = vector.broadcast %mul3A_1710 : i32 to vector<16xi32>
      %mul3A_1712 = arith.muli %min3A_1657, %mul3A_1711 : vector<16xi32>
      %add3A_1713 = arith.constant 0 : i32
      %add3A_1714 = vector.broadcast %add3A_1713 : i32 to vector<16xi32>
      %add3A_1715 = arith.addi %iota3A, %add3A_1714 : vector<16xi32>
      %add3A_1716 = arith.addi %mul3A_1712, %add3A_1715 : vector<16xi32>
      %gather3A_1717 = tpu.vector_load_idx %arg8[%add3A_1716] : memref<256xf32, #tpu.memory_space<vmem>>[vector<16xi32>], vector<16xf32>,
      %mul3A_1718 = arith.constant 32 : i32
      %mul3A_1719 = vector.broadcast %mul3A_1718 : i32 to vector<16xi32>
      %mul3A_1720 = arith.muli %min3A_1657, %mul3A_1719 : vector<16xi32>
      %add3A_1721 = arith.constant 16 : i32
      %add3A_1722 = vector.broadcast %add3A_1721 : i32 to vector<16xi32>
      %add3A_1723 = arith.addi %iota3A, %add3A_1722 : vector<16xi32>
      %add3A_1724 = arith.addi %mul3A_1720, %add3A_1723 : vector<16xi32>
      %gather3A_1725 = tpu.vector_load_idx %arg8[%add3A_1724] : memref<256xf32, #tpu.memory_space<vmem>>[vector<16xi32>], vector<16xf32>,
      %broadcast_in_dim3A_1726 = arith.constant 0 : i32
      %broadcast_in_dim3A_1727 = vector.broadcast %broadcast_in_dim3A_1726 : i32 to vector<16xi32>
      %max3A_1728 = arith.maximumf %gather3A_1669, %gather3A_1677 : vector<16xf32>
      %max3A_1729 = arith.maximumf %max3A_1728, %gather3A_1685 : vector<16xf32>
      %max3A_1730 = arith.maximumf %max3A_1729, %gather3A_1693 : vector<16xf32>
      %max3A_1731 = arith.maximumf %max3A_1730, %gather3A_1701 : vector<16xf32>
      %max3A_1732 = arith.maximumf %max3A_1731, %gather3A_1709 : vector<16xf32>
      %max3A_1733 = arith.maximumf %max3A_1732, %gather3A_1717 : vector<16xf32>
      %max3A_1734 = arith.maximumf %max3A_1733, %gather3A_1725 : vector<16xf32>
      %xor3A_1735 = arith.constant 8 : i32
      %xor3A_1736 = vector.broadcast %xor3A_1735 : i32 to vector<16xi32>
      %xor3A_1737 = arith.xori %iota3A, %xor3A_1736 : vector<16xi32>
      %lt3A_1738 = arith.constant 0 : i32
      %lt3A_1739 = vector.broadcast %lt3A_1738 : i32 to vector<16xi32>
      %lt3A_1740 = arith.cmpi slt, %xor3A_1737, %lt3A_1739 : vector<16xi32>
      %add3A_1741 = arith.constant 16 : i32
      %add3A_1742 = vector.broadcast %add3A_1741 : i32 to vector<16xi32>
      %add3A_1743 = arith.addi %xor3A_1737, %add3A_1742 : vector<16xi32>
      %select_n3A_1744 = arith.select %lt3A_1740, %add3A_1743, %xor3A_1737 : vector<16xi1>, vector<16xi32>
      %broadcast_in_dim3A_1745 = vector.shape_cast %select_n3A_1744 : vector<16xi32> to vector<16x1xi32>
      %gather3A_1746 = vector.shape_cast %broadcast_in_dim3A_1745 : vector<16x1xi32> to vector<16xi32>
      %gather3A_1747 = tpu.dynamic_gather %max3A_1734[%gather3A_1746] in [0] : vector<16xf32>, vector<16xi32> -> vector<16xf32>
      %max3A_1748 = arith.maximumf %max3A_1734, %gather3A_1747 : vector<16xf32>
      %xor3A_1749 = arith.constant 4 : i32
      %xor3A_1750 = vector.broadcast %xor3A_1749 : i32 to vector<16xi32>
      %xor3A_1751 = arith.xori %iota3A, %xor3A_1750 : vector<16xi32>
      %lt3A_1752 = arith.constant 0 : i32
      %lt3A_1753 = vector.broadcast %lt3A_1752 : i32 to vector<16xi32>
      %lt3A_1754 = arith.cmpi slt, %xor3A_1751, %lt3A_1753 : vector<16xi32>
      %add3A_1755 = arith.constant 16 : i32
      %add3A_1756 = vector.broadcast %add3A_1755 : i32 to vector<16xi32>
      %add3A_1757 = arith.addi %xor3A_1751, %add3A_1756 : vector<16xi32>
      %select_n3A_1758 = arith.select %lt3A_1754, %add3A_1757, %xor3A_1751 : vector<16xi1>, vector<16xi32>
      %broadcast_in_dim3A_1759 = vector.shape_cast %select_n3A_1758 : vector<16xi32> to vector<16x1xi32>
      %gather3A_1760 = vector.shape_cast %broadcast_in_dim3A_1759 : vector<16x1xi32> to vector<16xi32>
      %gather3A_1761 = tpu.dynamic_gather %max3A_1748[%gather3A_1760] in [0] : vector<16xf32>, vector<16xi32> -> vector<16xf32>
      %max3A_1762 = arith.maximumf %max3A_1748, %gather3A_1761 : vector<16xf32>
      %xor3A_1763 = arith.constant 2 : i32
      %xor3A_1764 = vector.broadcast %xor3A_1763 : i32 to vector<16xi32>
      %xor3A_1765 = arith.xori %iota3A, %xor3A_1764 : vector<16xi32>
      %lt3A_1766 = arith.constant 0 : i32
      %lt3A_1767 = vector.broadcast %lt3A_1766 : i32 to vector<16xi32>
      %lt3A_1768 = arith.cmpi slt, %xor3A_1765, %lt3A_1767 : vector<16xi32>
      %add3A_1769 = arith.constant 16 : i32
      %add3A_1770 = vector.broadcast %add3A_1769 : i32 to vector<16xi32>
      %add3A_1771 = arith.addi %xor3A_1765, %add3A_1770 : vector<16xi32>
      %select_n3A_1772 = arith.select %lt3A_1768, %add3A_1771, %xor3A_1765 : vector<16xi1>, vector<16xi32>
      %broadcast_in_dim3A_1773 = vector.shape_cast %select_n3A_1772 : vector<16xi32> to vector<16x1xi32>
      %gather3A_1774 = vector.shape_cast %broadcast_in_dim3A_1773 : vector<16x1xi32> to vector<16xi32>
      %gather3A_1775 = tpu.dynamic_gather %max3A_1762[%gather3A_1774] in [0] : vector<16xf32>, vector<16xi32> -> vector<16xf32>
      %max3A_1776 = arith.maximumf %max3A_1762, %gather3A_1775 : vector<16xf32>
      %xor3A_1777 = arith.constant 1 : i32
      %xor3A_1778 = vector.broadcast %xor3A_1777 : i32 to vector<16xi32>
      %xor3A_1779 = arith.xori %iota3A, %xor3A_1778 : vector<16xi32>
      %lt3A_1780 = arith.constant 0 : i32
      %lt3A_1781 = vector.broadcast %lt3A_1780 : i32 to vector<16xi32>
      %lt3A_1782 = arith.cmpi slt, %xor3A_1779, %lt3A_1781 : vector<16xi32>
      %add3A_1783 = arith.constant 16 : i32
      %add3A_1784 = vector.broadcast %add3A_1783 : i32 to vector<16xi32>
      %add3A_1785 = arith.addi %xor3A_1779, %add3A_1784 : vector<16xi32>
      %select_n3A_1786 = arith.select %lt3A_1782, %add3A_1785, %xor3A_1779 : vector<16xi1>, vector<16xi32>
      %broadcast_in_dim3A_1787 = vector.shape_cast %select_n3A_1786 : vector<16xi32> to vector<16x1xi32>
      %gather3A_1788 = vector.shape_cast %broadcast_in_dim3A_1787 : vector<16x1xi32> to vector<16xi32>
      %gather3A_1789 = tpu.dynamic_gather %max3A_1776[%gather3A_1788] in [0] : vector<16xf32>, vector<16xi32> -> vector<16xf32>
      %max3A_1790 = arith.maximumf %max3A_1776, %gather3A_1789 : vector<16xf32>
      %eq3A_1791 = arith.cmpf oeq, %gather3A_1669, %max3A_1790 : vector<16xf32>
      %jit3A_1792 = arith.constant 1073741824 : i32
      %broadcast_in_dim3A_1793 = vector.broadcast %jit3A_1792 : i32 to vector<16xi32>
      %select_n3A_1794 = arith.select %eq3A_1791, %add3A_1668, %broadcast_in_dim3A_1793 : vector<16xi1>, vector<16xi32>
      %eq3A_1795 = arith.cmpf oeq, %gather3A_1677, %max3A_1790 : vector<16xf32>
      %jit3A_1796 = arith.constant 1073741824 : i32
      %broadcast_in_dim3A_1797 = vector.broadcast %jit3A_1796 : i32 to vector<16xi32>
      %select_n3A_1798 = arith.select %eq3A_1795, %add3A_1676, %broadcast_in_dim3A_1797 : vector<16xi1>, vector<16xi32>
      %min3A_1799 = arith.minsi %select_n3A_1794, %select_n3A_1798 : vector<16xi32>
      %eq3A_1800 = arith.cmpf oeq, %gather3A_1685, %max3A_1790 : vector<16xf32>
      %jit3A_1801 = arith.constant 1073741824 : i32
      %broadcast_in_dim3A_1802 = vector.broadcast %jit3A_1801 : i32 to vector<16xi32>
      %select_n3A_1803 = arith.select %eq3A_1800, %add3A_1684, %broadcast_in_dim3A_1802 : vector<16xi1>, vector<16xi32>
      %min3A_1804 = arith.minsi %min3A_1799, %select_n3A_1803 : vector<16xi32>
      %eq3A_1805 = arith.cmpf oeq, %gather3A_1693, %max3A_1790 : vector<16xf32>
      %jit3A_1806 = arith.constant 1073741824 : i32
      %broadcast_in_dim3A_1807 = vector.broadcast %jit3A_1806 : i32 to vector<16xi32>
      %select_n3A_1808 = arith.select %eq3A_1805, %add3A_1692, %broadcast_in_dim3A_1807 : vector<16xi1>, vector<16xi32>
      %min3A_1809 = arith.minsi %min3A_1804, %select_n3A_1808 : vector<16xi32>
      %eq3A_1810 = arith.cmpf oeq, %gather3A_1701, %max3A_1790 : vector<16xf32>
      %jit3A_1811 = arith.constant 1073741824 : i32
      %broadcast_in_dim3A_1812 = vector.broadcast %jit3A_1811 : i32 to vector<16xi32>
      %select_n3A_1813 = arith.select %eq3A_1810, %add3A_1700, %broadcast_in_dim3A_1812 : vector<16xi1>, vector<16xi32>
      %min3A_1814 = arith.minsi %min3A_1809, %select_n3A_1813 : vector<16xi32>
      %eq3A_1815 = arith.cmpf oeq, %gather3A_1709, %max3A_1790 : vector<16xf32>
      %jit3A_1816 = arith.constant 1073741824 : i32
      %broadcast_in_dim3A_1817 = vector.broadcast %jit3A_1816 : i32 to vector<16xi32>
      %select_n3A_1818 = arith.select %eq3A_1815, %add3A_1708, %broadcast_in_dim3A_1817 : vector<16xi1>, vector<16xi32>
      %min3A_1819 = arith.minsi %min3A_1814, %select_n3A_1818 : vector<16xi32>
      %eq3A_1820 = arith.cmpf oeq, %gather3A_1717, %max3A_1790 : vector<16xf32>
      %jit3A_1821 = arith.constant 1073741824 : i32
      %broadcast_in_dim3A_1822 = vector.broadcast %jit3A_1821 : i32 to vector<16xi32>
      %select_n3A_1823 = arith.select %eq3A_1820, %add3A_1716, %broadcast_in_dim3A_1822 : vector<16xi1>, vector<16xi32>
      %min3A_1824 = arith.minsi %min3A_1819, %select_n3A_1823 : vector<16xi32>
      %eq3A_1825 = arith.cmpf oeq, %gather3A_1725, %max3A_1790 : vector<16xf32>
      %jit3A_1826 = arith.constant 1073741824 : i32
      %broadcast_in_dim3A_1827 = vector.broadcast %jit3A_1826 : i32 to vector<16xi32>
      %select_n3A_1828 = arith.select %eq3A_1825, %add3A_1724, %broadcast_in_dim3A_1827 : vector<16xi1>, vector<16xi32>
      %min3A_1829 = arith.minsi %min3A_1824, %select_n3A_1828 : vector<16xi32>
      %xor3A_1830 = arith.constant 8 : i32
      %xor3A_1831 = vector.broadcast %xor3A_1830 : i32 to vector<16xi32>
      %xor3A_1832 = arith.xori %iota3A, %xor3A_1831 : vector<16xi32>
      %lt3A_1833 = arith.constant 0 : i32
      %lt3A_1834 = vector.broadcast %lt3A_1833 : i32 to vector<16xi32>
      %lt3A_1835 = arith.cmpi slt, %xor3A_1832, %lt3A_1834 : vector<16xi32>
      %add3A_1836 = arith.constant 16 : i32
      %add3A_1837 = vector.broadcast %add3A_1836 : i32 to vector<16xi32>
      %add3A_1838 = arith.addi %xor3A_1832, %add3A_1837 : vector<16xi32>
      %select_n3A_1839 = arith.select %lt3A_1835, %add3A_1838, %xor3A_1832 : vector<16xi1>, vector<16xi32>
      %broadcast_in_dim3A_1840 = vector.shape_cast %select_n3A_1839 : vector<16xi32> to vector<16x1xi32>
      %gather3A_1841 = vector.shape_cast %broadcast_in_dim3A_1840 : vector<16x1xi32> to vector<16xi32>
      %gather3A_1842 = tpu.dynamic_gather %min3A_1829[%gather3A_1841] in [0] : vector<16xi32>, vector<16xi32> -> vector<16xi32>
      %min3A_1843 = arith.minsi %min3A_1829, %gather3A_1842 : vector<16xi32>
      %xor3A_1844 = arith.constant 4 : i32
      %xor3A_1845 = vector.broadcast %xor3A_1844 : i32 to vector<16xi32>
      %xor3A_1846 = arith.xori %iota3A, %xor3A_1845 : vector<16xi32>
      %lt3A_1847 = arith.constant 0 : i32
      %lt3A_1848 = vector.broadcast %lt3A_1847 : i32 to vector<16xi32>
      %lt3A_1849 = arith.cmpi slt, %xor3A_1846, %lt3A_1848 : vector<16xi32>
      %add3A_1850 = arith.constant 16 : i32
      %add3A_1851 = vector.broadcast %add3A_1850 : i32 to vector<16xi32>
      %add3A_1852 = arith.addi %xor3A_1846, %add3A_1851 : vector<16xi32>
      %select_n3A_1853 = arith.select %lt3A_1849, %add3A_1852, %xor3A_1846 : vector<16xi1>, vector<16xi32>
      %broadcast_in_dim3A_1854 = vector.shape_cast %select_n3A_1853 : vector<16xi32> to vector<16x1xi32>
      %gather3A_1855 = vector.shape_cast %broadcast_in_dim3A_1854 : vector<16x1xi32> to vector<16xi32>
      %gather3A_1856 = tpu.dynamic_gather %min3A_1843[%gather3A_1855] in [0] : vector<16xi32>, vector<16xi32> -> vector<16xi32>
      %min3A_1857 = arith.minsi %min3A_1843, %gather3A_1856 : vector<16xi32>
      %xor3A_1858 = arith.constant 2 : i32
      %xor3A_1859 = vector.broadcast %xor3A_1858 : i32 to vector<16xi32>
      %xor3A_1860 = arith.xori %iota3A, %xor3A_1859 : vector<16xi32>
      %lt3A_1861 = arith.constant 0 : i32
      %lt3A_1862 = vector.broadcast %lt3A_1861 : i32 to vector<16xi32>
      %lt3A_1863 = arith.cmpi slt, %xor3A_1860, %lt3A_1862 : vector<16xi32>
      %add3A_1864 = arith.constant 16 : i32
      %add3A_1865 = vector.broadcast %add3A_1864 : i32 to vector<16xi32>
      %add3A_1866 = arith.addi %xor3A_1860, %add3A_1865 : vector<16xi32>
      %select_n3A_1867 = arith.select %lt3A_1863, %add3A_1866, %xor3A_1860 : vector<16xi1>, vector<16xi32>
      %broadcast_in_dim3A_1868 = vector.shape_cast %select_n3A_1867 : vector<16xi32> to vector<16x1xi32>
      %gather3A_1869 = vector.shape_cast %broadcast_in_dim3A_1868 : vector<16x1xi32> to vector<16xi32>
      %gather3A_1870 = tpu.dynamic_gather %min3A_1857[%gather3A_1869] in [0] : vector<16xi32>, vector<16xi32> -> vector<16xi32>
      %min3A_1871 = arith.minsi %min3A_1857, %gather3A_1870 : vector<16xi32>
      %xor3A_1872 = arith.constant 1 : i32
      %xor3A_1873 = vector.broadcast %xor3A_1872 : i32 to vector<16xi32>
      %xor3A_1874 = arith.xori %iota3A, %xor3A_1873 : vector<16xi32>
      %lt3A_1875 = arith.constant 0 : i32
      %lt3A_1876 = vector.broadcast %lt3A_1875 : i32 to vector<16xi32>
      %lt3A_1877 = arith.cmpi slt, %xor3A_1874, %lt3A_1876 : vector<16xi32>
      %add3A_1878 = arith.constant 16 : i32
      %add3A_1879 = vector.broadcast %add3A_1878 : i32 to vector<16xi32>
      %add3A_1880 = arith.addi %xor3A_1874, %add3A_1879 : vector<16xi32>
      %select_n3A_1881 = arith.select %lt3A_1877, %add3A_1880, %xor3A_1874 : vector<16xi1>, vector<16xi32>
      %broadcast_in_dim3A_1882 = vector.shape_cast %select_n3A_1881 : vector<16xi32> to vector<16x1xi32>
      %gather3A_1883 = vector.shape_cast %broadcast_in_dim3A_1882 : vector<16x1xi32> to vector<16xi32>
      %gather3A_1884 = tpu.dynamic_gather %min3A_1871[%gather3A_1883] in [0] : vector<16xi32>, vector<16xi32> -> vector<16xi32>
      %min3A_1885 = arith.minsi %min3A_1871, %gather3A_1884 : vector<16xi32>
      %eq3A_1886 = arith.constant 0 : i32
      %eq3A_1887 = vector.broadcast %eq3A_1886 : i32 to vector<16xi32>
      %eq3A_1888 = arith.cmpi eq, %iota3A, %eq3A_1887 : vector<16xi32>
      %select_n3A_1889 = arith.select %eq3A_1888, %min3A_1885, %broadcast_in_dim3A_1727 : vector<16xi1>, vector<16xi32>
      %eq3A_1890 = arith.cmpi eq, %add3A_1668, %min3A_1885 : vector<16xi32>
      %jit3A_1891 = arith.constant 0xFF800000 : f32
      %broadcast_in_dim3A_1892 = vector.broadcast %jit3A_1891 : f32 to vector<16xf32>
      %select_n3A_1893 = arith.select %eq3A_1890, %broadcast_in_dim3A_1892, %gather3A_1669 : vector<16xi1>, vector<16xf32>
      %eq3A_1894 = arith.cmpi eq, %add3A_1676, %min3A_1885 : vector<16xi32>
      %jit3A_1895 = arith.constant 0xFF800000 : f32
      %broadcast_in_dim3A_1896 = vector.broadcast %jit3A_1895 : f32 to vector<16xf32>
      %select_n3A_1897 = arith.select %eq3A_1894, %broadcast_in_dim3A_1896, %gather3A_1677 : vector<16xi1>, vector<16xf32>
      %eq3A_1898 = arith.cmpi eq, %add3A_1684, %min3A_1885 : vector<16xi32>
      %jit3A_1899 = arith.constant 0xFF800000 : f32
      %broadcast_in_dim3A_1900 = vector.broadcast %jit3A_1899 : f32 to vector<16xf32>
      %select_n3A_1901 = arith.select %eq3A_1898, %broadcast_in_dim3A_1900, %gather3A_1685 : vector<16xi1>, vector<16xf32>
      %eq3A_1902 = arith.cmpi eq, %add3A_1692, %min3A_1885 : vector<16xi32>
      %jit3A_1903 = arith.constant 0xFF800000 : f32
      %broadcast_in_dim3A_1904 = vector.broadcast %jit3A_1903 : f32 to vector<16xf32>
      %select_n3A_1905 = arith.select %eq3A_1902, %broadcast_in_dim3A_1904, %gather3A_1693 : vector<16xi1>, vector<16xf32>
      %eq3A_1906 = arith.cmpi eq, %add3A_1700, %min3A_1885 : vector<16xi32>
      %jit3A_1907 = arith.constant 0xFF800000 : f32
      %broadcast_in_dim3A_1908 = vector.broadcast %jit3A_1907 : f32 to vector<16xf32>
      %select_n3A_1909 = arith.select %eq3A_1906, %broadcast_in_dim3A_1908, %gather3A_1701 : vector<16xi1>, vector<16xf32>
      %eq3A_1910 = arith.cmpi eq, %add3A_1708, %min3A_1885 : vector<16xi32>
      %jit3A_1911 = arith.constant 0xFF800000 : f32
      %broadcast_in_dim3A_1912 = vector.broadcast %jit3A_1911 : f32 to vector<16xf32>
      %select_n3A_1913 = arith.select %eq3A_1910, %broadcast_in_dim3A_1912, %gather3A_1709 : vector<16xi1>, vector<16xf32>
      %eq3A_1914 = arith.cmpi eq, %add3A_1716, %min3A_1885 : vector<16xi32>
      %jit3A_1915 = arith.constant 0xFF800000 : f32
      %broadcast_in_dim3A_1916 = vector.broadcast %jit3A_1915 : f32 to vector<16xf32>
      %select_n3A_1917 = arith.select %eq3A_1914, %broadcast_in_dim3A_1916, %gather3A_1717 : vector<16xi1>, vector<16xf32>
      %eq3A_1918 = arith.cmpi eq, %add3A_1724, %min3A_1885 : vector<16xi32>
      %jit3A_1919 = arith.constant 0xFF800000 : f32
      %broadcast_in_dim3A_1920 = vector.broadcast %jit3A_1919 : f32 to vector<16xf32>
      %select_n3A_1921 = arith.select %eq3A_1918, %broadcast_in_dim3A_1920, %gather3A_1725 : vector<16xi1>, vector<16xf32>
      %max3A_1922 = arith.maximumf %select_n3A_1893, %select_n3A_1897 : vector<16xf32>
      %max3A_1923 = arith.maximumf %max3A_1922, %select_n3A_1901 : vector<16xf32>
      %max3A_1924 = arith.maximumf %max3A_1923, %select_n3A_1905 : vector<16xf32>
      %max3A_1925 = arith.maximumf %max3A_1924, %select_n3A_1909 : vector<16xf32>
      %max3A_1926 = arith.maximumf %max3A_1925, %select_n3A_1913 : vector<16xf32>
      %max3A_1927 = arith.maximumf %max3A_1926, %select_n3A_1917 : vector<16xf32>
      %max3A_1928 = arith.maximumf %max3A_1927, %select_n3A_1921 : vector<16xf32>
      %xor3A_1929 = arith.constant 8 : i32
      %xor3A_1930 = vector.broadcast %xor3A_1929 : i32 to vector<16xi32>
      %xor3A_1931 = arith.xori %iota3A, %xor3A_1930 : vector<16xi32>
      %lt3A_1932 = arith.constant 0 : i32
      %lt3A_1933 = vector.broadcast %lt3A_1932 : i32 to vector<16xi32>
      %lt3A_1934 = arith.cmpi slt, %xor3A_1931, %lt3A_1933 : vector<16xi32>
      %add3A_1935 = arith.constant 16 : i32
      %add3A_1936 = vector.broadcast %add3A_1935 : i32 to vector<16xi32>
      %add3A_1937 = arith.addi %xor3A_1931, %add3A_1936 : vector<16xi32>
      %select_n3A_1938 = arith.select %lt3A_1934, %add3A_1937, %xor3A_1931 : vector<16xi1>, vector<16xi32>
      %broadcast_in_dim3A_1939 = vector.shape_cast %select_n3A_1938 : vector<16xi32> to vector<16x1xi32>
      %gather3A_1940 = vector.shape_cast %broadcast_in_dim3A_1939 : vector<16x1xi32> to vector<16xi32>
      %gather3A_1941 = tpu.dynamic_gather %max3A_1928[%gather3A_1940] in [0] : vector<16xf32>, vector<16xi32> -> vector<16xf32>
      %max3A_1942 = arith.maximumf %max3A_1928, %gather3A_1941 : vector<16xf32>
      %xor3A_1943 = arith.constant 4 : i32
      %xor3A_1944 = vector.broadcast %xor3A_1943 : i32 to vector<16xi32>
      %xor3A_1945 = arith.xori %iota3A, %xor3A_1944 : vector<16xi32>
      %lt3A_1946 = arith.constant 0 : i32
      %lt3A_1947 = vector.broadcast %lt3A_1946 : i32 to vector<16xi32>
      %lt3A_1948 = arith.cmpi slt, %xor3A_1945, %lt3A_1947 : vector<16xi32>
      %add3A_1949 = arith.constant 16 : i32
      %add3A_1950 = vector.broadcast %add3A_1949 : i32 to vector<16xi32>
      %add3A_1951 = arith.addi %xor3A_1945, %add3A_1950 : vector<16xi32>
      %select_n3A_1952 = arith.select %lt3A_1948, %add3A_1951, %xor3A_1945 : vector<16xi1>, vector<16xi32>
      %broadcast_in_dim3A_1953 = vector.shape_cast %select_n3A_1952 : vector<16xi32> to vector<16x1xi32>
      %gather3A_1954 = vector.shape_cast %broadcast_in_dim3A_1953 : vector<16x1xi32> to vector<16xi32>
      %gather3A_1955 = tpu.dynamic_gather %max3A_1942[%gather3A_1954] in [0] : vector<16xf32>, vector<16xi32> -> vector<16xf32>
      %max3A_1956 = arith.maximumf %max3A_1942, %gather3A_1955 : vector<16xf32>
      %xor3A_1957 = arith.constant 2 : i32
      %xor3A_1958 = vector.broadcast %xor3A_1957 : i32 to vector<16xi32>
      %xor3A_1959 = arith.xori %iota3A, %xor3A_1958 : vector<16xi32>
      %lt3A_1960 = arith.constant 0 : i32
      %lt3A_1961 = vector.broadcast %lt3A_1960 : i32 to vector<16xi32>
      %lt3A_1962 = arith.cmpi slt, %xor3A_1959, %lt3A_1961 : vector<16xi32>
      %add3A_1963 = arith.constant 16 : i32
      %add3A_1964 = vector.broadcast %add3A_1963 : i32 to vector<16xi32>
      %add3A_1965 = arith.addi %xor3A_1959, %add3A_1964 : vector<16xi32>
      %select_n3A_1966 = arith.select %lt3A_1962, %add3A_1965, %xor3A_1959 : vector<16xi1>, vector<16xi32>
      %broadcast_in_dim3A_1967 = vector.shape_cast %select_n3A_1966 : vector<16xi32> to vector<16x1xi32>
      %gather3A_1968 = vector.shape_cast %broadcast_in_dim3A_1967 : vector<16x1xi32> to vector<16xi32>
      %gather3A_1969 = tpu.dynamic_gather %max3A_1956[%gather3A_1968] in [0] : vector<16xf32>, vector<16xi32> -> vector<16xf32>
      %max3A_1970 = arith.maximumf %max3A_1956, %gather3A_1969 : vector<16xf32>
      %xor3A_1971 = arith.constant 1 : i32
      %xor3A_1972 = vector.broadcast %xor3A_1971 : i32 to vector<16xi32>
      %xor3A_1973 = arith.xori %iota3A, %xor3A_1972 : vector<16xi32>
      %lt3A_1974 = arith.constant 0 : i32
      %lt3A_1975 = vector.broadcast %lt3A_1974 : i32 to vector<16xi32>
      %lt3A_1976 = arith.cmpi slt, %xor3A_1973, %lt3A_1975 : vector<16xi32>
      %add3A_1977 = arith.constant 16 : i32
      %add3A_1978 = vector.broadcast %add3A_1977 : i32 to vector<16xi32>
      %add3A_1979 = arith.addi %xor3A_1973, %add3A_1978 : vector<16xi32>
      %select_n3A_1980 = arith.select %lt3A_1976, %add3A_1979, %xor3A_1973 : vector<16xi1>, vector<16xi32>
      %broadcast_in_dim3A_1981 = vector.shape_cast %select_n3A_1980 : vector<16xi32> to vector<16x1xi32>
      %gather3A_1982 = vector.shape_cast %broadcast_in_dim3A_1981 : vector<16x1xi32> to vector<16xi32>
      %gather3A_1983 = tpu.dynamic_gather %max3A_1970[%gather3A_1982] in [0] : vector<16xf32>, vector<16xi32> -> vector<16xf32>
      %max3A_1984 = arith.maximumf %max3A_1970, %gather3A_1983 : vector<16xf32>
      %eq3A_1985 = arith.cmpf oeq, %select_n3A_1893, %max3A_1984 : vector<16xf32>
      %jit3A_1986 = arith.constant 1073741824 : i32
      %broadcast_in_dim3A_1987 = vector.broadcast %jit3A_1986 : i32 to vector<16xi32>
      %select_n3A_1988 = arith.select %eq3A_1985, %add3A_1668, %broadcast_in_dim3A_1987 : vector<16xi1>, vector<16xi32>
      %eq3A_1989 = arith.cmpf oeq, %select_n3A_1897, %max3A_1984 : vector<16xf32>
      %jit3A_1990 = arith.constant 1073741824 : i32
      %broadcast_in_dim3A_1991 = vector.broadcast %jit3A_1990 : i32 to vector<16xi32>
      %select_n3A_1992 = arith.select %eq3A_1989, %add3A_1676, %broadcast_in_dim3A_1991 : vector<16xi1>, vector<16xi32>
      %min3A_1993 = arith.minsi %select_n3A_1988, %select_n3A_1992 : vector<16xi32>
      %eq3A_1994 = arith.cmpf oeq, %select_n3A_1901, %max3A_1984 : vector<16xf32>
      %jit3A_1995 = arith.constant 1073741824 : i32
      %broadcast_in_dim3A_1996 = vector.broadcast %jit3A_1995 : i32 to vector<16xi32>
      %select_n3A_1997 = arith.select %eq3A_1994, %add3A_1684, %broadcast_in_dim3A_1996 : vector<16xi1>, vector<16xi32>
      %min3A_1998 = arith.minsi %min3A_1993, %select_n3A_1997 : vector<16xi32>
      %eq3A_1999 = arith.cmpf oeq, %select_n3A_1905, %max3A_1984 : vector<16xf32>
      %jit3A_2000 = arith.constant 1073741824 : i32
      %broadcast_in_dim3A_2001 = vector.broadcast %jit3A_2000 : i32 to vector<16xi32>
      %select_n3A_2002 = arith.select %eq3A_1999, %add3A_1692, %broadcast_in_dim3A_2001 : vector<16xi1>, vector<16xi32>
      %min3A_2003 = arith.minsi %min3A_1998, %select_n3A_2002 : vector<16xi32>
      %eq3A_2004 = arith.cmpf oeq, %select_n3A_1909, %max3A_1984 : vector<16xf32>
      %jit3A_2005 = arith.constant 1073741824 : i32
      %broadcast_in_dim3A_2006 = vector.broadcast %jit3A_2005 : i32 to vector<16xi32>
      %select_n3A_2007 = arith.select %eq3A_2004, %add3A_1700, %broadcast_in_dim3A_2006 : vector<16xi1>, vector<16xi32>
      %min3A_2008 = arith.minsi %min3A_2003, %select_n3A_2007 : vector<16xi32>
      %eq3A_2009 = arith.cmpf oeq, %select_n3A_1913, %max3A_1984 : vector<16xf32>
      %jit3A_2010 = arith.constant 1073741824 : i32
      %broadcast_in_dim3A_2011 = vector.broadcast %jit3A_2010 : i32 to vector<16xi32>
      %select_n3A_2012 = arith.select %eq3A_2009, %add3A_1708, %broadcast_in_dim3A_2011 : vector<16xi1>, vector<16xi32>
      %min3A_2013 = arith.minsi %min3A_2008, %select_n3A_2012 : vector<16xi32>
      %eq3A_2014 = arith.cmpf oeq, %select_n3A_1917, %max3A_1984 : vector<16xf32>
      %jit3A_2015 = arith.constant 1073741824 : i32
      %broadcast_in_dim3A_2016 = vector.broadcast %jit3A_2015 : i32 to vector<16xi32>
      %select_n3A_2017 = arith.select %eq3A_2014, %add3A_1716, %broadcast_in_dim3A_2016 : vector<16xi1>, vector<16xi32>
      %min3A_2018 = arith.minsi %min3A_2013, %select_n3A_2017 : vector<16xi32>
      %eq3A_2019 = arith.cmpf oeq, %select_n3A_1921, %max3A_1984 : vector<16xf32>
      %jit3A_2020 = arith.constant 1073741824 : i32
      %broadcast_in_dim3A_2021 = vector.broadcast %jit3A_2020 : i32 to vector<16xi32>
      %select_n3A_2022 = arith.select %eq3A_2019, %add3A_1724, %broadcast_in_dim3A_2021 : vector<16xi1>, vector<16xi32>
      %min3A_2023 = arith.minsi %min3A_2018, %select_n3A_2022 : vector<16xi32>
      %xor3A_2024 = arith.constant 8 : i32
      %xor3A_2025 = vector.broadcast %xor3A_2024 : i32 to vector<16xi32>
      %xor3A_2026 = arith.xori %iota3A, %xor3A_2025 : vector<16xi32>
      %lt3A_2027 = arith.constant 0 : i32
      %lt3A_2028 = vector.broadcast %lt3A_2027 : i32 to vector<16xi32>
      %lt3A_2029 = arith.cmpi slt, %xor3A_2026, %lt3A_2028 : vector<16xi32>
      %add3A_2030 = arith.constant 16 : i32
      %add3A_2031 = vector.broadcast %add3A_2030 : i32 to vector<16xi32>
      %add3A_2032 = arith.addi %xor3A_2026, %add3A_2031 : vector<16xi32>
      %select_n3A_2033 = arith.select %lt3A_2029, %add3A_2032, %xor3A_2026 : vector<16xi1>, vector<16xi32>
      %broadcast_in_dim3A_2034 = vector.shape_cast %select_n3A_2033 : vector<16xi32> to vector<16x1xi32>
      %gather3A_2035 = vector.shape_cast %broadcast_in_dim3A_2034 : vector<16x1xi32> to vector<16xi32>
      %gather3A_2036 = tpu.dynamic_gather %min3A_2023[%gather3A_2035] in [0] : vector<16xi32>, vector<16xi32> -> vector<16xi32>
      %min3A_2037 = arith.minsi %min3A_2023, %gather3A_2036 : vector<16xi32>
      %xor3A_2038 = arith.constant 4 : i32
      %xor3A_2039 = vector.broadcast %xor3A_2038 : i32 to vector<16xi32>
      %xor3A_2040 = arith.xori %iota3A, %xor3A_2039 : vector<16xi32>
      %lt3A_2041 = arith.constant 0 : i32
      %lt3A_2042 = vector.broadcast %lt3A_2041 : i32 to vector<16xi32>
      %lt3A_2043 = arith.cmpi slt, %xor3A_2040, %lt3A_2042 : vector<16xi32>
      %add3A_2044 = arith.constant 16 : i32
      %add3A_2045 = vector.broadcast %add3A_2044 : i32 to vector<16xi32>
      %add3A_2046 = arith.addi %xor3A_2040, %add3A_2045 : vector<16xi32>
      %select_n3A_2047 = arith.select %lt3A_2043, %add3A_2046, %xor3A_2040 : vector<16xi1>, vector<16xi32>
      %broadcast_in_dim3A_2048 = vector.shape_cast %select_n3A_2047 : vector<16xi32> to vector<16x1xi32>
      %gather3A_2049 = vector.shape_cast %broadcast_in_dim3A_2048 : vector<16x1xi32> to vector<16xi32>
      %gather3A_2050 = tpu.dynamic_gather %min3A_2037[%gather3A_2049] in [0] : vector<16xi32>, vector<16xi32> -> vector<16xi32>
      %min3A_2051 = arith.minsi %min3A_2037, %gather3A_2050 : vector<16xi32>
      %xor3A_2052 = arith.constant 2 : i32
      %xor3A_2053 = vector.broadcast %xor3A_2052 : i32 to vector<16xi32>
      %xor3A_2054 = arith.xori %iota3A, %xor3A_2053 : vector<16xi32>
      %lt3A_2055 = arith.constant 0 : i32
      %lt3A_2056 = vector.broadcast %lt3A_2055 : i32 to vector<16xi32>
      %lt3A_2057 = arith.cmpi slt, %xor3A_2054, %lt3A_2056 : vector<16xi32>
      %add3A_2058 = arith.constant 16 : i32
      %add3A_2059 = vector.broadcast %add3A_2058 : i32 to vector<16xi32>
      %add3A_2060 = arith.addi %xor3A_2054, %add3A_2059 : vector<16xi32>
      %select_n3A_2061 = arith.select %lt3A_2057, %add3A_2060, %xor3A_2054 : vector<16xi1>, vector<16xi32>
      %broadcast_in_dim3A_2062 = vector.shape_cast %select_n3A_2061 : vector<16xi32> to vector<16x1xi32>
      %gather3A_2063 = vector.shape_cast %broadcast_in_dim3A_2062 : vector<16x1xi32> to vector<16xi32>
      %gather3A_2064 = tpu.dynamic_gather %min3A_2051[%gather3A_2063] in [0] : vector<16xi32>, vector<16xi32> -> vector<16xi32>
      %min3A_2065 = arith.minsi %min3A_2051, %gather3A_2064 : vector<16xi32>
      %xor3A_2066 = arith.constant 1 : i32
      %xor3A_2067 = vector.broadcast %xor3A_2066 : i32 to vector<16xi32>
      %xor3A_2068 = arith.xori %iota3A, %xor3A_2067 : vector<16xi32>
      %lt3A_2069 = arith.constant 0 : i32
      %lt3A_2070 = vector.broadcast %lt3A_2069 : i32 to vector<16xi32>
      %lt3A_2071 = arith.cmpi slt, %xor3A_2068, %lt3A_2070 : vector<16xi32>
      %add3A_2072 = arith.constant 16 : i32
      %add3A_2073 = vector.broadcast %add3A_2072 : i32 to vector<16xi32>
      %add3A_2074 = arith.addi %xor3A_2068, %add3A_2073 : vector<16xi32>
      %select_n3A_2075 = arith.select %lt3A_2071, %add3A_2074, %xor3A_2068 : vector<16xi1>, vector<16xi32>
      %broadcast_in_dim3A_2076 = vector.shape_cast %select_n3A_2075 : vector<16xi32> to vector<16x1xi32>
      %gather3A_2077 = vector.shape_cast %broadcast_in_dim3A_2076 : vector<16x1xi32> to vector<16xi32>
      %gather3A_2078 = tpu.dynamic_gather %min3A_2065[%gather3A_2077] in [0] : vector<16xi32>, vector<16xi32> -> vector<16xi32>
      %min3A_2079 = arith.minsi %min3A_2065, %gather3A_2078 : vector<16xi32>
      %eq3A_2080 = arith.constant 1 : i32
      %eq3A_2081 = vector.broadcast %eq3A_2080 : i32 to vector<16xi32>
      %eq3A_2082 = arith.cmpi eq, %iota3A, %eq3A_2081 : vector<16xi32>
      %select_n3A_2083 = arith.select %eq3A_2082, %min3A_2079, %select_n3A_1889 : vector<16xi1>, vector<16xi32>
      %eq3A_2084 = arith.cmpi eq, %add3A_1668, %min3A_2079 : vector<16xi32>
      %jit3A_2085 = arith.constant 0xFF800000 : f32
      %broadcast_in_dim3A_2086 = vector.broadcast %jit3A_2085 : f32 to vector<16xf32>
      %select_n3A_2087 = arith.select %eq3A_2084, %broadcast_in_dim3A_2086, %select_n3A_1893 : vector<16xi1>, vector<16xf32>
      %eq3A_2088 = arith.cmpi eq, %add3A_1676, %min3A_2079 : vector<16xi32>
      %jit3A_2089 = arith.constant 0xFF800000 : f32
      %broadcast_in_dim3A_2090 = vector.broadcast %jit3A_2089 : f32 to vector<16xf32>
      %select_n3A_2091 = arith.select %eq3A_2088, %broadcast_in_dim3A_2090, %select_n3A_1897 : vector<16xi1>, vector<16xf32>
      %eq3A_2092 = arith.cmpi eq, %add3A_1684, %min3A_2079 : vector<16xi32>
      %jit3A_2093 = arith.constant 0xFF800000 : f32
      %broadcast_in_dim3A_2094 = vector.broadcast %jit3A_2093 : f32 to vector<16xf32>
      %select_n3A_2095 = arith.select %eq3A_2092, %broadcast_in_dim3A_2094, %select_n3A_1901 : vector<16xi1>, vector<16xf32>
      %eq3A_2096 = arith.cmpi eq, %add3A_1692, %min3A_2079 : vector<16xi32>
      %jit3A_2097 = arith.constant 0xFF800000 : f32
      %broadcast_in_dim3A_2098 = vector.broadcast %jit3A_2097 : f32 to vector<16xf32>
      %select_n3A_2099 = arith.select %eq3A_2096, %broadcast_in_dim3A_2098, %select_n3A_1905 : vector<16xi1>, vector<16xf32>
      %eq3A_2100 = arith.cmpi eq, %add3A_1700, %min3A_2079 : vector<16xi32>
      %jit3A_2101 = arith.constant 0xFF800000 : f32
      %broadcast_in_dim3A_2102 = vector.broadcast %jit3A_2101 : f32 to vector<16xf32>
      %select_n3A_2103 = arith.select %eq3A_2100, %broadcast_in_dim3A_2102, %select_n3A_1909 : vector<16xi1>, vector<16xf32>
      %eq3A_2104 = arith.cmpi eq, %add3A_1708, %min3A_2079 : vector<16xi32>
      %jit3A_2105 = arith.constant 0xFF800000 : f32
      %broadcast_in_dim3A_2106 = vector.broadcast %jit3A_2105 : f32 to vector<16xf32>
      %select_n3A_2107 = arith.select %eq3A_2104, %broadcast_in_dim3A_2106, %select_n3A_1913 : vector<16xi1>, vector<16xf32>
      %eq3A_2108 = arith.cmpi eq, %add3A_1716, %min3A_2079 : vector<16xi32>
      %jit3A_2109 = arith.constant 0xFF800000 : f32
      %broadcast_in_dim3A_2110 = vector.broadcast %jit3A_2109 : f32 to vector<16xf32>
      %select_n3A_2111 = arith.select %eq3A_2108, %broadcast_in_dim3A_2110, %select_n3A_1917 : vector<16xi1>, vector<16xf32>
      %eq3A_2112 = arith.cmpi eq, %add3A_1724, %min3A_2079 : vector<16xi32>
      %jit3A_2113 = arith.constant 0xFF800000 : f32
      %broadcast_in_dim3A_2114 = vector.broadcast %jit3A_2113 : f32 to vector<16xf32>
      %select_n3A_2115 = arith.select %eq3A_2112, %broadcast_in_dim3A_2114, %select_n3A_1921 : vector<16xi1>, vector<16xf32>
      %max3A_2116 = arith.maximumf %select_n3A_2087, %select_n3A_2091 : vector<16xf32>
      %max3A_2117 = arith.maximumf %max3A_2116, %select_n3A_2095 : vector<16xf32>
      %max3A_2118 = arith.maximumf %max3A_2117, %select_n3A_2099 : vector<16xf32>
      %max3A_2119 = arith.maximumf %max3A_2118, %select_n3A_2103 : vector<16xf32>
      %max3A_2120 = arith.maximumf %max3A_2119, %select_n3A_2107 : vector<16xf32>
      %max3A_2121 = arith.maximumf %max3A_2120, %select_n3A_2111 : vector<16xf32>
      %max3A_2122 = arith.maximumf %max3A_2121, %select_n3A_2115 : vector<16xf32>
      %xor3A_2123 = arith.constant 8 : i32
      %xor3A_2124 = vector.broadcast %xor3A_2123 : i32 to vector<16xi32>
      %xor3A_2125 = arith.xori %iota3A, %xor3A_2124 : vector<16xi32>
      %lt3A_2126 = arith.constant 0 : i32
      %lt3A_2127 = vector.broadcast %lt3A_2126 : i32 to vector<16xi32>
      %lt3A_2128 = arith.cmpi slt, %xor3A_2125, %lt3A_2127 : vector<16xi32>
      %add3A_2129 = arith.constant 16 : i32
      %add3A_2130 = vector.broadcast %add3A_2129 : i32 to vector<16xi32>
      %add3A_2131 = arith.addi %xor3A_2125, %add3A_2130 : vector<16xi32>
      %select_n3A_2132 = arith.select %lt3A_2128, %add3A_2131, %xor3A_2125 : vector<16xi1>, vector<16xi32>
      %broadcast_in_dim3A_2133 = vector.shape_cast %select_n3A_2132 : vector<16xi32> to vector<16x1xi32>
      %gather3A_2134 = vector.shape_cast %broadcast_in_dim3A_2133 : vector<16x1xi32> to vector<16xi32>
      %gather3A_2135 = tpu.dynamic_gather %max3A_2122[%gather3A_2134] in [0] : vector<16xf32>, vector<16xi32> -> vector<16xf32>
      %max3A_2136 = arith.maximumf %max3A_2122, %gather3A_2135 : vector<16xf32>
      %xor3A_2137 = arith.constant 4 : i32
      %xor3A_2138 = vector.broadcast %xor3A_2137 : i32 to vector<16xi32>
      %xor3A_2139 = arith.xori %iota3A, %xor3A_2138 : vector<16xi32>
      %lt3A_2140 = arith.constant 0 : i32
      %lt3A_2141 = vector.broadcast %lt3A_2140 : i32 to vector<16xi32>
      %lt3A_2142 = arith.cmpi slt, %xor3A_2139, %lt3A_2141 : vector<16xi32>
      %add3A_2143 = arith.constant 16 : i32
      %add3A_2144 = vector.broadcast %add3A_2143 : i32 to vector<16xi32>
      %add3A_2145 = arith.addi %xor3A_2139, %add3A_2144 : vector<16xi32>
      %select_n3A_2146 = arith.select %lt3A_2142, %add3A_2145, %xor3A_2139 : vector<16xi1>, vector<16xi32>
      %broadcast_in_dim3A_2147 = vector.shape_cast %select_n3A_2146 : vector<16xi32> to vector<16x1xi32>
      %gather3A_2148 = vector.shape_cast %broadcast_in_dim3A_2147 : vector<16x1xi32> to vector<16xi32>
      %gather3A_2149 = tpu.dynamic_gather %max3A_2136[%gather3A_2148] in [0] : vector<16xf32>, vector<16xi32> -> vector<16xf32>
      %max3A_2150 = arith.maximumf %max3A_2136, %gather3A_2149 : vector<16xf32>
      %xor3A_2151 = arith.constant 2 : i32
      %xor3A_2152 = vector.broadcast %xor3A_2151 : i32 to vector<16xi32>
      %xor3A_2153 = arith.xori %iota3A, %xor3A_2152 : vector<16xi32>
      %lt3A_2154 = arith.constant 0 : i32
      %lt3A_2155 = vector.broadcast %lt3A_2154 : i32 to vector<16xi32>
      %lt3A_2156 = arith.cmpi slt, %xor3A_2153, %lt3A_2155 : vector<16xi32>
      %add3A_2157 = arith.constant 16 : i32
      %add3A_2158 = vector.broadcast %add3A_2157 : i32 to vector<16xi32>
      %add3A_2159 = arith.addi %xor3A_2153, %add3A_2158 : vector<16xi32>
      %select_n3A_2160 = arith.select %lt3A_2156, %add3A_2159, %xor3A_2153 : vector<16xi1>, vector<16xi32>
      %broadcast_in_dim3A_2161 = vector.shape_cast %select_n3A_2160 : vector<16xi32> to vector<16x1xi32>
      %gather3A_2162 = vector.shape_cast %broadcast_in_dim3A_2161 : vector<16x1xi32> to vector<16xi32>
      %gather3A_2163 = tpu.dynamic_gather %max3A_2150[%gather3A_2162] in [0] : vector<16xf32>, vector<16xi32> -> vector<16xf32>
      %max3A_2164 = arith.maximumf %max3A_2150, %gather3A_2163 : vector<16xf32>
      %xor3A_2165 = arith.constant 1 : i32
      %xor3A_2166 = vector.broadcast %xor3A_2165 : i32 to vector<16xi32>
      %xor3A_2167 = arith.xori %iota3A, %xor3A_2166 : vector<16xi32>
      %lt3A_2168 = arith.constant 0 : i32
      %lt3A_2169 = vector.broadcast %lt3A_2168 : i32 to vector<16xi32>
      %lt3A_2170 = arith.cmpi slt, %xor3A_2167, %lt3A_2169 : vector<16xi32>
      %add3A_2171 = arith.constant 16 : i32
      %add3A_2172 = vector.broadcast %add3A_2171 : i32 to vector<16xi32>
      %add3A_2173 = arith.addi %xor3A_2167, %add3A_2172 : vector<16xi32>
      %select_n3A_2174 = arith.select %lt3A_2170, %add3A_2173, %xor3A_2167 : vector<16xi1>, vector<16xi32>
      %broadcast_in_dim3A_2175 = vector.shape_cast %select_n3A_2174 : vector<16xi32> to vector<16x1xi32>
      %gather3A_2176 = vector.shape_cast %broadcast_in_dim3A_2175 : vector<16x1xi32> to vector<16xi32>
      %gather3A_2177 = tpu.dynamic_gather %max3A_2164[%gather3A_2176] in [0] : vector<16xf32>, vector<16xi32> -> vector<16xf32>
      %max3A_2178 = arith.maximumf %max3A_2164, %gather3A_2177 : vector<16xf32>
      %eq3A_2179 = arith.cmpf oeq, %select_n3A_2087, %max3A_2178 : vector<16xf32>
      %jit3A_2180 = arith.constant 1073741824 : i32
      %broadcast_in_dim3A_2181 = vector.broadcast %jit3A_2180 : i32 to vector<16xi32>
      %select_n3A_2182 = arith.select %eq3A_2179, %add3A_1668, %broadcast_in_dim3A_2181 : vector<16xi1>, vector<16xi32>
      %eq3A_2183 = arith.cmpf oeq, %select_n3A_2091, %max3A_2178 : vector<16xf32>
      %jit3A_2184 = arith.constant 1073741824 : i32
      %broadcast_in_dim3A_2185 = vector.broadcast %jit3A_2184 : i32 to vector<16xi32>
      %select_n3A_2186 = arith.select %eq3A_2183, %add3A_1676, %broadcast_in_dim3A_2185 : vector<16xi1>, vector<16xi32>
      %min3A_2187 = arith.minsi %select_n3A_2182, %select_n3A_2186 : vector<16xi32>
      %eq3A_2188 = arith.cmpf oeq, %select_n3A_2095, %max3A_2178 : vector<16xf32>
      %jit3A_2189 = arith.constant 1073741824 : i32
      %broadcast_in_dim3A_2190 = vector.broadcast %jit3A_2189 : i32 to vector<16xi32>
      %select_n3A_2191 = arith.select %eq3A_2188, %add3A_1684, %broadcast_in_dim3A_2190 : vector<16xi1>, vector<16xi32>
      %min3A_2192 = arith.minsi %min3A_2187, %select_n3A_2191 : vector<16xi32>
      %eq3A_2193 = arith.cmpf oeq, %select_n3A_2099, %max3A_2178 : vector<16xf32>
      %jit3A_2194 = arith.constant 1073741824 : i32
      %broadcast_in_dim3A_2195 = vector.broadcast %jit3A_2194 : i32 to vector<16xi32>
      %select_n3A_2196 = arith.select %eq3A_2193, %add3A_1692, %broadcast_in_dim3A_2195 : vector<16xi1>, vector<16xi32>
      %min3A_2197 = arith.minsi %min3A_2192, %select_n3A_2196 : vector<16xi32>
      %eq3A_2198 = arith.cmpf oeq, %select_n3A_2103, %max3A_2178 : vector<16xf32>
      %jit3A_2199 = arith.constant 1073741824 : i32
      %broadcast_in_dim3A_2200 = vector.broadcast %jit3A_2199 : i32 to vector<16xi32>
      %select_n3A_2201 = arith.select %eq3A_2198, %add3A_1700, %broadcast_in_dim3A_2200 : vector<16xi1>, vector<16xi32>
      %min3A_2202 = arith.minsi %min3A_2197, %select_n3A_2201 : vector<16xi32>
      %eq3A_2203 = arith.cmpf oeq, %select_n3A_2107, %max3A_2178 : vector<16xf32>
      %jit3A_2204 = arith.constant 1073741824 : i32
      %broadcast_in_dim3A_2205 = vector.broadcast %jit3A_2204 : i32 to vector<16xi32>
      %select_n3A_2206 = arith.select %eq3A_2203, %add3A_1708, %broadcast_in_dim3A_2205 : vector<16xi1>, vector<16xi32>
      %min3A_2207 = arith.minsi %min3A_2202, %select_n3A_2206 : vector<16xi32>
      %eq3A_2208 = arith.cmpf oeq, %select_n3A_2111, %max3A_2178 : vector<16xf32>
      %jit3A_2209 = arith.constant 1073741824 : i32
      %broadcast_in_dim3A_2210 = vector.broadcast %jit3A_2209 : i32 to vector<16xi32>
      %select_n3A_2211 = arith.select %eq3A_2208, %add3A_1716, %broadcast_in_dim3A_2210 : vector<16xi1>, vector<16xi32>
      %min3A_2212 = arith.minsi %min3A_2207, %select_n3A_2211 : vector<16xi32>
      %eq3A_2213 = arith.cmpf oeq, %select_n3A_2115, %max3A_2178 : vector<16xf32>
      %jit3A_2214 = arith.constant 1073741824 : i32
      %broadcast_in_dim3A_2215 = vector.broadcast %jit3A_2214 : i32 to vector<16xi32>
      %select_n3A_2216 = arith.select %eq3A_2213, %add3A_1724, %broadcast_in_dim3A_2215 : vector<16xi1>, vector<16xi32>
      %min3A_2217 = arith.minsi %min3A_2212, %select_n3A_2216 : vector<16xi32>
      %xor3A_2218 = arith.constant 8 : i32
      %xor3A_2219 = vector.broadcast %xor3A_2218 : i32 to vector<16xi32>
      %xor3A_2220 = arith.xori %iota3A, %xor3A_2219 : vector<16xi32>
      %lt3A_2221 = arith.constant 0 : i32
      %lt3A_2222 = vector.broadcast %lt3A_2221 : i32 to vector<16xi32>
      %lt3A_2223 = arith.cmpi slt, %xor3A_2220, %lt3A_2222 : vector<16xi32>
      %add3A_2224 = arith.constant 16 : i32
      %add3A_2225 = vector.broadcast %add3A_2224 : i32 to vector<16xi32>
      %add3A_2226 = arith.addi %xor3A_2220, %add3A_2225 : vector<16xi32>
      %select_n3A_2227 = arith.select %lt3A_2223, %add3A_2226, %xor3A_2220 : vector<16xi1>, vector<16xi32>
      %broadcast_in_dim3A_2228 = vector.shape_cast %select_n3A_2227 : vector<16xi32> to vector<16x1xi32>
      %gather3A_2229 = vector.shape_cast %broadcast_in_dim3A_2228 : vector<16x1xi32> to vector<16xi32>
      %gather3A_2230 = tpu.dynamic_gather %min3A_2217[%gather3A_2229] in [0] : vector<16xi32>, vector<16xi32> -> vector<16xi32>
      %min3A_2231 = arith.minsi %min3A_2217, %gather3A_2230 : vector<16xi32>
      %xor3A_2232 = arith.constant 4 : i32
      %xor3A_2233 = vector.broadcast %xor3A_2232 : i32 to vector<16xi32>
      %xor3A_2234 = arith.xori %iota3A, %xor3A_2233 : vector<16xi32>
      %lt3A_2235 = arith.constant 0 : i32
      %lt3A_2236 = vector.broadcast %lt3A_2235 : i32 to vector<16xi32>
      %lt3A_2237 = arith.cmpi slt, %xor3A_2234, %lt3A_2236 : vector<16xi32>
      %add3A_2238 = arith.constant 16 : i32
      %add3A_2239 = vector.broadcast %add3A_2238 : i32 to vector<16xi32>
      %add3A_2240 = arith.addi %xor3A_2234, %add3A_2239 : vector<16xi32>
      %select_n3A_2241 = arith.select %lt3A_2237, %add3A_2240, %xor3A_2234 : vector<16xi1>, vector<16xi32>
      %broadcast_in_dim3A_2242 = vector.shape_cast %select_n3A_2241 : vector<16xi32> to vector<16x1xi32>
      %gather3A_2243 = vector.shape_cast %broadcast_in_dim3A_2242 : vector<16x1xi32> to vector<16xi32>
      %gather3A_2244 = tpu.dynamic_gather %min3A_2231[%gather3A_2243] in [0] : vector<16xi32>, vector<16xi32> -> vector<16xi32>
      %min3A_2245 = arith.minsi %min3A_2231, %gather3A_2244 : vector<16xi32>
      %xor3A_2246 = arith.constant 2 : i32
      %xor3A_2247 = vector.broadcast %xor3A_2246 : i32 to vector<16xi32>
      %xor3A_2248 = arith.xori %iota3A, %xor3A_2247 : vector<16xi32>
      %lt3A_2249 = arith.constant 0 : i32
      %lt3A_2250 = vector.broadcast %lt3A_2249 : i32 to vector<16xi32>
      %lt3A_2251 = arith.cmpi slt, %xor3A_2248, %lt3A_2250 : vector<16xi32>
      %add3A_2252 = arith.constant 16 : i32
      %add3A_2253 = vector.broadcast %add3A_2252 : i32 to vector<16xi32>
      %add3A_2254 = arith.addi %xor3A_2248, %add3A_2253 : vector<16xi32>
      %select_n3A_2255 = arith.select %lt3A_2251, %add3A_2254, %xor3A_2248 : vector<16xi1>, vector<16xi32>
      %broadcast_in_dim3A_2256 = vector.shape_cast %select_n3A_2255 : vector<16xi32> to vector<16x1xi32>
      %gather3A_2257 = vector.shape_cast %broadcast_in_dim3A_2256 : vector<16x1xi32> to vector<16xi32>
      %gather3A_2258 = tpu.dynamic_gather %min3A_2245[%gather3A_2257] in [0] : vector<16xi32>, vector<16xi32> -> vector<16xi32>
      %min3A_2259 = arith.minsi %min3A_2245, %gather3A_2258 : vector<16xi32>
      %xor3A_2260 = arith.constant 1 : i32
      %xor3A_2261 = vector.broadcast %xor3A_2260 : i32 to vector<16xi32>
      %xor3A_2262 = arith.xori %iota3A, %xor3A_2261 : vector<16xi32>
      %lt3A_2263 = arith.constant 0 : i32
      %lt3A_2264 = vector.broadcast %lt3A_2263 : i32 to vector<16xi32>
      %lt3A_2265 = arith.cmpi slt, %xor3A_2262, %lt3A_2264 : vector<16xi32>
      %add3A_2266 = arith.constant 16 : i32
      %add3A_2267 = vector.broadcast %add3A_2266 : i32 to vector<16xi32>
      %add3A_2268 = arith.addi %xor3A_2262, %add3A_2267 : vector<16xi32>
      %select_n3A_2269 = arith.select %lt3A_2265, %add3A_2268, %xor3A_2262 : vector<16xi1>, vector<16xi32>
      %broadcast_in_dim3A_2270 = vector.shape_cast %select_n3A_2269 : vector<16xi32> to vector<16x1xi32>
      %gather3A_2271 = vector.shape_cast %broadcast_in_dim3A_2270 : vector<16x1xi32> to vector<16xi32>
      %gather3A_2272 = tpu.dynamic_gather %min3A_2259[%gather3A_2271] in [0] : vector<16xi32>, vector<16xi32> -> vector<16xi32>
      %min3A_2273 = arith.minsi %min3A_2259, %gather3A_2272 : vector<16xi32>
      %eq3A_2274 = arith.constant 2 : i32
      %eq3A_2275 = vector.broadcast %eq3A_2274 : i32 to vector<16xi32>
      %eq3A_2276 = arith.cmpi eq, %iota3A, %eq3A_2275 : vector<16xi32>
      %select_n3A_2277 = arith.select %eq3A_2276, %min3A_2273, %select_n3A_2083 : vector<16xi1>, vector<16xi32>
      %eq3A_2278 = arith.cmpi eq, %add3A_1668, %min3A_2273 : vector<16xi32>
      %jit3A_2279 = arith.constant 0xFF800000 : f32
      %broadcast_in_dim3A_2280 = vector.broadcast %jit3A_2279 : f32 to vector<16xf32>
      %select_n3A_2281 = arith.select %eq3A_2278, %broadcast_in_dim3A_2280, %select_n3A_2087 : vector<16xi1>, vector<16xf32>
      %eq3A_2282 = arith.cmpi eq, %add3A_1676, %min3A_2273 : vector<16xi32>
      %jit3A_2283 = arith.constant 0xFF800000 : f32
      %broadcast_in_dim3A_2284 = vector.broadcast %jit3A_2283 : f32 to vector<16xf32>
      %select_n3A_2285 = arith.select %eq3A_2282, %broadcast_in_dim3A_2284, %select_n3A_2091 : vector<16xi1>, vector<16xf32>
      %eq3A_2286 = arith.cmpi eq, %add3A_1684, %min3A_2273 : vector<16xi32>
      %jit3A_2287 = arith.constant 0xFF800000 : f32
      %broadcast_in_dim3A_2288 = vector.broadcast %jit3A_2287 : f32 to vector<16xf32>
      %select_n3A_2289 = arith.select %eq3A_2286, %broadcast_in_dim3A_2288, %select_n3A_2095 : vector<16xi1>, vector<16xf32>
      %eq3A_2290 = arith.cmpi eq, %add3A_1692, %min3A_2273 : vector<16xi32>
      %jit3A_2291 = arith.constant 0xFF800000 : f32
      %broadcast_in_dim3A_2292 = vector.broadcast %jit3A_2291 : f32 to vector<16xf32>
      %select_n3A_2293 = arith.select %eq3A_2290, %broadcast_in_dim3A_2292, %select_n3A_2099 : vector<16xi1>, vector<16xf32>
      %eq3A_2294 = arith.cmpi eq, %add3A_1700, %min3A_2273 : vector<16xi32>
      %jit3A_2295 = arith.constant 0xFF800000 : f32
      %broadcast_in_dim3A_2296 = vector.broadcast %jit3A_2295 : f32 to vector<16xf32>
      %select_n3A_2297 = arith.select %eq3A_2294, %broadcast_in_dim3A_2296, %select_n3A_2103 : vector<16xi1>, vector<16xf32>
      %eq3A_2298 = arith.cmpi eq, %add3A_1708, %min3A_2273 : vector<16xi32>
      %jit3A_2299 = arith.constant 0xFF800000 : f32
      %broadcast_in_dim3A_2300 = vector.broadcast %jit3A_2299 : f32 to vector<16xf32>
      %select_n3A_2301 = arith.select %eq3A_2298, %broadcast_in_dim3A_2300, %select_n3A_2107 : vector<16xi1>, vector<16xf32>
      %eq3A_2302 = arith.cmpi eq, %add3A_1716, %min3A_2273 : vector<16xi32>
      %jit3A_2303 = arith.constant 0xFF800000 : f32
      %broadcast_in_dim3A_2304 = vector.broadcast %jit3A_2303 : f32 to vector<16xf32>
      %select_n3A_2305 = arith.select %eq3A_2302, %broadcast_in_dim3A_2304, %select_n3A_2111 : vector<16xi1>, vector<16xf32>
      %eq3A_2306 = arith.cmpi eq, %add3A_1724, %min3A_2273 : vector<16xi32>
      %jit3A_2307 = arith.constant 0xFF800000 : f32
      %broadcast_in_dim3A_2308 = vector.broadcast %jit3A_2307 : f32 to vector<16xf32>
      %select_n3A_2309 = arith.select %eq3A_2306, %broadcast_in_dim3A_2308, %select_n3A_2115 : vector<16xi1>, vector<16xf32>
      %max3A_2310 = arith.maximumf %select_n3A_2281, %select_n3A_2285 : vector<16xf32>
      %max3A_2311 = arith.maximumf %max3A_2310, %select_n3A_2289 : vector<16xf32>
      %max3A_2312 = arith.maximumf %max3A_2311, %select_n3A_2293 : vector<16xf32>
      %max3A_2313 = arith.maximumf %max3A_2312, %select_n3A_2297 : vector<16xf32>
      %max3A_2314 = arith.maximumf %max3A_2313, %select_n3A_2301 : vector<16xf32>
      %max3A_2315 = arith.maximumf %max3A_2314, %select_n3A_2305 : vector<16xf32>
      %max3A_2316 = arith.maximumf %max3A_2315, %select_n3A_2309 : vector<16xf32>
      %xor3A_2317 = arith.constant 8 : i32
      %xor3A_2318 = vector.broadcast %xor3A_2317 : i32 to vector<16xi32>
      %xor3A_2319 = arith.xori %iota3A, %xor3A_2318 : vector<16xi32>
      %lt3A_2320 = arith.constant 0 : i32
      %lt3A_2321 = vector.broadcast %lt3A_2320 : i32 to vector<16xi32>
      %lt3A_2322 = arith.cmpi slt, %xor3A_2319, %lt3A_2321 : vector<16xi32>
      %add3A_2323 = arith.constant 16 : i32
      %add3A_2324 = vector.broadcast %add3A_2323 : i32 to vector<16xi32>
      %add3A_2325 = arith.addi %xor3A_2319, %add3A_2324 : vector<16xi32>
      %select_n3A_2326 = arith.select %lt3A_2322, %add3A_2325, %xor3A_2319 : vector<16xi1>, vector<16xi32>
      %broadcast_in_dim3A_2327 = vector.shape_cast %select_n3A_2326 : vector<16xi32> to vector<16x1xi32>
      %gather3A_2328 = vector.shape_cast %broadcast_in_dim3A_2327 : vector<16x1xi32> to vector<16xi32>
      %gather3A_2329 = tpu.dynamic_gather %max3A_2316[%gather3A_2328] in [0] : vector<16xf32>, vector<16xi32> -> vector<16xf32>
      %max3A_2330 = arith.maximumf %max3A_2316, %gather3A_2329 : vector<16xf32>
      %xor3A_2331 = arith.constant 4 : i32
      %xor3A_2332 = vector.broadcast %xor3A_2331 : i32 to vector<16xi32>
      %xor3A_2333 = arith.xori %iota3A, %xor3A_2332 : vector<16xi32>
      %lt3A_2334 = arith.constant 0 : i32
      %lt3A_2335 = vector.broadcast %lt3A_2334 : i32 to vector<16xi32>
      %lt3A_2336 = arith.cmpi slt, %xor3A_2333, %lt3A_2335 : vector<16xi32>
      %add3A_2337 = arith.constant 16 : i32
      %add3A_2338 = vector.broadcast %add3A_2337 : i32 to vector<16xi32>
      %add3A_2339 = arith.addi %xor3A_2333, %add3A_2338 : vector<16xi32>
      %select_n3A_2340 = arith.select %lt3A_2336, %add3A_2339, %xor3A_2333 : vector<16xi1>, vector<16xi32>
      %broadcast_in_dim3A_2341 = vector.shape_cast %select_n3A_2340 : vector<16xi32> to vector<16x1xi32>
      %gather3A_2342 = vector.shape_cast %broadcast_in_dim3A_2341 : vector<16x1xi32> to vector<16xi32>
      %gather3A_2343 = tpu.dynamic_gather %max3A_2330[%gather3A_2342] in [0] : vector<16xf32>, vector<16xi32> -> vector<16xf32>
      %max3A_2344 = arith.maximumf %max3A_2330, %gather3A_2343 : vector<16xf32>
      %xor3A_2345 = arith.constant 2 : i32
      %xor3A_2346 = vector.broadcast %xor3A_2345 : i32 to vector<16xi32>
      %xor3A_2347 = arith.xori %iota3A, %xor3A_2346 : vector<16xi32>
      %lt3A_2348 = arith.constant 0 : i32
      %lt3A_2349 = vector.broadcast %lt3A_2348 : i32 to vector<16xi32>
      %lt3A_2350 = arith.cmpi slt, %xor3A_2347, %lt3A_2349 : vector<16xi32>
      %add3A_2351 = arith.constant 16 : i32
      %add3A_2352 = vector.broadcast %add3A_2351 : i32 to vector<16xi32>
      %add3A_2353 = arith.addi %xor3A_2347, %add3A_2352 : vector<16xi32>
      %select_n3A_2354 = arith.select %lt3A_2350, %add3A_2353, %xor3A_2347 : vector<16xi1>, vector<16xi32>
      %broadcast_in_dim3A_2355 = vector.shape_cast %select_n3A_2354 : vector<16xi32> to vector<16x1xi32>
      %gather3A_2356 = vector.shape_cast %broadcast_in_dim3A_2355 : vector<16x1xi32> to vector<16xi32>
      %gather3A_2357 = tpu.dynamic_gather %max3A_2344[%gather3A_2356] in [0] : vector<16xf32>, vector<16xi32> -> vector<16xf32>
      %max3A_2358 = arith.maximumf %max3A_2344, %gather3A_2357 : vector<16xf32>
      %xor3A_2359 = arith.constant 1 : i32
      %xor3A_2360 = vector.broadcast %xor3A_2359 : i32 to vector<16xi32>
      %xor3A_2361 = arith.xori %iota3A, %xor3A_2360 : vector<16xi32>
      %lt3A_2362 = arith.constant 0 : i32
      %lt3A_2363 = vector.broadcast %lt3A_2362 : i32 to vector<16xi32>
      %lt3A_2364 = arith.cmpi slt, %xor3A_2361, %lt3A_2363 : vector<16xi32>
      %add3A_2365 = arith.constant 16 : i32
      %add3A_2366 = vector.broadcast %add3A_2365 : i32 to vector<16xi32>
      %add3A_2367 = arith.addi %xor3A_2361, %add3A_2366 : vector<16xi32>
      %select_n3A_2368 = arith.select %lt3A_2364, %add3A_2367, %xor3A_2361 : vector<16xi1>, vector<16xi32>
      %broadcast_in_dim3A_2369 = vector.shape_cast %select_n3A_2368 : vector<16xi32> to vector<16x1xi32>
      %gather3A_2370 = vector.shape_cast %broadcast_in_dim3A_2369 : vector<16x1xi32> to vector<16xi32>
      %gather3A_2371 = tpu.dynamic_gather %max3A_2358[%gather3A_2370] in [0] : vector<16xf32>, vector<16xi32> -> vector<16xf32>
      %max3A_2372 = arith.maximumf %max3A_2358, %gather3A_2371 : vector<16xf32>
      %eq3A_2373 = arith.cmpf oeq, %select_n3A_2281, %max3A_2372 : vector<16xf32>
      %jit3A_2374 = arith.constant 1073741824 : i32
      %broadcast_in_dim3A_2375 = vector.broadcast %jit3A_2374 : i32 to vector<16xi32>
      %select_n3A_2376 = arith.select %eq3A_2373, %add3A_1668, %broadcast_in_dim3A_2375 : vector<16xi1>, vector<16xi32>
      %eq3A_2377 = arith.cmpf oeq, %select_n3A_2285, %max3A_2372 : vector<16xf32>
      %jit3A_2378 = arith.constant 1073741824 : i32
      %broadcast_in_dim3A_2379 = vector.broadcast %jit3A_2378 : i32 to vector<16xi32>
      %select_n3A_2380 = arith.select %eq3A_2377, %add3A_1676, %broadcast_in_dim3A_2379 : vector<16xi1>, vector<16xi32>
      %min3A_2381 = arith.minsi %select_n3A_2376, %select_n3A_2380 : vector<16xi32>
      %eq3A_2382 = arith.cmpf oeq, %select_n3A_2289, %max3A_2372 : vector<16xf32>
      %jit3A_2383 = arith.constant 1073741824 : i32
      %broadcast_in_dim3A_2384 = vector.broadcast %jit3A_2383 : i32 to vector<16xi32>
      %select_n3A_2385 = arith.select %eq3A_2382, %add3A_1684, %broadcast_in_dim3A_2384 : vector<16xi1>, vector<16xi32>
      %min3A_2386 = arith.minsi %min3A_2381, %select_n3A_2385 : vector<16xi32>
      %eq3A_2387 = arith.cmpf oeq, %select_n3A_2293, %max3A_2372 : vector<16xf32>
      %jit3A_2388 = arith.constant 1073741824 : i32
      %broadcast_in_dim3A_2389 = vector.broadcast %jit3A_2388 : i32 to vector<16xi32>
      %select_n3A_2390 = arith.select %eq3A_2387, %add3A_1692, %broadcast_in_dim3A_2389 : vector<16xi1>, vector<16xi32>
      %min3A_2391 = arith.minsi %min3A_2386, %select_n3A_2390 : vector<16xi32>
      %eq3A_2392 = arith.cmpf oeq, %select_n3A_2297, %max3A_2372 : vector<16xf32>
      %jit3A_2393 = arith.constant 1073741824 : i32
      %broadcast_in_dim3A_2394 = vector.broadcast %jit3A_2393 : i32 to vector<16xi32>
      %select_n3A_2395 = arith.select %eq3A_2392, %add3A_1700, %broadcast_in_dim3A_2394 : vector<16xi1>, vector<16xi32>
      %min3A_2396 = arith.minsi %min3A_2391, %select_n3A_2395 : vector<16xi32>
      %eq3A_2397 = arith.cmpf oeq, %select_n3A_2301, %max3A_2372 : vector<16xf32>
      %jit3A_2398 = arith.constant 1073741824 : i32
      %broadcast_in_dim3A_2399 = vector.broadcast %jit3A_2398 : i32 to vector<16xi32>
      %select_n3A_2400 = arith.select %eq3A_2397, %add3A_1708, %broadcast_in_dim3A_2399 : vector<16xi1>, vector<16xi32>
      %min3A_2401 = arith.minsi %min3A_2396, %select_n3A_2400 : vector<16xi32>
      %eq3A_2402 = arith.cmpf oeq, %select_n3A_2305, %max3A_2372 : vector<16xf32>
      %jit3A_2403 = arith.constant 1073741824 : i32
      %broadcast_in_dim3A_2404 = vector.broadcast %jit3A_2403 : i32 to vector<16xi32>
      %select_n3A_2405 = arith.select %eq3A_2402, %add3A_1716, %broadcast_in_dim3A_2404 : vector<16xi1>, vector<16xi32>
      %min3A_2406 = arith.minsi %min3A_2401, %select_n3A_2405 : vector<16xi32>
      %eq3A_2407 = arith.cmpf oeq, %select_n3A_2309, %max3A_2372 : vector<16xf32>
      %jit3A_2408 = arith.constant 1073741824 : i32
      %broadcast_in_dim3A_2409 = vector.broadcast %jit3A_2408 : i32 to vector<16xi32>
      %select_n3A_2410 = arith.select %eq3A_2407, %add3A_1724, %broadcast_in_dim3A_2409 : vector<16xi1>, vector<16xi32>
      %min3A_2411 = arith.minsi %min3A_2406, %select_n3A_2410 : vector<16xi32>
      %xor3A_2412 = arith.constant 8 : i32
      %xor3A_2413 = vector.broadcast %xor3A_2412 : i32 to vector<16xi32>
      %xor3A_2414 = arith.xori %iota3A, %xor3A_2413 : vector<16xi32>
      %lt3A_2415 = arith.constant 0 : i32
      %lt3A_2416 = vector.broadcast %lt3A_2415 : i32 to vector<16xi32>
      %lt3A_2417 = arith.cmpi slt, %xor3A_2414, %lt3A_2416 : vector<16xi32>
      %add3A_2418 = arith.constant 16 : i32
      %add3A_2419 = vector.broadcast %add3A_2418 : i32 to vector<16xi32>
      %add3A_2420 = arith.addi %xor3A_2414, %add3A_2419 : vector<16xi32>
      %select_n3A_2421 = arith.select %lt3A_2417, %add3A_2420, %xor3A_2414 : vector<16xi1>, vector<16xi32>
      %broadcast_in_dim3A_2422 = vector.shape_cast %select_n3A_2421 : vector<16xi32> to vector<16x1xi32>
      %gather3A_2423 = vector.shape_cast %broadcast_in_dim3A_2422 : vector<16x1xi32> to vector<16xi32>
      %gather3A_2424 = tpu.dynamic_gather %min3A_2411[%gather3A_2423] in [0] : vector<16xi32>, vector<16xi32> -> vector<16xi32>
      %min3A_2425 = arith.minsi %min3A_2411, %gather3A_2424 : vector<16xi32>
      %xor3A_2426 = arith.constant 4 : i32
      %xor3A_2427 = vector.broadcast %xor3A_2426 : i32 to vector<16xi32>
      %xor3A_2428 = arith.xori %iota3A, %xor3A_2427 : vector<16xi32>
      %lt3A_2429 = arith.constant 0 : i32
      %lt3A_2430 = vector.broadcast %lt3A_2429 : i32 to vector<16xi32>
      %lt3A_2431 = arith.cmpi slt, %xor3A_2428, %lt3A_2430 : vector<16xi32>
      %add3A_2432 = arith.constant 16 : i32
      %add3A_2433 = vector.broadcast %add3A_2432 : i32 to vector<16xi32>
      %add3A_2434 = arith.addi %xor3A_2428, %add3A_2433 : vector<16xi32>
      %select_n3A_2435 = arith.select %lt3A_2431, %add3A_2434, %xor3A_2428 : vector<16xi1>, vector<16xi32>
      %broadcast_in_dim3A_2436 = vector.shape_cast %select_n3A_2435 : vector<16xi32> to vector<16x1xi32>
      %gather3A_2437 = vector.shape_cast %broadcast_in_dim3A_2436 : vector<16x1xi32> to vector<16xi32>
      %gather3A_2438 = tpu.dynamic_gather %min3A_2425[%gather3A_2437] in [0] : vector<16xi32>, vector<16xi32> -> vector<16xi32>
      %min3A_2439 = arith.minsi %min3A_2425, %gather3A_2438 : vector<16xi32>
      %xor3A_2440 = arith.constant 2 : i32
      %xor3A_2441 = vector.broadcast %xor3A_2440 : i32 to vector<16xi32>
      %xor3A_2442 = arith.xori %iota3A, %xor3A_2441 : vector<16xi32>
      %lt3A_2443 = arith.constant 0 : i32
      %lt3A_2444 = vector.broadcast %lt3A_2443 : i32 to vector<16xi32>
      %lt3A_2445 = arith.cmpi slt, %xor3A_2442, %lt3A_2444 : vector<16xi32>
      %add3A_2446 = arith.constant 16 : i32
      %add3A_2447 = vector.broadcast %add3A_2446 : i32 to vector<16xi32>
      %add3A_2448 = arith.addi %xor3A_2442, %add3A_2447 : vector<16xi32>
      %select_n3A_2449 = arith.select %lt3A_2445, %add3A_2448, %xor3A_2442 : vector<16xi1>, vector<16xi32>
      %broadcast_in_dim3A_2450 = vector.shape_cast %select_n3A_2449 : vector<16xi32> to vector<16x1xi32>
      %gather3A_2451 = vector.shape_cast %broadcast_in_dim3A_2450 : vector<16x1xi32> to vector<16xi32>
      %gather3A_2452 = tpu.dynamic_gather %min3A_2439[%gather3A_2451] in [0] : vector<16xi32>, vector<16xi32> -> vector<16xi32>
      %min3A_2453 = arith.minsi %min3A_2439, %gather3A_2452 : vector<16xi32>
      %xor3A_2454 = arith.constant 1 : i32
      %xor3A_2455 = vector.broadcast %xor3A_2454 : i32 to vector<16xi32>
      %xor3A_2456 = arith.xori %iota3A, %xor3A_2455 : vector<16xi32>
      %lt3A_2457 = arith.constant 0 : i32
      %lt3A_2458 = vector.broadcast %lt3A_2457 : i32 to vector<16xi32>
      %lt3A_2459 = arith.cmpi slt, %xor3A_2456, %lt3A_2458 : vector<16xi32>
      %add3A_2460 = arith.constant 16 : i32
      %add3A_2461 = vector.broadcast %add3A_2460 : i32 to vector<16xi32>
      %add3A_2462 = arith.addi %xor3A_2456, %add3A_2461 : vector<16xi32>
      %select_n3A_2463 = arith.select %lt3A_2459, %add3A_2462, %xor3A_2456 : vector<16xi1>, vector<16xi32>
      %broadcast_in_dim3A_2464 = vector.shape_cast %select_n3A_2463 : vector<16xi32> to vector<16x1xi32>
      %gather3A_2465 = vector.shape_cast %broadcast_in_dim3A_2464 : vector<16x1xi32> to vector<16xi32>
      %gather3A_2466 = tpu.dynamic_gather %min3A_2453[%gather3A_2465] in [0] : vector<16xi32>, vector<16xi32> -> vector<16xi32>
      %min3A_2467 = arith.minsi %min3A_2453, %gather3A_2466 : vector<16xi32>
      %eq3A_2468 = arith.constant 3 : i32
      %eq3A_2469 = vector.broadcast %eq3A_2468 : i32 to vector<16xi32>
      %eq3A_2470 = arith.cmpi eq, %iota3A, %eq3A_2469 : vector<16xi32>
      %select_n3A_2471 = arith.select %eq3A_2470, %min3A_2467, %select_n3A_2277 : vector<16xi1>, vector<16xi32>
      %eq3A_2472 = arith.cmpi eq, %add3A_1668, %min3A_2467 : vector<16xi32>
      %jit3A_2473 = arith.constant 0xFF800000 : f32
      %broadcast_in_dim3A_2474 = vector.broadcast %jit3A_2473 : f32 to vector<16xf32>
      %select_n3A_2475 = arith.select %eq3A_2472, %broadcast_in_dim3A_2474, %select_n3A_2281 : vector<16xi1>, vector<16xf32>
      %eq3A_2476 = arith.cmpi eq, %add3A_1676, %min3A_2467 : vector<16xi32>
      %jit3A_2477 = arith.constant 0xFF800000 : f32
      %broadcast_in_dim3A_2478 = vector.broadcast %jit3A_2477 : f32 to vector<16xf32>
      %select_n3A_2479 = arith.select %eq3A_2476, %broadcast_in_dim3A_2478, %select_n3A_2285 : vector<16xi1>, vector<16xf32>
      %eq3A_2480 = arith.cmpi eq, %add3A_1684, %min3A_2467 : vector<16xi32>
      %jit3A_2481 = arith.constant 0xFF800000 : f32
      %broadcast_in_dim3A_2482 = vector.broadcast %jit3A_2481 : f32 to vector<16xf32>
      %select_n3A_2483 = arith.select %eq3A_2480, %broadcast_in_dim3A_2482, %select_n3A_2289 : vector<16xi1>, vector<16xf32>
      %eq3A_2484 = arith.cmpi eq, %add3A_1692, %min3A_2467 : vector<16xi32>
      %jit3A_2485 = arith.constant 0xFF800000 : f32
      %broadcast_in_dim3A_2486 = vector.broadcast %jit3A_2485 : f32 to vector<16xf32>
      %select_n3A_2487 = arith.select %eq3A_2484, %broadcast_in_dim3A_2486, %select_n3A_2293 : vector<16xi1>, vector<16xf32>
      %eq3A_2488 = arith.cmpi eq, %add3A_1700, %min3A_2467 : vector<16xi32>
      %jit3A_2489 = arith.constant 0xFF800000 : f32
      %broadcast_in_dim3A_2490 = vector.broadcast %jit3A_2489 : f32 to vector<16xf32>
      %select_n3A_2491 = arith.select %eq3A_2488, %broadcast_in_dim3A_2490, %select_n3A_2297 : vector<16xi1>, vector<16xf32>
      %eq3A_2492 = arith.cmpi eq, %add3A_1708, %min3A_2467 : vector<16xi32>
      %jit3A_2493 = arith.constant 0xFF800000 : f32
      %broadcast_in_dim3A_2494 = vector.broadcast %jit3A_2493 : f32 to vector<16xf32>
      %select_n3A_2495 = arith.select %eq3A_2492, %broadcast_in_dim3A_2494, %select_n3A_2301 : vector<16xi1>, vector<16xf32>
      %eq3A_2496 = arith.cmpi eq, %add3A_1716, %min3A_2467 : vector<16xi32>
      %jit3A_2497 = arith.constant 0xFF800000 : f32
      %broadcast_in_dim3A_2498 = vector.broadcast %jit3A_2497 : f32 to vector<16xf32>
      %select_n3A_2499 = arith.select %eq3A_2496, %broadcast_in_dim3A_2498, %select_n3A_2305 : vector<16xi1>, vector<16xf32>
      %eq3A_2500 = arith.cmpi eq, %add3A_1724, %min3A_2467 : vector<16xi32>
      %jit3A_2501 = arith.constant 0xFF800000 : f32
      %broadcast_in_dim3A_2502 = vector.broadcast %jit3A_2501 : f32 to vector<16xf32>
      %select_n3A_2503 = arith.select %eq3A_2500, %broadcast_in_dim3A_2502, %select_n3A_2309 : vector<16xi1>, vector<16xf32>
      %max3A_2504 = arith.maximumf %select_n3A_2475, %select_n3A_2479 : vector<16xf32>
      %max3A_2505 = arith.maximumf %max3A_2504, %select_n3A_2483 : vector<16xf32>
      %max3A_2506 = arith.maximumf %max3A_2505, %select_n3A_2487 : vector<16xf32>
      %max3A_2507 = arith.maximumf %max3A_2506, %select_n3A_2491 : vector<16xf32>
      %max3A_2508 = arith.maximumf %max3A_2507, %select_n3A_2495 : vector<16xf32>
      %max3A_2509 = arith.maximumf %max3A_2508, %select_n3A_2499 : vector<16xf32>
      %max3A_2510 = arith.maximumf %max3A_2509, %select_n3A_2503 : vector<16xf32>
      %xor3A_2511 = arith.constant 8 : i32
      %xor3A_2512 = vector.broadcast %xor3A_2511 : i32 to vector<16xi32>
      %xor3A_2513 = arith.xori %iota3A, %xor3A_2512 : vector<16xi32>
      %lt3A_2514 = arith.constant 0 : i32
      %lt3A_2515 = vector.broadcast %lt3A_2514 : i32 to vector<16xi32>
      %lt3A_2516 = arith.cmpi slt, %xor3A_2513, %lt3A_2515 : vector<16xi32>
      %add3A_2517 = arith.constant 16 : i32
      %add3A_2518 = vector.broadcast %add3A_2517 : i32 to vector<16xi32>
      %add3A_2519 = arith.addi %xor3A_2513, %add3A_2518 : vector<16xi32>
      %select_n3A_2520 = arith.select %lt3A_2516, %add3A_2519, %xor3A_2513 : vector<16xi1>, vector<16xi32>
      %broadcast_in_dim3A_2521 = vector.shape_cast %select_n3A_2520 : vector<16xi32> to vector<16x1xi32>
      %gather3A_2522 = vector.shape_cast %broadcast_in_dim3A_2521 : vector<16x1xi32> to vector<16xi32>
      %gather3A_2523 = tpu.dynamic_gather %max3A_2510[%gather3A_2522] in [0] : vector<16xf32>, vector<16xi32> -> vector<16xf32>
      %max3A_2524 = arith.maximumf %max3A_2510, %gather3A_2523 : vector<16xf32>
      %xor3A_2525 = arith.constant 4 : i32
      %xor3A_2526 = vector.broadcast %xor3A_2525 : i32 to vector<16xi32>
      %xor3A_2527 = arith.xori %iota3A, %xor3A_2526 : vector<16xi32>
      %lt3A_2528 = arith.constant 0 : i32
      %lt3A_2529 = vector.broadcast %lt3A_2528 : i32 to vector<16xi32>
      %lt3A_2530 = arith.cmpi slt, %xor3A_2527, %lt3A_2529 : vector<16xi32>
      %add3A_2531 = arith.constant 16 : i32
      %add3A_2532 = vector.broadcast %add3A_2531 : i32 to vector<16xi32>
      %add3A_2533 = arith.addi %xor3A_2527, %add3A_2532 : vector<16xi32>
      %select_n3A_2534 = arith.select %lt3A_2530, %add3A_2533, %xor3A_2527 : vector<16xi1>, vector<16xi32>
      %broadcast_in_dim3A_2535 = vector.shape_cast %select_n3A_2534 : vector<16xi32> to vector<16x1xi32>
      %gather3A_2536 = vector.shape_cast %broadcast_in_dim3A_2535 : vector<16x1xi32> to vector<16xi32>
      %gather3A_2537 = tpu.dynamic_gather %max3A_2524[%gather3A_2536] in [0] : vector<16xf32>, vector<16xi32> -> vector<16xf32>
      %max3A_2538 = arith.maximumf %max3A_2524, %gather3A_2537 : vector<16xf32>
      %xor3A_2539 = arith.constant 2 : i32
      %xor3A_2540 = vector.broadcast %xor3A_2539 : i32 to vector<16xi32>
      %xor3A_2541 = arith.xori %iota3A, %xor3A_2540 : vector<16xi32>
      %lt3A_2542 = arith.constant 0 : i32
      %lt3A_2543 = vector.broadcast %lt3A_2542 : i32 to vector<16xi32>
      %lt3A_2544 = arith.cmpi slt, %xor3A_2541, %lt3A_2543 : vector<16xi32>
      %add3A_2545 = arith.constant 16 : i32
      %add3A_2546 = vector.broadcast %add3A_2545 : i32 to vector<16xi32>
      %add3A_2547 = arith.addi %xor3A_2541, %add3A_2546 : vector<16xi32>
      %select_n3A_2548 = arith.select %lt3A_2544, %add3A_2547, %xor3A_2541 : vector<16xi1>, vector<16xi32>
      %broadcast_in_dim3A_2549 = vector.shape_cast %select_n3A_2548 : vector<16xi32> to vector<16x1xi32>
      %gather3A_2550 = vector.shape_cast %broadcast_in_dim3A_2549 : vector<16x1xi32> to vector<16xi32>
      %gather3A_2551 = tpu.dynamic_gather %max3A_2538[%gather3A_2550] in [0] : vector<16xf32>, vector<16xi32> -> vector<16xf32>
      %max3A_2552 = arith.maximumf %max3A_2538, %gather3A_2551 : vector<16xf32>
      %xor3A_2553 = arith.constant 1 : i32
      %xor3A_2554 = vector.broadcast %xor3A_2553 : i32 to vector<16xi32>
      %xor3A_2555 = arith.xori %iota3A, %xor3A_2554 : vector<16xi32>
      %lt3A_2556 = arith.constant 0 : i32
      %lt3A_2557 = vector.broadcast %lt3A_2556 : i32 to vector<16xi32>
      %lt3A_2558 = arith.cmpi slt, %xor3A_2555, %lt3A_2557 : vector<16xi32>
      %add3A_2559 = arith.constant 16 : i32
      %add3A_2560 = vector.broadcast %add3A_2559 : i32 to vector<16xi32>
      %add3A_2561 = arith.addi %xor3A_2555, %add3A_2560 : vector<16xi32>
      %select_n3A_2562 = arith.select %lt3A_2558, %add3A_2561, %xor3A_2555 : vector<16xi1>, vector<16xi32>
      %broadcast_in_dim3A_2563 = vector.shape_cast %select_n3A_2562 : vector<16xi32> to vector<16x1xi32>
      %gather3A_2564 = vector.shape_cast %broadcast_in_dim3A_2563 : vector<16x1xi32> to vector<16xi32>
      %gather3A_2565 = tpu.dynamic_gather %max3A_2552[%gather3A_2564] in [0] : vector<16xf32>, vector<16xi32> -> vector<16xf32>
      %max3A_2566 = arith.maximumf %max3A_2552, %gather3A_2565 : vector<16xf32>
      %eq3A_2567 = arith.cmpf oeq, %select_n3A_2475, %max3A_2566 : vector<16xf32>
      %jit3A_2568 = arith.constant 1073741824 : i32
      %broadcast_in_dim3A_2569 = vector.broadcast %jit3A_2568 : i32 to vector<16xi32>
      %select_n3A_2570 = arith.select %eq3A_2567, %add3A_1668, %broadcast_in_dim3A_2569 : vector<16xi1>, vector<16xi32>
      %eq3A_2571 = arith.cmpf oeq, %select_n3A_2479, %max3A_2566 : vector<16xf32>
      %jit3A_2572 = arith.constant 1073741824 : i32
      %broadcast_in_dim3A_2573 = vector.broadcast %jit3A_2572 : i32 to vector<16xi32>
      %select_n3A_2574 = arith.select %eq3A_2571, %add3A_1676, %broadcast_in_dim3A_2573 : vector<16xi1>, vector<16xi32>
      %min3A_2575 = arith.minsi %select_n3A_2570, %select_n3A_2574 : vector<16xi32>
      %eq3A_2576 = arith.cmpf oeq, %select_n3A_2483, %max3A_2566 : vector<16xf32>
      %jit3A_2577 = arith.constant 1073741824 : i32
      %broadcast_in_dim3A_2578 = vector.broadcast %jit3A_2577 : i32 to vector<16xi32>
      %select_n3A_2579 = arith.select %eq3A_2576, %add3A_1684, %broadcast_in_dim3A_2578 : vector<16xi1>, vector<16xi32>
      %min3A_2580 = arith.minsi %min3A_2575, %select_n3A_2579 : vector<16xi32>
      %eq3A_2581 = arith.cmpf oeq, %select_n3A_2487, %max3A_2566 : vector<16xf32>
      %jit3A_2582 = arith.constant 1073741824 : i32
      %broadcast_in_dim3A_2583 = vector.broadcast %jit3A_2582 : i32 to vector<16xi32>
      %select_n3A_2584 = arith.select %eq3A_2581, %add3A_1692, %broadcast_in_dim3A_2583 : vector<16xi1>, vector<16xi32>
      %min3A_2585 = arith.minsi %min3A_2580, %select_n3A_2584 : vector<16xi32>
      %eq3A_2586 = arith.cmpf oeq, %select_n3A_2491, %max3A_2566 : vector<16xf32>
      %jit3A_2587 = arith.constant 1073741824 : i32
      %broadcast_in_dim3A_2588 = vector.broadcast %jit3A_2587 : i32 to vector<16xi32>
      %select_n3A_2589 = arith.select %eq3A_2586, %add3A_1700, %broadcast_in_dim3A_2588 : vector<16xi1>, vector<16xi32>
      %min3A_2590 = arith.minsi %min3A_2585, %select_n3A_2589 : vector<16xi32>
      %eq3A_2591 = arith.cmpf oeq, %select_n3A_2495, %max3A_2566 : vector<16xf32>
      %jit3A_2592 = arith.constant 1073741824 : i32
      %broadcast_in_dim3A_2593 = vector.broadcast %jit3A_2592 : i32 to vector<16xi32>
      %select_n3A_2594 = arith.select %eq3A_2591, %add3A_1708, %broadcast_in_dim3A_2593 : vector<16xi1>, vector<16xi32>
      %min3A_2595 = arith.minsi %min3A_2590, %select_n3A_2594 : vector<16xi32>
      %eq3A_2596 = arith.cmpf oeq, %select_n3A_2499, %max3A_2566 : vector<16xf32>
      %jit3A_2597 = arith.constant 1073741824 : i32
      %broadcast_in_dim3A_2598 = vector.broadcast %jit3A_2597 : i32 to vector<16xi32>
      %select_n3A_2599 = arith.select %eq3A_2596, %add3A_1716, %broadcast_in_dim3A_2598 : vector<16xi1>, vector<16xi32>
      %min3A_2600 = arith.minsi %min3A_2595, %select_n3A_2599 : vector<16xi32>
      %eq3A_2601 = arith.cmpf oeq, %select_n3A_2503, %max3A_2566 : vector<16xf32>
      %jit3A_2602 = arith.constant 1073741824 : i32
      %broadcast_in_dim3A_2603 = vector.broadcast %jit3A_2602 : i32 to vector<16xi32>
      %select_n3A_2604 = arith.select %eq3A_2601, %add3A_1724, %broadcast_in_dim3A_2603 : vector<16xi1>, vector<16xi32>
      %min3A_2605 = arith.minsi %min3A_2600, %select_n3A_2604 : vector<16xi32>
      %xor3A_2606 = arith.constant 8 : i32
      %xor3A_2607 = vector.broadcast %xor3A_2606 : i32 to vector<16xi32>
      %xor3A_2608 = arith.xori %iota3A, %xor3A_2607 : vector<16xi32>
      %lt3A_2609 = arith.constant 0 : i32
      %lt3A_2610 = vector.broadcast %lt3A_2609 : i32 to vector<16xi32>
      %lt3A_2611 = arith.cmpi slt, %xor3A_2608, %lt3A_2610 : vector<16xi32>
      %add3A_2612 = arith.constant 16 : i32
      %add3A_2613 = vector.broadcast %add3A_2612 : i32 to vector<16xi32>
      %add3A_2614 = arith.addi %xor3A_2608, %add3A_2613 : vector<16xi32>
      %select_n3A_2615 = arith.select %lt3A_2611, %add3A_2614, %xor3A_2608 : vector<16xi1>, vector<16xi32>
      %broadcast_in_dim3A_2616 = vector.shape_cast %select_n3A_2615 : vector<16xi32> to vector<16x1xi32>
      %gather3A_2617 = vector.shape_cast %broadcast_in_dim3A_2616 : vector<16x1xi32> to vector<16xi32>
      %gather3A_2618 = tpu.dynamic_gather %min3A_2605[%gather3A_2617] in [0] : vector<16xi32>, vector<16xi32> -> vector<16xi32>
      %min3A_2619 = arith.minsi %min3A_2605, %gather3A_2618 : vector<16xi32>
      %xor3A_2620 = arith.constant 4 : i32
      %xor3A_2621 = vector.broadcast %xor3A_2620 : i32 to vector<16xi32>
      %xor3A_2622 = arith.xori %iota3A, %xor3A_2621 : vector<16xi32>
      %lt3A_2623 = arith.constant 0 : i32
      %lt3A_2624 = vector.broadcast %lt3A_2623 : i32 to vector<16xi32>
      %lt3A_2625 = arith.cmpi slt, %xor3A_2622, %lt3A_2624 : vector<16xi32>
      %add3A_2626 = arith.constant 16 : i32
      %add3A_2627 = vector.broadcast %add3A_2626 : i32 to vector<16xi32>
      %add3A_2628 = arith.addi %xor3A_2622, %add3A_2627 : vector<16xi32>
      %select_n3A_2629 = arith.select %lt3A_2625, %add3A_2628, %xor3A_2622 : vector<16xi1>, vector<16xi32>
      %broadcast_in_dim3A_2630 = vector.shape_cast %select_n3A_2629 : vector<16xi32> to vector<16x1xi32>
      %gather3A_2631 = vector.shape_cast %broadcast_in_dim3A_2630 : vector<16x1xi32> to vector<16xi32>
      %gather3A_2632 = tpu.dynamic_gather %min3A_2619[%gather3A_2631] in [0] : vector<16xi32>, vector<16xi32> -> vector<16xi32>
      %min3A_2633 = arith.minsi %min3A_2619, %gather3A_2632 : vector<16xi32>
      %xor3A_2634 = arith.constant 2 : i32
      %xor3A_2635 = vector.broadcast %xor3A_2634 : i32 to vector<16xi32>
      %xor3A_2636 = arith.xori %iota3A, %xor3A_2635 : vector<16xi32>
      %lt3A_2637 = arith.constant 0 : i32
      %lt3A_2638 = vector.broadcast %lt3A_2637 : i32 to vector<16xi32>
      %lt3A_2639 = arith.cmpi slt, %xor3A_2636, %lt3A_2638 : vector<16xi32>
      %add3A_2640 = arith.constant 16 : i32
      %add3A_2641 = vector.broadcast %add3A_2640 : i32 to vector<16xi32>
      %add3A_2642 = arith.addi %xor3A_2636, %add3A_2641 : vector<16xi32>
      %select_n3A_2643 = arith.select %lt3A_2639, %add3A_2642, %xor3A_2636 : vector<16xi1>, vector<16xi32>
      %broadcast_in_dim3A_2644 = vector.shape_cast %select_n3A_2643 : vector<16xi32> to vector<16x1xi32>
      %gather3A_2645 = vector.shape_cast %broadcast_in_dim3A_2644 : vector<16x1xi32> to vector<16xi32>
      %gather3A_2646 = tpu.dynamic_gather %min3A_2633[%gather3A_2645] in [0] : vector<16xi32>, vector<16xi32> -> vector<16xi32>
      %min3A_2647 = arith.minsi %min3A_2633, %gather3A_2646 : vector<16xi32>
      %xor3A_2648 = arith.constant 1 : i32
      %xor3A_2649 = vector.broadcast %xor3A_2648 : i32 to vector<16xi32>
      %xor3A_2650 = arith.xori %iota3A, %xor3A_2649 : vector<16xi32>
      %lt3A_2651 = arith.constant 0 : i32
      %lt3A_2652 = vector.broadcast %lt3A_2651 : i32 to vector<16xi32>
      %lt3A_2653 = arith.cmpi slt, %xor3A_2650, %lt3A_2652 : vector<16xi32>
      %add3A_2654 = arith.constant 16 : i32
      %add3A_2655 = vector.broadcast %add3A_2654 : i32 to vector<16xi32>
      %add3A_2656 = arith.addi %xor3A_2650, %add3A_2655 : vector<16xi32>
      %select_n3A_2657 = arith.select %lt3A_2653, %add3A_2656, %xor3A_2650 : vector<16xi1>, vector<16xi32>
      %broadcast_in_dim3A_2658 = vector.shape_cast %select_n3A_2657 : vector<16xi32> to vector<16x1xi32>
      %gather3A_2659 = vector.shape_cast %broadcast_in_dim3A_2658 : vector<16x1xi32> to vector<16xi32>
      %gather3A_2660 = tpu.dynamic_gather %min3A_2647[%gather3A_2659] in [0] : vector<16xi32>, vector<16xi32> -> vector<16xi32>
      %min3A_2661 = arith.minsi %min3A_2647, %gather3A_2660 : vector<16xi32>
      %eq3A_2662 = arith.constant 4 : i32
      %eq3A_2663 = vector.broadcast %eq3A_2662 : i32 to vector<16xi32>
      %eq3A_2664 = arith.cmpi eq, %iota3A, %eq3A_2663 : vector<16xi32>
      %select_n3A_2665 = arith.select %eq3A_2664, %min3A_2661, %select_n3A_2471 : vector<16xi1>, vector<16xi32>
      %eq3A_2666 = arith.cmpi eq, %add3A_1668, %min3A_2661 : vector<16xi32>
      %jit3A_2667 = arith.constant 0xFF800000 : f32
      %broadcast_in_dim3A_2668 = vector.broadcast %jit3A_2667 : f32 to vector<16xf32>
      %select_n3A_2669 = arith.select %eq3A_2666, %broadcast_in_dim3A_2668, %select_n3A_2475 : vector<16xi1>, vector<16xf32>
      %eq3A_2670 = arith.cmpi eq, %add3A_1676, %min3A_2661 : vector<16xi32>
      %jit3A_2671 = arith.constant 0xFF800000 : f32
      %broadcast_in_dim3A_2672 = vector.broadcast %jit3A_2671 : f32 to vector<16xf32>
      %select_n3A_2673 = arith.select %eq3A_2670, %broadcast_in_dim3A_2672, %select_n3A_2479 : vector<16xi1>, vector<16xf32>
      %eq3A_2674 = arith.cmpi eq, %add3A_1684, %min3A_2661 : vector<16xi32>
      %jit3A_2675 = arith.constant 0xFF800000 : f32
      %broadcast_in_dim3A_2676 = vector.broadcast %jit3A_2675 : f32 to vector<16xf32>
      %select_n3A_2677 = arith.select %eq3A_2674, %broadcast_in_dim3A_2676, %select_n3A_2483 : vector<16xi1>, vector<16xf32>
      %eq3A_2678 = arith.cmpi eq, %add3A_1692, %min3A_2661 : vector<16xi32>
      %jit3A_2679 = arith.constant 0xFF800000 : f32
      %broadcast_in_dim3A_2680 = vector.broadcast %jit3A_2679 : f32 to vector<16xf32>
      %select_n3A_2681 = arith.select %eq3A_2678, %broadcast_in_dim3A_2680, %select_n3A_2487 : vector<16xi1>, vector<16xf32>
      %eq3A_2682 = arith.cmpi eq, %add3A_1700, %min3A_2661 : vector<16xi32>
      %jit3A_2683 = arith.constant 0xFF800000 : f32
      %broadcast_in_dim3A_2684 = vector.broadcast %jit3A_2683 : f32 to vector<16xf32>
      %select_n3A_2685 = arith.select %eq3A_2682, %broadcast_in_dim3A_2684, %select_n3A_2491 : vector<16xi1>, vector<16xf32>
      %eq3A_2686 = arith.cmpi eq, %add3A_1708, %min3A_2661 : vector<16xi32>
      %jit3A_2687 = arith.constant 0xFF800000 : f32
      %broadcast_in_dim3A_2688 = vector.broadcast %jit3A_2687 : f32 to vector<16xf32>
      %select_n3A_2689 = arith.select %eq3A_2686, %broadcast_in_dim3A_2688, %select_n3A_2495 : vector<16xi1>, vector<16xf32>
      %eq3A_2690 = arith.cmpi eq, %add3A_1716, %min3A_2661 : vector<16xi32>
      %jit3A_2691 = arith.constant 0xFF800000 : f32
      %broadcast_in_dim3A_2692 = vector.broadcast %jit3A_2691 : f32 to vector<16xf32>
      %select_n3A_2693 = arith.select %eq3A_2690, %broadcast_in_dim3A_2692, %select_n3A_2499 : vector<16xi1>, vector<16xf32>
      %eq3A_2694 = arith.cmpi eq, %add3A_1724, %min3A_2661 : vector<16xi32>
      %jit3A_2695 = arith.constant 0xFF800000 : f32
      %broadcast_in_dim3A_2696 = vector.broadcast %jit3A_2695 : f32 to vector<16xf32>
      %select_n3A_2697 = arith.select %eq3A_2694, %broadcast_in_dim3A_2696, %select_n3A_2503 : vector<16xi1>, vector<16xf32>
      %max3A_2698 = arith.maximumf %select_n3A_2669, %select_n3A_2673 : vector<16xf32>
      %max3A_2699 = arith.maximumf %max3A_2698, %select_n3A_2677 : vector<16xf32>
      %max3A_2700 = arith.maximumf %max3A_2699, %select_n3A_2681 : vector<16xf32>
      %max3A_2701 = arith.maximumf %max3A_2700, %select_n3A_2685 : vector<16xf32>
      %max3A_2702 = arith.maximumf %max3A_2701, %select_n3A_2689 : vector<16xf32>
      %max3A_2703 = arith.maximumf %max3A_2702, %select_n3A_2693 : vector<16xf32>
      %max3A_2704 = arith.maximumf %max3A_2703, %select_n3A_2697 : vector<16xf32>
      %xor3A_2705 = arith.constant 8 : i32
      %xor3A_2706 = vector.broadcast %xor3A_2705 : i32 to vector<16xi32>
      %xor3A_2707 = arith.xori %iota3A, %xor3A_2706 : vector<16xi32>
      %lt3A_2708 = arith.constant 0 : i32
      %lt3A_2709 = vector.broadcast %lt3A_2708 : i32 to vector<16xi32>
      %lt3A_2710 = arith.cmpi slt, %xor3A_2707, %lt3A_2709 : vector<16xi32>
      %add3A_2711 = arith.constant 16 : i32
      %add3A_2712 = vector.broadcast %add3A_2711 : i32 to vector<16xi32>
      %add3A_2713 = arith.addi %xor3A_2707, %add3A_2712 : vector<16xi32>
      %select_n3A_2714 = arith.select %lt3A_2710, %add3A_2713, %xor3A_2707 : vector<16xi1>, vector<16xi32>
      %broadcast_in_dim3A_2715 = vector.shape_cast %select_n3A_2714 : vector<16xi32> to vector<16x1xi32>
      %gather3A_2716 = vector.shape_cast %broadcast_in_dim3A_2715 : vector<16x1xi32> to vector<16xi32>
      %gather3A_2717 = tpu.dynamic_gather %max3A_2704[%gather3A_2716] in [0] : vector<16xf32>, vector<16xi32> -> vector<16xf32>
      %max3A_2718 = arith.maximumf %max3A_2704, %gather3A_2717 : vector<16xf32>
      %xor3A_2719 = arith.constant 4 : i32
      %xor3A_2720 = vector.broadcast %xor3A_2719 : i32 to vector<16xi32>
      %xor3A_2721 = arith.xori %iota3A, %xor3A_2720 : vector<16xi32>
      %lt3A_2722 = arith.constant 0 : i32
      %lt3A_2723 = vector.broadcast %lt3A_2722 : i32 to vector<16xi32>
      %lt3A_2724 = arith.cmpi slt, %xor3A_2721, %lt3A_2723 : vector<16xi32>
      %add3A_2725 = arith.constant 16 : i32
      %add3A_2726 = vector.broadcast %add3A_2725 : i32 to vector<16xi32>
      %add3A_2727 = arith.addi %xor3A_2721, %add3A_2726 : vector<16xi32>
      %select_n3A_2728 = arith.select %lt3A_2724, %add3A_2727, %xor3A_2721 : vector<16xi1>, vector<16xi32>
      %broadcast_in_dim3A_2729 = vector.shape_cast %select_n3A_2728 : vector<16xi32> to vector<16x1xi32>
      %gather3A_2730 = vector.shape_cast %broadcast_in_dim3A_2729 : vector<16x1xi32> to vector<16xi32>
      %gather3A_2731 = tpu.dynamic_gather %max3A_2718[%gather3A_2730] in [0] : vector<16xf32>, vector<16xi32> -> vector<16xf32>
      %max3A_2732 = arith.maximumf %max3A_2718, %gather3A_2731 : vector<16xf32>
      %xor3A_2733 = arith.constant 2 : i32
      %xor3A_2734 = vector.broadcast %xor3A_2733 : i32 to vector<16xi32>
      %xor3A_2735 = arith.xori %iota3A, %xor3A_2734 : vector<16xi32>
      %lt3A_2736 = arith.constant 0 : i32
      %lt3A_2737 = vector.broadcast %lt3A_2736 : i32 to vector<16xi32>
      %lt3A_2738 = arith.cmpi slt, %xor3A_2735, %lt3A_2737 : vector<16xi32>
      %add3A_2739 = arith.constant 16 : i32
      %add3A_2740 = vector.broadcast %add3A_2739 : i32 to vector<16xi32>
      %add3A_2741 = arith.addi %xor3A_2735, %add3A_2740 : vector<16xi32>
      %select_n3A_2742 = arith.select %lt3A_2738, %add3A_2741, %xor3A_2735 : vector<16xi1>, vector<16xi32>
      %broadcast_in_dim3A_2743 = vector.shape_cast %select_n3A_2742 : vector<16xi32> to vector<16x1xi32>
      %gather3A_2744 = vector.shape_cast %broadcast_in_dim3A_2743 : vector<16x1xi32> to vector<16xi32>
      %gather3A_2745 = tpu.dynamic_gather %max3A_2732[%gather3A_2744] in [0] : vector<16xf32>, vector<16xi32> -> vector<16xf32>
      %max3A_2746 = arith.maximumf %max3A_2732, %gather3A_2745 : vector<16xf32>
      %xor3A_2747 = arith.constant 1 : i32
      %xor3A_2748 = vector.broadcast %xor3A_2747 : i32 to vector<16xi32>
      %xor3A_2749 = arith.xori %iota3A, %xor3A_2748 : vector<16xi32>
      %lt3A_2750 = arith.constant 0 : i32
      %lt3A_2751 = vector.broadcast %lt3A_2750 : i32 to vector<16xi32>
      %lt3A_2752 = arith.cmpi slt, %xor3A_2749, %lt3A_2751 : vector<16xi32>
      %add3A_2753 = arith.constant 16 : i32
      %add3A_2754 = vector.broadcast %add3A_2753 : i32 to vector<16xi32>
      %add3A_2755 = arith.addi %xor3A_2749, %add3A_2754 : vector<16xi32>
      %select_n3A_2756 = arith.select %lt3A_2752, %add3A_2755, %xor3A_2749 : vector<16xi1>, vector<16xi32>
      %broadcast_in_dim3A_2757 = vector.shape_cast %select_n3A_2756 : vector<16xi32> to vector<16x1xi32>
      %gather3A_2758 = vector.shape_cast %broadcast_in_dim3A_2757 : vector<16x1xi32> to vector<16xi32>
      %gather3A_2759 = tpu.dynamic_gather %max3A_2746[%gather3A_2758] in [0] : vector<16xf32>, vector<16xi32> -> vector<16xf32>
      %max3A_2760 = arith.maximumf %max3A_2746, %gather3A_2759 : vector<16xf32>
      %eq3A_2761 = arith.cmpf oeq, %select_n3A_2669, %max3A_2760 : vector<16xf32>
      %jit3A_2762 = arith.constant 1073741824 : i32
      %broadcast_in_dim3A_2763 = vector.broadcast %jit3A_2762 : i32 to vector<16xi32>
      %select_n3A_2764 = arith.select %eq3A_2761, %add3A_1668, %broadcast_in_dim3A_2763 : vector<16xi1>, vector<16xi32>
      %eq3A_2765 = arith.cmpf oeq, %select_n3A_2673, %max3A_2760 : vector<16xf32>
      %jit3A_2766 = arith.constant 1073741824 : i32
      %broadcast_in_dim3A_2767 = vector.broadcast %jit3A_2766 : i32 to vector<16xi32>
      %select_n3A_2768 = arith.select %eq3A_2765, %add3A_1676, %broadcast_in_dim3A_2767 : vector<16xi1>, vector<16xi32>
      %min3A_2769 = arith.minsi %select_n3A_2764, %select_n3A_2768 : vector<16xi32>
      %eq3A_2770 = arith.cmpf oeq, %select_n3A_2677, %max3A_2760 : vector<16xf32>
      %jit3A_2771 = arith.constant 1073741824 : i32
      %broadcast_in_dim3A_2772 = vector.broadcast %jit3A_2771 : i32 to vector<16xi32>
      %select_n3A_2773 = arith.select %eq3A_2770, %add3A_1684, %broadcast_in_dim3A_2772 : vector<16xi1>, vector<16xi32>
      %min3A_2774 = arith.minsi %min3A_2769, %select_n3A_2773 : vector<16xi32>
      %eq3A_2775 = arith.cmpf oeq, %select_n3A_2681, %max3A_2760 : vector<16xf32>
      %jit3A_2776 = arith.constant 1073741824 : i32
      %broadcast_in_dim3A_2777 = vector.broadcast %jit3A_2776 : i32 to vector<16xi32>
      %select_n3A_2778 = arith.select %eq3A_2775, %add3A_1692, %broadcast_in_dim3A_2777 : vector<16xi1>, vector<16xi32>
      %min3A_2779 = arith.minsi %min3A_2774, %select_n3A_2778 : vector<16xi32>
      %eq3A_2780 = arith.cmpf oeq, %select_n3A_2685, %max3A_2760 : vector<16xf32>
      %jit3A_2781 = arith.constant 1073741824 : i32
      %broadcast_in_dim3A_2782 = vector.broadcast %jit3A_2781 : i32 to vector<16xi32>
      %select_n3A_2783 = arith.select %eq3A_2780, %add3A_1700, %broadcast_in_dim3A_2782 : vector<16xi1>, vector<16xi32>
      %min3A_2784 = arith.minsi %min3A_2779, %select_n3A_2783 : vector<16xi32>
      %eq3A_2785 = arith.cmpf oeq, %select_n3A_2689, %max3A_2760 : vector<16xf32>
      %jit3A_2786 = arith.constant 1073741824 : i32
      %broadcast_in_dim3A_2787 = vector.broadcast %jit3A_2786 : i32 to vector<16xi32>
      %select_n3A_2788 = arith.select %eq3A_2785, %add3A_1708, %broadcast_in_dim3A_2787 : vector<16xi1>, vector<16xi32>
      %min3A_2789 = arith.minsi %min3A_2784, %select_n3A_2788 : vector<16xi32>
      %eq3A_2790 = arith.cmpf oeq, %select_n3A_2693, %max3A_2760 : vector<16xf32>
      %jit3A_2791 = arith.constant 1073741824 : i32
      %broadcast_in_dim3A_2792 = vector.broadcast %jit3A_2791 : i32 to vector<16xi32>
      %select_n3A_2793 = arith.select %eq3A_2790, %add3A_1716, %broadcast_in_dim3A_2792 : vector<16xi1>, vector<16xi32>
      %min3A_2794 = arith.minsi %min3A_2789, %select_n3A_2793 : vector<16xi32>
      %eq3A_2795 = arith.cmpf oeq, %select_n3A_2697, %max3A_2760 : vector<16xf32>
      %jit3A_2796 = arith.constant 1073741824 : i32
      %broadcast_in_dim3A_2797 = vector.broadcast %jit3A_2796 : i32 to vector<16xi32>
      %select_n3A_2798 = arith.select %eq3A_2795, %add3A_1724, %broadcast_in_dim3A_2797 : vector<16xi1>, vector<16xi32>
      %min3A_2799 = arith.minsi %min3A_2794, %select_n3A_2798 : vector<16xi32>
      %xor3A_2800 = arith.constant 8 : i32
      %xor3A_2801 = vector.broadcast %xor3A_2800 : i32 to vector<16xi32>
      %xor3A_2802 = arith.xori %iota3A, %xor3A_2801 : vector<16xi32>
      %lt3A_2803 = arith.constant 0 : i32
      %lt3A_2804 = vector.broadcast %lt3A_2803 : i32 to vector<16xi32>
      %lt3A_2805 = arith.cmpi slt, %xor3A_2802, %lt3A_2804 : vector<16xi32>
      %add3A_2806 = arith.constant 16 : i32
      %add3A_2807 = vector.broadcast %add3A_2806 : i32 to vector<16xi32>
      %add3A_2808 = arith.addi %xor3A_2802, %add3A_2807 : vector<16xi32>
      %select_n3A_2809 = arith.select %lt3A_2805, %add3A_2808, %xor3A_2802 : vector<16xi1>, vector<16xi32>
      %broadcast_in_dim3A_2810 = vector.shape_cast %select_n3A_2809 : vector<16xi32> to vector<16x1xi32>
      %gather3A_2811 = vector.shape_cast %broadcast_in_dim3A_2810 : vector<16x1xi32> to vector<16xi32>
      %gather3A_2812 = tpu.dynamic_gather %min3A_2799[%gather3A_2811] in [0] : vector<16xi32>, vector<16xi32> -> vector<16xi32>
      %min3A_2813 = arith.minsi %min3A_2799, %gather3A_2812 : vector<16xi32>
      %xor3A_2814 = arith.constant 4 : i32
      %xor3A_2815 = vector.broadcast %xor3A_2814 : i32 to vector<16xi32>
      %xor3A_2816 = arith.xori %iota3A, %xor3A_2815 : vector<16xi32>
      %lt3A_2817 = arith.constant 0 : i32
      %lt3A_2818 = vector.broadcast %lt3A_2817 : i32 to vector<16xi32>
      %lt3A_2819 = arith.cmpi slt, %xor3A_2816, %lt3A_2818 : vector<16xi32>
      %add3A_2820 = arith.constant 16 : i32
      %add3A_2821 = vector.broadcast %add3A_2820 : i32 to vector<16xi32>
      %add3A_2822 = arith.addi %xor3A_2816, %add3A_2821 : vector<16xi32>
      %select_n3A_2823 = arith.select %lt3A_2819, %add3A_2822, %xor3A_2816 : vector<16xi1>, vector<16xi32>
      %broadcast_in_dim3A_2824 = vector.shape_cast %select_n3A_2823 : vector<16xi32> to vector<16x1xi32>
      %gather3A_2825 = vector.shape_cast %broadcast_in_dim3A_2824 : vector<16x1xi32> to vector<16xi32>
      %gather3A_2826 = tpu.dynamic_gather %min3A_2813[%gather3A_2825] in [0] : vector<16xi32>, vector<16xi32> -> vector<16xi32>
      %min3A_2827 = arith.minsi %min3A_2813, %gather3A_2826 : vector<16xi32>
      %xor3A_2828 = arith.constant 2 : i32
      %xor3A_2829 = vector.broadcast %xor3A_2828 : i32 to vector<16xi32>
      %xor3A_2830 = arith.xori %iota3A, %xor3A_2829 : vector<16xi32>
      %lt3A_2831 = arith.constant 0 : i32
      %lt3A_2832 = vector.broadcast %lt3A_2831 : i32 to vector<16xi32>
      %lt3A_2833 = arith.cmpi slt, %xor3A_2830, %lt3A_2832 : vector<16xi32>
      %add3A_2834 = arith.constant 16 : i32
      %add3A_2835 = vector.broadcast %add3A_2834 : i32 to vector<16xi32>
      %add3A_2836 = arith.addi %xor3A_2830, %add3A_2835 : vector<16xi32>
      %select_n3A_2837 = arith.select %lt3A_2833, %add3A_2836, %xor3A_2830 : vector<16xi1>, vector<16xi32>
      %broadcast_in_dim3A_2838 = vector.shape_cast %select_n3A_2837 : vector<16xi32> to vector<16x1xi32>
      %gather3A_2839 = vector.shape_cast %broadcast_in_dim3A_2838 : vector<16x1xi32> to vector<16xi32>
      %gather3A_2840 = tpu.dynamic_gather %min3A_2827[%gather3A_2839] in [0] : vector<16xi32>, vector<16xi32> -> vector<16xi32>
      %min3A_2841 = arith.minsi %min3A_2827, %gather3A_2840 : vector<16xi32>
      %xor3A_2842 = arith.constant 1 : i32
      %xor3A_2843 = vector.broadcast %xor3A_2842 : i32 to vector<16xi32>
      %xor3A_2844 = arith.xori %iota3A, %xor3A_2843 : vector<16xi32>
      %lt3A_2845 = arith.constant 0 : i32
      %lt3A_2846 = vector.broadcast %lt3A_2845 : i32 to vector<16xi32>
      %lt3A_2847 = arith.cmpi slt, %xor3A_2844, %lt3A_2846 : vector<16xi32>
      %add3A_2848 = arith.constant 16 : i32
      %add3A_2849 = vector.broadcast %add3A_2848 : i32 to vector<16xi32>
      %add3A_2850 = arith.addi %xor3A_2844, %add3A_2849 : vector<16xi32>
      %select_n3A_2851 = arith.select %lt3A_2847, %add3A_2850, %xor3A_2844 : vector<16xi1>, vector<16xi32>
      %broadcast_in_dim3A_2852 = vector.shape_cast %select_n3A_2851 : vector<16xi32> to vector<16x1xi32>
      %gather3A_2853 = vector.shape_cast %broadcast_in_dim3A_2852 : vector<16x1xi32> to vector<16xi32>
      %gather3A_2854 = tpu.dynamic_gather %min3A_2841[%gather3A_2853] in [0] : vector<16xi32>, vector<16xi32> -> vector<16xi32>
      %min3A_2855 = arith.minsi %min3A_2841, %gather3A_2854 : vector<16xi32>
      %eq3A_2856 = arith.constant 5 : i32
      %eq3A_2857 = vector.broadcast %eq3A_2856 : i32 to vector<16xi32>
      %eq3A_2858 = arith.cmpi eq, %iota3A, %eq3A_2857 : vector<16xi32>
      %select_n3A_2859 = arith.select %eq3A_2858, %min3A_2855, %select_n3A_2665 : vector<16xi1>, vector<16xi32>
      %eq3A_2860 = arith.cmpi eq, %add3A_1668, %min3A_2855 : vector<16xi32>
      %jit3A_2861 = arith.constant 0xFF800000 : f32
      %broadcast_in_dim3A_2862 = vector.broadcast %jit3A_2861 : f32 to vector<16xf32>
      %select_n3A_2863 = arith.select %eq3A_2860, %broadcast_in_dim3A_2862, %select_n3A_2669 : vector<16xi1>, vector<16xf32>
      %eq3A_2864 = arith.cmpi eq, %add3A_1676, %min3A_2855 : vector<16xi32>
      %jit3A_2865 = arith.constant 0xFF800000 : f32
      %broadcast_in_dim3A_2866 = vector.broadcast %jit3A_2865 : f32 to vector<16xf32>
      %select_n3A_2867 = arith.select %eq3A_2864, %broadcast_in_dim3A_2866, %select_n3A_2673 : vector<16xi1>, vector<16xf32>
      %eq3A_2868 = arith.cmpi eq, %add3A_1684, %min3A_2855 : vector<16xi32>
      %jit3A_2869 = arith.constant 0xFF800000 : f32
      %broadcast_in_dim3A_2870 = vector.broadcast %jit3A_2869 : f32 to vector<16xf32>
      %select_n3A_2871 = arith.select %eq3A_2868, %broadcast_in_dim3A_2870, %select_n3A_2677 : vector<16xi1>, vector<16xf32>
      %eq3A_2872 = arith.cmpi eq, %add3A_1692, %min3A_2855 : vector<16xi32>
      %jit3A_2873 = arith.constant 0xFF800000 : f32
      %broadcast_in_dim3A_2874 = vector.broadcast %jit3A_2873 : f32 to vector<16xf32>
      %select_n3A_2875 = arith.select %eq3A_2872, %broadcast_in_dim3A_2874, %select_n3A_2681 : vector<16xi1>, vector<16xf32>
      %eq3A_2876 = arith.cmpi eq, %add3A_1700, %min3A_2855 : vector<16xi32>
      %jit3A_2877 = arith.constant 0xFF800000 : f32
      %broadcast_in_dim3A_2878 = vector.broadcast %jit3A_2877 : f32 to vector<16xf32>
      %select_n3A_2879 = arith.select %eq3A_2876, %broadcast_in_dim3A_2878, %select_n3A_2685 : vector<16xi1>, vector<16xf32>
      %eq3A_2880 = arith.cmpi eq, %add3A_1708, %min3A_2855 : vector<16xi32>
      %jit3A_2881 = arith.constant 0xFF800000 : f32
      %broadcast_in_dim3A_2882 = vector.broadcast %jit3A_2881 : f32 to vector<16xf32>
      %select_n3A_2883 = arith.select %eq3A_2880, %broadcast_in_dim3A_2882, %select_n3A_2689 : vector<16xi1>, vector<16xf32>
      %eq3A_2884 = arith.cmpi eq, %add3A_1716, %min3A_2855 : vector<16xi32>
      %jit3A_2885 = arith.constant 0xFF800000 : f32
      %broadcast_in_dim3A_2886 = vector.broadcast %jit3A_2885 : f32 to vector<16xf32>
      %select_n3A_2887 = arith.select %eq3A_2884, %broadcast_in_dim3A_2886, %select_n3A_2693 : vector<16xi1>, vector<16xf32>
      %eq3A_2888 = arith.cmpi eq, %add3A_1724, %min3A_2855 : vector<16xi32>
      %jit3A_2889 = arith.constant 0xFF800000 : f32
      %broadcast_in_dim3A_2890 = vector.broadcast %jit3A_2889 : f32 to vector<16xf32>
      %select_n3A_2891 = arith.select %eq3A_2888, %broadcast_in_dim3A_2890, %select_n3A_2697 : vector<16xi1>, vector<16xf32>
      %max3A_2892 = arith.maximumf %select_n3A_2863, %select_n3A_2867 : vector<16xf32>
      %max3A_2893 = arith.maximumf %max3A_2892, %select_n3A_2871 : vector<16xf32>
      %max3A_2894 = arith.maximumf %max3A_2893, %select_n3A_2875 : vector<16xf32>
      %max3A_2895 = arith.maximumf %max3A_2894, %select_n3A_2879 : vector<16xf32>
      %max3A_2896 = arith.maximumf %max3A_2895, %select_n3A_2883 : vector<16xf32>
      %max3A_2897 = arith.maximumf %max3A_2896, %select_n3A_2887 : vector<16xf32>
      %max3A_2898 = arith.maximumf %max3A_2897, %select_n3A_2891 : vector<16xf32>
      %xor3A_2899 = arith.constant 8 : i32
      %xor3A_2900 = vector.broadcast %xor3A_2899 : i32 to vector<16xi32>
      %xor3A_2901 = arith.xori %iota3A, %xor3A_2900 : vector<16xi32>
      %lt3A_2902 = arith.constant 0 : i32
      %lt3A_2903 = vector.broadcast %lt3A_2902 : i32 to vector<16xi32>
      %lt3A_2904 = arith.cmpi slt, %xor3A_2901, %lt3A_2903 : vector<16xi32>
      %add3A_2905 = arith.constant 16 : i32
      %add3A_2906 = vector.broadcast %add3A_2905 : i32 to vector<16xi32>
      %add3A_2907 = arith.addi %xor3A_2901, %add3A_2906 : vector<16xi32>
      %select_n3A_2908 = arith.select %lt3A_2904, %add3A_2907, %xor3A_2901 : vector<16xi1>, vector<16xi32>
      %broadcast_in_dim3A_2909 = vector.shape_cast %select_n3A_2908 : vector<16xi32> to vector<16x1xi32>
      %gather3A_2910 = vector.shape_cast %broadcast_in_dim3A_2909 : vector<16x1xi32> to vector<16xi32>
      %gather3A_2911 = tpu.dynamic_gather %max3A_2898[%gather3A_2910] in [0] : vector<16xf32>, vector<16xi32> -> vector<16xf32>
      %max3A_2912 = arith.maximumf %max3A_2898, %gather3A_2911 : vector<16xf32>
      %xor3A_2913 = arith.constant 4 : i32
      %xor3A_2914 = vector.broadcast %xor3A_2913 : i32 to vector<16xi32>
      %xor3A_2915 = arith.xori %iota3A, %xor3A_2914 : vector<16xi32>
      %lt3A_2916 = arith.constant 0 : i32
      %lt3A_2917 = vector.broadcast %lt3A_2916 : i32 to vector<16xi32>
      %lt3A_2918 = arith.cmpi slt, %xor3A_2915, %lt3A_2917 : vector<16xi32>
      %add3A_2919 = arith.constant 16 : i32
      %add3A_2920 = vector.broadcast %add3A_2919 : i32 to vector<16xi32>
      %add3A_2921 = arith.addi %xor3A_2915, %add3A_2920 : vector<16xi32>
      %select_n3A_2922 = arith.select %lt3A_2918, %add3A_2921, %xor3A_2915 : vector<16xi1>, vector<16xi32>
      %broadcast_in_dim3A_2923 = vector.shape_cast %select_n3A_2922 : vector<16xi32> to vector<16x1xi32>
      %gather3A_2924 = vector.shape_cast %broadcast_in_dim3A_2923 : vector<16x1xi32> to vector<16xi32>
      %gather3A_2925 = tpu.dynamic_gather %max3A_2912[%gather3A_2924] in [0] : vector<16xf32>, vector<16xi32> -> vector<16xf32>
      %max3A_2926 = arith.maximumf %max3A_2912, %gather3A_2925 : vector<16xf32>
      %xor3A_2927 = arith.constant 2 : i32
      %xor3A_2928 = vector.broadcast %xor3A_2927 : i32 to vector<16xi32>
      %xor3A_2929 = arith.xori %iota3A, %xor3A_2928 : vector<16xi32>
      %lt3A_2930 = arith.constant 0 : i32
      %lt3A_2931 = vector.broadcast %lt3A_2930 : i32 to vector<16xi32>
      %lt3A_2932 = arith.cmpi slt, %xor3A_2929, %lt3A_2931 : vector<16xi32>
      %add3A_2933 = arith.constant 16 : i32
      %add3A_2934 = vector.broadcast %add3A_2933 : i32 to vector<16xi32>
      %add3A_2935 = arith.addi %xor3A_2929, %add3A_2934 : vector<16xi32>
      %select_n3A_2936 = arith.select %lt3A_2932, %add3A_2935, %xor3A_2929 : vector<16xi1>, vector<16xi32>
      %broadcast_in_dim3A_2937 = vector.shape_cast %select_n3A_2936 : vector<16xi32> to vector<16x1xi32>
      %gather3A_2938 = vector.shape_cast %broadcast_in_dim3A_2937 : vector<16x1xi32> to vector<16xi32>
      %gather3A_2939 = tpu.dynamic_gather %max3A_2926[%gather3A_2938] in [0] : vector<16xf32>, vector<16xi32> -> vector<16xf32>
      %max3A_2940 = arith.maximumf %max3A_2926, %gather3A_2939 : vector<16xf32>
      %xor3A_2941 = arith.constant 1 : i32
      %xor3A_2942 = vector.broadcast %xor3A_2941 : i32 to vector<16xi32>
      %xor3A_2943 = arith.xori %iota3A, %xor3A_2942 : vector<16xi32>
      %lt3A_2944 = arith.constant 0 : i32
      %lt3A_2945 = vector.broadcast %lt3A_2944 : i32 to vector<16xi32>
      %lt3A_2946 = arith.cmpi slt, %xor3A_2943, %lt3A_2945 : vector<16xi32>
      %add3A_2947 = arith.constant 16 : i32
      %add3A_2948 = vector.broadcast %add3A_2947 : i32 to vector<16xi32>
      %add3A_2949 = arith.addi %xor3A_2943, %add3A_2948 : vector<16xi32>
      %select_n3A_2950 = arith.select %lt3A_2946, %add3A_2949, %xor3A_2943 : vector<16xi1>, vector<16xi32>
      %broadcast_in_dim3A_2951 = vector.shape_cast %select_n3A_2950 : vector<16xi32> to vector<16x1xi32>
      %gather3A_2952 = vector.shape_cast %broadcast_in_dim3A_2951 : vector<16x1xi32> to vector<16xi32>
      %gather3A_2953 = tpu.dynamic_gather %max3A_2940[%gather3A_2952] in [0] : vector<16xf32>, vector<16xi32> -> vector<16xf32>
      %max3A_2954 = arith.maximumf %max3A_2940, %gather3A_2953 : vector<16xf32>
      %eq3A_2955 = arith.cmpf oeq, %select_n3A_2863, %max3A_2954 : vector<16xf32>
      %jit3A_2956 = arith.constant 1073741824 : i32
      %broadcast_in_dim3A_2957 = vector.broadcast %jit3A_2956 : i32 to vector<16xi32>
      %select_n3A_2958 = arith.select %eq3A_2955, %add3A_1668, %broadcast_in_dim3A_2957 : vector<16xi1>, vector<16xi32>
      %eq3A_2959 = arith.cmpf oeq, %select_n3A_2867, %max3A_2954 : vector<16xf32>
      %jit3A_2960 = arith.constant 1073741824 : i32
      %broadcast_in_dim3A_2961 = vector.broadcast %jit3A_2960 : i32 to vector<16xi32>
      %select_n3A_2962 = arith.select %eq3A_2959, %add3A_1676, %broadcast_in_dim3A_2961 : vector<16xi1>, vector<16xi32>
      %min3A_2963 = arith.minsi %select_n3A_2958, %select_n3A_2962 : vector<16xi32>
      %eq3A_2964 = arith.cmpf oeq, %select_n3A_2871, %max3A_2954 : vector<16xf32>
      %jit3A_2965 = arith.constant 1073741824 : i32
      %broadcast_in_dim3A_2966 = vector.broadcast %jit3A_2965 : i32 to vector<16xi32>
      %select_n3A_2967 = arith.select %eq3A_2964, %add3A_1684, %broadcast_in_dim3A_2966 : vector<16xi1>, vector<16xi32>
      %min3A_2968 = arith.minsi %min3A_2963, %select_n3A_2967 : vector<16xi32>
      %eq3A_2969 = arith.cmpf oeq, %select_n3A_2875, %max3A_2954 : vector<16xf32>
      %jit3A_2970 = arith.constant 1073741824 : i32
      %broadcast_in_dim3A_2971 = vector.broadcast %jit3A_2970 : i32 to vector<16xi32>
      %select_n3A_2972 = arith.select %eq3A_2969, %add3A_1692, %broadcast_in_dim3A_2971 : vector<16xi1>, vector<16xi32>
      %min3A_2973 = arith.minsi %min3A_2968, %select_n3A_2972 : vector<16xi32>
      %eq3A_2974 = arith.cmpf oeq, %select_n3A_2879, %max3A_2954 : vector<16xf32>
      %jit3A_2975 = arith.constant 1073741824 : i32
      %broadcast_in_dim3A_2976 = vector.broadcast %jit3A_2975 : i32 to vector<16xi32>
      %select_n3A_2977 = arith.select %eq3A_2974, %add3A_1700, %broadcast_in_dim3A_2976 : vector<16xi1>, vector<16xi32>
      %min3A_2978 = arith.minsi %min3A_2973, %select_n3A_2977 : vector<16xi32>
      %eq3A_2979 = arith.cmpf oeq, %select_n3A_2883, %max3A_2954 : vector<16xf32>
      %jit3A_2980 = arith.constant 1073741824 : i32
      %broadcast_in_dim3A_2981 = vector.broadcast %jit3A_2980 : i32 to vector<16xi32>
      %select_n3A_2982 = arith.select %eq3A_2979, %add3A_1708, %broadcast_in_dim3A_2981 : vector<16xi1>, vector<16xi32>
      %min3A_2983 = arith.minsi %min3A_2978, %select_n3A_2982 : vector<16xi32>
      %eq3A_2984 = arith.cmpf oeq, %select_n3A_2887, %max3A_2954 : vector<16xf32>
      %jit3A_2985 = arith.constant 1073741824 : i32
      %broadcast_in_dim3A_2986 = vector.broadcast %jit3A_2985 : i32 to vector<16xi32>
      %select_n3A_2987 = arith.select %eq3A_2984, %add3A_1716, %broadcast_in_dim3A_2986 : vector<16xi1>, vector<16xi32>
      %min3A_2988 = arith.minsi %min3A_2983, %select_n3A_2987 : vector<16xi32>
      %eq3A_2989 = arith.cmpf oeq, %select_n3A_2891, %max3A_2954 : vector<16xf32>
      %jit3A_2990 = arith.constant 1073741824 : i32
      %broadcast_in_dim3A_2991 = vector.broadcast %jit3A_2990 : i32 to vector<16xi32>
      %select_n3A_2992 = arith.select %eq3A_2989, %add3A_1724, %broadcast_in_dim3A_2991 : vector<16xi1>, vector<16xi32>
      %min3A_2993 = arith.minsi %min3A_2988, %select_n3A_2992 : vector<16xi32>
      %xor3A_2994 = arith.constant 8 : i32
      %xor3A_2995 = vector.broadcast %xor3A_2994 : i32 to vector<16xi32>
      %xor3A_2996 = arith.xori %iota3A, %xor3A_2995 : vector<16xi32>
      %lt3A_2997 = arith.constant 0 : i32
      %lt3A_2998 = vector.broadcast %lt3A_2997 : i32 to vector<16xi32>
      %lt3A_2999 = arith.cmpi slt, %xor3A_2996, %lt3A_2998 : vector<16xi32>
      %add3A_3000 = arith.constant 16 : i32
      %add3A_3001 = vector.broadcast %add3A_3000 : i32 to vector<16xi32>
      %add3A_3002 = arith.addi %xor3A_2996, %add3A_3001 : vector<16xi32>
      %select_n3A_3003 = arith.select %lt3A_2999, %add3A_3002, %xor3A_2996 : vector<16xi1>, vector<16xi32>
      %broadcast_in_dim3A_3004 = vector.shape_cast %select_n3A_3003 : vector<16xi32> to vector<16x1xi32>
      %gather3A_3005 = vector.shape_cast %broadcast_in_dim3A_3004 : vector<16x1xi32> to vector<16xi32>
      %gather3A_3006 = tpu.dynamic_gather %min3A_2993[%gather3A_3005] in [0] : vector<16xi32>, vector<16xi32> -> vector<16xi32>
      %min3A_3007 = arith.minsi %min3A_2993, %gather3A_3006 : vector<16xi32>
      %xor3A_3008 = arith.constant 4 : i32
      %xor3A_3009 = vector.broadcast %xor3A_3008 : i32 to vector<16xi32>
      %xor3A_3010 = arith.xori %iota3A, %xor3A_3009 : vector<16xi32>
      %lt3A_3011 = arith.constant 0 : i32
      %lt3A_3012 = vector.broadcast %lt3A_3011 : i32 to vector<16xi32>
      %lt3A_3013 = arith.cmpi slt, %xor3A_3010, %lt3A_3012 : vector<16xi32>
      %add3A_3014 = arith.constant 16 : i32
      %add3A_3015 = vector.broadcast %add3A_3014 : i32 to vector<16xi32>
      %add3A_3016 = arith.addi %xor3A_3010, %add3A_3015 : vector<16xi32>
      %select_n3A_3017 = arith.select %lt3A_3013, %add3A_3016, %xor3A_3010 : vector<16xi1>, vector<16xi32>
      %broadcast_in_dim3A_3018 = vector.shape_cast %select_n3A_3017 : vector<16xi32> to vector<16x1xi32>
      %gather3A_3019 = vector.shape_cast %broadcast_in_dim3A_3018 : vector<16x1xi32> to vector<16xi32>
      %gather3A_3020 = tpu.dynamic_gather %min3A_3007[%gather3A_3019] in [0] : vector<16xi32>, vector<16xi32> -> vector<16xi32>
      %min3A_3021 = arith.minsi %min3A_3007, %gather3A_3020 : vector<16xi32>
      %xor3A_3022 = arith.constant 2 : i32
      %xor3A_3023 = vector.broadcast %xor3A_3022 : i32 to vector<16xi32>
      %xor3A_3024 = arith.xori %iota3A, %xor3A_3023 : vector<16xi32>
      %lt3A_3025 = arith.constant 0 : i32
      %lt3A_3026 = vector.broadcast %lt3A_3025 : i32 to vector<16xi32>
      %lt3A_3027 = arith.cmpi slt, %xor3A_3024, %lt3A_3026 : vector<16xi32>
      %add3A_3028 = arith.constant 16 : i32
      %add3A_3029 = vector.broadcast %add3A_3028 : i32 to vector<16xi32>
      %add3A_3030 = arith.addi %xor3A_3024, %add3A_3029 : vector<16xi32>
      %select_n3A_3031 = arith.select %lt3A_3027, %add3A_3030, %xor3A_3024 : vector<16xi1>, vector<16xi32>
      %broadcast_in_dim3A_3032 = vector.shape_cast %select_n3A_3031 : vector<16xi32> to vector<16x1xi32>
      %gather3A_3033 = vector.shape_cast %broadcast_in_dim3A_3032 : vector<16x1xi32> to vector<16xi32>
      %gather3A_3034 = tpu.dynamic_gather %min3A_3021[%gather3A_3033] in [0] : vector<16xi32>, vector<16xi32> -> vector<16xi32>
      %min3A_3035 = arith.minsi %min3A_3021, %gather3A_3034 : vector<16xi32>
      %xor3A_3036 = arith.constant 1 : i32
      %xor3A_3037 = vector.broadcast %xor3A_3036 : i32 to vector<16xi32>
      %xor3A_3038 = arith.xori %iota3A, %xor3A_3037 : vector<16xi32>
      %lt3A_3039 = arith.constant 0 : i32
      %lt3A_3040 = vector.broadcast %lt3A_3039 : i32 to vector<16xi32>
      %lt3A_3041 = arith.cmpi slt, %xor3A_3038, %lt3A_3040 : vector<16xi32>
      %add3A_3042 = arith.constant 16 : i32
      %add3A_3043 = vector.broadcast %add3A_3042 : i32 to vector<16xi32>
      %add3A_3044 = arith.addi %xor3A_3038, %add3A_3043 : vector<16xi32>
      %select_n3A_3045 = arith.select %lt3A_3041, %add3A_3044, %xor3A_3038 : vector<16xi1>, vector<16xi32>
      %broadcast_in_dim3A_3046 = vector.shape_cast %select_n3A_3045 : vector<16xi32> to vector<16x1xi32>
      %gather3A_3047 = vector.shape_cast %broadcast_in_dim3A_3046 : vector<16x1xi32> to vector<16xi32>
      %gather3A_3048 = tpu.dynamic_gather %min3A_3035[%gather3A_3047] in [0] : vector<16xi32>, vector<16xi32> -> vector<16xi32>
      %min3A_3049 = arith.minsi %min3A_3035, %gather3A_3048 : vector<16xi32>
      %eq3A_3050 = arith.constant 6 : i32
      %eq3A_3051 = vector.broadcast %eq3A_3050 : i32 to vector<16xi32>
      %eq3A_3052 = arith.cmpi eq, %iota3A, %eq3A_3051 : vector<16xi32>
      %select_n3A_3053 = arith.select %eq3A_3052, %min3A_3049, %select_n3A_2859 : vector<16xi1>, vector<16xi32>
      %eq3A_3054 = arith.cmpi eq, %add3A_1668, %min3A_3049 : vector<16xi32>
      %jit3A_3055 = arith.constant 0xFF800000 : f32
      %broadcast_in_dim3A_3056 = vector.broadcast %jit3A_3055 : f32 to vector<16xf32>
      %select_n3A_3057 = arith.select %eq3A_3054, %broadcast_in_dim3A_3056, %select_n3A_2863 : vector<16xi1>, vector<16xf32>
      %eq3A_3058 = arith.cmpi eq, %add3A_1676, %min3A_3049 : vector<16xi32>
      %jit3A_3059 = arith.constant 0xFF800000 : f32
      %broadcast_in_dim3A_3060 = vector.broadcast %jit3A_3059 : f32 to vector<16xf32>
      %select_n3A_3061 = arith.select %eq3A_3058, %broadcast_in_dim3A_3060, %select_n3A_2867 : vector<16xi1>, vector<16xf32>
      %eq3A_3062 = arith.cmpi eq, %add3A_1684, %min3A_3049 : vector<16xi32>
      %jit3A_3063 = arith.constant 0xFF800000 : f32
      %broadcast_in_dim3A_3064 = vector.broadcast %jit3A_3063 : f32 to vector<16xf32>
      %select_n3A_3065 = arith.select %eq3A_3062, %broadcast_in_dim3A_3064, %select_n3A_2871 : vector<16xi1>, vector<16xf32>
      %eq3A_3066 = arith.cmpi eq, %add3A_1692, %min3A_3049 : vector<16xi32>
      %jit3A_3067 = arith.constant 0xFF800000 : f32
      %broadcast_in_dim3A_3068 = vector.broadcast %jit3A_3067 : f32 to vector<16xf32>
      %select_n3A_3069 = arith.select %eq3A_3066, %broadcast_in_dim3A_3068, %select_n3A_2875 : vector<16xi1>, vector<16xf32>
      %eq3A_3070 = arith.cmpi eq, %add3A_1700, %min3A_3049 : vector<16xi32>
      %jit3A_3071 = arith.constant 0xFF800000 : f32
      %broadcast_in_dim3A_3072 = vector.broadcast %jit3A_3071 : f32 to vector<16xf32>
      %select_n3A_3073 = arith.select %eq3A_3070, %broadcast_in_dim3A_3072, %select_n3A_2879 : vector<16xi1>, vector<16xf32>
      %eq3A_3074 = arith.cmpi eq, %add3A_1708, %min3A_3049 : vector<16xi32>
      %jit3A_3075 = arith.constant 0xFF800000 : f32
      %broadcast_in_dim3A_3076 = vector.broadcast %jit3A_3075 : f32 to vector<16xf32>
      %select_n3A_3077 = arith.select %eq3A_3074, %broadcast_in_dim3A_3076, %select_n3A_2883 : vector<16xi1>, vector<16xf32>
      %eq3A_3078 = arith.cmpi eq, %add3A_1716, %min3A_3049 : vector<16xi32>
      %jit3A_3079 = arith.constant 0xFF800000 : f32
      %broadcast_in_dim3A_3080 = vector.broadcast %jit3A_3079 : f32 to vector<16xf32>
      %select_n3A_3081 = arith.select %eq3A_3078, %broadcast_in_dim3A_3080, %select_n3A_2887 : vector<16xi1>, vector<16xf32>
      %eq3A_3082 = arith.cmpi eq, %add3A_1724, %min3A_3049 : vector<16xi32>
      %jit3A_3083 = arith.constant 0xFF800000 : f32
      %broadcast_in_dim3A_3084 = vector.broadcast %jit3A_3083 : f32 to vector<16xf32>
      %select_n3A_3085 = arith.select %eq3A_3082, %broadcast_in_dim3A_3084, %select_n3A_2891 : vector<16xi1>, vector<16xf32>
      %max3A_3086 = arith.maximumf %select_n3A_3057, %select_n3A_3061 : vector<16xf32>
      %max3A_3087 = arith.maximumf %max3A_3086, %select_n3A_3065 : vector<16xf32>
      %max3A_3088 = arith.maximumf %max3A_3087, %select_n3A_3069 : vector<16xf32>
      %max3A_3089 = arith.maximumf %max3A_3088, %select_n3A_3073 : vector<16xf32>
      %max3A_3090 = arith.maximumf %max3A_3089, %select_n3A_3077 : vector<16xf32>
      %max3A_3091 = arith.maximumf %max3A_3090, %select_n3A_3081 : vector<16xf32>
      %max3A_3092 = arith.maximumf %max3A_3091, %select_n3A_3085 : vector<16xf32>
      %xor3A_3093 = arith.constant 8 : i32
      %xor3A_3094 = vector.broadcast %xor3A_3093 : i32 to vector<16xi32>
      %xor3A_3095 = arith.xori %iota3A, %xor3A_3094 : vector<16xi32>
      %lt3A_3096 = arith.constant 0 : i32
      %lt3A_3097 = vector.broadcast %lt3A_3096 : i32 to vector<16xi32>
      %lt3A_3098 = arith.cmpi slt, %xor3A_3095, %lt3A_3097 : vector<16xi32>
      %add3A_3099 = arith.constant 16 : i32
      %add3A_3100 = vector.broadcast %add3A_3099 : i32 to vector<16xi32>
      %add3A_3101 = arith.addi %xor3A_3095, %add3A_3100 : vector<16xi32>
      %select_n3A_3102 = arith.select %lt3A_3098, %add3A_3101, %xor3A_3095 : vector<16xi1>, vector<16xi32>
      %broadcast_in_dim3A_3103 = vector.shape_cast %select_n3A_3102 : vector<16xi32> to vector<16x1xi32>
      %gather3A_3104 = vector.shape_cast %broadcast_in_dim3A_3103 : vector<16x1xi32> to vector<16xi32>
      %gather3A_3105 = tpu.dynamic_gather %max3A_3092[%gather3A_3104] in [0] : vector<16xf32>, vector<16xi32> -> vector<16xf32>
      %max3A_3106 = arith.maximumf %max3A_3092, %gather3A_3105 : vector<16xf32>
      %xor3A_3107 = arith.constant 4 : i32
      %xor3A_3108 = vector.broadcast %xor3A_3107 : i32 to vector<16xi32>
      %xor3A_3109 = arith.xori %iota3A, %xor3A_3108 : vector<16xi32>
      %lt3A_3110 = arith.constant 0 : i32
      %lt3A_3111 = vector.broadcast %lt3A_3110 : i32 to vector<16xi32>
      %lt3A_3112 = arith.cmpi slt, %xor3A_3109, %lt3A_3111 : vector<16xi32>
      %add3A_3113 = arith.constant 16 : i32
      %add3A_3114 = vector.broadcast %add3A_3113 : i32 to vector<16xi32>
      %add3A_3115 = arith.addi %xor3A_3109, %add3A_3114 : vector<16xi32>
      %select_n3A_3116 = arith.select %lt3A_3112, %add3A_3115, %xor3A_3109 : vector<16xi1>, vector<16xi32>
      %broadcast_in_dim3A_3117 = vector.shape_cast %select_n3A_3116 : vector<16xi32> to vector<16x1xi32>
      %gather3A_3118 = vector.shape_cast %broadcast_in_dim3A_3117 : vector<16x1xi32> to vector<16xi32>
      %gather3A_3119 = tpu.dynamic_gather %max3A_3106[%gather3A_3118] in [0] : vector<16xf32>, vector<16xi32> -> vector<16xf32>
      %max3A_3120 = arith.maximumf %max3A_3106, %gather3A_3119 : vector<16xf32>
      %xor3A_3121 = arith.constant 2 : i32
      %xor3A_3122 = vector.broadcast %xor3A_3121 : i32 to vector<16xi32>
      %xor3A_3123 = arith.xori %iota3A, %xor3A_3122 : vector<16xi32>
      %lt3A_3124 = arith.constant 0 : i32
      %lt3A_3125 = vector.broadcast %lt3A_3124 : i32 to vector<16xi32>
      %lt3A_3126 = arith.cmpi slt, %xor3A_3123, %lt3A_3125 : vector<16xi32>
      %add3A_3127 = arith.constant 16 : i32
      %add3A_3128 = vector.broadcast %add3A_3127 : i32 to vector<16xi32>
      %add3A_3129 = arith.addi %xor3A_3123, %add3A_3128 : vector<16xi32>
      %select_n3A_3130 = arith.select %lt3A_3126, %add3A_3129, %xor3A_3123 : vector<16xi1>, vector<16xi32>
      %broadcast_in_dim3A_3131 = vector.shape_cast %select_n3A_3130 : vector<16xi32> to vector<16x1xi32>
      %gather3A_3132 = vector.shape_cast %broadcast_in_dim3A_3131 : vector<16x1xi32> to vector<16xi32>
      %gather3A_3133 = tpu.dynamic_gather %max3A_3120[%gather3A_3132] in [0] : vector<16xf32>, vector<16xi32> -> vector<16xf32>
      %max3A_3134 = arith.maximumf %max3A_3120, %gather3A_3133 : vector<16xf32>
      %xor3A_3135 = arith.constant 1 : i32
      %xor3A_3136 = vector.broadcast %xor3A_3135 : i32 to vector<16xi32>
      %xor3A_3137 = arith.xori %iota3A, %xor3A_3136 : vector<16xi32>
      %lt3A_3138 = arith.constant 0 : i32
      %lt3A_3139 = vector.broadcast %lt3A_3138 : i32 to vector<16xi32>
      %lt3A_3140 = arith.cmpi slt, %xor3A_3137, %lt3A_3139 : vector<16xi32>
      %add3A_3141 = arith.constant 16 : i32
      %add3A_3142 = vector.broadcast %add3A_3141 : i32 to vector<16xi32>
      %add3A_3143 = arith.addi %xor3A_3137, %add3A_3142 : vector<16xi32>
      %select_n3A_3144 = arith.select %lt3A_3140, %add3A_3143, %xor3A_3137 : vector<16xi1>, vector<16xi32>
      %broadcast_in_dim3A_3145 = vector.shape_cast %select_n3A_3144 : vector<16xi32> to vector<16x1xi32>
      %gather3A_3146 = vector.shape_cast %broadcast_in_dim3A_3145 : vector<16x1xi32> to vector<16xi32>
      %gather3A_3147 = tpu.dynamic_gather %max3A_3134[%gather3A_3146] in [0] : vector<16xf32>, vector<16xi32> -> vector<16xf32>
      %max3A_3148 = arith.maximumf %max3A_3134, %gather3A_3147 : vector<16xf32>
      %eq3A_3149 = arith.cmpf oeq, %select_n3A_3057, %max3A_3148 : vector<16xf32>
      %jit3A_3150 = arith.constant 1073741824 : i32
      %broadcast_in_dim3A_3151 = vector.broadcast %jit3A_3150 : i32 to vector<16xi32>
      %select_n3A_3152 = arith.select %eq3A_3149, %add3A_1668, %broadcast_in_dim3A_3151 : vector<16xi1>, vector<16xi32>
      %eq3A_3153 = arith.cmpf oeq, %select_n3A_3061, %max3A_3148 : vector<16xf32>
      %jit3A_3154 = arith.constant 1073741824 : i32
      %broadcast_in_dim3A_3155 = vector.broadcast %jit3A_3154 : i32 to vector<16xi32>
      %select_n3A_3156 = arith.select %eq3A_3153, %add3A_1676, %broadcast_in_dim3A_3155 : vector<16xi1>, vector<16xi32>
      %min3A_3157 = arith.minsi %select_n3A_3152, %select_n3A_3156 : vector<16xi32>
      %eq3A_3158 = arith.cmpf oeq, %select_n3A_3065, %max3A_3148 : vector<16xf32>
      %jit3A_3159 = arith.constant 1073741824 : i32
      %broadcast_in_dim3A_3160 = vector.broadcast %jit3A_3159 : i32 to vector<16xi32>
      %select_n3A_3161 = arith.select %eq3A_3158, %add3A_1684, %broadcast_in_dim3A_3160 : vector<16xi1>, vector<16xi32>
      %min3A_3162 = arith.minsi %min3A_3157, %select_n3A_3161 : vector<16xi32>
      %eq3A_3163 = arith.cmpf oeq, %select_n3A_3069, %max3A_3148 : vector<16xf32>
      %jit3A_3164 = arith.constant 1073741824 : i32
      %broadcast_in_dim3A_3165 = vector.broadcast %jit3A_3164 : i32 to vector<16xi32>
      %select_n3A_3166 = arith.select %eq3A_3163, %add3A_1692, %broadcast_in_dim3A_3165 : vector<16xi1>, vector<16xi32>
      %min3A_3167 = arith.minsi %min3A_3162, %select_n3A_3166 : vector<16xi32>
      %eq3A_3168 = arith.cmpf oeq, %select_n3A_3073, %max3A_3148 : vector<16xf32>
      %jit3A_3169 = arith.constant 1073741824 : i32
      %broadcast_in_dim3A_3170 = vector.broadcast %jit3A_3169 : i32 to vector<16xi32>
      %select_n3A_3171 = arith.select %eq3A_3168, %add3A_1700, %broadcast_in_dim3A_3170 : vector<16xi1>, vector<16xi32>
      %min3A_3172 = arith.minsi %min3A_3167, %select_n3A_3171 : vector<16xi32>
      %eq3A_3173 = arith.cmpf oeq, %select_n3A_3077, %max3A_3148 : vector<16xf32>
      %jit3A_3174 = arith.constant 1073741824 : i32
      %broadcast_in_dim3A_3175 = vector.broadcast %jit3A_3174 : i32 to vector<16xi32>
      %select_n3A_3176 = arith.select %eq3A_3173, %add3A_1708, %broadcast_in_dim3A_3175 : vector<16xi1>, vector<16xi32>
      %min3A_3177 = arith.minsi %min3A_3172, %select_n3A_3176 : vector<16xi32>
      %eq3A_3178 = arith.cmpf oeq, %select_n3A_3081, %max3A_3148 : vector<16xf32>
      %jit3A_3179 = arith.constant 1073741824 : i32
      %broadcast_in_dim3A_3180 = vector.broadcast %jit3A_3179 : i32 to vector<16xi32>
      %select_n3A_3181 = arith.select %eq3A_3178, %add3A_1716, %broadcast_in_dim3A_3180 : vector<16xi1>, vector<16xi32>
      %min3A_3182 = arith.minsi %min3A_3177, %select_n3A_3181 : vector<16xi32>
      %eq3A_3183 = arith.cmpf oeq, %select_n3A_3085, %max3A_3148 : vector<16xf32>
      %jit3A_3184 = arith.constant 1073741824 : i32
      %broadcast_in_dim3A_3185 = vector.broadcast %jit3A_3184 : i32 to vector<16xi32>
      %select_n3A_3186 = arith.select %eq3A_3183, %add3A_1724, %broadcast_in_dim3A_3185 : vector<16xi1>, vector<16xi32>
      %min3A_3187 = arith.minsi %min3A_3182, %select_n3A_3186 : vector<16xi32>
      %xor3A_3188 = arith.constant 8 : i32
      %xor3A_3189 = vector.broadcast %xor3A_3188 : i32 to vector<16xi32>
      %xor3A_3190 = arith.xori %iota3A, %xor3A_3189 : vector<16xi32>
      %lt3A_3191 = arith.constant 0 : i32
      %lt3A_3192 = vector.broadcast %lt3A_3191 : i32 to vector<16xi32>
      %lt3A_3193 = arith.cmpi slt, %xor3A_3190, %lt3A_3192 : vector<16xi32>
      %add3A_3194 = arith.constant 16 : i32
      %add3A_3195 = vector.broadcast %add3A_3194 : i32 to vector<16xi32>
      %add3A_3196 = arith.addi %xor3A_3190, %add3A_3195 : vector<16xi32>
      %select_n3A_3197 = arith.select %lt3A_3193, %add3A_3196, %xor3A_3190 : vector<16xi1>, vector<16xi32>
      %broadcast_in_dim3A_3198 = vector.shape_cast %select_n3A_3197 : vector<16xi32> to vector<16x1xi32>
      %gather3A_3199 = vector.shape_cast %broadcast_in_dim3A_3198 : vector<16x1xi32> to vector<16xi32>
      %gather3A_3200 = tpu.dynamic_gather %min3A_3187[%gather3A_3199] in [0] : vector<16xi32>, vector<16xi32> -> vector<16xi32>
      %min3A_3201 = arith.minsi %min3A_3187, %gather3A_3200 : vector<16xi32>
      %xor3A_3202 = arith.constant 4 : i32
      %xor3A_3203 = vector.broadcast %xor3A_3202 : i32 to vector<16xi32>
      %xor3A_3204 = arith.xori %iota3A, %xor3A_3203 : vector<16xi32>
      %lt3A_3205 = arith.constant 0 : i32
      %lt3A_3206 = vector.broadcast %lt3A_3205 : i32 to vector<16xi32>
      %lt3A_3207 = arith.cmpi slt, %xor3A_3204, %lt3A_3206 : vector<16xi32>
      %add3A_3208 = arith.constant 16 : i32
      %add3A_3209 = vector.broadcast %add3A_3208 : i32 to vector<16xi32>
      %add3A_3210 = arith.addi %xor3A_3204, %add3A_3209 : vector<16xi32>
      %select_n3A_3211 = arith.select %lt3A_3207, %add3A_3210, %xor3A_3204 : vector<16xi1>, vector<16xi32>
      %broadcast_in_dim3A_3212 = vector.shape_cast %select_n3A_3211 : vector<16xi32> to vector<16x1xi32>
      %gather3A_3213 = vector.shape_cast %broadcast_in_dim3A_3212 : vector<16x1xi32> to vector<16xi32>
      %gather3A_3214 = tpu.dynamic_gather %min3A_3201[%gather3A_3213] in [0] : vector<16xi32>, vector<16xi32> -> vector<16xi32>
      %min3A_3215 = arith.minsi %min3A_3201, %gather3A_3214 : vector<16xi32>
      %xor3A_3216 = arith.constant 2 : i32
      %xor3A_3217 = vector.broadcast %xor3A_3216 : i32 to vector<16xi32>
      %xor3A_3218 = arith.xori %iota3A, %xor3A_3217 : vector<16xi32>
      %lt3A_3219 = arith.constant 0 : i32
      %lt3A_3220 = vector.broadcast %lt3A_3219 : i32 to vector<16xi32>
      %lt3A_3221 = arith.cmpi slt, %xor3A_3218, %lt3A_3220 : vector<16xi32>
      %add3A_3222 = arith.constant 16 : i32
      %add3A_3223 = vector.broadcast %add3A_3222 : i32 to vector<16xi32>
      %add3A_3224 = arith.addi %xor3A_3218, %add3A_3223 : vector<16xi32>
      %select_n3A_3225 = arith.select %lt3A_3221, %add3A_3224, %xor3A_3218 : vector<16xi1>, vector<16xi32>
      %broadcast_in_dim3A_3226 = vector.shape_cast %select_n3A_3225 : vector<16xi32> to vector<16x1xi32>
      %gather3A_3227 = vector.shape_cast %broadcast_in_dim3A_3226 : vector<16x1xi32> to vector<16xi32>
      %gather3A_3228 = tpu.dynamic_gather %min3A_3215[%gather3A_3227] in [0] : vector<16xi32>, vector<16xi32> -> vector<16xi32>
      %min3A_3229 = arith.minsi %min3A_3215, %gather3A_3228 : vector<16xi32>
      %xor3A_3230 = arith.constant 1 : i32
      %xor3A_3231 = vector.broadcast %xor3A_3230 : i32 to vector<16xi32>
      %xor3A_3232 = arith.xori %iota3A, %xor3A_3231 : vector<16xi32>
      %lt3A_3233 = arith.constant 0 : i32
      %lt3A_3234 = vector.broadcast %lt3A_3233 : i32 to vector<16xi32>
      %lt3A_3235 = arith.cmpi slt, %xor3A_3232, %lt3A_3234 : vector<16xi32>
      %add3A_3236 = arith.constant 16 : i32
      %add3A_3237 = vector.broadcast %add3A_3236 : i32 to vector<16xi32>
      %add3A_3238 = arith.addi %xor3A_3232, %add3A_3237 : vector<16xi32>
      %select_n3A_3239 = arith.select %lt3A_3235, %add3A_3238, %xor3A_3232 : vector<16xi1>, vector<16xi32>
      %broadcast_in_dim3A_3240 = vector.shape_cast %select_n3A_3239 : vector<16xi32> to vector<16x1xi32>
      %gather3A_3241 = vector.shape_cast %broadcast_in_dim3A_3240 : vector<16x1xi32> to vector<16xi32>
      %gather3A_3242 = tpu.dynamic_gather %min3A_3229[%gather3A_3241] in [0] : vector<16xi32>, vector<16xi32> -> vector<16xi32>
      %min3A_3243 = arith.minsi %min3A_3229, %gather3A_3242 : vector<16xi32>
      %eq3A_3244 = arith.constant 7 : i32
      %eq3A_3245 = vector.broadcast %eq3A_3244 : i32 to vector<16xi32>
      %eq3A_3246 = arith.cmpi eq, %iota3A, %eq3A_3245 : vector<16xi32>
      %select_n3A_3247 = arith.select %eq3A_3246, %min3A_3243, %select_n3A_3053 : vector<16xi1>, vector<16xi32>
      %broadcast_in_dim3A_3248 = vector.broadcast %scan3A_46 : i32 to vector<16xi32>
      %gather3A_3249 = tpu.vector_load_idx %arg6[%broadcast_in_dim3A_3248, %select_n3A_3247] : memref<4x256xf32, #tpu.memory_space<vmem>>[vector<16xi32>, vector<16xi32>], vector<16xf32>,
      %lt3A_3250 = arith.constant 8 : i32
      %lt3A_3251 = vector.broadcast %lt3A_3250 : i32 to vector<16xi32>
      %lt3A_3252 = arith.cmpi slt, %iota3A, %lt3A_3251 : vector<16xi32>
      %jit3A_3253 = arith.constant 0.000000e+00 : f32
      %broadcast_in_dim3A_3254 = vector.broadcast %jit3A_3253 : f32 to vector<16xf32>
      %select_n3A_3255 = arith.select %lt3A_3252, %gather3A_3249, %broadcast_in_dim3A_3254 : vector<16xi1>, vector<16xf32>
      %xor3A_3256 = arith.constant 8 : i32
      %xor3A_3257 = vector.broadcast %xor3A_3256 : i32 to vector<16xi32>
      %xor3A_3258 = arith.xori %iota3A, %xor3A_3257 : vector<16xi32>
      %lt3A_3259 = arith.constant 0 : i32
      %lt3A_3260 = vector.broadcast %lt3A_3259 : i32 to vector<16xi32>
      %lt3A_3261 = arith.cmpi slt, %xor3A_3258, %lt3A_3260 : vector<16xi32>
      %add3A_3262 = arith.constant 16 : i32
      %add3A_3263 = vector.broadcast %add3A_3262 : i32 to vector<16xi32>
      %add3A_3264 = arith.addi %xor3A_3258, %add3A_3263 : vector<16xi32>
      %select_n3A_3265 = arith.select %lt3A_3261, %add3A_3264, %xor3A_3258 : vector<16xi1>, vector<16xi32>
      %broadcast_in_dim3A_3266 = vector.shape_cast %select_n3A_3265 : vector<16xi32> to vector<16x1xi32>
      %gather3A_3267 = vector.shape_cast %broadcast_in_dim3A_3266 : vector<16x1xi32> to vector<16xi32>
      %gather3A_3268 = tpu.dynamic_gather %select_n3A_3255[%gather3A_3267] in [0] : vector<16xf32>, vector<16xi32> -> vector<16xf32>
      %add3A_3269 = arith.addf %select_n3A_3255, %gather3A_3268 : vector<16xf32>
      %xor3A_3270 = arith.constant 4 : i32
      %xor3A_3271 = vector.broadcast %xor3A_3270 : i32 to vector<16xi32>
      %xor3A_3272 = arith.xori %iota3A, %xor3A_3271 : vector<16xi32>
      %lt3A_3273 = arith.constant 0 : i32
      %lt3A_3274 = vector.broadcast %lt3A_3273 : i32 to vector<16xi32>
      %lt3A_3275 = arith.cmpi slt, %xor3A_3272, %lt3A_3274 : vector<16xi32>
      %add3A_3276 = arith.constant 16 : i32
      %add3A_3277 = vector.broadcast %add3A_3276 : i32 to vector<16xi32>
      %add3A_3278 = arith.addi %xor3A_3272, %add3A_3277 : vector<16xi32>
      %select_n3A_3279 = arith.select %lt3A_3275, %add3A_3278, %xor3A_3272 : vector<16xi1>, vector<16xi32>
      %broadcast_in_dim3A_3280 = vector.shape_cast %select_n3A_3279 : vector<16xi32> to vector<16x1xi32>
      %gather3A_3281 = vector.shape_cast %broadcast_in_dim3A_3280 : vector<16x1xi32> to vector<16xi32>
      %gather3A_3282 = tpu.dynamic_gather %add3A_3269[%gather3A_3281] in [0] : vector<16xf32>, vector<16xi32> -> vector<16xf32>
      %add3A_3283 = arith.addf %add3A_3269, %gather3A_3282 : vector<16xf32>
      %xor3A_3284 = arith.constant 2 : i32
      %xor3A_3285 = vector.broadcast %xor3A_3284 : i32 to vector<16xi32>
      %xor3A_3286 = arith.xori %iota3A, %xor3A_3285 : vector<16xi32>
      %lt3A_3287 = arith.constant 0 : i32
      %lt3A_3288 = vector.broadcast %lt3A_3287 : i32 to vector<16xi32>
      %lt3A_3289 = arith.cmpi slt, %xor3A_3286, %lt3A_3288 : vector<16xi32>
      %add3A_3290 = arith.constant 16 : i32
      %add3A_3291 = vector.broadcast %add3A_3290 : i32 to vector<16xi32>
      %add3A_3292 = arith.addi %xor3A_3286, %add3A_3291 : vector<16xi32>
      %select_n3A_3293 = arith.select %lt3A_3289, %add3A_3292, %xor3A_3286 : vector<16xi1>, vector<16xi32>
      %broadcast_in_dim3A_3294 = vector.shape_cast %select_n3A_3293 : vector<16xi32> to vector<16x1xi32>
      %gather3A_3295 = vector.shape_cast %broadcast_in_dim3A_3294 : vector<16x1xi32> to vector<16xi32>
      %gather3A_3296 = tpu.dynamic_gather %add3A_3283[%gather3A_3295] in [0] : vector<16xf32>, vector<16xi32> -> vector<16xf32>
      %add3A_3297 = arith.addf %add3A_3283, %gather3A_3296 : vector<16xf32>
      %xor3A_3298 = arith.constant 1 : i32
      %xor3A_3299 = vector.broadcast %xor3A_3298 : i32 to vector<16xi32>
      %xor3A_3300 = arith.xori %iota3A, %xor3A_3299 : vector<16xi32>
      %lt3A_3301 = arith.constant 0 : i32
      %lt3A_3302 = vector.broadcast %lt3A_3301 : i32 to vector<16xi32>
      %lt3A_3303 = arith.cmpi slt, %xor3A_3300, %lt3A_3302 : vector<16xi32>
      %add3A_3304 = arith.constant 16 : i32
      %add3A_3305 = vector.broadcast %add3A_3304 : i32 to vector<16xi32>
      %add3A_3306 = arith.addi %xor3A_3300, %add3A_3305 : vector<16xi32>
      %select_n3A_3307 = arith.select %lt3A_3303, %add3A_3306, %xor3A_3300 : vector<16xi1>, vector<16xi32>
      %broadcast_in_dim3A_3308 = vector.shape_cast %select_n3A_3307 : vector<16xi32> to vector<16x1xi32>
      %gather3A_3309 = vector.shape_cast %broadcast_in_dim3A_3308 : vector<16x1xi32> to vector<16xi32>
      %gather3A_3310 = tpu.dynamic_gather %add3A_3297[%gather3A_3309] in [0] : vector<16xf32>, vector<16xi32> -> vector<16xf32>
      %add3A_3311 = arith.addf %add3A_3297, %gather3A_3310 : vector<16xf32>
      %lt3A_3312 = arith.constant 8 : i32
      %lt3A_3313 = vector.broadcast %lt3A_3312 : i32 to vector<16xi32>
      %lt3A_3314 = arith.cmpi slt, %iota3A, %lt3A_3313 : vector<16xi32>
      %div3A = arith.divf %select_n3A_3255, %add3A_3311 : vector<16xf32>
      %add3A_3315 = arith.constant 9.99999968E-21 : f32
      %add3A_3316 = vector.broadcast %add3A_3315 : f32 to vector<16xf32>
      %add3A_3317 = arith.addf %div3A, %add3A_3316 : vector<16xf32>
      %mul3A_3318 = arith.constant 2.500000e+00 : f32
      %mul3A_3319 = vector.broadcast %mul3A_3318 : f32 to vector<16xf32>
      %mul3A_3320 = arith.mulf %add3A_3317, %mul3A_3319 : vector<16xf32>
      tpu.vector_store_idx %arg9[%broadcast_in_dim3A_3248, %iota3A], %mul3A_3320 masked %lt3A_3314 : memref<4x8xf32, #tpu.memory_space<vmem>>[vector<16xi32>, vector<16xi32>], vector<16xf32>, vector<16xi1>
      tpu.vector_store_idx %arg10[%broadcast_in_dim3A_3248, %iota3A], %select_n3A_3247 masked %lt3A_3314 : memref<4x8xi32, #tpu.memory_space<vmem>>[vector<16xi32>, vector<16xi32>], vector<16xi32>, vector<16xi1>
    }
    %scan3A_13 = arith.constant 4 : i32
    %dma_start3A_14 = arith.constant 0 : i32
    %dma_start3A_15 = arith.constant 0 : i32
    %dma_start3A_16 = arith.constant 0 : i32
    %dma_start3A_17 = tpu.memref_slice %arg4[%dma_start3A_14, %dma_start3A_15, %mul3A_2, %dma_start3A_16] : memref<1x1x128x8xf32, #tpu.memory_space<hbm>> -> memref<1x1x4x8xf32, #tpu.memory_space<hbm>>
    %dma_start3A_18 = tpu.memref_squeeze %dma_start3A_17 : memref<1x1x4x8xf32, #tpu.memory_space<hbm>> -> memref<4x8xf32, #tpu.memory_space<hbm>>
    %dma_start3A_19 = arith.constant 0 : i32
    %dma_start3A_20 = tpu.memref_slice %arg4[%dma_start3A_14, %dma_start3A_15, %mul3A_2, %dma_start3A_19] : memref<1x1x128x8xf32, #tpu.memory_space<hbm>> -> memref<1x1x4x8xf32, #tpu.memory_space<hbm>>
    %dma_start3A_21 = tpu.memref_squeeze %dma_start3A_20 : memref<1x1x4x8xf32, #tpu.memory_space<hbm>> -> memref<4x8xf32, #tpu.memory_space<hbm>>
    tpu.enqueue_dma source(%arg9 : memref<4x8xf32, #tpu.memory_space<vmem>>) target(%dma_start3A_21 : memref<4x8xf32, #tpu.memory_space<hbm>>) target_semaphore(%arg11 : memref<!tpu.dma_semaphore, #tpu.memory_space<semaphore_mem>>)
    %dma_start3A_22 = arith.constant 0 : i32
    %dma_start3A_23 = arith.constant 0 : i32
    %dma_start3A_24 = arith.constant 0 : i32
    %dma_start3A_25 = tpu.memref_slice %arg5[%dma_start3A_22, %dma_start3A_23, %mul3A_2, %dma_start3A_24] : memref<1x1x128x8xi32, #tpu.memory_space<hbm>> -> memref<1x1x4x8xi32, #tpu.memory_space<hbm>>
    %dma_start3A_26 = tpu.memref_squeeze %dma_start3A_25 : memref<1x1x4x8xi32, #tpu.memory_space<hbm>> -> memref<4x8xi32, #tpu.memory_space<hbm>>
    %dma_start3A_27 = arith.constant 0 : i32
    %dma_start3A_28 = tpu.memref_slice %arg5[%dma_start3A_22, %dma_start3A_23, %mul3A_2, %dma_start3A_27] : memref<1x1x128x8xi32, #tpu.memory_space<hbm>> -> memref<1x1x4x8xi32, #tpu.memory_space<hbm>>
    %dma_start3A_29 = tpu.memref_squeeze %dma_start3A_28 : memref<1x1x4x8xi32, #tpu.memory_space<hbm>> -> memref<4x8xi32, #tpu.memory_space<hbm>>
    tpu.enqueue_dma source(%arg10 : memref<4x8xi32, #tpu.memory_space<vmem>>) target(%dma_start3A_29 : memref<4x8xi32, #tpu.memory_space<hbm>>) target_semaphore(%arg11 : memref<!tpu.dma_semaphore, #tpu.memory_space<semaphore_mem>>)
    %dma_wait3A_30 = arith.constant 0 : i32
    %dma_wait3A_31 = arith.constant 0 : i32
    %dma_wait3A_32 = arith.constant 0 : i32
    %dma_wait3A_33 = tpu.memref_slice %arg4[%dma_wait3A_30, %dma_wait3A_31, %mul3A_2, %dma_wait3A_32] : memref<1x1x128x8xf32, #tpu.memory_space<hbm>> -> memref<1x1x4x8xf32, #tpu.memory_space<hbm>>
    %dma_wait3A_34 = tpu.memref_squeeze %dma_wait3A_33 : memref<1x1x4x8xf32, #tpu.memory_space<hbm>> -> memref<4x8xf32, #tpu.memory_space<hbm>>
    %dma_wait3A_35 = arith.constant 0 : i32
    %dma_wait3A_36 = tpu.memref_slice %arg4[%dma_wait3A_30, %dma_wait3A_31, %mul3A_2, %dma_wait3A_35] : memref<1x1x128x8xf32, #tpu.memory_space<hbm>> -> memref<1x1x4x8xf32, #tpu.memory_space<hbm>>
    %dma_wait3A_37 = tpu.memref_squeeze %dma_wait3A_36 : memref<1x1x4x8xf32, #tpu.memory_space<hbm>> -> memref<4x8xf32, #tpu.memory_space<hbm>>
    tpu.wait_dma2 semaphore(%arg11 : memref<!tpu.dma_semaphore, #tpu.memory_space<semaphore_mem>>) src(%arg9 : memref<4x8xf32, #tpu.memory_space<vmem>>) dst(%dma_wait3A_37 : memref<4x8xf32, #tpu.memory_space<hbm>>)
    %dma_wait3A_38 = arith.constant 0 : i32
    %dma_wait3A_39 = arith.constant 0 : i32
    %dma_wait3A_40 = arith.constant 0 : i32
    %dma_wait3A_41 = tpu.memref_slice %arg5[%dma_wait3A_38, %dma_wait3A_39, %mul3A_2, %dma_wait3A_40] : memref<1x1x128x8xi32, #tpu.memory_space<hbm>> -> memref<1x1x4x8xi32, #tpu.memory_space<hbm>>
    %dma_wait3A_42 = tpu.memref_squeeze %dma_wait3A_41 : memref<1x1x4x8xi32, #tpu.memory_space<hbm>> -> memref<4x8xi32, #tpu.memory_space<hbm>>
    %dma_wait3A_43 = arith.constant 0 : i32
    %dma_wait3A_44 = tpu.memref_slice %arg5[%dma_wait3A_38, %dma_wait3A_39, %mul3A_2, %dma_wait3A_43] : memref<1x1x128x8xi32, #tpu.memory_space<hbm>> -> memref<1x1x4x8xi32, #tpu.memory_space<hbm>>
    %dma_wait3A_45 = tpu.memref_squeeze %dma_wait3A_44 : memref<1x1x4x8xi32, #tpu.memory_space<hbm>> -> memref<4x8xi32, #tpu.memory_space<hbm>>
    tpu.wait_dma2 semaphore(%arg11 : memref<!tpu.dma_semaphore, #tpu.memory_space<semaphore_mem>>) src(%arg10 : memref<4x8xi32, #tpu.memory_space<vmem>>) dst(%dma_wait3A_45 : memref<4x8xi32, #tpu.memory_space<hbm>>)
    return
  }
}

module attributes {stable_mosaic.version = 14 : i64} {
  func.func @_scores_tc_kernel(%arg0: i32, %arg1: memref<128x4096xf32, #tpu.memory_space<vmem>>, %arg2: memref<4096x128xf32, #tpu.memory_space<vmem>>, %arg3: memref<128x256xf32, #tpu.memory_space<vmem>>) attributes {dimension_semantics = [#tpu.dimension_semantics<arbitrary>], iteration_bounds = array<i64: 2>, scalar_prefetch = 0 : i64, scratch_operands = 0 : i64, tpu.core_type = #tpu.core_type<tc>, window_params = [{pipeline_mode = #tpu.pipeline_mode<synchronous>, transform_indices = @transform_0, window_bounds = array<i64: 128, 4096>}, {transform_indices = @transform_1, window_bounds = array<i64: 4096, 128>}, {pipeline_mode = #tpu.pipeline_mode<synchronous>, transform_indices = @transform_2, window_bounds = array<i64: 128, 256>}]} {
    %get3A = arith.constant 0 : index
    %get3A_0 = arith.constant 0 : index
    %get3A_1 = vector.load %arg1[%get3A, %get3A_0] : memref<128x4096xf32, #tpu.memory_space<vmem>>, vector<128x4096xf32>
    %get3A_2 = arith.constant 0 : index
    %get3A_3 = arith.constant 0 : index
    %get3A_4 = vector.load %arg2[%get3A_2, %get3A_3] : memref<4096x128xf32, #tpu.memory_space<vmem>>, vector<4096x128xf32>
    %dot_general3A = arith.constant dense<0.000000e+00> : vector<128x128xf32>
    %dot_general3A_5 = tpu.matmul %get3A_1, %get3A_4, %dot_general3A {dimension_numbers = #tpu.dot_dimension_numbers<[1], [0], [0], [1], [0, 0, 1, 1], [], []>, transpose_lhs_hint = false} : vector<128x4096xf32>, vector<4096x128xf32>, vector<128x128xf32> -> vector<128x128xf32>
    %mul3A = arith.constant 128 : i32
    %mul3A_6 = arith.muli %arg0, %mul3A : i32
    %swap3A = arith.constant 0 : index
    %swap3A_7 = arith.index_cast %mul3A_6 : i32 to index
    %swap3A_8 = vector.load %arg3[%swap3A, %swap3A_7] : memref<128x256xf32, #tpu.memory_space<vmem>>, vector<128x128xf32>
    tpu.vector_store %arg3[%swap3A, %swap3A_7], %dot_general3A_5 {strides = array<i32>} : memref<128x256xf32, #tpu.memory_space<vmem>>, vector<128x128xf32>,
    %eq3A = arith.constant 1 : i32
    %eq3A_9 = arith.cmpi eq, %arg0, %eq3A : i32
    %convert_element_type3A = arith.extui %eq3A_9 : i1 to i32
    %cond3A = arith.constant 0 : i32
    %cond3A_10 = arith.cmpi ne, %convert_element_type3A, %cond3A : i32
    scf.if %cond3A_10 {
      %get3A_11 = arith.constant 0 : index
      %get3A_12 = arith.constant 0 : index
      %get3A_13 = vector.load %arg3[%get3A_11, %get3A_12] : memref<128x256xf32, #tpu.memory_space<vmem>>, vector<128x256xf32>
      %reduce_max3A = arith.constant dense<0xFF800000> : vector<128xf32>
      %reduce_max3A_14 = vector.multi_reduction <maximumf>, %get3A_13, %reduce_max3A [1] : vector<128x256xf32> to vector<128xf32>
      %broadcast_in_dim3A = vector.shape_cast %reduce_max3A_14 : vector<128xf32> to vector<128x1xf32>
      %sub3A = vector.broadcast %broadcast_in_dim3A : vector<128x1xf32> to vector<128x256xf32>
      %sub3A_15 = arith.subf %get3A_13, %sub3A : vector<128x256xf32>
      %exp3A = math.exp %sub3A_15 : vector<128x256xf32>
      %reduce_sum3A = arith.constant dense<0.000000e+00> : vector<128xf32>
      %reduce_sum3A_16 = vector.multi_reduction <add>, %exp3A, %reduce_sum3A [1] : vector<128x256xf32> to vector<128xf32>
      %broadcast_in_dim3A_17 = vector.shape_cast %reduce_sum3A_16 : vector<128xf32> to vector<128x1xf32>
      %div3A = vector.broadcast %broadcast_in_dim3A_17 : vector<128x1xf32> to vector<128x256xf32>
      %div3A_18 = arith.divf %exp3A, %div3A : vector<128x256xf32>
      %swap3A_19 = arith.constant 0 : index
      %swap3A_20 = arith.constant 0 : index
      %swap3A_21 = vector.load %arg3[%swap3A_19, %swap3A_20] : memref<128x256xf32, #tpu.memory_space<vmem>>, vector<128x256xf32>
      tpu.vector_store %arg3[%swap3A_19, %swap3A_20], %div3A_18 {strides = array<i32>} : memref<128x256xf32, #tpu.memory_space<vmem>>, vector<128x256xf32>,
    } else {
    }
    return
  }
  func.func @transform_0(%arg0: i32) -> (i32, i32) {
    %c0_i32 = arith.constant 0 : i32
    %c0_i32_0 = arith.constant 0 : i32
    %c0_i32_1 = arith.constant 0 : i32
    return %c0_i32, %c0_i32_0 : i32, i32
  }
  func.func @transform_1(%arg0: i32) -> (i32, i32) {
    %c0_i32 = arith.constant 0 : i32
    %c0_i32_0 = arith.constant 0 : i32
    return %c0_i32, %arg0 : i32, i32
  }
  func.func @transform_2(%arg0: i32) -> (i32, i32) {
    %c0_i32 = arith.constant 0 : i32
    %c0_i32_0 = arith.constant 0 : i32
    %c0_i32_1 = arith.constant 0 : i32
    return %c0_i32, %c0_i32_0 : i32, i32
  }
}

</mosaic_0001>

<sc_bundles>
// kernel: kernel.4.cloned.1.call-start
scs
__scs_entry_jumppad:
0x0: {  	(pc) =	sbr.rel $0x88, $3  }
0x1: {  	(tag) =	ssettag $0x0;
	lr =	simm.s32 $0x1  }
0x2: {  	[smem:$0x3F9E] =	sst lr;
	_ =	strace $0xD0000000  }
0x3: {  	_ = 	snop  }
0x4: {  	_ = 	snop  }
0x5: {  	_ = 	snop  }
0x6: {  	_ = 	snop  }
0x7: {  	_ = 	snop  }
__scs_overlays_trampoline_lowered:
0x8: {  	[smem:$0x3FAD] =	sst s0  }
0x9: {  	[smem:$0x3FAE] =	sst s1  }
0xa: {  	[smem:$0x3FAF] =	sst s2  }
0xb: {  	[smem:$0x3FB0] =	sst s3  }
0xc: {  	[smem:$0x3FB1] =	sst s4  }
0xd: {  	[smem:$0x3FB2] =	sst s5  }
0xe: {  	[smem:$0x3FB3] =	sst s6  }
0xf: {  	[smem:$0x3FB4] =	sst s7  }
0x10: {  	[smem:$0x3FB5] =	sst s8  }
0x11: {  	[smem:$0x3FB6] =	sst s9;
	s0 =	simm.s32 @!p0 $0x0  }
0x12: {  	s1 =	sld [smem:$0x3F9C];
	s0 =	simm.s32 @p0 $0x1  }
0x13: {  	[smem:$0x3FB7] =	sst s0;
	s0 =	simm.s32 @!p1 $0x0  }
0x14: {  	s2 =	sld [smem:$0x3F9B];
	s0 =	simm.s32 @p1 $0x1  }
0x15: {  	[smem:$0x3FB8] =	sst s0;
	s0 =	simm.s32 @!p2 $0x0  }
0x16: {  	s3 =	sld [smem:$0x3FDB];
	s0 =	simm.s32 @p2 $0x1  }
0x17: {  	s4 =	simm.s32 $0x1BF5;
	[smem:$0x3FBA] =	sst s0  }
0x18: {  	s0 =	sld [smem:$0x3F9D];
	_ =	swait.ge [sflag:s4], $0x0  }
0x19: {  	s7 =	sld [smem:$0x3F9E]  }
0x1a: {  	s8 =	sadd.s32 $0xFFFFE003, lr  }
0x1b: {  	s9 =	sadd.s32 $0xFFFFFEF7, lr;
	s5 =	simm.s32 $0xFFFFFFFF;
	p2 =	slt.u32 s8, $0xFFFFF086  }
0x1c: {  	p1 =	slt.u32 s9, $0xF7A;
	s5 =	simm.s32 @!p2 $0x0  }
0x1d: {  	s5 =	simm.s32 @p1 $0x1;
	p0 =	seq.s32 s7, s2  }
0x1e: {  	s7 =	smul.u32 @!p0 $0xF7A, s2;
	p2 =	seq.s32 @!p0 s5, $0x0  }
0x1f: {  	s9 =	smul.u32 $0xF7A, s1;
	s8 =	simm.s32 @!p0 $0x1BF5;
	p2 =	por !p2, p0  }
0x20: {  	[sflag:s8] =	ssyncset.s32 @!p0 $0xFFFFF086;
	s6 =	sadd.s32 @!p0 s3, s7;
	s7 =	simm.s32 @!p0 $0x108  }
0x21: {  	s3 =	sadd.s32 s3, s9;
	s6 =	sadd.s32 @!p0 $0x88, s6;
	s7 =	simm.s32 @p2 $0x1082  }
0x22: {  	[simem:s7], [sflag:s8] =	dma.local @!p0 [hbm:s6], $0xF7A  }
0x23: {  	s9 =	sor.u32 $0xD0000000, s2;
	s6 =	simm.s32 $0x108;
	_ =	swait.ge @!p0 [sflag:s8], $0x0  }
0x24: {  	s3 =	sadd.s32 $0x88, s3;
	s6 =	simm.s32 @!p1 $0x1082;
	[sflag:s4] =	ssyncset.s32 $0xFFFFF086  }
0x25: {  	[simem:s6], [sflag:s4] =	dma.local [hbm:s3], $0xF7A  }
0x26: {  	[smem:$0x3F9E] =	sst s1;
	(tag) =	ssettag s2;
	_ =	strace s9  }
0x27: {  	s1 =	sld [smem:$0x3FAE]  }
0x28: {  	s2 =	sld [smem:$0x3FAF]  }
0x29: {  	s4 =	sld [smem:$0x3FB1]  }
0x2a: {  	p0 =	seq.s32 s5, $0x0;
	s5 =	sld [smem:$0x3FB2]  }
0x2b: {  	s6 =	sld [smem:$0x3FB3]  }
0x2c: {  	s7 =	sld [smem:$0x3FB4]  }
0x2d: {  	s3 =	simm.s32 $0x108;
	s8 =	sld [smem:$0x3FB5]  }
0x2e: {  	s3 =	simm.s32 @!p0 $0x1082;
	s9 =	sld [smem:$0x3FB6]  }
0x2f: {  	lr =	sadd.s32 s0, s3;
	s0 =	sld [smem:$0x3FAD]  }
0x30: {  	s3 =	sld [smem:$0x3FB0]  }
0x31: {  	[smem:$0x3FB9] =	sst s10  }
0x32: {  	s10 =	sld [smem:$0x3FB7];
	_ =	sdelay $0x3  }
0x33: {  	p0 =	seq.s32 s10, $0x1;
	s10 =	sld [smem:$0x3FB9];
	_ =	sdelay $0x3  }
0x34: {  	[smem:$0x3FB9] =	sst s10  }
0x35: {  	s10 =	sld [smem:$0x3FB8];
	_ =	sdelay $0x3  }
0x36: {  	p1 =	seq.s32 s10, $0x1;
	s10 =	sld [smem:$0x3FB9];
	_ =	sdelay $0x3  }
0x37: {  	[smem:$0x3FB9] =	sst s10  }
0x38: {  	s10 =	sld [smem:$0x3FBA]  }
0x39: {  	_ = 	snop;
	(pc) =	sbr.ind lr, $3  }
0x3a: {  	_ = 	snop  }
0x3b: {  	_ = 	snop  }
0x3c: {  	p2 =	seq.s32 s10, $0x1;
	s10 =	sld [smem:$0x3FB9]  }
0x3d: {  	_ =	shalt  }
0x3e: {  	_ =	shalt  }
0x3f: {  	_ =	shalt  }
0x40: {  	_ =	shalt  }
0x41: {  	_ =	shalt  }
0x42: {  	_ =	shalt  }
0x43: {  	_ =	shalt  }
0x44: {  	_ =	shalt  }
0x45: {  	_ =	shalt  }
0x46: {  	_ =	shalt  }
0x47: {  	_ =	shalt  }
0x48: {  	_ =	shalt  }
0x49: {  	_ =	shalt  }
0x4a: {  	_ =	shalt  }
0x4b: {  	_ =	shalt  }
0x4c: {  	_ =	shalt  }
0x4d: {  	_ =	shalt  }
0x4e: {  	_ =	shalt  }
0x4f: {  	_ =	shalt  }
0x50: {  	_ =	shalt  }
0x51: {  	_ =	shalt  }
0x52: {  	_ =	shalt  }
0x53: {  	_ =	shalt  }
0x54: {  	_ =	shalt  }
0x55: {  	_ =	shalt  }
0x56: {  	_ =	shalt  }
0x57: {  	_ =	shalt  }
0x58: {  	_ =	shalt  }
0x59: {  	_ =	shalt  }
0x5a: {  	_ =	shalt  }
0x5b: {  	_ =	shalt  }
0x5c: {  	_ =	shalt  }
0x5d: {  	_ =	shalt  }
0x5e: {  	_ =	shalt  }
0x5f: {  	_ =	shalt  }
0x60: {  	_ =	shalt  }
0x61: {  	_ =	shalt  }
0x62: {  	_ =	shalt  }
0x63: {  	_ =	shalt  }
0x64: {  	_ =	shalt  }
0x65: {  	_ =	shalt  }
0x66: {  	_ =	shalt  }
0x67: {  	_ =	shalt  }
0x68: {  	_ =	shalt  }
0x69: {  	_ =	shalt  }
0x6a: {  	_ =	shalt  }
0x6b: {  	_ =	shalt  }
0x6c: {  	_ =	shalt  }
0x6d: {  	_ =	shalt  }
0x6e: {  	_ =	shalt  }
0x6f: {  	_ =	shalt  }
0x70: {  	_ =	shalt  }
0x71: {  	_ =	shalt  }
0x72: {  	_ =	shalt  }
0x73: {  	_ =	shalt  }
0x74: {  	_ =	shalt  }
0x75: {  	_ =	shalt  }
0x76: {  	_ =	shalt  }
0x77: {  	_ =	shalt  }
0x78: {  	_ =	shalt  }
0x79: {  	_ =	shalt  }
0x7a: {  	_ =	shalt  }
0x7b: {  	_ =	shalt  }
0x7c: {  	_ =	shalt  }
0x7d: {  	_ =	shalt  }
0x7e: {  	_ =	shalt  }
0x7f: {  	_ =	shalt  }
0x80: {  	_ =	shalt  }
0x81: {  	_ =	shalt  }
0x82: {  	_ =	shalt  }
0x83: {  	_ =	shalt  }
0x84: {  	_ =	shalt  }
0x85: {  	_ =	shalt  }
0x86: {  	_ =	shalt  }
0x87: {  	_ =	shalt  }
.Lfunc_end0:
.L_simem_size_0:
called_computation_lowered:
.L_overlay_start_0:
0x88: {  	s2 =	sld [smem:$0x3FD9]  }
0x89: {  	s3 =	sld [smem:$0x3FFE];
	_ =	sdelay $0x1  }
0x8a: {  	s1 =	srdreg.scid  }
0x8b: {  	s0 =	sand.u32 $0x1, s1  }
0x8c: {  	s17 =	sshll.u32 s0, $0xA;
	s2 =	sadd.s32 s3, s2  }
0x8d: {  	s2 =	sadd.s32 s2, s17  }
0x8e: {  	[smem:$0x3FC5] =	sst s2  }
0x8f: {  	_ = 	snop  }
0x90: {  	s2 =	sld [smem:$0x3FC7];
	(tm) =	ssettm $0x1  }
0x91: {  	s18 =	sld [smem:$0x3FFB];
	_ =	sdelay $0x3  }
0x92: {  	_ =	strace s18  }
0x93: {  	s3 =	sld [smem:$0x3FFC];
	_ =	sdelay $0x3  }
0x94: {  	_ =	strace s3  }
0x95: {  	s3 =	sld [smem:$0x3FFD];
	_ =	sdelay $0x3  }
0x96: {  	_ =	strace s3  }
0x97: {  	_ =	strace $0x8FFFFFFF  }
0x98: {  	s19 =	sld [smem:$0x3FDB];
	_ =	sdelay $0x1  }
0x99: {  	s4 =	simm.s32 $_scs_section_size  }
0x9a: {  	s5 =	simm.s32 $_size__tile_overlayer_lowered;
	s6 =	simm.s32 $_tile_overlayer_lowered  }
0x9b: {  	s22 =	simm.s32 $0x1BFF;
	s21 =	sshll.u32 s6, $0x1;
	s3 =	sadd.s32 s4, s19  }
0x9c: {  	s7 =	simm.s32 $0x0;
	s20 =	sshll.u32 s5, $0x1;
	s5 =	sadd.s32 s21, s3  }
0x9d: {  	[timem:s7], [sflag:s22] =	dma.local [hbm:s5], s20  }
0x9e: {  	_ =	swait.ge [sflag:s22], s20  }
0x9f: {  	s4 =	ssub.s32 $0x0, s20;
	[sflag:s22] =	ssyncset.done $0x0  }
0xa0: {  	[sflag:s22] =	ssyncadd.s32 s4;
	_ =	sdelay $0x1  }
0xa1: {  	s23 =	simm.s32 $0x1B8B  }
0xa2: {  	_ =	swait.ge [sflag:s23], $0x1  }
0xa3: {  	[sflag:s23] =	ssyncset.done $0x0  }
0xa4: {  	s25 =	simm.s32 $0x1B8E;
	s24 =	sld [smem:$0x3FFE];
	[sflag:s23] =	ssyncadd.s32 $0xFFFFFFFF  }
0xa5: {  	s26 =	simm.s32 $execute0_lowered;
	[smem:$0x3FD2] =	sst s25  }
0xa6: {  	s5 =	sshll.u32 s26, $0x1;
	_ =	strace $0x80000046;
	[dreg:$0x1] =	wrdreg $0xFFFFFFFF  }
0xa7: {  	s28 =	simm.s32 $_size_execute0_lowered;
	s3 =	sadd.s32 s3, s5;
	[dreg:$0x0] =	wrdreg $0x0  }
0xa8: {  	s5 =	sshll.u32 s28, $0x1;
	[dreg:$0x2] =	wrdreg s3  }
0xa9: {  	[dreg:$0x3] =	wrdreg s5  }
0xaa: {  	[dreg:$0x4] =	wrdreg $0xC0  }
0xab: {  	_ =	task [dreg:s7], $0x5FFFF  }
0xac: {  	[dreg:$0x1] =	wrdreg $0xFFFFFFFF  }
0xad: {  	[dreg:$0x0] =	wrdreg $0x60  }
0xae: {  	[dreg:$0x2] =	wrdreg s24  }
0xaf: {  	[dreg:$0x3] =	wrdreg s2  }
0xb0: {  	[dreg:$0x4] =	wrdreg $0x9  }
0xb1: {  	_ =	task.clear_ibuf [dreg:s7], $0x5FFFF;
	_ =	strace $0x90000046  }
0xb2: {  	s29 =	simm.s32 $0x9;
	_ =	strace $0x80000048  }
0xb3: {  	_ =	swait.ge [sflag:s29], $0x1  }
0xb4: {  	[sflag:s29] =	ssyncadd.s32 $0xFFFFFFFF  }
0xb5: {  	_ =	strace $0x90000048  }
0xb6: {  	_ =	sfence  }
0xb7: {  	s30 =	sld [smem:$0x0];
	_ =	sdelay $0x2  }
0xb8: {  	s31 =	sshll.u32 s1, $0xD;
	s1 =	sshrl.u32 s1, $0x2  }
0xb9: {  	s3 =	sand.u32 $0x4000, s31;
	s1 =	sadd.s32 s1, s30  }
0xba: {  	s0 =	sor.u32 s3, s0;
	s1 =	sshll.u32 s1, $0x11  }
0xbb: {  	s0 =	sor.u32 s1, s0  }
0xbc: {  	s0 =	sadd.s32 $0x8F2B, s0  }
0xbd: {  	[sflag:s0] =	ssyncadd.remote.s32 $0x1  }
0xbe: {  	_ =	sfence.sel $0xFFFF  }
0xbf: {  	[dreg:$0x0] =	wrdreg $0xFFFFFFFF;
	(pc) =	sbr.abs _section_cstart, $3  }
0xc0: {  	[dreg:$0x1] =	wrdreg $0xFFFFFFFF  }
0xc1: {  	_ =	task.clear_ibuf [dreg:s7], $0x2FFFF;
	_ =	strace $0x9FFFFFFF  }
0xc2: {  	(tm) =	ssettm $0x7FFFFFFF  }
0xc3: {  	_ =	shalt  }
tec
execute0_lowered:
.L_overlay_start_1:
0x0: {  	(tag) =	ssettag $0x1  }
0x1: {  	v0 =	vimm.s32 $0x76543210  }
0x2: {  	v1 =	vimm.s32 $0xFEDCBA98;
	v2 =	vimm.s32 $0xBA98FEDC;
	v3 =	vimm.s32 $0x32107654  }
0x3: {  	v4 =	vimm.s32 $0xDCFE98BA;
	v5 =	vimm.s32 $0x54761032;
	v6 =	vimm.s32 $0xEFCDAB89  }
0x4: {  	s4 =	rddreg [dreg:$0x0];
	v7 =	vimm.s32 $0x67452301;
	vm0 =	vmmov $0x1;
	vm1 =	vcmask $0x320  }
0x5: {  	s1 =	rddreg [dreg:$0x1];
	vm2 =	vcmask $0x720;
	vm3 =	vcmask $0xB20;
	vm4 =	vcmask $0xF20  }
0x6: {  	s0 =	rddreg [dreg:$0x2];
	s5 =	srdreg.scid;
	v0 =	vunpack.c.l.s4.s8 v0;
	v1 =	vunpack.c.l.s4.s8 v1;
	v2 =	vunpack.c.l.s4.s8 v2  }
0x7: {  	s3 =	simm.s32 $0x0;
	s2 =	stileid.u32;
	s9 =	simm.s32 $0x1;
	v3 =	vunpack.c.l.s4.s8 v3;
	v4 =	vunpack.c.l.s4.s8 v4;
	v5 =	vunpack.c.l.s4.s8 v5  }
0x8: {  	s10 =	simm.s32 $0x500;
	s11 =	simm.s32 $0x600;
	s12 =	simm.s32 $0x800;
	v6 =	vunpack.c.l.s4.s8 v6;
	v7 =	vunpack.c.l.s4.s8 v7;
	v2 =	vunpack.c.0.s8.s32 v2  }
0x9: {  	s13 =	simm.s32 $0x0;
	s5 =	sand.u32 $0x1, s5;
	[smem:$0x7FF] =	sst s3;
	v3 =	vunpack.c.0.s8.s32 v3;
	v4 =	vunpack.c.0.s8.s32 v4;
	v5 =	vunpack.c.0.s8.s32 v5  }
0xa: {  	s7 =	sshll.u32 s2, $0xB;
	s8 =	sshll.u32 s2, $0xA;
	s6 =	sshll.u32 s5, $0x9;
	v1 =	vunpack.c.0.s8.s32 v1;
	v6 =	vunpack.c.0.s8.s32 v6;
	v7 =	vunpack.c.0.s8.s32 v7  }
0xb: {  	vm5 =	vcmask $0x1320;
	_ =	strace $0x80000047;
	s7 =	sor.u32 s6, s7;
	v0 =	vunpack.c.0.s8.s32 v0;
	s6 =	sor.u32 s6, s8;
	v2 =	vcombine.low v3, v2  }
0xc: {  	s5 =	ssub.s32 $0x2, s5;
	s7 =	sshrl.u32 s7, $0x3;
	s6 =	sshrl.u32 s6, $0x3;
	v3 =	vcombine.low v5, v4;
	v1 =	vand.u32 $0xF, v1;
	v4 =	vcombine.low v7, v6  }
0xd: {  	vm6 =	vcmask $0x1720;
	s31 =	sshrl.u32 s5, $0x1;
	s7 =	sadd.s32 s7, s4;
	s6 =	sadd.s32 s6, s4;
	v0 =	vcombine.low v1, v0;
	v1 =	vand.u32 $0xF, v2  }
0xe: {  	s8 =	ssub.s32 s5, s31;
	s4 =	sadd.s32 $0xE00, s7;
	s5 =	sadd.s32 $0x1E00, s6;
	v2 =	vand.u32 $0xF, v3;
	v3 =	vand.u32 $0xF, v4;
	v4 =	vlaneseq.u32  }
0xf: {  	vm7 =	vcmask $0x1B20;
	vm8 =	vmmov $0xff;
	s6 =	sadd.s32 $0x2600, s6;
	s7 =	smax.u32 s8, $0x1;
	s8 =	simm.s32 $0x400;
	v5 =	vor.u32 $0x10, v4  }
.LBB2_1:
0x10: {  	s14 =	simm.s32 $0x200  }
0x11: {  	[tilespmem:s3], [sflag:$0x1] =	stream.strided.gather [hbm4b:s4+s14], $0x400, s8, s14, $0x38;
	[tilespmem:$0xA00] =	vst v63  }
0x12: {  	_ = 	snop  }
0x13: {  	[tilespmem:s8], [sflag:$0x1] =	stream.linear.gather [hbm4b:s1+s3], $0x100, $0x38;
	[tilespmem:$0xA00] =	vst v63  }
0x14: {  	_ =	swait.ge [sflag:s9], $0x400  }
0x15: {  	[sflag:s9] =	ssyncset.done $0x0  }
0x16: {  	[sflag:s9] =	ssyncadd.s32 $0xFFFFFC00  }
0x17: {  	_ =	swait.ge [sflag:s9], $0x100  }
0x18: {  	[sflag:s9] =	ssyncset.done $0x0  }
0x19: {  	s15 =	simm.s32 $0x0;
	[sflag:s9] =	ssyncadd.s32 $0xFFFFFF00  }
.LBB2_2:
0x1a: {  	v6 =	vld [tilespmem:s14+$0xFFFFFE00]  }
0x1b: {  	v7 =	vld [tilespmem:$0x400];
	_ =	sdelay $0x4  }
0x1c: {  	v6 =	vadd.f32 v7, v6;
	_ =	sdelay $0x1  }
0x1d: {  	v8 =	vld [tilespmem:$0x410];
	[tilespmem:$0x500] =	vst v6  }
0x1e: {  	v7 =	vld [tilespmem:s14+$0xFFFFFE10];
	_ =	sdelay $0x4  }
0x1f: {  	v9 =	vadd.f32 v8, v7;
	_ =	sdelay $0x1  }
0x20: {  	v24 =	vld [tilespmem:$0x420];
	[tilespmem:$0x510] =	vst v9  }
0x21: {  	v7 =	vld [tilespmem:s14+$0xFFFFFE20];
	_ =	sdelay $0x4  }
0x22: {  	v12 =	vadd.f32 v24, v7;
	_ =	sdelay $0x1  }
0x23: {  	v25 =	vld [tilespmem:$0x430];
	[tilespmem:$0x520] =	vst v12  }
0x24: {  	v7 =	vld [tilespmem:s14+$0xFFFFFE30];
	_ =	sdelay $0x4  }
0x25: {  	v13 =	vadd.f32 v25, v7;
	_ =	sdelay $0x1  }
0x26: {  	v26 =	vld [tilespmem:$0x440];
	[tilespmem:$0x530] =	vst v13  }
0x27: {  	v7 =	vld [tilespmem:s14+$0xFFFFFE40];
	_ =	sdelay $0x4  }
0x28: {  	v14 =	vadd.f32 v26, v7;
	_ =	sdelay $0x1  }
0x29: {  	v27 =	vld [tilespmem:$0x450];
	[tilespmem:$0x540] =	vst v14  }
0x2a: {  	v7 =	vld [tilespmem:s14+$0xFFFFFE50];
	_ =	sdelay $0x4  }
0x2b: {  	v15 =	vadd.f32 v27, v7;
	_ =	sdelay $0x1  }
0x2c: {  	v28 =	vld [tilespmem:$0x460];
	[tilespmem:$0x550] =	vst v15  }
0x2d: {  	v7 =	vld [tilespmem:s14+$0xFFFFFE60];
	_ =	sdelay $0x4  }
0x2e: {  	v16 =	vadd.f32 v28, v7;
	_ =	sdelay $0x1  }
0x2f: {  	v29 =	vld [tilespmem:$0x470];
	[tilespmem:$0x560] =	vst v16  }
0x30: {  	v7 =	vld [tilespmem:s14+$0xFFFFFE70];
	_ =	sdelay $0x4  }
0x31: {  	v17 =	vadd.f32 v29, v7;
	_ =	sdelay $0x1  }
0x32: {  	v30 =	vld [tilespmem:$0x480];
	[tilespmem:$0x570] =	vst v17  }
0x33: {  	v7 =	vld [tilespmem:s14+$0x0];
	_ =	sdelay $0x4  }
0x34: {  	v18 =	vadd.f32 v30, v7;
	_ =	sdelay $0x1  }
0x35: {  	v31 =	vld [tilespmem:$0x490];
	[tilespmem:$0x580] =	vst v18  }
0x36: {  	v7 =	vld [tilespmem:s14+$0x10];
	_ =	sdelay $0x4  }
0x37: {  	v19 =	vadd.f32 v31, v7;
	_ =	sdelay $0x1  }
0x38: {  	v32 =	vld [tilespmem:$0x4A0];
	[tilespmem:$0x590] =	vst v19  }
0x39: {  	v7 =	vld [tilespmem:s14+$0x20];
	_ =	sdelay $0x4  }
0x3a: {  	v10 =	vadd.f32 v32, v7;
	_ =	sdelay $0x1  }
0x3b: {  	v33 =	vld [tilespmem:$0x4B0];
	[tilespmem:$0x5A0] =	vst v10  }
0x3c: {  	v7 =	vld [tilespmem:s14+$0x30];
	_ =	sdelay $0x4  }
0x3d: {  	v11 =	vadd.f32 v33, v7;
	_ =	sdelay $0x1  }
0x3e: {  	v34 =	vld [tilespmem:$0x4C0];
	[tilespmem:$0x5B0] =	vst v11  }
0x3f: {  	v7 =	vld [tilespmem:s14+$0x40];
	_ =	sdelay $0x2  }
0x40: {  	v36 =	vmax.f32 v6, v9;
	v6 =	vmin.f32 v6, v9  }
0x41: {  	v37 =	vperm.xlane v36, v0;
	v21 =	vperm.xlane v6, v0  }
0x42: {  	v42 =	vmax.f32 v12, v13;
	v7 =	vadd.f32 v34, v7  }
0x43: {  	v6 =	vmax.f32 v6, v21;
	v24 =	vmin.f32 v36, v37;
	v43 =	vperm.xlane v42, v0  }
0x44: {  	v20 =	vld [tilespmem:$0x4D0];
	v9 =	vmax.f32 v36, v37;
	v6 =	vmax.f32 v24, v6;
	[tilespmem:$0x5C0] =	vst v7  }
0x45: {  	v38 =	vperm.xlane v6, v1;
	v12 =	vmin.f32 v12, v13;
	v47 =	vmax.f32 v42, v43;
	v35 =	vld [tilespmem:s14+$0x50]  }
0x46: {  	v44 =	vperm.xlane v12, v0;
	v49 =	vperm.xlane v47, v1;
	v59 =	vmax.f32 v14, v15  }
0x47: {  	v6 =	vmax.f32 v6, v38;
	v45 =	vmin.f32 v42, v43;
	v61 =	vperm.xlane v59, v0  }
0x48: {  	v12 =	vmax.f32 v12, v44;
	v53 =	vmin.f32 v47, v49;
	v14 =	vmin.f32 v14, v15  }
0x49: {  	v62 =	vperm.xlane v14, v0;
	v63 =	vmin.f32 v59, v61;
	v33 =	vmax.f32 v16, v17  }
0x4a: {  	v16 =	vmin.f32 v16, v17;
	v8 =	vadd.f32 v20, v35;
	v20 =	vperm.xlane v9, v1  }
0x4b: {  	v14 =	vmax.f32 v14, v62;
	v34 =	vperm.xlane v33, v0;
	v35 =	vperm.xlane v16, v0  }
0x4c: {  	v14 =	vmax.f32 v63, v14;
	v39 =	vmin.f32 v9, v20;
	v20 =	vmax.f32 v9, v20  }
0x4d: {  	v23 =	vld [tilespmem:$0x4E0];
	v37 =	vmin.f32 v33, v34;
	[tilespmem:$0x5D0] =	vst v8;
	v16 =	vmax.f32 v16, v35;
	v40 =	vperm.xlane v20, v2  }
0x4e: {  	v22 =	vld [tilespmem:s14+$0x60];
	v6 =	vmax.f32 v39, v6;
	v38 =	vmax.f32 v37, v16;
	v39 =	vmax.f32 v33, v34  }
0x4f: {  	v41 =	vperm.xlane v6, v2;
	v42 =	vperm.xlane v38, v1;
	v48 =	vmax.f32 v20, v40  }
0x50: {  	v26 =	vmin.f32 v20, v40;
	v20 =	vmax.f32 v59, v61;
	v51 =	vperm.xlane v48, v3  }
0x51: {  	v6 =	vmax.f32 v6, v41;
	v29 =	vperm.xlane v20, v1;
	v41 =	vperm.xlane v39, v1  }
0x52: {  	v46 =	vmax.f32 v26, v6;
	v6 =	vmax.f32 v45, v12;
	v12 =	vmax.f32 v47, v49  }
0x53: {  	v9 =	vadd.f32 v23, v22;
	v50 =	vperm.xlane v6, v1;
	v52 =	vperm.xlane v46, v3  }
0x54: {  	v55 =	vperm.xlane v12, v2;
	v56 =	vmin.f32 v48, v51;
	v13 =	vmax.f32 v48, v51  }
0x55: {  	v31 =	vmin.f32 v20, v29;
	v20 =	vmax.f32 v20, v29;
	v45 =	vmin.f32 v39, v41  }
0x56: {  	v16 =	vmax.f32 v39, v41;
	v48 =	vmax.f32 v18, v19;
	v22 =	vperm.xlane v20, v2  }
0x57: {  	v18 =	vmin.f32 v18, v19;
	v47 =	vperm.xlane v16, v2;
	v49 =	vperm.xlane v48, v0  }
0x58: {  	v21 =	vmax.f32 v6, v50;
	v23 =	vmax.f32 v46, v52;
	v58 =	vmin.f32 v12, v55  }
0x59: {  	v12 =	vmax.f32 v12, v55;
	v50 =	vperm.xlane v18, v0;
	v54 =	vmax.f32 v53, v21  }
0x5a: {  	v23 =	vmax.f32 v56, v23;
	v21 =	vperm.xlane v12, v3;
	v36 =	vmin.f32 v20, v22  }
0x5b: {  	v40 =	vmax.f32 v20, v22;
	v51 =	vmin.f32 v16, v47;
	v52 =	vmin.f32 v48, v49  }
0x5c: {  	v27 =	vld [tilespmem:$0x4F0];
	[tilespmem:$0x5E0] =	vst v9;
	v16 =	vmax.f32 v16, v47;
	v57 =	vperm.xlane v54, v2;
	v13 =	vadd.f32 v23, v13  }
0x5d: {  	v25 =	vld [tilespmem:s14+$0x70];
	v43 =	vperm.xlane v40, v3;
	v18 =	vmax.f32 v18, v50;
	v55 =	vperm.xlane v16, v3  }
0x5e: {  	v30 =	vmin.f32 v12, v21;
	v12 =	vmax.f32 v12, v21;
	v53 =	vmax.f32 v52, v18  }
0x5f: {  	v60 =	vmax.f32 v54, v57;
	v13 =	vnsel vm0, $0xFF800000, v13;
	v46 =	vmin.f32 v40, v43  }
0x60: {  	v54 =	vmax.f32 v48, v49;
	v20 =	vperm.xlane v53, v1;
	v15 =	vmax.f32 v58, v60  }
0x61: {  	v19 =	vperm.xlane v54, v1;
	v58 =	vmin.f32 v16, v55;
	v60 =	vmax.f32 v10, v11  }
0x62: {  	v10 =	vmin.f32 v10, v11;
	v6 =	vadd.f32 v27, v25;
	v28 =	vperm.xlane v15, v3  }
0x63: {  	v25 =	vperm.xlane v14, v1;
	v17 =	vmax.f32 v53, v20;
	v62 =	vperm.xlane v60, v0  }
0x64: {  	v63 =	vperm.xlane v10, v0;
	v57 =	vmin.f32 v54, v19;
	v18 =	vmax.f32 v54, v19  }
0x65: {  	v15 =	vmax.f32 v15, v28;
	v14 =	vmax.f32 v14, v25;
	v17 =	vmax.f32 v57, v17  }
0x66: {  	v59 =	vperm.xlane v18, v2;
	v25 =	vmin.f32 v60, v62;
	v10 =	vmax.f32 v10, v63  }
0x67: {  	v15 =	vmax.f32 v30, v15;
	v14 =	vmax.f32 v31, v14;
	v22 =	vperm.xlane v17, v2  }
0x68: {  	v10 =	vmax.f32 v25, v10;
	v32 =	vperm.xlane v14, v2;
	v12 =	vadd.f32 v15, v12  }
0x69: {  	v15 =	vmax.f32 v38, v42;
	v24 =	vmin.f32 v18, v59;
	v26 =	vmax.f32 v18, v59  }
0x6a: {  	v19 =	vperm.xlane v10, v1;
	v15 =	vmax.f32 v45, v15;
	v17 =	vmax.f32 v17, v22  }
0x6b: {  	v28 =	vperm.xlane v26, v3;
	v45 =	vmax.f32 v9, v6;
	v9 =	vmin.f32 v9, v6  }
0x6c: {  	v14 =	vmax.f32 v14, v32;
	v12 =	vsel vm1, v13, v12;
	v23 =	vperm.xlane v15, v2  }
0x6d: {  	v13 =	vmax.f32 v40, v43;
	v10 =	vmax.f32 v10, v19;
	v47 =	vperm.xlane v45, v0  }
0x6e: {  	v48 =	vperm.xlane v9, v0;
	v14 =	vmax.f32 v36, v14;
	v32 =	vmin.f32 v26, v28  }
0x6f: {  	v36 =	vmax.f32 v7, v8;
	v7 =	vmin.f32 v7, v8;
	v44 =	vperm.xlane v14, v3  }
0x70: {  	v15 =	vmax.f32 v15, v23;
	v38 =	vperm.xlane v36, v0;
	v39 =	vperm.xlane v7, v0  }
0x71: {  	v50 =	vmin.f32 v45, v47;
	v9 =	vmax.f32 v9, v48;
	v52 =	vmax.f32 v45, v47  }
0x72: {  	v15 =	vmax.f32 v51, v15;
	v9 =	vmax.f32 v50, v9;
	v53 =	vperm.xlane v52, v1  }
0x73: {  	v14 =	vmax.f32 v14, v44;
	v56 =	vperm.xlane v15, v3;
	v41 =	vmin.f32 v36, v38  }
0x74: {  	v7 =	vmax.f32 v7, v39;
	v54 =	vperm.xlane v9, v1;
	v14 =	vmax.f32 v46, v14  }
0x75: {  	v7 =	vmax.f32 v41, v7;
	v21 =	vmin.f32 v52, v53;
	v13 =	vadd.f32 v14, v13  }
0x76: {  	v61 =	vmax.f32 v15, v56;
	v15 =	vmax.f32 v60, v62;
	v14 =	vmax.f32 v16, v55  }
0x77: {  	v16 =	vmax.f32 v26, v28;
	v44 =	vperm.xlane v7, v1;
	v9 =	vmax.f32 v9, v54  }
0x78: {  	v11 =	vmax.f32 v58, v61;
	v27 =	vperm.xlane v15, v1;
	v9 =	vmax.f32 v21, v9  }
0x79: {  	v12 =	vsel vm2, v12, v13;
	v13 =	vmax.f32 v24, v17;
	v11 =	vadd.f32 v11, v14  }
0x7a: {  	v14 =	vmax.f32 v36, v38;
	v7 =	vmax.f32 v7, v44;
	v58 =	vperm.xlane v9, v2  }
0x7b: {  	v29 =	vperm.xlane v13, v3;
	v30 =	vmin.f32 v15, v27;
	v15 =	vmax.f32 v15, v27  }
0x7c: {  	v43 =	vperm.xlane v14, v1;
	v10 =	vmax.f32 v30, v10;
	v31 =	vperm.xlane v15, v2  }
0x7d: {  	v11 =	vsel vm3, v12, v11;
	v9 =	vmax.f32 v9, v58;
	v13 =	vmax.f32 v13, v29  }
0x7e: {  	v33 =	vperm.xlane v10, v2;
	v49 =	vmin.f32 v14, v43;
	v14 =	vmax.f32 v14, v43  }
0x7f: {  	v34 =	vmax.f32 v32, v13;
	v35 =	vmin.f32 v15, v31;
	v37 =	vmax.f32 v15, v31  }
0x80: {  	v51 =	vperm.xlane v14, v2;
	v7 =	vmax.f32 v49, v7;
	v15 =	vmax.f32 v52, v53  }
0x81: {  	v10 =	vmax.f32 v10, v33;
	v40 =	vperm.xlane v37, v3;
	v12 =	vadd.f32 v34, v16  }
0x82: {  	v55 =	vperm.xlane v7, v2;
	v57 =	vperm.xlane v15, v2;
	v10 =	vmax.f32 v35, v10  }
0x83: {  	v56 =	vmin.f32 v14, v51;
	v14 =	vmax.f32 v14, v51;
	v42 =	vperm.xlane v10, v3  }
0x84: {  	v46 =	vmin.f32 v37, v40;
	v7 =	vmax.f32 v7, v55;
	v8 =	vmax.f32 v37, v40  }
0x85: {  	v59 =	vperm.xlane v14, v3;
	v61 =	vmin.f32 v15, v57;
	v15 =	vmax.f32 v15, v57  }
0x86: {  	v11 =	vsel vm4, v11, v12;
	v7 =	vmax.f32 v56, v7;
	v9 =	vmax.f32 v61, v9  }
0x87: {  	v16 =	vperm.xlane v15, v3;
	v10 =	vmax.f32 v10, v42;
	v60 =	vperm.xlane v7, v3  }
0x88: {  	v62 =	vmin.f32 v14, v59;
	v63 =	vperm.xlane v9, v3;
	v19 =	vmax.f32 v14, v59  }
0x89: {  	v10 =	vmax.f32 v46, v10;
	v20 =	vmin.f32 v15, v16;
	v7 =	vmax.f32 v7, v60  }
0x8a: {  	v8 =	vadd.f32 v10, v8;
	v9 =	vmax.f32 v9, v63;
	v7 =	vmax.f32 v62, v7  }
0x8b: {  	v21 =	vmax.f32 v15, v16;
	v9 =	vmax.f32 v20, v9;
	v7 =	vadd.f32 v7, v19  }
0x8c: {  	v8 =	vsel vm5, v11, v8;
	v9 =	vadd.f32 v9, v21  }
0x8d: {  	v7 =	vsel vm6, v8, v7  }
0x8e: {  	v7 =	vsel vm7, v7, v9  }
0x8f: {  	v22 =	vperm.xlane v7, v0;
	_ =	sdelay $0x1  }
0x90: {  	v8 =	vmax.f32 v7, v22  }
0x91: {  	v23 =	vperm.xlane v8, v1;
	_ =	sdelay $0x1  }
0x92: {  	v8 =	vmax.f32 v8, v23  }
0x93: {  	v9 =	vperm.xlane v8, v2;
	_ =	sdelay $0x1  }
0x94: {  	v8 =	vmax.f32 v8, v9  }
0x95: {  	v9 =	vperm.xlane v8, v3;
	_ =	sdelay $0x1  }
0x96: {  	v8 =	vmax.f32 v8, v9  }
0x97: {  	vm9 =	veq.f32 v7, v8  }
0x98: {  	v8 =	vnsel vm9, $0x10, v4  }
0x99: {  	v24 =	vperm.xlane v8, v0;
	_ =	sdelay $0x1  }
0x9a: {  	vm9 =	vlt.s32 v8, v24  }
0x9b: {  	v8 =	vsel vm9, v8, v24  }
0x9c: {  	v9 =	vperm.xlane v8, v1;
	_ =	sdelay $0x1  }
0x9d: {  	vm9 =	vlt.s32 v8, v9  }
0x9e: {  	v8 =	vsel vm9, v8, v9  }
0x9f: {  	v9 =	vperm.xlane v8, v2;
	_ =	sdelay $0x1  }
0xa0: {  	vm9 =	vlt.s32 v8, v9  }
0xa1: {  	v8 =	vsel vm9, v8, v9  }
0xa2: {  	v9 =	vperm.xlane v8, v3;
	_ =	sdelay $0x1  }
0xa3: {  	vm9 =	vlt.s32 v8, v9  }
0xa4: {  	v8 =	vsel vm9, v8, v9  }
0xa5: {  	vm9 =	veq.s32 v8, v4  }
0xa6: {  	v7 =	vsel vm9, $0xFF800000, v7  }
0xa7: {  	v25 =	vperm.xlane v7, v0;
	_ =	sdelay $0x1  }
0xa8: {  	v9 =	vmax.f32 v7, v25  }
0xa9: {  	v26 =	vperm.xlane v9, v1;
	_ =	sdelay $0x1  }
0xaa: {  	v9 =	vmax.f32 v9, v26  }
0xab: {  	v10 =	vperm.xlane v9, v2;
	_ =	sdelay $0x1  }
0xac: {  	v9 =	vmax.f32 v9, v10  }
0xad: {  	v10 =	vperm.xlane v9, v3;
	_ =	sdelay $0x1  }
0xae: {  	v9 =	vmax.f32 v9, v10  }
0xaf: {  	vm9 =	veq.f32 v7, v9  }
0xb0: {  	v9 =	vnsel vm9, $0x10, v4  }
0xb1: {  	v27 =	vperm.xlane v9, v0;
	_ =	sdelay $0x1  }
0xb2: {  	vm9 =	vlt.s32 v9, v27  }
0xb3: {  	v9 =	vsel vm9, v9, v27  }
0xb4: {  	v10 =	vperm.xlane v9, v1;
	_ =	sdelay $0x1  }
0xb5: {  	vm9 =	vlt.s32 v9, v10  }
0xb6: {  	v9 =	vsel vm9, v9, v10  }
0xb7: {  	v10 =	vperm.xlane v9, v2;
	_ =	sdelay $0x1  }
0xb8: {  	vm9 =	vlt.s32 v9, v10  }
0xb9: {  	v9 =	vsel vm9, v9, v10  }
0xba: {  	v10 =	vperm.xlane v9, v3;
	_ =	sdelay $0x1  }
0xbb: {  	vm9 =	vlt.s32 v9, v10  }
0xbc: {  	v9 =	vsel vm9, v9, v10  }
0xbd: {  	vm9 =	veq.s32 v9, v4  }
0xbe: {  	v7 =	vsel vm9, $0xFF800000, v7  }
0xbf: {  	v28 =	vperm.xlane v7, v0;
	_ =	sdelay $0x1  }
0xc0: {  	v10 =	vmax.f32 v7, v28  }
0xc1: {  	v29 =	vperm.xlane v10, v1;
	_ =	sdelay $0x1  }
0xc2: {  	v10 =	vmax.f32 v10, v29  }
0xc3: {  	v11 =	vperm.xlane v10, v2;
	_ =	sdelay $0x1  }
0xc4: {  	v10 =	vmax.f32 v10, v11  }
0xc5: {  	v11 =	vperm.xlane v10, v3;
	_ =	sdelay $0x1  }
0xc6: {  	v10 =	vmax.f32 v10, v11  }
0xc7: {  	vm9 =	veq.f32 v7, v10  }
0xc8: {  	v10 =	vnsel vm9, $0x10, v4  }
0xc9: {  	v30 =	vperm.xlane v10, v0;
	_ =	sdelay $0x1  }
0xca: {  	vm9 =	vlt.s32 v10, v30  }
0xcb: {  	v10 =	vsel vm9, v10, v30  }
0xcc: {  	v11 =	vperm.xlane v10, v1;
	_ =	sdelay $0x1  }
0xcd: {  	vm9 =	vlt.s32 v10, v11  }
0xce: {  	v10 =	vsel vm9, v10, v11  }
0xcf: {  	v11 =	vperm.xlane v10, v2;
	_ =	sdelay $0x1  }
0xd0: {  	vm9 =	vlt.s32 v10, v11  }
0xd1: {  	v10 =	vsel vm9, v10, v11  }
0xd2: {  	v11 =	vperm.xlane v10, v3;
	_ =	sdelay $0x1  }
0xd3: {  	vm9 =	vlt.s32 v10, v11  }
0xd4: {  	v10 =	vsel vm9, v10, v11  }
0xd5: {  	vm9 =	veq.s32 v10, v4  }
0xd6: {  	v7 =	vsel vm9, $0xFF800000, v7  }
0xd7: {  	v31 =	vperm.xlane v7, v0;
	_ =	sdelay $0x1  }
0xd8: {  	v11 =	vmax.f32 v7, v31  }
0xd9: {  	v32 =	vperm.xlane v11, v1;
	_ =	sdelay $0x1  }
0xda: {  	v11 =	vmax.f32 v11, v32  }
0xdb: {  	v12 =	vperm.xlane v11, v2;
	_ =	sdelay $0x1  }
0xdc: {  	v11 =	vmax.f32 v11, v12  }
0xdd: {  	v12 =	vperm.xlane v11, v3;
	_ =	sdelay $0x1  }
0xde: {  	v11 =	vmax.f32 v11, v12  }
0xdf: {  	vm9 =	veq.f32 v7, v11  }
0xe0: {  	v7 =	vnsel vm9, $0x10, v4  }
0xe1: {  	v33 =	vperm.xlane v7, v0;
	_ =	sdelay $0x1  }
0xe2: {  	vm9 =	vlt.s32 v7, v33  }
0xe3: {  	v7 =	vsel vm9, v7, v33  }
0xe4: {  	v11 =	vperm.xlane v7, v1;
	_ =	sdelay $0x1  }
0xe5: {  	vm9 =	vlt.s32 v7, v11  }
0xe6: {  	v7 =	vsel vm9, v7, v11  }
0xe7: {  	v11 =	vperm.xlane v7, v2;
	_ =	sdelay $0x1  }
0xe8: {  	v8 =	vshll.u32 v8, $0x5;
	vm9 =	vlt.s32 v7, v11  }
0xe9: {  	v13 =	vor.u32 v5, v8;
	v7 =	vsel vm9, v7, v11  }
0xea: {  	v35 =	vshll.u32 v9, $0x5;
	v12 =	vor.u32 v4, v8;
	v34 =	vperm.xlane v7, v3  }
0xeb: {  	v11 =	vor.u32 v4, v35  }
0xec: {  	v9 =	vor.u32 v5, v35;
	v36 =	vshll.u32 v10, $0x5;
	vm9 =	vlt.s32 v7, v34  }
0xed: {  	[tilespmem:$0x5F0] =	vst v6;
	v10 =	vor.u32 v4, v36;
	v6 =	vsel vm9, v7, v34  }
0xee: {  	v38 =	vld.idx.msk [tilespmem:v13+s10+$0x0], $0xffff;
	v8 =	vor.u32 v5, v36;
	v6 =	vshll.u32 v6, $0x5  }
0xef: {  	v37 =	vld.idx.msk [tilespmem:v12+s10+$0x0], $0xffff;
	v7 =	vor.u32 v4, v6  }
0xf0: {  	v39 =	vld.idx.msk [tilespmem:v11+s10+$0x0], $0xffff;
	v6 =	vor.u32 v5, v6  }
0xf1: {  	v40 =	vld.idx.msk [tilespmem:v9+s10+$0x0], $0xffff  }
0xf2: {  	v41 =	vld.idx.msk [tilespmem:v10+s10+$0x0], $0xffff  }
0xf3: {  	v42 =	vld.idx.msk [tilespmem:v8+s10+$0x0], $0xffff  }
0xf4: {  	v44 =	vmax.f32 v37, v38;
	v43 =	vld.idx.msk [tilespmem:v7+s10+$0x0], $0xffff  }
0xf5: {  	v14 =	vmax.f32 v44, v39;
	v45 =	vld.idx.msk [tilespmem:v6+s10+$0x0], $0xffff  }
0xf6: {  	v14 =	vmax.f32 v14, v40  }
0xf7: {  	v14 =	vmax.f32 v14, v41  }
0xf8: {  	v14 =	vmax.f32 v14, v42  }
0xf9: {  	v14 =	vmax.f32 v14, v43  }
0xfa: {  	v14 =	vmax.f32 v14, v45  }
0xfb: {  	v46 =	vperm.xlane v14, v0;
	_ =	sdelay $0x1  }
0xfc: {  	v14 =	vmax.f32 v14, v46  }
0xfd: {  	v23 =	vperm.xlane v14, v1;
	_ =	sdelay $0x1  }
0xfe: {  	v14 =	vmax.f32 v14, v23  }
0xff: {  	v23 =	vperm.xlane v14, v2;
	_ =	sdelay $0x1  }
0x100: {  	v14 =	vmax.f32 v14, v23  }
0x101: {  	v23 =	vperm.xlane v14, v3;
	_ =	sdelay $0x1  }
0x102: {  	v14 =	vmax.f32 v14, v23  }
0x103: {  	vm9 =	veq.f32 v37, v14;
	vm10 =	veq.f32 v38, v14  }
0x104: {  	v47 =	vnsel vm9, $0x40000000, v12;
	v48 =	vnsel vm10, $0x40000000, v13  }
0x105: {  	vm10 =	veq.f32 v39, v14;
	vm9 =	vlt.s32 v47, v48  }
0x106: {  	v49 =	vnsel vm10, $0x40000000, v11;
	v23 =	vsel vm9, v47, v48  }
0x107: {  	vm10 =	veq.f32 v40, v14;
	vm9 =	vlt.s32 v23, v49  }
0x108: {  	v50 =	vnsel vm10, $0x40000000, v9;
	v23 =	vsel vm9, v23, v49  }
0x109: {  	vm10 =	veq.f32 v41, v14;
	vm9 =	vlt.s32 v23, v50  }
0x10a: {  	v51 =	vnsel vm10, $0x40000000, v10;
	v23 =	vsel vm9, v23, v50  }
0x10b: {  	vm10 =	veq.f32 v42, v14;
	vm9 =	vlt.s32 v23, v51  }
0x10c: {  	v52 =	vnsel vm10, $0x40000000, v8;
	v23 =	vsel vm9, v23, v51  }
0x10d: {  	vm10 =	veq.f32 v43, v14;
	vm9 =	vlt.s32 v23, v52  }
0x10e: {  	v53 =	vnsel vm10, $0x40000000, v7;
	v23 =	vsel vm9, v23, v52  }
0x10f: {  	vm10 =	veq.f32 v45, v14;
	vm9 =	vlt.s32 v23, v53  }
0x110: {  	v55 =	vnsel vm10, $0x40000000, v6;
	v54 =	vsel vm9, v23, v53  }
0x111: {  	vm9 =	vlt.s32 v54, v55  }
0x112: {  	v14 =	vsel vm9, v54, v55  }
0x113: {  	v23 =	vperm.xlane v14, v0;
	_ =	sdelay $0x1  }
0x114: {  	vm9 =	vlt.s32 v14, v23  }
0x115: {  	v14 =	vsel vm9, v14, v23  }
0x116: {  	v23 =	vperm.xlane v14, v1;
	_ =	sdelay $0x1  }
0x117: {  	vm9 =	vlt.s32 v14, v23  }
0x118: {  	v14 =	vsel vm9, v14, v23  }
0x119: {  	v23 =	vperm.xlane v14, v2;
	_ =	sdelay $0x1  }
0x11a: {  	vm9 =	vlt.s32 v14, v23  }
0x11b: {  	v14 =	vsel vm9, v14, v23  }
0x11c: {  	v23 =	vperm.xlane v14, v3;
	_ =	sdelay $0x1  }
0x11d: {  	vm9 =	vlt.s32 v14, v23  }
0x11e: {  	v14 =	vsel vm9, v14, v23  }
0x11f: {  	vm9 =	veq.s32 v12, v14;
	vm10 =	veq.s32 v13, v14  }
0x120: {  	v56 =	vsel vm9, $0xFF800000, v37;
	v16 =	vsel vm10, $0xFF800000, v38;
	vm9 =	veq.s32 v11, v14  }
0x121: {  	v17 =	vsel vm9, $0xFF800000, v39;
	vm9 =	veq.s32 v9, v14;
	v15 =	vmax.f32 v56, v16  }
0x122: {  	v18 =	vsel vm9, $0xFF800000, v40;
	vm9 =	veq.s32 v10, v14;
	v15 =	vmax.f32 v15, v17  }
0x123: {  	v19 =	vsel vm9, $0xFF800000, v41;
	vm9 =	veq.s32 v8, v14;
	v15 =	vmax.f32 v15, v18  }
0x124: {  	v20 =	vsel vm9, $0xFF800000, v42;
	vm9 =	veq.s32 v7, v14;
	v15 =	vmax.f32 v15, v19  }
0x125: {  	v21 =	vsel vm9, $0xFF800000, v43;
	vm9 =	veq.s32 v6, v14;
	v15 =	vmax.f32 v15, v20  }
0x126: {  	v22 =	vsel vm9, $0xFF800000, v45;
	v15 =	vmax.f32 v15, v21  }
0x127: {  	v15 =	vmax.f32 v15, v22  }
0x128: {  	v57 =	vperm.xlane v15, v0;
	_ =	sdelay $0x1  }
0x129: {  	v15 =	vmax.f32 v15, v57  }
0x12a: {  	v24 =	vperm.xlane v15, v1;
	_ =	sdelay $0x1  }
0x12b: {  	v15 =	vmax.f32 v15, v24  }
0x12c: {  	v24 =	vperm.xlane v15, v2;
	_ =	sdelay $0x1  }
0x12d: {  	v15 =	vmax.f32 v15, v24  }
0x12e: {  	v24 =	vperm.xlane v15, v3;
	_ =	sdelay $0x1  }
0x12f: {  	v15 =	vmax.f32 v15, v24  }
0x130: {  	vm9 =	veq.f32 v56, v15;
	vm10 =	veq.f32 v16, v15  }
0x131: {  	v58 =	vnsel vm9, $0x40000000, v12;
	v59 =	vnsel vm10, $0x40000000, v13  }
0x132: {  	vm10 =	veq.f32 v17, v15;
	vm9 =	vlt.s32 v58, v59  }
0x133: {  	v60 =	vnsel vm10, $0x40000000, v11;
	v24 =	vsel vm9, v58, v59  }
0x134: {  	vm10 =	veq.f32 v18, v15;
	vm9 =	vlt.s32 v24, v60  }
0x135: {  	v61 =	vnsel vm10, $0x40000000, v9;
	v24 =	vsel vm9, v24, v60  }
0x136: {  	vm10 =	veq.f32 v19, v15;
	vm9 =	vlt.s32 v24, v61  }
0x137: {  	v62 =	vnsel vm10, $0x40000000, v10;
	v24 =	vsel vm9, v24, v61  }
0x138: {  	vm10 =	veq.f32 v20, v15;
	vm9 =	vlt.s32 v24, v62  }
0x139: {  	v63 =	vnsel vm10, $0x40000000, v8;
	v24 =	vsel vm9, v24, v62  }
0x13a: {  	vm10 =	veq.f32 v21, v15;
	vm9 =	vlt.s32 v24, v63  }
0x13b: {  	v28 =	vnsel vm10, $0x40000000, v7;
	v24 =	vsel vm9, v24, v63  }
0x13c: {  	vm10 =	veq.f32 v22, v15;
	vm9 =	vlt.s32 v24, v28  }
0x13d: {  	v30 =	vnsel vm10, $0x40000000, v6;
	v29 =	vsel vm9, v24, v28  }
0x13e: {  	vm9 =	vlt.s32 v29, v30  }
0x13f: {  	v15 =	vsel vm9, v29, v30  }
0x140: {  	v24 =	vperm.xlane v15, v0;
	_ =	sdelay $0x1  }
0x141: {  	vm9 =	vlt.s32 v15, v24  }
0x142: {  	v15 =	vsel vm9, v15, v24  }
0x143: {  	v24 =	vperm.xlane v15, v1;
	_ =	sdelay $0x1  }
0x144: {  	vm9 =	vlt.s32 v15, v24  }
0x145: {  	v15 =	vsel vm9, v15, v24  }
0x146: {  	v24 =	vperm.xlane v15, v2;
	_ =	sdelay $0x1  }
0x147: {  	vm9 =	vlt.s32 v15, v24  }
0x148: {  	v15 =	vsel vm9, v15, v24  }
0x149: {  	v24 =	vperm.xlane v15, v3;
	_ =	sdelay $0x1  }
0x14a: {  	vm9 =	vlt.s32 v15, v24  }
0x14b: {  	v15 =	vsel vm9, v15, v24  }
0x14c: {  	vm9 =	veq.s32 v12, v15;
	vm10 =	veq.s32 v13, v15  }
0x14d: {  	v23 =	vsel vm9, $0xFF800000, v56;
	v31 =	vsel vm10, $0xFF800000, v16;
	vm9 =	veq.s32 v11, v15  }
0x14e: {  	v17 =	vsel vm9, $0xFF800000, v17;
	vm9 =	veq.s32 v9, v15;
	v16 =	vmax.f32 v23, v31  }
0x14f: {  	v18 =	vsel vm9, $0xFF800000, v18;
	vm9 =	veq.s32 v10, v15;
	v16 =	vmax.f32 v16, v17  }
0x150: {  	v19 =	vsel vm9, $0xFF800000, v19;
	vm9 =	veq.s32 v8, v15;
	v16 =	vmax.f32 v16, v18  }
0x151: {  	v20 =	vsel vm9, $0xFF800000, v20;
	vm9 =	veq.s32 v7, v15;
	v16 =	vmax.f32 v16, v19  }
0x152: {  	v21 =	vsel vm9, $0xFF800000, v21;
	vm9 =	veq.s32 v6, v15;
	v16 =	vmax.f32 v16, v20  }
0x153: {  	v22 =	vsel vm9, $0xFF800000, v22;
	v16 =	vmax.f32 v16, v21  }
0x154: {  	v16 =	vmax.f32 v16, v22  }
0x155: {  	v32 =	vperm.xlane v16, v0;
	_ =	sdelay $0x1  }
0x156: {  	v16 =	vmax.f32 v16, v32  }
0x157: {  	v25 =	vperm.xlane v16, v1;
	_ =	sdelay $0x1  }
0x158: {  	v16 =	vmax.f32 v16, v25  }
0x159: {  	v25 =	vperm.xlane v16, v2;
	_ =	sdelay $0x1  }
0x15a: {  	v16 =	vmax.f32 v16, v25  }
0x15b: {  	v25 =	vperm.xlane v16, v3;
	_ =	sdelay $0x1  }
0x15c: {  	v16 =	vmax.f32 v16, v25  }
0x15d: {  	vm9 =	veq.f32 v23, v16;
	vm10 =	veq.f32 v31, v16  }
0x15e: {  	v33 =	vnsel vm9, $0x40000000, v12;
	v34 =	vnsel vm10, $0x40000000, v13  }
0x15f: {  	vm10 =	veq.f32 v17, v16;
	vm9 =	vlt.s32 v33, v34  }
0x160: {  	v35 =	vnsel vm10, $0x40000000, v11;
	v25 =	vsel vm9, v33, v34  }
0x161: {  	vm10 =	veq.f32 v18, v16;
	vm9 =	vlt.s32 v25, v35  }
0x162: {  	v36 =	vnsel vm10, $0x40000000, v9;
	v25 =	vsel vm9, v25, v35  }
0x163: {  	vm10 =	veq.f32 v19, v16;
	vm9 =	vlt.s32 v25, v36  }
0x164: {  	v37 =	vnsel vm10, $0x40000000, v10;
	v25 =	vsel vm9, v25, v36  }
0x165: {  	vm10 =	veq.f32 v20, v16;
	vm9 =	vlt.s32 v25, v37  }
0x166: {  	v38 =	vnsel vm10, $0x40000000, v8;
	v25 =	vsel vm9, v25, v37  }
0x167: {  	vm10 =	veq.f32 v21, v16;
	vm9 =	vlt.s32 v25, v38  }
0x168: {  	v39 =	vnsel vm10, $0x40000000, v7;
	v25 =	vsel vm9, v25, v38  }
0x169: {  	vm10 =	veq.f32 v22, v16;
	vm9 =	vlt.s32 v25, v39  }
0x16a: {  	v41 =	vnsel vm10, $0x40000000, v6;
	v40 =	vsel vm9, v25, v39  }
0x16b: {  	vm9 =	vlt.s32 v40, v41  }
0x16c: {  	v16 =	vsel vm9, v40, v41  }
0x16d: {  	v25 =	vperm.xlane v16, v0;
	_ =	sdelay $0x1  }
0x16e: {  	vm9 =	vlt.s32 v16, v25  }
0x16f: {  	v16 =	vsel vm9, v16, v25  }
0x170: {  	v25 =	vperm.xlane v16, v1;
	_ =	sdelay $0x1  }
0x171: {  	vm9 =	vlt.s32 v16, v25  }
0x172: {  	v16 =	vsel vm9, v16, v25  }
0x173: {  	v25 =	vperm.xlane v16, v2;
	_ =	sdelay $0x1  }
0x174: {  	vm9 =	vlt.s32 v16, v25  }
0x175: {  	v16 =	vsel vm9, v16, v25  }
0x176: {  	v25 =	vperm.xlane v16, v3;
	_ =	sdelay $0x1  }
0x177: {  	vm9 =	vlt.s32 v16, v25  }
0x178: {  	v16 =	vsel vm9, v16, v25  }
0x179: {  	vm9 =	veq.s32 v12, v16;
	vm10 =	veq.s32 v13, v16  }
0x17a: {  	v23 =	vsel vm9, $0xFF800000, v23;
	v24 =	vsel vm10, $0xFF800000, v31;
	vm9 =	veq.s32 v11, v16  }
0x17b: {  	v42 =	vsel vm9, $0xFF800000, v17;
	vm9 =	veq.s32 v9, v16;
	v43 =	vmax.f32 v23, v24  }
0x17c: {  	v18 =	vsel vm9, $0xFF800000, v18;
	vm9 =	veq.s32 v10, v16;
	v17 =	vmax.f32 v43, v42  }
0x17d: {  	v19 =	vsel vm9, $0xFF800000, v19;
	vm9 =	veq.s32 v8, v16;
	v17 =	vmax.f32 v17, v18  }
0x17e: {  	v20 =	vsel vm9, $0xFF800000, v20;
	vm9 =	veq.s32 v7, v16;
	v17 =	vmax.f32 v17, v19  }
0x17f: {  	v21 =	vsel vm9, $0xFF800000, v21;
	vm9 =	veq.s32 v6, v16;
	v17 =	vmax.f32 v17, v20  }
0x180: {  	v22 =	vsel vm9, $0xFF800000, v22;
	v17 =	vmax.f32 v17, v21  }
0x181: {  	v17 =	vmax.f32 v17, v22  }
0x182: {  	v44 =	vperm.xlane v17, v0;
	_ =	sdelay $0x1  }
0x183: {  	v17 =	vmax.f32 v17, v44  }
0x184: {  	v26 =	vperm.xlane v17, v1;
	_ =	sdelay $0x1  }
0x185: {  	v17 =	vmax.f32 v17, v26  }
0x186: {  	v26 =	vperm.xlane v17, v2;
	_ =	sdelay $0x1  }
0x187: {  	v17 =	vmax.f32 v17, v26  }
0x188: {  	v26 =	vperm.xlane v17, v3;
	_ =	sdelay $0x1  }
0x189: {  	v17 =	vmax.f32 v17, v26  }
0x18a: {  	vm9 =	veq.f32 v23, v17;
	vm10 =	veq.f32 v24, v17  }
0x18b: {  	v45 =	vnsel vm9, $0x40000000, v12;
	v46 =	vnsel vm10, $0x40000000, v13  }
0x18c: {  	vm10 =	veq.f32 v42, v17;
	vm9 =	vlt.s32 v45, v46  }
0x18d: {  	v47 =	vnsel vm10, $0x40000000, v11;
	v26 =	vsel vm9, v45, v46  }
0x18e: {  	vm10 =	veq.f32 v18, v17;
	vm9 =	vlt.s32 v26, v47  }
0x18f: {  	v48 =	vnsel vm10, $0x40000000, v9;
	v26 =	vsel vm9, v26, v47  }
0x190: {  	vm10 =	veq.f32 v19, v17;
	vm9 =	vlt.s32 v26, v48  }
0x191: {  	v49 =	vnsel vm10, $0x40000000, v10;
	v26 =	vsel vm9, v26, v48  }
0x192: {  	vm10 =	veq.f32 v20, v17;
	vm9 =	vlt.s32 v26, v49  }
0x193: {  	v50 =	vnsel vm10, $0x40000000, v8;
	v26 =	vsel vm9, v26, v49  }
0x194: {  	vm10 =	veq.f32 v21, v17;
	vm9 =	vlt.s32 v26, v50  }
0x195: {  	v51 =	vnsel vm10, $0x40000000, v7;
	v26 =	vsel vm9, v26, v50  }
0x196: {  	vm10 =	veq.f32 v22, v17;
	vm9 =	vlt.s32 v26, v51  }
0x197: {  	v53 =	vnsel vm10, $0x40000000, v6;
	v52 =	vsel vm9, v26, v51  }
0x198: {  	vm9 =	vlt.s32 v52, v53  }
0x199: {  	v17 =	vsel vm9, v52, v53  }
0x19a: {  	v26 =	vperm.xlane v17, v0;
	_ =	sdelay $0x1  }
0x19b: {  	vm9 =	vlt.s32 v17, v26  }
0x19c: {  	v17 =	vsel vm9, v17, v26  }
0x19d: {  	v26 =	vperm.xlane v17, v1;
	_ =	sdelay $0x1  }
0x19e: {  	vm9 =	vlt.s32 v17, v26  }
0x19f: {  	v17 =	vsel vm9, v17, v26  }
0x1a0: {  	v26 =	vperm.xlane v17, v2;
	_ =	sdelay $0x1  }
0x1a1: {  	vm9 =	vlt.s32 v17, v26  }
0x1a2: {  	v17 =	vsel vm9, v17, v26  }
0x1a3: {  	v26 =	vperm.xlane v17, v3;
	_ =	sdelay $0x1  }
0x1a4: {  	vm9 =	vlt.s32 v17, v26  }
0x1a5: {  	v17 =	vsel vm9, v17, v26  }
0x1a6: {  	vm9 =	veq.s32 v12, v17;
	vm10 =	veq.s32 v13, v17  }
0x1a7: {  	v23 =	vsel vm9, $0xFF800000, v23;
	v24 =	vsel vm10, $0xFF800000, v24;
	vm9 =	veq.s32 v11, v17  }
0x1a8: {  	v25 =	vsel vm9, $0xFF800000, v42;
	vm9 =	veq.s32 v9, v17;
	v54 =	vmax.f32 v23, v24  }
0x1a9: {  	v55 =	vsel vm9, $0xFF800000, v18;
	vm9 =	veq.s32 v10, v17;
	v56 =	vmax.f32 v54, v25  }
0x1aa: {  	v19 =	vsel vm9, $0xFF800000, v19;
	vm9 =	veq.s32 v8, v17;
	v18 =	vmax.f32 v56, v55  }
0x1ab: {  	v20 =	vsel vm9, $0xFF800000, v20;
	vm9 =	veq.s32 v7, v17;
	v18 =	vmax.f32 v18, v19  }
0x1ac: {  	v21 =	vsel vm9, $0xFF800000, v21;
	vm9 =	veq.s32 v6, v17;
	v18 =	vmax.f32 v18, v20  }
0x1ad: {  	v22 =	vsel vm9, $0xFF800000, v22;
	v18 =	vmax.f32 v18, v21  }
0x1ae: {  	v18 =	vmax.f32 v18, v22  }
0x1af: {  	v57 =	vperm.xlane v18, v0;
	_ =	sdelay $0x1  }
0x1b0: {  	v18 =	vmax.f32 v18, v57  }
0x1b1: {  	v26 =	vperm.xlane v18, v1;
	_ =	sdelay $0x1  }
0x1b2: {  	v18 =	vmax.f32 v18, v26  }
0x1b3: {  	v26 =	vperm.xlane v18, v2;
	_ =	sdelay $0x1  }
0x1b4: {  	v18 =	vmax.f32 v18, v26  }
0x1b5: {  	v26 =	vperm.xlane v18, v3;
	_ =	sdelay $0x1  }
0x1b6: {  	v18 =	vmax.f32 v18, v26  }
0x1b7: {  	vm9 =	veq.f32 v23, v18;
	vm10 =	veq.f32 v24, v18  }
0x1b8: {  	v58 =	vnsel vm9, $0x40000000, v12;
	v28 =	vnsel vm10, $0x40000000, v13  }
0x1b9: {  	vm10 =	veq.f32 v25, v18;
	vm9 =	vlt.s32 v58, v28  }
0x1ba: {  	v59 =	vnsel vm10, $0x40000000, v11;
	v26 =	vsel vm9, v58, v28  }
0x1bb: {  	vm10 =	veq.f32 v55, v18;
	vm9 =	vlt.s32 v26, v59  }
0x1bc: {  	v60 =	vnsel vm10, $0x40000000, v9;
	v26 =	vsel vm9, v26, v59  }
0x1bd: {  	vm10 =	veq.f32 v19, v18;
	vm9 =	vlt.s32 v26, v60  }
0x1be: {  	v61 =	vnsel vm10, $0x40000000, v10;
	v26 =	vsel vm9, v26, v60  }
0x1bf: {  	vm10 =	veq.f32 v20, v18;
	vm9 =	vlt.s32 v26, v61  }
0x1c0: {  	v62 =	vnsel vm10, $0x40000000, v8;
	v26 =	vsel vm9, v26, v61  }
0x1c1: {  	vm10 =	veq.f32 v21, v18;
	vm9 =	vlt.s32 v26, v62  }
0x1c2: {  	v63 =	vnsel vm10, $0x40000000, v7;
	v26 =	vsel vm9, v26, v62  }
0x1c3: {  	vm10 =	veq.f32 v22, v18;
	vm9 =	vlt.s32 v26, v63  }
0x1c4: {  	v33 =	vnsel vm10, $0x40000000, v6;
	v32 =	vsel vm9, v26, v63  }
0x1c5: {  	vm9 =	vlt.s32 v32, v33  }
0x1c6: {  	v18 =	vsel vm9, v32, v33  }
0x1c7: {  	v26 =	vperm.xlane v18, v0;
	_ =	sdelay $0x1  }
0x1c8: {  	vm9 =	vlt.s32 v18, v26  }
0x1c9: {  	v18 =	vsel vm9, v18, v26  }
0x1ca: {  	v26 =	vperm.xlane v18, v1;
	_ =	sdelay $0x1  }
0x1cb: {  	vm9 =	vlt.s32 v18, v26  }
0x1cc: {  	v18 =	vsel vm9, v18, v26  }
0x1cd: {  	v26 =	vperm.xlane v18, v2;
	_ =	sdelay $0x1  }
0x1ce: {  	vm9 =	vlt.s32 v18, v26  }
0x1cf: {  	v18 =	vsel vm9, v18, v26  }
0x1d0: {  	v26 =	vperm.xlane v18, v3;
	_ =	sdelay $0x1  }
0x1d1: {  	vm9 =	vlt.s32 v18, v26  }
0x1d2: {  	v18 =	vsel vm9, v18, v26  }
0x1d3: {  	vm9 =	veq.s32 v12, v18;
	vm10 =	veq.s32 v13, v18  }
0x1d4: {  	v23 =	vsel vm9, $0xFF800000, v23;
	v24 =	vsel vm10, $0xFF800000, v24;
	vm9 =	veq.s32 v11, v18  }
0x1d5: {  	v25 =	vsel vm9, $0xFF800000, v25;
	vm9 =	veq.s32 v9, v18;
	v34 =	vmax.f32 v23, v24  }
0x1d6: {  	v27 =	vsel vm9, $0xFF800000, v55;
	vm9 =	veq.s32 v10, v18;
	v26 =	vmax.f32 v34, v25  }
0x1d7: {  	v35 =	vsel vm9, $0xFF800000, v19;
	vm9 =	veq.s32 v8, v18;
	v36 =	vmax.f32 v26, v27  }
0x1d8: {  	v20 =	vsel vm9, $0xFF800000, v20;
	vm9 =	veq.s32 v7, v18;
	v19 =	vmax.f32 v36, v35  }
0x1d9: {  	v21 =	vsel vm9, $0xFF800000, v21;
	vm9 =	veq.s32 v6, v18;
	v19 =	vmax.f32 v19, v20  }
0x1da: {  	v22 =	vsel vm9, $0xFF800000, v22;
	v19 =	vmax.f32 v19, v21  }
0x1db: {  	v19 =	vmax.f32 v19, v22  }
0x1dc: {  	v37 =	vperm.xlane v19, v0;
	_ =	sdelay $0x1  }
0x1dd: {  	v19 =	vmax.f32 v19, v37  }
0x1de: {  	v26 =	vperm.xlane v19, v1;
	_ =	sdelay $0x1  }
0x1df: {  	v19 =	vmax.f32 v19, v26  }
0x1e0: {  	v26 =	vperm.xlane v19, v2;
	_ =	sdelay $0x1  }
0x1e1: {  	v19 =	vmax.f32 v19, v26  }
0x1e2: {  	v26 =	vperm.xlane v19, v3;
	_ =	sdelay $0x1  }
0x1e3: {  	v19 =	vmax.f32 v19, v26  }
0x1e4: {  	vm9 =	veq.f32 v23, v19;
	vm10 =	veq.f32 v24, v19  }
0x1e5: {  	v38 =	vnsel vm9, $0x40000000, v12;
	v29 =	vnsel vm10, $0x40000000, v13  }
0x1e6: {  	vm10 =	veq.f32 v25, v19;
	vm9 =	vlt.s32 v38, v29  }
0x1e7: {  	v39 =	vnsel vm10, $0x40000000, v11;
	v26 =	vsel vm9, v38, v29  }
0x1e8: {  	vm10 =	veq.f32 v27, v19;
	vm9 =	vlt.s32 v26, v39  }
0x1e9: {  	v40 =	vnsel vm10, $0x40000000, v9;
	v26 =	vsel vm9, v26, v39  }
0x1ea: {  	vm10 =	veq.f32 v35, v19;
	vm9 =	vlt.s32 v26, v40  }
0x1eb: {  	v41 =	vnsel vm10, $0x40000000, v10;
	v26 =	vsel vm9, v26, v40  }
0x1ec: {  	vm10 =	veq.f32 v20, v19;
	vm9 =	vlt.s32 v26, v41  }
0x1ed: {  	v42 =	vnsel vm10, $0x40000000, v8;
	v26 =	vsel vm9, v26, v41  }
0x1ee: {  	vm10 =	veq.f32 v21, v19;
	vm9 =	vlt.s32 v26, v42  }
0x1ef: {  	v43 =	vnsel vm10, $0x40000000, v7;
	v26 =	vsel vm9, v26, v42  }
0x1f0: {  	vm10 =	veq.f32 v22, v19;
	vm9 =	vlt.s32 v26, v43  }
0x1f1: {  	v45 =	vnsel vm10, $0x40000000, v6;
	v44 =	vsel vm9, v26, v43  }
0x1f2: {  	vm9 =	vlt.s32 v44, v45  }
0x1f3: {  	v19 =	vsel vm9, v44, v45  }
0x1f4: {  	v26 =	vperm.xlane v19, v0;
	_ =	sdelay $0x1  }
0x1f5: {  	vm9 =	vlt.s32 v19, v26  }
0x1f6: {  	v19 =	vsel vm9, v19, v26  }
0x1f7: {  	v26 =	vperm.xlane v19, v1;
	_ =	sdelay $0x1  }
0x1f8: {  	vm9 =	vlt.s32 v19, v26  }
0x1f9: {  	v19 =	vsel vm9, v19, v26  }
0x1fa: {  	v26 =	vperm.xlane v19, v2;
	_ =	sdelay $0x1  }
0x1fb: {  	vm9 =	vlt.s32 v19, v26  }
0x1fc: {  	v19 =	vsel vm9, v19, v26  }
0x1fd: {  	v26 =	vperm.xlane v19, v3;
	_ =	sdelay $0x1  }
0x1fe: {  	vm9 =	vlt.s32 v19, v26  }
0x1ff: {  	v19 =	vsel vm9, v19, v26  }
0x200: {  	vm9 =	veq.s32 v12, v19;
	vm10 =	veq.s32 v13, v19  }
0x201: {  	v23 =	vsel vm9, $0xFF800000, v23;
	v24 =	vsel vm10, $0xFF800000, v24;
	vm9 =	veq.s32 v11, v19  }
0x202: {  	v25 =	vsel vm9, $0xFF800000, v25;
	vm9 =	veq.s32 v9, v19;
	v46 =	vmax.f32 v23, v24  }
0x203: {  	v27 =	vsel vm9, $0xFF800000, v27;
	vm9 =	veq.s32 v10, v19;
	v26 =	vmax.f32 v46, v25  }
0x204: {  	v28 =	vsel vm9, $0xFF800000, v35;
	vm9 =	veq.s32 v8, v19;
	v26 =	vmax.f32 v26, v27  }
0x205: {  	v20 =	vsel vm9, $0xFF800000, v20;
	vm9 =	veq.s32 v7, v19;
	v26 =	vmax.f32 v26, v28  }
0x206: {  	v21 =	vsel vm9, $0xFF800000, v21;
	vm9 =	veq.s32 v6, v19;
	v26 =	vmax.f32 v26, v20  }
0x207: {  	v22 =	vsel vm9, $0xFF800000, v22;
	v26 =	vmax.f32 v26, v21  }
0x208: {  	v26 =	vmax.f32 v26, v22  }
0x209: {  	v47 =	vperm.xlane v26, v0;
	_ =	sdelay $0x1  }
0x20a: {  	v26 =	vmax.f32 v26, v47  }
0x20b: {  	v29 =	vperm.xlane v26, v1;
	_ =	sdelay $0x1  }
0x20c: {  	v26 =	vmax.f32 v26, v29  }
0x20d: {  	v29 =	vperm.xlane v26, v2;
	_ =	sdelay $0x1  }
0x20e: {  	v26 =	vmax.f32 v26, v29  }
0x20f: {  	v29 =	vperm.xlane v26, v3;
	_ =	sdelay $0x1  }
0x210: {  	v26 =	vmax.f32 v26, v29  }
0x211: {  	vm9 =	veq.f32 v23, v26;
	vm10 =	veq.f32 v24, v26  }
0x212: {  	v48 =	vnsel vm9, $0x40000000, v12;
	v30 =	vnsel vm10, $0x40000000, v13  }
0x213: {  	vm10 =	veq.f32 v25, v26;
	vm9 =	vlt.s32 v48, v30  }
0x214: {  	v49 =	vnsel vm10, $0x40000000, v11;
	v29 =	vsel vm9, v48, v30  }
0x215: {  	vm10 =	veq.f32 v27, v26;
	vm9 =	vlt.s32 v29, v49  }
0x216: {  	v50 =	vnsel vm10, $0x40000000, v9;
	v29 =	vsel vm9, v29, v49  }
0x217: {  	vm10 =	veq.f32 v28, v26;
	vm9 =	vlt.s32 v29, v50  }
0x218: {  	v51 =	vnsel vm10, $0x40000000, v10;
	v29 =	vsel vm9, v29, v50  }
0x219: {  	vm10 =	veq.f32 v20, v26;
	vm9 =	vlt.s32 v29, v51  }
0x21a: {  	v52 =	vnsel vm10, $0x40000000, v8;
	v29 =	vsel vm9, v29, v51  }
0x21b: {  	vm10 =	veq.f32 v21, v26;
	vm9 =	vlt.s32 v29, v52  }
0x21c: {  	v53 =	vnsel vm10, $0x40000000, v7;
	v29 =	vsel vm9, v29, v52  }
0x21d: {  	vm10 =	veq.f32 v22, v26;
	vm9 =	vlt.s32 v29, v53  }
0x21e: {  	v55 =	vnsel vm10, $0x40000000, v6;
	v54 =	vsel vm9, v29, v53  }
0x21f: {  	vm9 =	vlt.s32 v54, v55  }
0x220: {  	v26 =	vsel vm9, v54, v55  }
0x221: {  	v29 =	vperm.xlane v26, v0;
	_ =	sdelay $0x1  }
0x222: {  	vm9 =	vlt.s32 v26, v29  }
0x223: {  	v26 =	vsel vm9, v26, v29  }
0x224: {  	v29 =	vperm.xlane v26, v1;
	_ =	sdelay $0x1  }
0x225: {  	vm9 =	vlt.s32 v26, v29  }
0x226: {  	v26 =	vsel vm9, v26, v29  }
0x227: {  	v29 =	vperm.xlane v26, v2;
	_ =	sdelay $0x1  }
0x228: {  	vm9 =	vlt.s32 v26, v29  }
0x229: {  	v26 =	vsel vm9, v26, v29  }
0x22a: {  	v29 =	vperm.xlane v26, v3;
	_ =	sdelay $0x1  }
0x22b: {  	vm9 =	vlt.s32 v26, v29  }
0x22c: {  	v26 =	vsel vm9, v26, v29  }
0x22d: {  	vm9 =	veq.s32 v12, v26;
	vm10 =	veq.s32 v13, v26  }
0x22e: {  	v23 =	vsel vm9, $0xFF800000, v23;
	v24 =	vsel vm10, $0xFF800000, v24;
	vm9 =	veq.s32 v11, v26  }
0x22f: {  	v25 =	vsel vm9, $0xFF800000, v25;
	vm9 =	veq.s32 v9, v26;
	v56 =	vmax.f32 v23, v24  }
0x230: {  	v27 =	vsel vm9, $0xFF800000, v27;
	vm9 =	veq.s32 v10, v26;
	v29 =	vmax.f32 v56, v25  }
0x231: {  	v28 =	vsel vm9, $0xFF800000, v28;
	vm9 =	veq.s32 v8, v26;
	v29 =	vmax.f32 v29, v27  }
0x232: {  	v20 =	vsel vm9, $0xFF800000, v20;
	vm9 =	veq.s32 v7, v26;
	v29 =	vmax.f32 v29, v28  }
0x233: {  	v21 =	vsel vm9, $0xFF800000, v21;
	vm9 =	veq.s32 v6, v26;
	v29 =	vmax.f32 v29, v20  }
0x234: {  	v22 =	vsel vm9, $0xFF800000, v22;
	v29 =	vmax.f32 v29, v21  }
0x235: {  	v29 =	vmax.f32 v29, v22  }
0x236: {  	v57 =	vperm.xlane v29, v0;
	_ =	sdelay $0x1  }
0x237: {  	v29 =	vmax.f32 v29, v57  }
0x238: {  	v30 =	vperm.xlane v29, v1;
	_ =	sdelay $0x1  }
0x239: {  	v29 =	vmax.f32 v29, v30  }
0x23a: {  	v30 =	vperm.xlane v29, v2;
	_ =	sdelay $0x1  }
0x23b: {  	v29 =	vmax.f32 v29, v30  }
0x23c: {  	v30 =	vperm.xlane v29, v3;
	_ =	sdelay $0x1  }
0x23d: {  	v29 =	vmax.f32 v29, v30  }
0x23e: {  	vm9 =	veq.f32 v23, v29;
	vm10 =	veq.f32 v24, v29  }
0x23f: {  	v12 =	vnsel vm9, $0x40000000, v12;
	v13 =	vnsel vm10, $0x40000000, v13  }
0x240: {  	vm9 =	veq.f32 v25, v29;
	vm10 =	vlt.s32 v12, v13  }
0x241: {  	v11 =	vnsel vm9, $0x40000000, v11;
	v12 =	vsel vm10, v12, v13  }
0x242: {  	vm10 =	veq.f32 v27, v29;
	vm9 =	vlt.s32 v12, v11  }
0x243: {  	v9 =	vnsel vm10, $0x40000000, v9;
	v11 =	vsel vm9, v12, v11  }
0x244: {  	vm10 =	veq.f32 v28, v29;
	vm9 =	vlt.s32 v11, v9  }
0x245: {  	v10 =	vnsel vm10, $0x40000000, v10;
	v9 =	vsel vm9, v11, v9  }
0x246: {  	vm10 =	veq.f32 v20, v29;
	vm9 =	vlt.s32 v9, v10  }
0x247: {  	v8 =	vnsel vm10, $0x40000000, v8;
	v9 =	vsel vm9, v9, v10  }
0x248: {  	vm10 =	veq.f32 v21, v29;
	vm9 =	vlt.s32 v9, v8  }
0x249: {  	v7 =	vnsel vm10, $0x40000000, v7;
	v8 =	vsel vm9, v9, v8  }
0x24a: {  	vm10 =	veq.f32 v22, v29;
	vm9 =	vlt.s32 v8, v7  }
0x24b: {  	v6 =	vnsel vm10, $0x40000000, v6;
	v7 =	vsel vm9, v8, v7  }
0x24c: {  	vm9 =	vlt.s32 v7, v6  }
0x24d: {  	v6 =	vsel vm9, v7, v6  }
0x24e: {  	v7 =	vperm.xlane v6, v0;
	_ =	sdelay $0x1  }
0x24f: {  	vm9 =	vlt.s32 v6, v7  }
0x250: {  	v6 =	vsel vm9, v6, v7  }
0x251: {  	v7 =	vperm.xlane v6, v1;
	_ =	sdelay $0x1  }
0x252: {  	vm9 =	vlt.s32 v6, v7  }
0x253: {  	v6 =	vsel vm9, v6, v7  }
0x254: {  	v7 =	vperm.xlane v6, v2  }
0x255: {  	v58 =	vnsel vm0, $0x0, v14  }
0x256: {  	v8 =	vsel vm1, v58, v15;
	vm9 =	vlt.s32 v6, v7  }
0x257: {  	v8 =	vsel vm2, v8, v16;
	v6 =	vsel vm9, v6, v7  }
0x258: {  	v7 =	vsel vm3, v8, v17;
	v59 =	vperm.xlane v6, v3  }
0x259: {  	v7 =	vsel vm4, v7, v18  }
0x25a: {  	v7 =	vsel vm5, v7, v19;
	vm9 =	vlt.s32 v6, v59  }
0x25b: {  	v7 =	vsel vm6, v7, v26;
	v6 =	vsel vm9, v6, v59  }
0x25c: {  	v6 =	vsel vm7, v7, v6;
	v7 =	vmov s15  }
0x25d: {  	v60 =	vshll.u32 v6, $0x2;
	v7 =	vshll.u32 v7, $0x7  }
0x25e: {  	v61 =	vand.u32 $0x7F, v6;
	v8 =	vand.u32 $0xFFFFFE00, v60;
	v7 =	vbroadcast v7, $0x0  }
0x25f: {  	v8 =	vor.u32 v8, v61  }
0x260: {  	v8 =	vor.u32 v7, v8;
	_ =	sdelay $0x4  }
0x261: {  	v8 =	vld.idx.msk [tilespmem:v8+s3+$0x0], $0xffff;
	_ =	sdelay $0x4  }
0x262: {  	v8 =	vnsel vm8, $0x0, v8  }
0x263: {  	v62 =	vperm.xlane v8, v0;
	_ =	sdelay $0x1  }
0x264: {  	v9 =	vadd.f32 v62, v8;
	_ =	sdelay $0x1  }
0x265: {  	v63 =	vperm.xlane v9, v1;
	_ =	sdelay $0x1  }
0x266: {  	v9 =	vadd.f32 v63, v9;
	_ =	sdelay $0x1  }
0x267: {  	v10 =	vperm.xlane v9, v2;
	_ =	sdelay $0x1  }
0x268: {  	v9 =	vadd.f32 v10, v9;
	_ =	sdelay $0x1  }
0x269: {  	v10 =	vperm.xlane v9, v3;
	_ =	sdelay $0x1  }
0x26a: {  	v9 =	vadd.f32 v10, v9;
	_ =	sdelay $0x1  }
0x26b: {  	(erf) = vrcp.f32 v9;
	_ =	sdelay $0x8  }
0x26c: {  	v9 =	vpop (erf)  }
0x26d: {  	v8 =	vmul.f32 v9, v8  }
0x26e: {  	v7 =	vor.u32 v4, v7  }
0x26f: {  	p0 =	sne.s32 s15, $0x3;
	v8 =	vadd.f32 $9.999999680e-21, v8  }
.Ltmp0:
0x270: {  	_ = 	snop;
	(pc) =	sbr.rel @p0 .LBB2_2-.Ltmp0, $3  }
0x271: {  	v8 =	vmul.f32 $2.500000000e+00, v8;
	_ =	sdelay $0x1  }
0x272: {  	[tilespmem:v7+s11+$0x0] =	vst.idx.msk $0xff, v8  }
0x273: {  	s14 =	sadd.s32 $0x80, s14;
	s15 =	sadd.s32 $0x1, s15;
	[tilespmem:v7+s12+$0x0] =	vst.idx.msk $0xff, v6  }
0x274: {  	[hbm4b:s5+s3] =	stream.linear.scatter [tilespmem:s11], [sflag:$0x1], $0x200, $0x38;
	[tilespmem:$0xA00] =	vst v63  }
0x275: {  	s13 =	sadd.s32 $0x1, s13  }
0x276: {  	[hbm4b:s6+s3] =	stream.linear.scatter [tilespmem:s12], [sflag:$0x1], $0x200, $0x38;
	[tilespmem:$0xA00] =	vst v63  }
0x277: {  	p0 =	sne.s32 s13, s7;
	_ =	swait.ge [sflag:s9], $0x200  }
.Ltmp1:
0x278: {  	[sflag:s9] =	ssyncset.done $0x0;
	(pc) =	sbr.rel @p0 .LBB2_1-.Ltmp1, $4  }
0x279: {  	[sflag:s9] =	ssyncadd.s32 $0xFFFFFE00  }
0x27a: {  	_ =	swait.ge [sflag:s9], $0x200  }
0x27b: {  	[sflag:s9] =	ssyncset.done $0x0  }
0x27c: {  	[sflag:s9] =	ssyncadd.s32 $0xFFFFFE00  }
0x27d: {  	_ =	sfence.sel $0x180000  }
0x27e: {  	[bflag:$0x0] =	sbarrier.arrive $0xFFFF  }
0x27f: {  	p0 =	sne.s32 s2, $0x0;
	_ =	strace $0x90000047  }
0x280: {  	s0 =	sadd.s32 @!p0 $0x100000, s0;
	[bflag:$0x2] =	sbarrier.arrive $0xFFFF  }
0x281: {  	[sflag:s0] =	ssyncadd.tile.s32 @!p0 $0x1;
	_ =	shalt  }
.Lfunc_end2:
_tile_overlayer_lowered:
.L_overlay_start_2:
0x282: {  	(tag) =	ssettag $0x2  }
0x283: {  	s0 =	rddreg [dreg:$0x0];
	s2 =	stileid.u32  }
0x284: {  	s1 =	rddreg [dreg:$0x1];
	p0 =	sne.s32 s2, $0x0  }
0x285: {  	s3 =	rddreg [dreg:$0x2];
	[bflag:$0x3] =	sbarrier.arrive $0xFFFF;
	s2 =	simm.s32 @!p0 $0x1C02  }
0x286: {  	[timem:s3], [sflag:s2] =	dma.local @!p0 [hbm:s0], s1  }
0x287: {  	s0 =	simm.s32 @!p0 $0x2  }
0x288: {  	_ =	swait.ge @!p0 [sflag:s0], s1  }
0x289: {  	s1 =	ssub.s32 @!p0 $0x0, s1;
	[sflag:s0] =	ssyncset.done @!p0 $0x0  }
0x28a: {  	[sflag:s0] =	ssyncadd.s32 @!p0 s1  }
0x28b: {  	[bflag:$0x3] =	sbarrier.arrive $0xFFFF  }
0x28c: {  	_ =	shalt  }

</sc_bundles>
